<compile_context>
chip_gen: v7x
topology: tpu7x:2x2x1
jax: 0.10.2.dev20260603
libtpu: 0.0.44.dev20260713+nightly
codegen_flags: <defaults>
</compile_context>

<pallas_src>
import functools

import jax
import jax.numpy as jnp
from jax import lax
from jax.experimental import pallas as pl
from jax.experimental.pallas import tpu as pltpu
from jax.experimental.pallas import tpu_sc as plsc

_VOCAB = 100000
_N_PREFIX = 20
_D = 64

_NC = 2
_NS = 16
_NW = _NC * _NS

_SUB = 128
_NSUB = 5
_CHUNK = _SUB * _NSUB
_SKIP = -1


def _sc_embedding_lookup(embed_weight, new_embed_weight, idx_flat):
    (B,) = idx_flat.shape
    b_per_w = B // _NW
    n_chunks = b_per_w // _CHUNK
    assert n_chunks % 2 == 0 and n_chunks >= 4

    mesh = plsc.VectorSubcoreMesh(core_axis_name="c", subcore_axis_name="s")

    @functools.partial(
        pl.kernel,
        mesh=mesh,
        compiler_params=pltpu.CompilerParams(use_tc_tiling_on_sc=False),
        out_type=jax.ShapeDtypeStruct((B, 2 * _D), jnp.float32),
        scratch_types=[
            pltpu.VMEM((_CHUNK,), jnp.int32),
            pltpu.VMEM((_CHUNK,), jnp.int32),
            pltpu.VMEM((_NSUB, _SUB), jnp.int32),
            pltpu.VMEM((_NSUB, _SUB), jnp.int32),
            pltpu.VMEM((_NSUB, _SUB), jnp.int32),
            pltpu.VMEM((_NSUB, _SUB), jnp.int32),
            pltpu.VMEM((_CHUNK, _D), jnp.float32),
            pltpu.VMEM((_CHUNK, _D), jnp.float32),
            pltpu.SemaphoreType.DMA,
            pltpu.SemaphoreType.DMA,
            pltpu.SemaphoreType.DMA,
            pltpu.SemaphoreType.DMA,
            pltpu.SemaphoreType.DMA,
            pltpu.SemaphoreType.DMA,
        ],
    )
    def k(tab_hbm, pref_hbm, idx_hbm, out_hbm,
          idx_o0, idx_o1, idx_c0, idx_c1, idx_p0, idx_p1, rows0, rows1,
          isem0, isem1, gsem0, gsem1, osem0, osem1):
        wid = lax.axis_index("s") * _NC + lax.axis_index("c")
        base = wid * b_per_w
        bufs = (
            (idx_o0, idx_c0, idx_p0, rows0, isem0, gsem0, osem0),
            (idx_o1, idx_c1, idx_p1, rows1, isem1, gsem1, osem1),
        )

        def idx_cp(i, buf):
            idx_o, _, _, _, isem, _, _ = buf
            return pltpu.make_async_copy(
                idx_hbm.at[pl.ds(base + i * _CHUNK, _CHUNK)], idx_o, isem
            )

        def out_cp(i, buf):
            rows, osem = buf[3], buf[6]
            return pltpu.make_async_copy(
                rows,
                out_hbm.at[pl.ds(base + i * _CHUNK, _CHUNK), pl.ds(0, _D)],
                osem,
            )

        def main_cp(j, buf):
            _, idx_c, _, rows, _, gsem, _ = buf
            return pltpu.make_async_copy(
                tab_hbm.at[idx_c.at[j]],
                rows.at[pl.ds(j * _SUB, _SUB)],
                gsem,
            )

        def stage_a(i, buf):
            idx_o, idx_c, idx_p, rows, isem, gsem, osem = buf
            idx_cp(i, buf).wait()
            skip = jnp.full((16,), _SKIP, jnp.int32)
            for s in range(_CHUNK // 16):
                iv = idx_o[pl.ds(s * 16, 16)]
                j, off = (s * 16) // _SUB, (s * 16) % _SUB
                idx_c[j, pl.ds(off, 16)] = jnp.minimum(iv, _VOCAB - 1)
                idx_p[j, pl.ds(off, 16)] = jnp.where(
                    iv >= _VOCAB, iv - _VOCAB, skip
                )

            @pl.when(i >= 2)
            def _():
                out_cp(i - 2, buf).wait()

            for j in range(_NSUB):
                main_cp(j, buf).start()

            @pl.when(i + 2 < n_chunks)
            def _():
                idx_cp(i + 2, buf).start()

        def stage_b(i, buf):
            _, _, idx_p, rows, _, gsem, _ = buf
            for j in range(_NSUB):
                main_cp(j, buf).wait()
            cps = [
                pltpu.async_copy(
                    pref_hbm.at[plsc.Indices(idx_p.at[j], ignored_value=_SKIP)],
                    rows.at[pl.ds(j * _SUB, _SUB)],
                    gsem,
                )
                for j in range(_NSUB)
            ]
            for cp in cps:
                cp.wait()
            out_cp(i, buf).start()

        idx_cp(0, bufs[0]).start()
        idx_cp(1, bufs[1]).start()

        def pair_body(t, carry):
            i = 2 * t
            stage_a(i, bufs[0])

            @pl.when(t > 0)
            def _():
                stage_b(i - 1, bufs[1])

            stage_a(i + 1, bufs[1])
            stage_b(i, bufs[0])
            return carry

        lax.fori_loop(0, n_chunks // 2, pair_body, 0)
        stage_b(n_chunks - 1, bufs[1])
        out_cp(n_chunks - 2, bufs[0]).wait()
        out_cp(n_chunks - 1, bufs[1]).wait()

    return k(embed_weight, new_embed_weight, idx_flat)


def kernel(input, embed_weight, new_embed_weight):
    batch, seq = input.shape
    idx_flat = input.reshape(-1).astype(jnp.int32)
    out = _sc_embedding_lookup(embed_weight, new_embed_weight, idx_flat)
    return out.reshape(batch, seq, 2 * _D)[..., :_D]

# --- scband reference (transcript-rebuilt; emitter-appended) ---
"""Pipeline reference for scband-with-prefix-embedding-41197326303942 (READ-ONLY COPY).

The authoritative reference and input builder live on the scoring server;
editing this copy changes nothing except your own understanding.
"""

import jax, jax.numpy as jnp
import numpy as np

VOCAB = 100000
N_PREFIX = 20
EMBED_DIM = 64
BATCH = 4096
SEQ = 200


def setup_inputs(seed: int = 0) -> dict:
    key = jax.random.key(seed)
    k1, k2, k3 = jax.random.split(key, 3)
    embed_weight = jax.random.normal(k1, (VOCAB, EMBED_DIM), dtype=jnp.float32)
    new_embed_weight = jax.random.normal(k2, (N_PREFIX, EMBED_DIM), dtype=jnp.float32)
    inp = jax.random.randint(k3, (BATCH, SEQ), 0, VOCAB + N_PREFIX, dtype=jnp.int64)
    return {"input": inp, "embed_weight": embed_weight, "new_embed_weight": new_embed_weight}


def reference(input, embed_weight, new_embed_weight):
    # torch: F.embedding(input, cat([embed.weight[:expected_vocab_size], new_embed.weight], 0))
    # padding_idx=None, max_norm=None, scale_grad_by_freq=False, sparse=False for a default nn.Embedding
    table = jnp.concatenate([embed_weight[:VOCAB], new_embed_weight], axis=0)
    return jnp.take(table, input, axis=0)

if __name__ == "__main__":
    import jax
    _d = setup_inputs()
    print(jax.jit(kernel)(*tuple(_d.values())))

</pallas_src>

<mosaic_0001>
#map = affine_map<(d0, d1) -> (0, 0)>
#map1 = affine_map<(d0, d1) -> (0)>
module attributes {stable_mosaic.version = 14 : i64} {
  func.func @k(%arg0: i32, %arg1: i32, %arg2: memref<100000x64xf32, #tpu.memory_space<hbm>>, %arg3: memref<20x64xf32, #tpu.memory_space<hbm>>, %arg4: memref<819200xi32, #tpu.memory_space<hbm>>, %arg5: memref<819200x128xf32, #tpu.memory_space<hbm>>, %arg6: memref<640xi32, #tpu.memory_space<vmem>>, %arg7: memref<640xi32, #tpu.memory_space<vmem>>, %arg8: memref<5x128xi32, #tpu.memory_space<vmem>>, %arg9: memref<5x128xi32, #tpu.memory_space<vmem>>, %arg10: memref<5x128xi32, #tpu.memory_space<vmem>>, %arg11: memref<5x128xi32, #tpu.memory_space<vmem>>, %arg12: memref<640x64xf32, #tpu.memory_space<vmem>>, %arg13: memref<640x64xf32, #tpu.memory_space<vmem>>, %arg14: memref<!tpu.dma_semaphore, #tpu.memory_space<semaphore_mem>>, %arg15: memref<!tpu.dma_semaphore, #tpu.memory_space<semaphore_mem>>, %arg16: memref<!tpu.dma_semaphore, #tpu.memory_space<semaphore_mem>>, %arg17: memref<!tpu.dma_semaphore, #tpu.memory_space<semaphore_mem>>, %arg18: memref<!tpu.dma_semaphore, #tpu.memory_space<semaphore_mem>>, %arg19: memref<!tpu.dma_semaphore, #tpu.memory_space<semaphore_mem>>) attributes {dimension_semantics = [#tpu.dimension_semantics<core_parallel>, #tpu.dimension_semantics<subcore_parallel>], iteration_bounds = array<i64: 2, 16>, scalar_prefetch = 0 : i64, scratch_operands = 14 : i64, tpu.core_type = #tpu.core_type<sc_vector_subcore>, window_params = [{transform_indices = #map}, {transform_indices = #map}, {transform_indices = #map1}, {transform_indices = #map}]} {
    %mul3A = arith.constant 2 : i32
    %mul3A_0 = arith.muli %arg1, %mul3A : i32
    %add3A = arith.addi %mul3A_0, %arg0 : i32
    %mul3A_1 = arith.constant 25600 : i32
    %mul3A_2 = arith.muli %add3A, %mul3A_1 : i32
    %add3A_3 = arith.constant 0 : i32
    %add3A_4 = arith.addi %mul3A_2, %add3A_3 : i32
    %dma_start3A = tpu.memref_slice %arg4[%add3A_4] : memref<819200xi32, #tpu.memory_space<hbm>> -> memref<640xi32, #tpu.memory_space<hbm>>
    %dma_start3A_5 = tpu.memref_slice %arg4[%add3A_4] : memref<819200xi32, #tpu.memory_space<hbm>> -> memref<640xi32, #tpu.memory_space<hbm>>
    tpu.enqueue_dma source(%dma_start3A_5 : memref<640xi32, #tpu.memory_space<hbm>>) target(%arg6 : memref<640xi32, #tpu.memory_space<vmem>>) target_semaphore(%arg14 : memref<!tpu.dma_semaphore, #tpu.memory_space<semaphore_mem>>)
    %add3A_6 = arith.constant 640 : i32
    %add3A_7 = arith.addi %mul3A_2, %add3A_6 : i32
    %dma_start3A_8 = tpu.memref_slice %arg4[%add3A_7] : memref<819200xi32, #tpu.memory_space<hbm>> -> memref<640xi32, #tpu.memory_space<hbm>>
    %dma_start3A_9 = tpu.memref_slice %arg4[%add3A_7] : memref<819200xi32, #tpu.memory_space<hbm>> -> memref<640xi32, #tpu.memory_space<hbm>>
    tpu.enqueue_dma source(%dma_start3A_9 : memref<640xi32, #tpu.memory_space<hbm>>) target(%arg7 : memref<640xi32, #tpu.memory_space<vmem>>) target_semaphore(%arg15 : memref<!tpu.dma_semaphore, #tpu.memory_space<semaphore_mem>>)
    %scan3A = arith.constant 0 : i32
    %scan3A_10 = arith.constant 0 : i32
    %scan3A_11 = arith.constant 20 : i32
    %scan3A_12 = arith.addi %scan3A_10, %scan3A_11 : i32
    %scan3A_13 = arith.constant 1 : i32
    scf.for %scan3A_187 = %scan3A_10 to %scan3A_12 step %scan3A_13  : i32 {
      %mul3A_188 = arith.constant 2 : i32
      %mul3A_189 = arith.muli %mul3A_188, %scan3A_187 : i32
      %mul3A_190 = arith.constant 640 : i32
      %mul3A_191 = arith.muli %mul3A_189, %mul3A_190 : i32
      %add3A_192 = arith.addi %mul3A_2, %mul3A_191 : i32
      %dma_wait3A_193 = tpu.memref_slice %arg4[%add3A_192] : memref<819200xi32, #tpu.memory_space<hbm>> -> memref<640xi32, #tpu.memory_space<hbm>>
      %dma_wait3A_194 = tpu.memref_slice %arg4[%add3A_192] : memref<819200xi32, #tpu.memory_space<hbm>> -> memref<640xi32, #tpu.memory_space<hbm>>
      tpu.wait_dma2 semaphore(%arg14 : memref<!tpu.dma_semaphore, #tpu.memory_space<semaphore_mem>>) src(%dma_wait3A_194 : memref<640xi32, #tpu.memory_space<hbm>>) dst(%arg6 : memref<640xi32, #tpu.memory_space<vmem>>)
      %broadcast_in_dim3A = arith.constant -1 : i32
      %broadcast_in_dim3A_195 = vector.broadcast %broadcast_in_dim3A : i32 to vector<16xi32>
      %get3A = arith.constant 0 : index
      %get3A_196 = tpu.vector_load %arg6[%get3A] {strides = array<i32>} : memref<640xi32, #tpu.memory_space<vmem>>, vector<16xi32>,
      %get3A_197 = vector.shape_cast %get3A_196 : vector<16xi32> to vector<16xi32>
      %min3A = arith.constant 99999 : i32
      %min3A_198 = vector.broadcast %min3A : i32 to vector<16xi32>
      %min3A_199 = arith.minsi %get3A_197, %min3A_198 : vector<16xi32>
      %swap3A = arith.constant 0 : i32
      %swap3A_200 = arith.index_cast %swap3A : i32 to index
      %swap3A_201 = arith.constant 0 : index
      %swap3A_202 = tpu.vector_load %arg8[%swap3A_200, %swap3A_201] {strides = array<i32>} : memref<5x128xi32, #tpu.memory_space<vmem>>, vector<1x16xi32>,
      %swap3A_203 = vector.shape_cast %swap3A_202 : vector<1x16xi32> to vector<16xi32>
      %swap3A_204 = vector.shape_cast %min3A_199 : vector<16xi32> to vector<1x16xi32>
      tpu.vector_store %arg8[%swap3A_200, %swap3A_201], %swap3A_204 {strides = array<i32>} : memref<5x128xi32, #tpu.memory_space<vmem>>, vector<1x16xi32>,
      %ge3A = arith.constant 100000 : i32
      %ge3A_205 = vector.broadcast %ge3A : i32 to vector<16xi32>
      %ge3A_206 = arith.cmpi sge, %get3A_197, %ge3A_205 : vector<16xi32>
      %sub3A = arith.constant 100000 : i32
      %sub3A_207 = vector.broadcast %sub3A : i32 to vector<16xi32>
      %sub3A_208 = arith.subi %get3A_197, %sub3A_207 : vector<16xi32>
      %select_n3A = arith.select %ge3A_206, %sub3A_208, %broadcast_in_dim3A_195 : vector<16xi1>, vector<16xi32>
      %swap3A_209 = arith.constant 0 : i32
      %swap3A_210 = arith.index_cast %swap3A_209 : i32 to index
      %swap3A_211 = arith.constant 0 : index
      %swap3A_212 = tpu.vector_load %arg10[%swap3A_210, %swap3A_211] {strides = array<i32>} : memref<5x128xi32, #tpu.memory_space<vmem>>, vector<1x16xi32>,
      %swap3A_213 = vector.shape_cast %swap3A_212 : vector<1x16xi32> to vector<16xi32>
      %swap3A_214 = vector.shape_cast %select_n3A : vector<16xi32> to vector<1x16xi32>
      tpu.vector_store %arg10[%swap3A_210, %swap3A_211], %swap3A_214 {strides = array<i32>} : memref<5x128xi32, #tpu.memory_space<vmem>>, vector<1x16xi32>,
      %get3A_215 = arith.constant 16 : index
      %get3A_216 = tpu.vector_load %arg6[%get3A_215] {strides = array<i32>} : memref<640xi32, #tpu.memory_space<vmem>>, vector<16xi32>,
      %get3A_217 = vector.shape_cast %get3A_216 : vector<16xi32> to vector<16xi32>
      %min3A_218 = arith.constant 99999 : i32
      %min3A_219 = vector.broadcast %min3A_218 : i32 to vector<16xi32>
      %min3A_220 = arith.minsi %get3A_217, %min3A_219 : vector<16xi32>
      %swap3A_221 = arith.constant 0 : i32
      %swap3A_222 = arith.index_cast %swap3A_221 : i32 to index
      %swap3A_223 = arith.constant 16 : index
      %swap3A_224 = tpu.vector_load %arg8[%swap3A_222, %swap3A_223] {strides = array<i32>} : memref<5x128xi32, #tpu.memory_space<vmem>>, vector<1x16xi32>,
      %swap3A_225 = vector.shape_cast %swap3A_224 : vector<1x16xi32> to vector<16xi32>
      %swap3A_226 = vector.shape_cast %min3A_220 : vector<16xi32> to vector<1x16xi32>
      tpu.vector_store %arg8[%swap3A_222, %swap3A_223], %swap3A_226 {strides = array<i32>} : memref<5x128xi32, #tpu.memory_space<vmem>>, vector<1x16xi32>,
      %ge3A_227 = arith.constant 100000 : i32
      %ge3A_228 = vector.broadcast %ge3A_227 : i32 to vector<16xi32>
      %ge3A_229 = arith.cmpi sge, %get3A_217, %ge3A_228 : vector<16xi32>
      %sub3A_230 = arith.constant 100000 : i32
      %sub3A_231 = vector.broadcast %sub3A_230 : i32 to vector<16xi32>
      %sub3A_232 = arith.subi %get3A_217, %sub3A_231 : vector<16xi32>
      %select_n3A_233 = arith.select %ge3A_229, %sub3A_232, %broadcast_in_dim3A_195 : vector<16xi1>, vector<16xi32>
      %swap3A_234 = arith.constant 0 : i32
      %swap3A_235 = arith.index_cast %swap3A_234 : i32 to index
      %swap3A_236 = arith.constant 16 : index
      %swap3A_237 = tpu.vector_load %arg10[%swap3A_235, %swap3A_236] {strides = array<i32>} : memref<5x128xi32, #tpu.memory_space<vmem>>, vector<1x16xi32>,
      %swap3A_238 = vector.shape_cast %swap3A_237 : vector<1x16xi32> to vector<16xi32>
      %swap3A_239 = vector.shape_cast %select_n3A_233 : vector<16xi32> to vector<1x16xi32>
      tpu.vector_store %arg10[%swap3A_235, %swap3A_236], %swap3A_239 {strides = array<i32>} : memref<5x128xi32, #tpu.memory_space<vmem>>, vector<1x16xi32>,
      %get3A_240 = arith.constant 32 : index
      %get3A_241 = tpu.vector_load %arg6[%get3A_240] {strides = array<i32>} : memref<640xi32, #tpu.memory_space<vmem>>, vector<16xi32>,
      %get3A_242 = vector.shape_cast %get3A_241 : vector<16xi32> to vector<16xi32>
      %min3A_243 = arith.constant 99999 : i32
      %min3A_244 = vector.broadcast %min3A_243 : i32 to vector<16xi32>
      %min3A_245 = arith.minsi %get3A_242, %min3A_244 : vector<16xi32>
      %swap3A_246 = arith.constant 0 : i32
      %swap3A_247 = arith.index_cast %swap3A_246 : i32 to index
      %swap3A_248 = arith.constant 32 : index
      %swap3A_249 = tpu.vector_load %arg8[%swap3A_247, %swap3A_248] {strides = array<i32>} : memref<5x128xi32, #tpu.memory_space<vmem>>, vector<1x16xi32>,
      %swap3A_250 = vector.shape_cast %swap3A_249 : vector<1x16xi32> to vector<16xi32>
      %swap3A_251 = vector.shape_cast %min3A_245 : vector<16xi32> to vector<1x16xi32>
      tpu.vector_store %arg8[%swap3A_247, %swap3A_248], %swap3A_251 {strides = array<i32>} : memref<5x128xi32, #tpu.memory_space<vmem>>, vector<1x16xi32>,
      %ge3A_252 = arith.constant 100000 : i32
      %ge3A_253 = vector.broadcast %ge3A_252 : i32 to vector<16xi32>
      %ge3A_254 = arith.cmpi sge, %get3A_242, %ge3A_253 : vector<16xi32>
      %sub3A_255 = arith.constant 100000 : i32
      %sub3A_256 = vector.broadcast %sub3A_255 : i32 to vector<16xi32>
      %sub3A_257 = arith.subi %get3A_242, %sub3A_256 : vector<16xi32>
      %select_n3A_258 = arith.select %ge3A_254, %sub3A_257, %broadcast_in_dim3A_195 : vector<16xi1>, vector<16xi32>
      %swap3A_259 = arith.constant 0 : i32
      %swap3A_260 = arith.index_cast %swap3A_259 : i32 to index
      %swap3A_261 = arith.constant 32 : index
      %swap3A_262 = tpu.vector_load %arg10[%swap3A_260, %swap3A_261] {strides = array<i32>} : memref<5x128xi32, #tpu.memory_space<vmem>>, vector<1x16xi32>,
      %swap3A_263 = vector.shape_cast %swap3A_262 : vector<1x16xi32> to vector<16xi32>
      %swap3A_264 = vector.shape_cast %select_n3A_258 : vector<16xi32> to vector<1x16xi32>
      tpu.vector_store %arg10[%swap3A_260, %swap3A_261], %swap3A_264 {strides = array<i32>} : memref<5x128xi32, #tpu.memory_space<vmem>>, vector<1x16xi32>,
      %get3A_265 = arith.constant 48 : index
      %get3A_266 = tpu.vector_load %arg6[%get3A_265] {strides = array<i32>} : memref<640xi32, #tpu.memory_space<vmem>>, vector<16xi32>,
      %get3A_267 = vector.shape_cast %get3A_266 : vector<16xi32> to vector<16xi32>
      %min3A_268 = arith.constant 99999 : i32
      %min3A_269 = vector.broadcast %min3A_268 : i32 to vector<16xi32>
      %min3A_270 = arith.minsi %get3A_267, %min3A_269 : vector<16xi32>
      %swap3A_271 = arith.constant 0 : i32
      %swap3A_272 = arith.index_cast %swap3A_271 : i32 to index
      %swap3A_273 = arith.constant 48 : index
      %swap3A_274 = tpu.vector_load %arg8[%swap3A_272, %swap3A_273] {strides = array<i32>} : memref<5x128xi32, #tpu.memory_space<vmem>>, vector<1x16xi32>,
      %swap3A_275 = vector.shape_cast %swap3A_274 : vector<1x16xi32> to vector<16xi32>
      %swap3A_276 = vector.shape_cast %min3A_270 : vector<16xi32> to vector<1x16xi32>
      tpu.vector_store %arg8[%swap3A_272, %swap3A_273], %swap3A_276 {strides = array<i32>} : memref<5x128xi32, #tpu.memory_space<vmem>>, vector<1x16xi32>,
      %ge3A_277 = arith.constant 100000 : i32
      %ge3A_278 = vector.broadcast %ge3A_277 : i32 to vector<16xi32>
      %ge3A_279 = arith.cmpi sge, %get3A_267, %ge3A_278 : vector<16xi32>
      %sub3A_280 = arith.constant 100000 : i32
      %sub3A_281 = vector.broadcast %sub3A_280 : i32 to vector<16xi32>
      %sub3A_282 = arith.subi %get3A_267, %sub3A_281 : vector<16xi32>
      %select_n3A_283 = arith.select %ge3A_279, %sub3A_282, %broadcast_in_dim3A_195 : vector<16xi1>, vector<16xi32>
      %swap3A_284 = arith.constant 0 : i32
      %swap3A_285 = arith.index_cast %swap3A_284 : i32 to index
      %swap3A_286 = arith.constant 48 : index
      %swap3A_287 = tpu.vector_load %arg10[%swap3A_285, %swap3A_286] {strides = array<i32>} : memref<5x128xi32, #tpu.memory_space<vmem>>, vector<1x16xi32>,
      %swap3A_288 = vector.shape_cast %swap3A_287 : vector<1x16xi32> to vector<16xi32>
      %swap3A_289 = vector.shape_cast %select_n3A_283 : vector<16xi32> to vector<1x16xi32>
      tpu.vector_store %arg10[%swap3A_285, %swap3A_286], %swap3A_289 {strides = array<i32>} : memref<5x128xi32, #tpu.memory_space<vmem>>, vector<1x16xi32>,
      %get3A_290 = arith.constant 64 : index
      %get3A_291 = tpu.vector_load %arg6[%get3A_290] {strides = array<i32>} : memref<640xi32, #tpu.memory_space<vmem>>, vector<16xi32>,
      %get3A_292 = vector.shape_cast %get3A_291 : vector<16xi32> to vector<16xi32>
      %min3A_293 = arith.constant 99999 : i32
      %min3A_294 = vector.broadcast %min3A_293 : i32 to vector<16xi32>
      %min3A_295 = arith.minsi %get3A_292, %min3A_294 : vector<16xi32>
      %swap3A_296 = arith.constant 0 : i32
      %swap3A_297 = arith.index_cast %swap3A_296 : i32 to index
      %swap3A_298 = arith.constant 64 : index
      %swap3A_299 = tpu.vector_load %arg8[%swap3A_297, %swap3A_298] {strides = array<i32>} : memref<5x128xi32, #tpu.memory_space<vmem>>, vector<1x16xi32>,
      %swap3A_300 = vector.shape_cast %swap3A_299 : vector<1x16xi32> to vector<16xi32>
      %swap3A_301 = vector.shape_cast %min3A_295 : vector<16xi32> to vector<1x16xi32>
      tpu.vector_store %arg8[%swap3A_297, %swap3A_298], %swap3A_301 {strides = array<i32>} : memref<5x128xi32, #tpu.memory_space<vmem>>, vector<1x16xi32>,
      %ge3A_302 = arith.constant 100000 : i32
      %ge3A_303 = vector.broadcast %ge3A_302 : i32 to vector<16xi32>
      %ge3A_304 = arith.cmpi sge, %get3A_292, %ge3A_303 : vector<16xi32>
      %sub3A_305 = arith.constant 100000 : i32
      %sub3A_306 = vector.broadcast %sub3A_305 : i32 to vector<16xi32>
      %sub3A_307 = arith.subi %get3A_292, %sub3A_306 : vector<16xi32>
      %select_n3A_308 = arith.select %ge3A_304, %sub3A_307, %broadcast_in_dim3A_195 : vector<16xi1>, vector<16xi32>
      %swap3A_309 = arith.constant 0 : i32
      %swap3A_310 = arith.index_cast %swap3A_309 : i32 to index
      %swap3A_311 = arith.constant 64 : index
      %swap3A_312 = tpu.vector_load %arg10[%swap3A_310, %swap3A_311] {strides = array<i32>} : memref<5x128xi32, #tpu.memory_space<vmem>>, vector<1x16xi32>,
      %swap3A_313 = vector.shape_cast %swap3A_312 : vector<1x16xi32> to vector<16xi32>
      %swap3A_314 = vector.shape_cast %select_n3A_308 : vector<16xi32> to vector<1x16xi32>
      tpu.vector_store %arg10[%swap3A_310, %swap3A_311], %swap3A_314 {strides = array<i32>} : memref<5x128xi32, #tpu.memory_space<vmem>>, vector<1x16xi32>,
      %get3A_315 = arith.constant 80 : index
      %get3A_316 = tpu.vector_load %arg6[%get3A_315] {strides = array<i32>} : memref<640xi32, #tpu.memory_space<vmem>>, vector<16xi32>,
      %get3A_317 = vector.shape_cast %get3A_316 : vector<16xi32> to vector<16xi32>
      %min3A_318 = arith.constant 99999 : i32
      %min3A_319 = vector.broadcast %min3A_318 : i32 to vector<16xi32>
      %min3A_320 = arith.minsi %get3A_317, %min3A_319 : vector<16xi32>
      %swap3A_321 = arith.constant 0 : i32
      %swap3A_322 = arith.index_cast %swap3A_321 : i32 to index
      %swap3A_323 = arith.constant 80 : index
      %swap3A_324 = tpu.vector_load %arg8[%swap3A_322, %swap3A_323] {strides = array<i32>} : memref<5x128xi32, #tpu.memory_space<vmem>>, vector<1x16xi32>,
      %swap3A_325 = vector.shape_cast %swap3A_324 : vector<1x16xi32> to vector<16xi32>
      %swap3A_326 = vector.shape_cast %min3A_320 : vector<16xi32> to vector<1x16xi32>
      tpu.vector_store %arg8[%swap3A_322, %swap3A_323], %swap3A_326 {strides = array<i32>} : memref<5x128xi32, #tpu.memory_space<vmem>>, vector<1x16xi32>,
      %ge3A_327 = arith.constant 100000 : i32
      %ge3A_328 = vector.broadcast %ge3A_327 : i32 to vector<16xi32>
      %ge3A_329 = arith.cmpi sge, %get3A_317, %ge3A_328 : vector<16xi32>
      %sub3A_330 = arith.constant 100000 : i32
      %sub3A_331 = vector.broadcast %sub3A_330 : i32 to vector<16xi32>
      %sub3A_332 = arith.subi %get3A_317, %sub3A_331 : vector<16xi32>
      %select_n3A_333 = arith.select %ge3A_329, %sub3A_332, %broadcast_in_dim3A_195 : vector<16xi1>, vector<16xi32>
      %swap3A_334 = arith.constant 0 : i32
      %swap3A_335 = arith.index_cast %swap3A_334 : i32 to index
      %swap3A_336 = arith.constant 80 : index
      %swap3A_337 = tpu.vector_load %arg10[%swap3A_335, %swap3A_336] {strides = array<i32>} : memref<5x128xi32, #tpu.memory_space<vmem>>, vector<1x16xi32>,
      %swap3A_338 = vector.shape_cast %swap3A_337 : vector<1x16xi32> to vector<16xi32>
      %swap3A_339 = vector.shape_cast %select_n3A_333 : vector<16xi32> to vector<1x16xi32>
      tpu.vector_store %arg10[%swap3A_335, %swap3A_336], %swap3A_339 {strides = array<i32>} : memref<5x128xi32, #tpu.memory_space<vmem>>, vector<1x16xi32>,
      %get3A_340 = arith.constant 96 : index
      %get3A_341 = tpu.vector_load %arg6[%get3A_340] {strides = array<i32>} : memref<640xi32, #tpu.memory_space<vmem>>, vector<16xi32>,
      %get3A_342 = vector.shape_cast %get3A_341 : vector<16xi32> to vector<16xi32>
      %min3A_343 = arith.constant 99999 : i32
      %min3A_344 = vector.broadcast %min3A_343 : i32 to vector<16xi32>
      %min3A_345 = arith.minsi %get3A_342, %min3A_344 : vector<16xi32>
      %swap3A_346 = arith.constant 0 : i32
      %swap3A_347 = arith.index_cast %swap3A_346 : i32 to index
      %swap3A_348 = arith.constant 96 : index
      %swap3A_349 = tpu.vector_load %arg8[%swap3A_347, %swap3A_348] {strides = array<i32>} : memref<5x128xi32, #tpu.memory_space<vmem>>, vector<1x16xi32>,
      %swap3A_350 = vector.shape_cast %swap3A_349 : vector<1x16xi32> to vector<16xi32>
      %swap3A_351 = vector.shape_cast %min3A_345 : vector<16xi32> to vector<1x16xi32>
      tpu.vector_store %arg8[%swap3A_347, %swap3A_348], %swap3A_351 {strides = array<i32>} : memref<5x128xi32, #tpu.memory_space<vmem>>, vector<1x16xi32>,
      %ge3A_352 = arith.constant 100000 : i32
      %ge3A_353 = vector.broadcast %ge3A_352 : i32 to vector<16xi32>
      %ge3A_354 = arith.cmpi sge, %get3A_342, %ge3A_353 : vector<16xi32>
      %sub3A_355 = arith.constant 100000 : i32
      %sub3A_356 = vector.broadcast %sub3A_355 : i32 to vector<16xi32>
      %sub3A_357 = arith.subi %get3A_342, %sub3A_356 : vector<16xi32>
      %select_n3A_358 = arith.select %ge3A_354, %sub3A_357, %broadcast_in_dim3A_195 : vector<16xi1>, vector<16xi32>
      %swap3A_359 = arith.constant 0 : i32
      %swap3A_360 = arith.index_cast %swap3A_359 : i32 to index
      %swap3A_361 = arith.constant 96 : index
      %swap3A_362 = tpu.vector_load %arg10[%swap3A_360, %swap3A_361] {strides = array<i32>} : memref<5x128xi32, #tpu.memory_space<vmem>>, vector<1x16xi32>,
      %swap3A_363 = vector.shape_cast %swap3A_362 : vector<1x16xi32> to vector<16xi32>
      %swap3A_364 = vector.shape_cast %select_n3A_358 : vector<16xi32> to vector<1x16xi32>
      tpu.vector_store %arg10[%swap3A_360, %swap3A_361], %swap3A_364 {strides = array<i32>} : memref<5x128xi32, #tpu.memory_space<vmem>>, vector<1x16xi32>,
      %get3A_365 = arith.constant 112 : index
      %get3A_366 = tpu.vector_load %arg6[%get3A_365] {strides = array<i32>} : memref<640xi32, #tpu.memory_space<vmem>>, vector<16xi32>,
      %get3A_367 = vector.shape_cast %get3A_366 : vector<16xi32> to vector<16xi32>
      %min3A_368 = arith.constant 99999 : i32
      %min3A_369 = vector.broadcast %min3A_368 : i32 to vector<16xi32>
      %min3A_370 = arith.minsi %get3A_367, %min3A_369 : vector<16xi32>
      %swap3A_371 = arith.constant 0 : i32
      %swap3A_372 = arith.index_cast %swap3A_371 : i32 to index
      %swap3A_373 = arith.constant 112 : index
      %swap3A_374 = tpu.vector_load %arg8[%swap3A_372, %swap3A_373] {strides = array<i32>} : memref<5x128xi32, #tpu.memory_space<vmem>>, vector<1x16xi32>,
      %swap3A_375 = vector.shape_cast %swap3A_374 : vector<1x16xi32> to vector<16xi32>
      %swap3A_376 = vector.shape_cast %min3A_370 : vector<16xi32> to vector<1x16xi32>
      tpu.vector_store %arg8[%swap3A_372, %swap3A_373], %swap3A_376 {strides = array<i32>} : memref<5x128xi32, #tpu.memory_space<vmem>>, vector<1x16xi32>,
      %ge3A_377 = arith.constant 100000 : i32
      %ge3A_378 = vector.broadcast %ge3A_377 : i32 to vector<16xi32>
      %ge3A_379 = arith.cmpi sge, %get3A_367, %ge3A_378 : vector<16xi32>
      %sub3A_380 = arith.constant 100000 : i32
      %sub3A_381 = vector.broadcast %sub3A_380 : i32 to vector<16xi32>
      %sub3A_382 = arith.subi %get3A_367, %sub3A_381 : vector<16xi32>
      %select_n3A_383 = arith.select %ge3A_379, %sub3A_382, %broadcast_in_dim3A_195 : vector<16xi1>, vector<16xi32>
      %swap3A_384 = arith.constant 0 : i32
      %swap3A_385 = arith.index_cast %swap3A_384 : i32 to index
      %swap3A_386 = arith.constant 112 : index
      %swap3A_387 = tpu.vector_load %arg10[%swap3A_385, %swap3A_386] {strides = array<i32>} : memref<5x128xi32, #tpu.memory_space<vmem>>, vector<1x16xi32>,
      %swap3A_388 = vector.shape_cast %swap3A_387 : vector<1x16xi32> to vector<16xi32>
      %swap3A_389 = vector.shape_cast %select_n3A_383 : vector<16xi32> to vector<1x16xi32>
      tpu.vector_store %arg10[%swap3A_385, %swap3A_386], %swap3A_389 {strides = array<i32>} : memref<5x128xi32, #tpu.memory_space<vmem>>, vector<1x16xi32>,
      %get3A_390 = arith.constant 128 : index
      %get3A_391 = tpu.vector_load %arg6[%get3A_390] {strides = array<i32>} : memref<640xi32, #tpu.memory_space<vmem>>, vector<16xi32>,
      %get3A_392 = vector.shape_cast %get3A_391 : vector<16xi32> to vector<16xi32>
      %min3A_393 = arith.constant 99999 : i32
      %min3A_394 = vector.broadcast %min3A_393 : i32 to vector<16xi32>
      %min3A_395 = arith.minsi %get3A_392, %min3A_394 : vector<16xi32>
      %swap3A_396 = arith.constant 1 : i32
      %swap3A_397 = arith.index_cast %swap3A_396 : i32 to index
      %swap3A_398 = arith.constant 0 : index
      %swap3A_399 = tpu.vector_load %arg8[%swap3A_397, %swap3A_398] {strides = array<i32>} : memref<5x128xi32, #tpu.memory_space<vmem>>, vector<1x16xi32>,
      %swap3A_400 = vector.shape_cast %swap3A_399 : vector<1x16xi32> to vector<16xi32>
      %swap3A_401 = vector.shape_cast %min3A_395 : vector<16xi32> to vector<1x16xi32>
      tpu.vector_store %arg8[%swap3A_397, %swap3A_398], %swap3A_401 {strides = array<i32>} : memref<5x128xi32, #tpu.memory_space<vmem>>, vector<1x16xi32>,
      %ge3A_402 = arith.constant 100000 : i32
      %ge3A_403 = vector.broadcast %ge3A_402 : i32 to vector<16xi32>
      %ge3A_404 = arith.cmpi sge, %get3A_392, %ge3A_403 : vector<16xi32>
      %sub3A_405 = arith.constant 100000 : i32
      %sub3A_406 = vector.broadcast %sub3A_405 : i32 to vector<16xi32>
      %sub3A_407 = arith.subi %get3A_392, %sub3A_406 : vector<16xi32>
      %select_n3A_408 = arith.select %ge3A_404, %sub3A_407, %broadcast_in_dim3A_195 : vector<16xi1>, vector<16xi32>
      %swap3A_409 = arith.constant 1 : i32
      %swap3A_410 = arith.index_cast %swap3A_409 : i32 to index
      %swap3A_411 = arith.constant 0 : index
      %swap3A_412 = tpu.vector_load %arg10[%swap3A_410, %swap3A_411] {strides = array<i32>} : memref<5x128xi32, #tpu.memory_space<vmem>>, vector<1x16xi32>,
      %swap3A_413 = vector.shape_cast %swap3A_412 : vector<1x16xi32> to vector<16xi32>
      %swap3A_414 = vector.shape_cast %select_n3A_408 : vector<16xi32> to vector<1x16xi32>
      tpu.vector_store %arg10[%swap3A_410, %swap3A_411], %swap3A_414 {strides = array<i32>} : memref<5x128xi32, #tpu.memory_space<vmem>>, vector<1x16xi32>,
      %get3A_415 = arith.constant 144 : index
      %get3A_416 = tpu.vector_load %arg6[%get3A_415] {strides = array<i32>} : memref<640xi32, #tpu.memory_space<vmem>>, vector<16xi32>,
      %get3A_417 = vector.shape_cast %get3A_416 : vector<16xi32> to vector<16xi32>
      %min3A_418 = arith.constant 99999 : i32
      %min3A_419 = vector.broadcast %min3A_418 : i32 to vector<16xi32>
      %min3A_420 = arith.minsi %get3A_417, %min3A_419 : vector<16xi32>
      %swap3A_421 = arith.constant 1 : i32
      %swap3A_422 = arith.index_cast %swap3A_421 : i32 to index
      %swap3A_423 = arith.constant 16 : index
      %swap3A_424 = tpu.vector_load %arg8[%swap3A_422, %swap3A_423] {strides = array<i32>} : memref<5x128xi32, #tpu.memory_space<vmem>>, vector<1x16xi32>,
      %swap3A_425 = vector.shape_cast %swap3A_424 : vector<1x16xi32> to vector<16xi32>
      %swap3A_426 = vector.shape_cast %min3A_420 : vector<16xi32> to vector<1x16xi32>
      tpu.vector_store %arg8[%swap3A_422, %swap3A_423], %swap3A_426 {strides = array<i32>} : memref<5x128xi32, #tpu.memory_space<vmem>>, vector<1x16xi32>,
      %ge3A_427 = arith.constant 100000 : i32
      %ge3A_428 = vector.broadcast %ge3A_427 : i32 to vector<16xi32>
      %ge3A_429 = arith.cmpi sge, %get3A_417, %ge3A_428 : vector<16xi32>
      %sub3A_430 = arith.constant 100000 : i32
      %sub3A_431 = vector.broadcast %sub3A_430 : i32 to vector<16xi32>
      %sub3A_432 = arith.subi %get3A_417, %sub3A_431 : vector<16xi32>
      %select_n3A_433 = arith.select %ge3A_429, %sub3A_432, %broadcast_in_dim3A_195 : vector<16xi1>, vector<16xi32>
      %swap3A_434 = arith.constant 1 : i32
      %swap3A_435 = arith.index_cast %swap3A_434 : i32 to index
      %swap3A_436 = arith.constant 16 : index
      %swap3A_437 = tpu.vector_load %arg10[%swap3A_435, %swap3A_436] {strides = array<i32>} : memref<5x128xi32, #tpu.memory_space<vmem>>, vector<1x16xi32>,
      %swap3A_438 = vector.shape_cast %swap3A_437 : vector<1x16xi32> to vector<16xi32>
      %swap3A_439 = vector.shape_cast %select_n3A_433 : vector<16xi32> to vector<1x16xi32>
      tpu.vector_store %arg10[%swap3A_435, %swap3A_436], %swap3A_439 {strides = array<i32>} : memref<5x128xi32, #tpu.memory_space<vmem>>, vector<1x16xi32>,
      %get3A_440 = arith.constant 160 : index
      %get3A_441 = tpu.vector_load %arg6[%get3A_440] {strides = array<i32>} : memref<640xi32, #tpu.memory_space<vmem>>, vector<16xi32>,
      %get3A_442 = vector.shape_cast %get3A_441 : vector<16xi32> to vector<16xi32>
      %min3A_443 = arith.constant 99999 : i32
      %min3A_444 = vector.broadcast %min3A_443 : i32 to vector<16xi32>
      %min3A_445 = arith.minsi %get3A_442, %min3A_444 : vector<16xi32>
      %swap3A_446 = arith.constant 1 : i32
      %swap3A_447 = arith.index_cast %swap3A_446 : i32 to index
      %swap3A_448 = arith.constant 32 : index
      %swap3A_449 = tpu.vector_load %arg8[%swap3A_447, %swap3A_448] {strides = array<i32>} : memref<5x128xi32, #tpu.memory_space<vmem>>, vector<1x16xi32>,
      %swap3A_450 = vector.shape_cast %swap3A_449 : vector<1x16xi32> to vector<16xi32>
      %swap3A_451 = vector.shape_cast %min3A_445 : vector<16xi32> to vector<1x16xi32>
      tpu.vector_store %arg8[%swap3A_447, %swap3A_448], %swap3A_451 {strides = array<i32>} : memref<5x128xi32, #tpu.memory_space<vmem>>, vector<1x16xi32>,
      %ge3A_452 = arith.constant 100000 : i32
      %ge3A_453 = vector.broadcast %ge3A_452 : i32 to vector<16xi32>
      %ge3A_454 = arith.cmpi sge, %get3A_442, %ge3A_453 : vector<16xi32>
      %sub3A_455 = arith.constant 100000 : i32
      %sub3A_456 = vector.broadcast %sub3A_455 : i32 to vector<16xi32>
      %sub3A_457 = arith.subi %get3A_442, %sub3A_456 : vector<16xi32>
      %select_n3A_458 = arith.select %ge3A_454, %sub3A_457, %broadcast_in_dim3A_195 : vector<16xi1>, vector<16xi32>
      %swap3A_459 = arith.constant 1 : i32
      %swap3A_460 = arith.index_cast %swap3A_459 : i32 to index
      %swap3A_461 = arith.constant 32 : index
      %swap3A_462 = tpu.vector_load %arg10[%swap3A_460, %swap3A_461] {strides = array<i32>} : memref<5x128xi32, #tpu.memory_space<vmem>>, vector<1x16xi32>,
      %swap3A_463 = vector.shape_cast %swap3A_462 : vector<1x16xi32> to vector<16xi32>
      %swap3A_464 = vector.shape_cast %select_n3A_458 : vector<16xi32> to vector<1x16xi32>
      tpu.vector_store %arg10[%swap3A_460, %swap3A_461], %swap3A_464 {strides = array<i32>} : memref<5x128xi32, #tpu.memory_space<vmem>>, vector<1x16xi32>,
      %get3A_465 = arith.constant 176 : index
      %get3A_466 = tpu.vector_load %arg6[%get3A_465] {strides = array<i32>} : memref<640xi32, #tpu.memory_space<vmem>>, vector<16xi32>,
      %get3A_467 = vector.shape_cast %get3A_466 : vector<16xi32> to vector<16xi32>
      %min3A_468 = arith.constant 99999 : i32
      %min3A_469 = vector.broadcast %min3A_468 : i32 to vector<16xi32>
      %min3A_470 = arith.minsi %get3A_467, %min3A_469 : vector<16xi32>
      %swap3A_471 = arith.constant 1 : i32
      %swap3A_472 = arith.index_cast %swap3A_471 : i32 to index
      %swap3A_473 = arith.constant 48 : index
      %swap3A_474 = tpu.vector_load %arg8[%swap3A_472, %swap3A_473] {strides = array<i32>} : memref<5x128xi32, #tpu.memory_space<vmem>>, vector<1x16xi32>,
      %swap3A_475 = vector.shape_cast %swap3A_474 : vector<1x16xi32> to vector<16xi32>
      %swap3A_476 = vector.shape_cast %min3A_470 : vector<16xi32> to vector<1x16xi32>
      tpu.vector_store %arg8[%swap3A_472, %swap3A_473], %swap3A_476 {strides = array<i32>} : memref<5x128xi32, #tpu.memory_space<vmem>>, vector<1x16xi32>,
      %ge3A_477 = arith.constant 100000 : i32
      %ge3A_478 = vector.broadcast %ge3A_477 : i32 to vector<16xi32>
      %ge3A_479 = arith.cmpi sge, %get3A_467, %ge3A_478 : vector<16xi32>
      %sub3A_480 = arith.constant 100000 : i32
      %sub3A_481 = vector.broadcast %sub3A_480 : i32 to vector<16xi32>
      %sub3A_482 = arith.subi %get3A_467, %sub3A_481 : vector<16xi32>
      %select_n3A_483 = arith.select %ge3A_479, %sub3A_482, %broadcast_in_dim3A_195 : vector<16xi1>, vector<16xi32>
      %swap3A_484 = arith.constant 1 : i32
      %swap3A_485 = arith.index_cast %swap3A_484 : i32 to index
      %swap3A_486 = arith.constant 48 : index
      %swap3A_487 = tpu.vector_load %arg10[%swap3A_485, %swap3A_486] {strides = array<i32>} : memref<5x128xi32, #tpu.memory_space<vmem>>, vector<1x16xi32>,
      %swap3A_488 = vector.shape_cast %swap3A_487 : vector<1x16xi32> to vector<16xi32>
      %swap3A_489 = vector.shape_cast %select_n3A_483 : vector<16xi32> to vector<1x16xi32>
      tpu.vector_store %arg10[%swap3A_485, %swap3A_486], %swap3A_489 {strides = array<i32>} : memref<5x128xi32, #tpu.memory_space<vmem>>, vector<1x16xi32>,
      %get3A_490 = arith.constant 192 : index
      %get3A_491 = tpu.vector_load %arg6[%get3A_490] {strides = array<i32>} : memref<640xi32, #tpu.memory_space<vmem>>, vector<16xi32>,
      %get3A_492 = vector.shape_cast %get3A_491 : vector<16xi32> to vector<16xi32>
      %min3A_493 = arith.constant 99999 : i32
      %min3A_494 = vector.broadcast %min3A_493 : i32 to vector<16xi32>
      %min3A_495 = arith.minsi %get3A_492, %min3A_494 : vector<16xi32>
      %swap3A_496 = arith.constant 1 : i32
      %swap3A_497 = arith.index_cast %swap3A_496 : i32 to index
      %swap3A_498 = arith.constant 64 : index
      %swap3A_499 = tpu.vector_load %arg8[%swap3A_497, %swap3A_498] {strides = array<i32>} : memref<5x128xi32, #tpu.memory_space<vmem>>, vector<1x16xi32>,
      %swap3A_500 = vector.shape_cast %swap3A_499 : vector<1x16xi32> to vector<16xi32>
      %swap3A_501 = vector.shape_cast %min3A_495 : vector<16xi32> to vector<1x16xi32>
      tpu.vector_store %arg8[%swap3A_497, %swap3A_498], %swap3A_501 {strides = array<i32>} : memref<5x128xi32, #tpu.memory_space<vmem>>, vector<1x16xi32>,
      %ge3A_502 = arith.constant 100000 : i32
      %ge3A_503 = vector.broadcast %ge3A_502 : i32 to vector<16xi32>
      %ge3A_504 = arith.cmpi sge, %get3A_492, %ge3A_503 : vector<16xi32>
      %sub3A_505 = arith.constant 100000 : i32
      %sub3A_506 = vector.broadcast %sub3A_505 : i32 to vector<16xi32>
      %sub3A_507 = arith.subi %get3A_492, %sub3A_506 : vector<16xi32>
      %select_n3A_508 = arith.select %ge3A_504, %sub3A_507, %broadcast_in_dim3A_195 : vector<16xi1>, vector<16xi32>
      %swap3A_509 = arith.constant 1 : i32
      %swap3A_510 = arith.index_cast %swap3A_509 : i32 to index
      %swap3A_511 = arith.constant 64 : index
      %swap3A_512 = tpu.vector_load %arg10[%swap3A_510, %swap3A_511] {strides = array<i32>} : memref<5x128xi32, #tpu.memory_space<vmem>>, vector<1x16xi32>,
      %swap3A_513 = vector.shape_cast %swap3A_512 : vector<1x16xi32> to vector<16xi32>
      %swap3A_514 = vector.shape_cast %select_n3A_508 : vector<16xi32> to vector<1x16xi32>
      tpu.vector_store %arg10[%swap3A_510, %swap3A_511], %swap3A_514 {strides = array<i32>} : memref<5x128xi32, #tpu.memory_space<vmem>>, vector<1x16xi32>,
      %get3A_515 = arith.constant 208 : index
      %get3A_516 = tpu.vector_load %arg6[%get3A_515] {strides = array<i32>} : memref<640xi32, #tpu.memory_space<vmem>>, vector<16xi32>,
      %get3A_517 = vector.shape_cast %get3A_516 : vector<16xi32> to vector<16xi32>
      %min3A_518 = arith.constant 99999 : i32
      %min3A_519 = vector.broadcast %min3A_518 : i32 to vector<16xi32>
      %min3A_520 = arith.minsi %get3A_517, %min3A_519 : vector<16xi32>
      %swap3A_521 = arith.constant 1 : i32
      %swap3A_522 = arith.index_cast %swap3A_521 : i32 to index
      %swap3A_523 = arith.constant 80 : index
      %swap3A_524 = tpu.vector_load %arg8[%swap3A_522, %swap3A_523] {strides = array<i32>} : memref<5x128xi32, #tpu.memory_space<vmem>>, vector<1x16xi32>,
      %swap3A_525 = vector.shape_cast %swap3A_524 : vector<1x16xi32> to vector<16xi32>
      %swap3A_526 = vector.shape_cast %min3A_520 : vector<16xi32> to vector<1x16xi32>
      tpu.vector_store %arg8[%swap3A_522, %swap3A_523], %swap3A_526 {strides = array<i32>} : memref<5x128xi32, #tpu.memory_space<vmem>>, vector<1x16xi32>,
      %ge3A_527 = arith.constant 100000 : i32
      %ge3A_528 = vector.broadcast %ge3A_527 : i32 to vector<16xi32>
      %ge3A_529 = arith.cmpi sge, %get3A_517, %ge3A_528 : vector<16xi32>
      %sub3A_530 = arith.constant 100000 : i32
      %sub3A_531 = vector.broadcast %sub3A_530 : i32 to vector<16xi32>
      %sub3A_532 = arith.subi %get3A_517, %sub3A_531 : vector<16xi32>
      %select_n3A_533 = arith.select %ge3A_529, %sub3A_532, %broadcast_in_dim3A_195 : vector<16xi1>, vector<16xi32>
      %swap3A_534 = arith.constant 1 : i32
      %swap3A_535 = arith.index_cast %swap3A_534 : i32 to index
      %swap3A_536 = arith.constant 80 : index
      %swap3A_537 = tpu.vector_load %arg10[%swap3A_535, %swap3A_536] {strides = array<i32>} : memref<5x128xi32, #tpu.memory_space<vmem>>, vector<1x16xi32>,
      %swap3A_538 = vector.shape_cast %swap3A_537 : vector<1x16xi32> to vector<16xi32>
      %swap3A_539 = vector.shape_cast %select_n3A_533 : vector<16xi32> to vector<1x16xi32>
      tpu.vector_store %arg10[%swap3A_535, %swap3A_536], %swap3A_539 {strides = array<i32>} : memref<5x128xi32, #tpu.memory_space<vmem>>, vector<1x16xi32>,
      %get3A_540 = arith.constant 224 : index
      %get3A_541 = tpu.vector_load %arg6[%get3A_540] {strides = array<i32>} : memref<640xi32, #tpu.memory_space<vmem>>, vector<16xi32>,
      %get3A_542 = vector.shape_cast %get3A_541 : vector<16xi32> to vector<16xi32>
      %min3A_543 = arith.constant 99999 : i32
      %min3A_544 = vector.broadcast %min3A_543 : i32 to vector<16xi32>
      %min3A_545 = arith.minsi %get3A_542, %min3A_544 : vector<16xi32>
      %swap3A_546 = arith.constant 1 : i32
      %swap3A_547 = arith.index_cast %swap3A_546 : i32 to index
      %swap3A_548 = arith.constant 96 : index
      %swap3A_549 = tpu.vector_load %arg8[%swap3A_547, %swap3A_548] {strides = array<i32>} : memref<5x128xi32, #tpu.memory_space<vmem>>, vector<1x16xi32>,
      %swap3A_550 = vector.shape_cast %swap3A_549 : vector<1x16xi32> to vector<16xi32>
      %swap3A_551 = vector.shape_cast %min3A_545 : vector<16xi32> to vector<1x16xi32>
      tpu.vector_store %arg8[%swap3A_547, %swap3A_548], %swap3A_551 {strides = array<i32>} : memref<5x128xi32, #tpu.memory_space<vmem>>, vector<1x16xi32>,
      %ge3A_552 = arith.constant 100000 : i32
      %ge3A_553 = vector.broadcast %ge3A_552 : i32 to vector<16xi32>
      %ge3A_554 = arith.cmpi sge, %get3A_542, %ge3A_553 : vector<16xi32>
      %sub3A_555 = arith.constant 100000 : i32
      %sub3A_556 = vector.broadcast %sub3A_555 : i32 to vector<16xi32>
      %sub3A_557 = arith.subi %get3A_542, %sub3A_556 : vector<16xi32>
      %select_n3A_558 = arith.select %ge3A_554, %sub3A_557, %broadcast_in_dim3A_195 : vector<16xi1>, vector<16xi32>
      %swap3A_559 = arith.constant 1 : i32
      %swap3A_560 = arith.index_cast %swap3A_559 : i32 to index
      %swap3A_561 = arith.constant 96 : index
      %swap3A_562 = tpu.vector_load %arg10[%swap3A_560, %swap3A_561] {strides = array<i32>} : memref<5x128xi32, #tpu.memory_space<vmem>>, vector<1x16xi32>,
      %swap3A_563 = vector.shape_cast %swap3A_562 : vector<1x16xi32> to vector<16xi32>
      %swap3A_564 = vector.shape_cast %select_n3A_558 : vector<16xi32> to vector<1x16xi32>
      tpu.vector_store %arg10[%swap3A_560, %swap3A_561], %swap3A_564 {strides = array<i32>} : memref<5x128xi32, #tpu.memory_space<vmem>>, vector<1x16xi32>,
      %get3A_565 = arith.constant 240 : index
      %get3A_566 = tpu.vector_load %arg6[%get3A_565] {strides = array<i32>} : memref<640xi32, #tpu.memory_space<vmem>>, vector<16xi32>,
      %get3A_567 = vector.shape_cast %get3A_566 : vector<16xi32> to vector<16xi32>
      %min3A_568 = arith.constant 99999 : i32
      %min3A_569 = vector.broadcast %min3A_568 : i32 to vector<16xi32>
      %min3A_570 = arith.minsi %get3A_567, %min3A_569 : vector<16xi32>
      %swap3A_571 = arith.constant 1 : i32
      %swap3A_572 = arith.index_cast %swap3A_571 : i32 to index
      %swap3A_573 = arith.constant 112 : index
      %swap3A_574 = tpu.vector_load %arg8[%swap3A_572, %swap3A_573] {strides = array<i32>} : memref<5x128xi32, #tpu.memory_space<vmem>>, vector<1x16xi32>,
      %swap3A_575 = vector.shape_cast %swap3A_574 : vector<1x16xi32> to vector<16xi32>
      %swap3A_576 = vector.shape_cast %min3A_570 : vector<16xi32> to vector<1x16xi32>
      tpu.vector_store %arg8[%swap3A_572, %swap3A_573], %swap3A_576 {strides = array<i32>} : memref<5x128xi32, #tpu.memory_space<vmem>>, vector<1x16xi32>,
      %ge3A_577 = arith.constant 100000 : i32
      %ge3A_578 = vector.broadcast %ge3A_577 : i32 to vector<16xi32>
      %ge3A_579 = arith.cmpi sge, %get3A_567, %ge3A_578 : vector<16xi32>
      %sub3A_580 = arith.constant 100000 : i32
      %sub3A_581 = vector.broadcast %sub3A_580 : i32 to vector<16xi32>
      %sub3A_582 = arith.subi %get3A_567, %sub3A_581 : vector<16xi32>
      %select_n3A_583 = arith.select %ge3A_579, %sub3A_582, %broadcast_in_dim3A_195 : vector<16xi1>, vector<16xi32>
      %swap3A_584 = arith.constant 1 : i32
      %swap3A_585 = arith.index_cast %swap3A_584 : i32 to index
      %swap3A_586 = arith.constant 112 : index
      %swap3A_587 = tpu.vector_load %arg10[%swap3A_585, %swap3A_586] {strides = array<i32>} : memref<5x128xi32, #tpu.memory_space<vmem>>, vector<1x16xi32>,
      %swap3A_588 = vector.shape_cast %swap3A_587 : vector<1x16xi32> to vector<16xi32>
      %swap3A_589 = vector.shape_cast %select_n3A_583 : vector<16xi32> to vector<1x16xi32>
      tpu.vector_store %arg10[%swap3A_585, %swap3A_586], %swap3A_589 {strides = array<i32>} : memref<5x128xi32, #tpu.memory_space<vmem>>, vector<1x16xi32>,
      %get3A_590 = arith.constant 256 : index
      %get3A_591 = tpu.vector_load %arg6[%get3A_590] {strides = array<i32>} : memref<640xi32, #tpu.memory_space<vmem>>, vector<16xi32>,
      %get3A_592 = vector.shape_cast %get3A_591 : vector<16xi32> to vector<16xi32>
      %min3A_593 = arith.constant 99999 : i32
      %min3A_594 = vector.broadcast %min3A_593 : i32 to vector<16xi32>
      %min3A_595 = arith.minsi %get3A_592, %min3A_594 : vector<16xi32>
      %swap3A_596 = arith.constant 2 : i32
      %swap3A_597 = arith.index_cast %swap3A_596 : i32 to index
      %swap3A_598 = arith.constant 0 : index
      %swap3A_599 = tpu.vector_load %arg8[%swap3A_597, %swap3A_598] {strides = array<i32>} : memref<5x128xi32, #tpu.memory_space<vmem>>, vector<1x16xi32>,
      %swap3A_600 = vector.shape_cast %swap3A_599 : vector<1x16xi32> to vector<16xi32>
      %swap3A_601 = vector.shape_cast %min3A_595 : vector<16xi32> to vector<1x16xi32>
      tpu.vector_store %arg8[%swap3A_597, %swap3A_598], %swap3A_601 {strides = array<i32>} : memref<5x128xi32, #tpu.memory_space<vmem>>, vector<1x16xi32>,
      %ge3A_602 = arith.constant 100000 : i32
      %ge3A_603 = vector.broadcast %ge3A_602 : i32 to vector<16xi32>
      %ge3A_604 = arith.cmpi sge, %get3A_592, %ge3A_603 : vector<16xi32>
      %sub3A_605 = arith.constant 100000 : i32
      %sub3A_606 = vector.broadcast %sub3A_605 : i32 to vector<16xi32>
      %sub3A_607 = arith.subi %get3A_592, %sub3A_606 : vector<16xi32>
      %select_n3A_608 = arith.select %ge3A_604, %sub3A_607, %broadcast_in_dim3A_195 : vector<16xi1>, vector<16xi32>
      %swap3A_609 = arith.constant 2 : i32
      %swap3A_610 = arith.index_cast %swap3A_609 : i32 to index
      %swap3A_611 = arith.constant 0 : index
      %swap3A_612 = tpu.vector_load %arg10[%swap3A_610, %swap3A_611] {strides = array<i32>} : memref<5x128xi32, #tpu.memory_space<vmem>>, vector<1x16xi32>,
      %swap3A_613 = vector.shape_cast %swap3A_612 : vector<1x16xi32> to vector<16xi32>
      %swap3A_614 = vector.shape_cast %select_n3A_608 : vector<16xi32> to vector<1x16xi32>
      tpu.vector_store %arg10[%swap3A_610, %swap3A_611], %swap3A_614 {strides = array<i32>} : memref<5x128xi32, #tpu.memory_space<vmem>>, vector<1x16xi32>,
      %get3A_615 = arith.constant 272 : index
      %get3A_616 = tpu.vector_load %arg6[%get3A_615] {strides = array<i32>} : memref<640xi32, #tpu.memory_space<vmem>>, vector<16xi32>,
      %get3A_617 = vector.shape_cast %get3A_616 : vector<16xi32> to vector<16xi32>
      %min3A_618 = arith.constant 99999 : i32
      %min3A_619 = vector.broadcast %min3A_618 : i32 to vector<16xi32>
      %min3A_620 = arith.minsi %get3A_617, %min3A_619 : vector<16xi32>
      %swap3A_621 = arith.constant 2 : i32
      %swap3A_622 = arith.index_cast %swap3A_621 : i32 to index
      %swap3A_623 = arith.constant 16 : index
      %swap3A_624 = tpu.vector_load %arg8[%swap3A_622, %swap3A_623] {strides = array<i32>} : memref<5x128xi32, #tpu.memory_space<vmem>>, vector<1x16xi32>,
      %swap3A_625 = vector.shape_cast %swap3A_624 : vector<1x16xi32> to vector<16xi32>
      %swap3A_626 = vector.shape_cast %min3A_620 : vector<16xi32> to vector<1x16xi32>
      tpu.vector_store %arg8[%swap3A_622, %swap3A_623], %swap3A_626 {strides = array<i32>} : memref<5x128xi32, #tpu.memory_space<vmem>>, vector<1x16xi32>,
      %ge3A_627 = arith.constant 100000 : i32
      %ge3A_628 = vector.broadcast %ge3A_627 : i32 to vector<16xi32>
      %ge3A_629 = arith.cmpi sge, %get3A_617, %ge3A_628 : vector<16xi32>
      %sub3A_630 = arith.constant 100000 : i32
      %sub3A_631 = vector.broadcast %sub3A_630 : i32 to vector<16xi32>
      %sub3A_632 = arith.subi %get3A_617, %sub3A_631 : vector<16xi32>
      %select_n3A_633 = arith.select %ge3A_629, %sub3A_632, %broadcast_in_dim3A_195 : vector<16xi1>, vector<16xi32>
      %swap3A_634 = arith.constant 2 : i32
      %swap3A_635 = arith.index_cast %swap3A_634 : i32 to index
      %swap3A_636 = arith.constant 16 : index
      %swap3A_637 = tpu.vector_load %arg10[%swap3A_635, %swap3A_636] {strides = array<i32>} : memref<5x128xi32, #tpu.memory_space<vmem>>, vector<1x16xi32>,
      %swap3A_638 = vector.shape_cast %swap3A_637 : vector<1x16xi32> to vector<16xi32>
      %swap3A_639 = vector.shape_cast %select_n3A_633 : vector<16xi32> to vector<1x16xi32>
      tpu.vector_store %arg10[%swap3A_635, %swap3A_636], %swap3A_639 {strides = array<i32>} : memref<5x128xi32, #tpu.memory_space<vmem>>, vector<1x16xi32>,
      %get3A_640 = arith.constant 288 : index
      %get3A_641 = tpu.vector_load %arg6[%get3A_640] {strides = array<i32>} : memref<640xi32, #tpu.memory_space<vmem>>, vector<16xi32>,
      %get3A_642 = vector.shape_cast %get3A_641 : vector<16xi32> to vector<16xi32>
      %min3A_643 = arith.constant 99999 : i32
      %min3A_644 = vector.broadcast %min3A_643 : i32 to vector<16xi32>
      %min3A_645 = arith.minsi %get3A_642, %min3A_644 : vector<16xi32>
      %swap3A_646 = arith.constant 2 : i32
      %swap3A_647 = arith.index_cast %swap3A_646 : i32 to index
      %swap3A_648 = arith.constant 32 : index
      %swap3A_649 = tpu.vector_load %arg8[%swap3A_647, %swap3A_648] {strides = array<i32>} : memref<5x128xi32, #tpu.memory_space<vmem>>, vector<1x16xi32>,
      %swap3A_650 = vector.shape_cast %swap3A_649 : vector<1x16xi32> to vector<16xi32>
      %swap3A_651 = vector.shape_cast %min3A_645 : vector<16xi32> to vector<1x16xi32>
      tpu.vector_store %arg8[%swap3A_647, %swap3A_648], %swap3A_651 {strides = array<i32>} : memref<5x128xi32, #tpu.memory_space<vmem>>, vector<1x16xi32>,
      %ge3A_652 = arith.constant 100000 : i32
      %ge3A_653 = vector.broadcast %ge3A_652 : i32 to vector<16xi32>
      %ge3A_654 = arith.cmpi sge, %get3A_642, %ge3A_653 : vector<16xi32>
      %sub3A_655 = arith.constant 100000 : i32
      %sub3A_656 = vector.broadcast %sub3A_655 : i32 to vector<16xi32>
      %sub3A_657 = arith.subi %get3A_642, %sub3A_656 : vector<16xi32>
      %select_n3A_658 = arith.select %ge3A_654, %sub3A_657, %broadcast_in_dim3A_195 : vector<16xi1>, vector<16xi32>
      %swap3A_659 = arith.constant 2 : i32
      %swap3A_660 = arith.index_cast %swap3A_659 : i32 to index
      %swap3A_661 = arith.constant 32 : index
      %swap3A_662 = tpu.vector_load %arg10[%swap3A_660, %swap3A_661] {strides = array<i32>} : memref<5x128xi32, #tpu.memory_space<vmem>>, vector<1x16xi32>,
      %swap3A_663 = vector.shape_cast %swap3A_662 : vector<1x16xi32> to vector<16xi32>
      %swap3A_664 = vector.shape_cast %select_n3A_658 : vector<16xi32> to vector<1x16xi32>
      tpu.vector_store %arg10[%swap3A_660, %swap3A_661], %swap3A_664 {strides = array<i32>} : memref<5x128xi32, #tpu.memory_space<vmem>>, vector<1x16xi32>,
      %get3A_665 = arith.constant 304 : index
      %get3A_666 = tpu.vector_load %arg6[%get3A_665] {strides = array<i32>} : memref<640xi32, #tpu.memory_space<vmem>>, vector<16xi32>,
      %get3A_667 = vector.shape_cast %get3A_666 : vector<16xi32> to vector<16xi32>
      %min3A_668 = arith.constant 99999 : i32
      %min3A_669 = vector.broadcast %min3A_668 : i32 to vector<16xi32>
      %min3A_670 = arith.minsi %get3A_667, %min3A_669 : vector<16xi32>
      %swap3A_671 = arith.constant 2 : i32
      %swap3A_672 = arith.index_cast %swap3A_671 : i32 to index
      %swap3A_673 = arith.constant 48 : index
      %swap3A_674 = tpu.vector_load %arg8[%swap3A_672, %swap3A_673] {strides = array<i32>} : memref<5x128xi32, #tpu.memory_space<vmem>>, vector<1x16xi32>,
      %swap3A_675 = vector.shape_cast %swap3A_674 : vector<1x16xi32> to vector<16xi32>
      %swap3A_676 = vector.shape_cast %min3A_670 : vector<16xi32> to vector<1x16xi32>
      tpu.vector_store %arg8[%swap3A_672, %swap3A_673], %swap3A_676 {strides = array<i32>} : memref<5x128xi32, #tpu.memory_space<vmem>>, vector<1x16xi32>,
      %ge3A_677 = arith.constant 100000 : i32
      %ge3A_678 = vector.broadcast %ge3A_677 : i32 to vector<16xi32>
      %ge3A_679 = arith.cmpi sge, %get3A_667, %ge3A_678 : vector<16xi32>
      %sub3A_680 = arith.constant 100000 : i32
      %sub3A_681 = vector.broadcast %sub3A_680 : i32 to vector<16xi32>
      %sub3A_682 = arith.subi %get3A_667, %sub3A_681 : vector<16xi32>
      %select_n3A_683 = arith.select %ge3A_679, %sub3A_682, %broadcast_in_dim3A_195 : vector<16xi1>, vector<16xi32>
      %swap3A_684 = arith.constant 2 : i32
      %swap3A_685 = arith.index_cast %swap3A_684 : i32 to index
      %swap3A_686 = arith.constant 48 : index
      %swap3A_687 = tpu.vector_load %arg10[%swap3A_685, %swap3A_686] {strides = array<i32>} : memref<5x128xi32, #tpu.memory_space<vmem>>, vector<1x16xi32>,
      %swap3A_688 = vector.shape_cast %swap3A_687 : vector<1x16xi32> to vector<16xi32>
      %swap3A_689 = vector.shape_cast %select_n3A_683 : vector<16xi32> to vector<1x16xi32>
      tpu.vector_store %arg10[%swap3A_685, %swap3A_686], %swap3A_689 {strides = array<i32>} : memref<5x128xi32, #tpu.memory_space<vmem>>, vector<1x16xi32>,
      %get3A_690 = arith.constant 320 : index
      %get3A_691 = tpu.vector_load %arg6[%get3A_690] {strides = array<i32>} : memref<640xi32, #tpu.memory_space<vmem>>, vector<16xi32>,
      %get3A_692 = vector.shape_cast %get3A_691 : vector<16xi32> to vector<16xi32>
      %min3A_693 = arith.constant 99999 : i32
      %min3A_694 = vector.broadcast %min3A_693 : i32 to vector<16xi32>
      %min3A_695 = arith.minsi %get3A_692, %min3A_694 : vector<16xi32>
      %swap3A_696 = arith.constant 2 : i32
      %swap3A_697 = arith.index_cast %swap3A_696 : i32 to index
      %swap3A_698 = arith.constant 64 : index
      %swap3A_699 = tpu.vector_load %arg8[%swap3A_697, %swap3A_698] {strides = array<i32>} : memref<5x128xi32, #tpu.memory_space<vmem>>, vector<1x16xi32>,
      %swap3A_700 = vector.shape_cast %swap3A_699 : vector<1x16xi32> to vector<16xi32>
      %swap3A_701 = vector.shape_cast %min3A_695 : vector<16xi32> to vector<1x16xi32>
      tpu.vector_store %arg8[%swap3A_697, %swap3A_698], %swap3A_701 {strides = array<i32>} : memref<5x128xi32, #tpu.memory_space<vmem>>, vector<1x16xi32>,
      %ge3A_702 = arith.constant 100000 : i32
      %ge3A_703 = vector.broadcast %ge3A_702 : i32 to vector<16xi32>
      %ge3A_704 = arith.cmpi sge, %get3A_692, %ge3A_703 : vector<16xi32>
      %sub3A_705 = arith.constant 100000 : i32
      %sub3A_706 = vector.broadcast %sub3A_705 : i32 to vector<16xi32>
      %sub3A_707 = arith.subi %get3A_692, %sub3A_706 : vector<16xi32>
      %select_n3A_708 = arith.select %ge3A_704, %sub3A_707, %broadcast_in_dim3A_195 : vector<16xi1>, vector<16xi32>
      %swap3A_709 = arith.constant 2 : i32
      %swap3A_710 = arith.index_cast %swap3A_709 : i32 to index
      %swap3A_711 = arith.constant 64 : index
      %swap3A_712 = tpu.vector_load %arg10[%swap3A_710, %swap3A_711] {strides = array<i32>} : memref<5x128xi32, #tpu.memory_space<vmem>>, vector<1x16xi32>,
      %swap3A_713 = vector.shape_cast %swap3A_712 : vector<1x16xi32> to vector<16xi32>
      %swap3A_714 = vector.shape_cast %select_n3A_708 : vector<16xi32> to vector<1x16xi32>
      tpu.vector_store %arg10[%swap3A_710, %swap3A_711], %swap3A_714 {strides = array<i32>} : memref<5x128xi32, #tpu.memory_space<vmem>>, vector<1x16xi32>,
      %get3A_715 = arith.constant 336 : index
      %get3A_716 = tpu.vector_load %arg6[%get3A_715] {strides = array<i32>} : memref<640xi32, #tpu.memory_space<vmem>>, vector<16xi32>,
      %get3A_717 = vector.shape_cast %get3A_716 : vector<16xi32> to vector<16xi32>
      %min3A_718 = arith.constant 99999 : i32
      %min3A_719 = vector.broadcast %min3A_718 : i32 to vector<16xi32>
      %min3A_720 = arith.minsi %get3A_717, %min3A_719 : vector<16xi32>
      %swap3A_721 = arith.constant 2 : i32
      %swap3A_722 = arith.index_cast %swap3A_721 : i32 to index
      %swap3A_723 = arith.constant 80 : index
      %swap3A_724 = tpu.vector_load %arg8[%swap3A_722, %swap3A_723] {strides = array<i32>} : memref<5x128xi32, #tpu.memory_space<vmem>>, vector<1x16xi32>,
      %swap3A_725 = vector.shape_cast %swap3A_724 : vector<1x16xi32> to vector<16xi32>
      %swap3A_726 = vector.shape_cast %min3A_720 : vector<16xi32> to vector<1x16xi32>
      tpu.vector_store %arg8[%swap3A_722, %swap3A_723], %swap3A_726 {strides = array<i32>} : memref<5x128xi32, #tpu.memory_space<vmem>>, vector<1x16xi32>,
      %ge3A_727 = arith.constant 100000 : i32
      %ge3A_728 = vector.broadcast %ge3A_727 : i32 to vector<16xi32>
      %ge3A_729 = arith.cmpi sge, %get3A_717, %ge3A_728 : vector<16xi32>
      %sub3A_730 = arith.constant 100000 : i32
      %sub3A_731 = vector.broadcast %sub3A_730 : i32 to vector<16xi32>
      %sub3A_732 = arith.subi %get3A_717, %sub3A_731 : vector<16xi32>
      %select_n3A_733 = arith.select %ge3A_729, %sub3A_732, %broadcast_in_dim3A_195 : vector<16xi1>, vector<16xi32>
      %swap3A_734 = arith.constant 2 : i32
      %swap3A_735 = arith.index_cast %swap3A_734 : i32 to index
      %swap3A_736 = arith.constant 80 : index
      %swap3A_737 = tpu.vector_load %arg10[%swap3A_735, %swap3A_736] {strides = array<i32>} : memref<5x128xi32, #tpu.memory_space<vmem>>, vector<1x16xi32>,
      %swap3A_738 = vector.shape_cast %swap3A_737 : vector<1x16xi32> to vector<16xi32>
      %swap3A_739 = vector.shape_cast %select_n3A_733 : vector<16xi32> to vector<1x16xi32>
      tpu.vector_store %arg10[%swap3A_735, %swap3A_736], %swap3A_739 {strides = array<i32>} : memref<5x128xi32, #tpu.memory_space<vmem>>, vector<1x16xi32>,
      %get3A_740 = arith.constant 352 : index
      %get3A_741 = tpu.vector_load %arg6[%get3A_740] {strides = array<i32>} : memref<640xi32, #tpu.memory_space<vmem>>, vector<16xi32>,
      %get3A_742 = vector.shape_cast %get3A_741 : vector<16xi32> to vector<16xi32>
      %min3A_743 = arith.constant 99999 : i32
      %min3A_744 = vector.broadcast %min3A_743 : i32 to vector<16xi32>
      %min3A_745 = arith.minsi %get3A_742, %min3A_744 : vector<16xi32>
      %swap3A_746 = arith.constant 2 : i32
      %swap3A_747 = arith.index_cast %swap3A_746 : i32 to index
      %swap3A_748 = arith.constant 96 : index
      %swap3A_749 = tpu.vector_load %arg8[%swap3A_747, %swap3A_748] {strides = array<i32>} : memref<5x128xi32, #tpu.memory_space<vmem>>, vector<1x16xi32>,
      %swap3A_750 = vector.shape_cast %swap3A_749 : vector<1x16xi32> to vector<16xi32>
      %swap3A_751 = vector.shape_cast %min3A_745 : vector<16xi32> to vector<1x16xi32>
      tpu.vector_store %arg8[%swap3A_747, %swap3A_748], %swap3A_751 {strides = array<i32>} : memref<5x128xi32, #tpu.memory_space<vmem>>, vector<1x16xi32>,
      %ge3A_752 = arith.constant 100000 : i32
      %ge3A_753 = vector.broadcast %ge3A_752 : i32 to vector<16xi32>
      %ge3A_754 = arith.cmpi sge, %get3A_742, %ge3A_753 : vector<16xi32>
      %sub3A_755 = arith.constant 100000 : i32
      %sub3A_756 = vector.broadcast %sub3A_755 : i32 to vector<16xi32>
      %sub3A_757 = arith.subi %get3A_742, %sub3A_756 : vector<16xi32>
      %select_n3A_758 = arith.select %ge3A_754, %sub3A_757, %broadcast_in_dim3A_195 : vector<16xi1>, vector<16xi32>
      %swap3A_759 = arith.constant 2 : i32
      %swap3A_760 = arith.index_cast %swap3A_759 : i32 to index
      %swap3A_761 = arith.constant 96 : index
      %swap3A_762 = tpu.vector_load %arg10[%swap3A_760, %swap3A_761] {strides = array<i32>} : memref<5x128xi32, #tpu.memory_space<vmem>>, vector<1x16xi32>,
      %swap3A_763 = vector.shape_cast %swap3A_762 : vector<1x16xi32> to vector<16xi32>
      %swap3A_764 = vector.shape_cast %select_n3A_758 : vector<16xi32> to vector<1x16xi32>
      tpu.vector_store %arg10[%swap3A_760, %swap3A_761], %swap3A_764 {strides = array<i32>} : memref<5x128xi32, #tpu.memory_space<vmem>>, vector<1x16xi32>,
      %get3A_765 = arith.constant 368 : index
      %get3A_766 = tpu.vector_load %arg6[%get3A_765] {strides = array<i32>} : memref<640xi32, #tpu.memory_space<vmem>>, vector<16xi32>,
      %get3A_767 = vector.shape_cast %get3A_766 : vector<16xi32> to vector<16xi32>
      %min3A_768 = arith.constant 99999 : i32
      %min3A_769 = vector.broadcast %min3A_768 : i32 to vector<16xi32>
      %min3A_770 = arith.minsi %get3A_767, %min3A_769 : vector<16xi32>
      %swap3A_771 = arith.constant 2 : i32
      %swap3A_772 = arith.index_cast %swap3A_771 : i32 to index
      %swap3A_773 = arith.constant 112 : index
      %swap3A_774 = tpu.vector_load %arg8[%swap3A_772, %swap3A_773] {strides = array<i32>} : memref<5x128xi32, #tpu.memory_space<vmem>>, vector<1x16xi32>,
      %swap3A_775 = vector.shape_cast %swap3A_774 : vector<1x16xi32> to vector<16xi32>
      %swap3A_776 = vector.shape_cast %min3A_770 : vector<16xi32> to vector<1x16xi32>
      tpu.vector_store %arg8[%swap3A_772, %swap3A_773], %swap3A_776 {strides = array<i32>} : memref<5x128xi32, #tpu.memory_space<vmem>>, vector<1x16xi32>,
      %ge3A_777 = arith.constant 100000 : i32
      %ge3A_778 = vector.broadcast %ge3A_777 : i32 to vector<16xi32>
      %ge3A_779 = arith.cmpi sge, %get3A_767, %ge3A_778 : vector<16xi32>
      %sub3A_780 = arith.constant 100000 : i32
      %sub3A_781 = vector.broadcast %sub3A_780 : i32 to vector<16xi32>
      %sub3A_782 = arith.subi %get3A_767, %sub3A_781 : vector<16xi32>
      %select_n3A_783 = arith.select %ge3A_779, %sub3A_782, %broadcast_in_dim3A_195 : vector<16xi1>, vector<16xi32>
      %swap3A_784 = arith.constant 2 : i32
      %swap3A_785 = arith.index_cast %swap3A_784 : i32 to index
      %swap3A_786 = arith.constant 112 : index
      %swap3A_787 = tpu.vector_load %arg10[%swap3A_785, %swap3A_786] {strides = array<i32>} : memref<5x128xi32, #tpu.memory_space<vmem>>, vector<1x16xi32>,
      %swap3A_788 = vector.shape_cast %swap3A_787 : vector<1x16xi32> to vector<16xi32>
      %swap3A_789 = vector.shape_cast %select_n3A_783 : vector<16xi32> to vector<1x16xi32>
      tpu.vector_store %arg10[%swap3A_785, %swap3A_786], %swap3A_789 {strides = array<i32>} : memref<5x128xi32, #tpu.memory_space<vmem>>, vector<1x16xi32>,
      %get3A_790 = arith.constant 384 : index
      %get3A_791 = tpu.vector_load %arg6[%get3A_790] {strides = array<i32>} : memref<640xi32, #tpu.memory_space<vmem>>, vector<16xi32>,
      %get3A_792 = vector.shape_cast %get3A_791 : vector<16xi32> to vector<16xi32>
      %min3A_793 = arith.constant 99999 : i32
      %min3A_794 = vector.broadcast %min3A_793 : i32 to vector<16xi32>
      %min3A_795 = arith.minsi %get3A_792, %min3A_794 : vector<16xi32>
      %swap3A_796 = arith.constant 3 : i32
      %swap3A_797 = arith.index_cast %swap3A_796 : i32 to index
      %swap3A_798 = arith.constant 0 : index
      %swap3A_799 = tpu.vector_load %arg8[%swap3A_797, %swap3A_798] {strides = array<i32>} : memref<5x128xi32, #tpu.memory_space<vmem>>, vector<1x16xi32>,
      %swap3A_800 = vector.shape_cast %swap3A_799 : vector<1x16xi32> to vector<16xi32>
      %swap3A_801 = vector.shape_cast %min3A_795 : vector<16xi32> to vector<1x16xi32>
      tpu.vector_store %arg8[%swap3A_797, %swap3A_798], %swap3A_801 {strides = array<i32>} : memref<5x128xi32, #tpu.memory_space<vmem>>, vector<1x16xi32>,
      %ge3A_802 = arith.constant 100000 : i32
      %ge3A_803 = vector.broadcast %ge3A_802 : i32 to vector<16xi32>
      %ge3A_804 = arith.cmpi sge, %get3A_792, %ge3A_803 : vector<16xi32>
      %sub3A_805 = arith.constant 100000 : i32
      %sub3A_806 = vector.broadcast %sub3A_805 : i32 to vector<16xi32>
      %sub3A_807 = arith.subi %get3A_792, %sub3A_806 : vector<16xi32>
      %select_n3A_808 = arith.select %ge3A_804, %sub3A_807, %broadcast_in_dim3A_195 : vector<16xi1>, vector<16xi32>
      %swap3A_809 = arith.constant 3 : i32
      %swap3A_810 = arith.index_cast %swap3A_809 : i32 to index
      %swap3A_811 = arith.constant 0 : index
      %swap3A_812 = tpu.vector_load %arg10[%swap3A_810, %swap3A_811] {strides = array<i32>} : memref<5x128xi32, #tpu.memory_space<vmem>>, vector<1x16xi32>,
      %swap3A_813 = vector.shape_cast %swap3A_812 : vector<1x16xi32> to vector<16xi32>
      %swap3A_814 = vector.shape_cast %select_n3A_808 : vector<16xi32> to vector<1x16xi32>
      tpu.vector_store %arg10[%swap3A_810, %swap3A_811], %swap3A_814 {strides = array<i32>} : memref<5x128xi32, #tpu.memory_space<vmem>>, vector<1x16xi32>,
      %get3A_815 = arith.constant 400 : index
      %get3A_816 = tpu.vector_load %arg6[%get3A_815] {strides = array<i32>} : memref<640xi32, #tpu.memory_space<vmem>>, vector<16xi32>,
      %get3A_817 = vector.shape_cast %get3A_816 : vector<16xi32> to vector<16xi32>
      %min3A_818 = arith.constant 99999 : i32
      %min3A_819 = vector.broadcast %min3A_818 : i32 to vector<16xi32>
      %min3A_820 = arith.minsi %get3A_817, %min3A_819 : vector<16xi32>
      %swap3A_821 = arith.constant 3 : i32
      %swap3A_822 = arith.index_cast %swap3A_821 : i32 to index
      %swap3A_823 = arith.constant 16 : index
      %swap3A_824 = tpu.vector_load %arg8[%swap3A_822, %swap3A_823] {strides = array<i32>} : memref<5x128xi32, #tpu.memory_space<vmem>>, vector<1x16xi32>,
      %swap3A_825 = vector.shape_cast %swap3A_824 : vector<1x16xi32> to vector<16xi32>
      %swap3A_826 = vector.shape_cast %min3A_820 : vector<16xi32> to vector<1x16xi32>
      tpu.vector_store %arg8[%swap3A_822, %swap3A_823], %swap3A_826 {strides = array<i32>} : memref<5x128xi32, #tpu.memory_space<vmem>>, vector<1x16xi32>,
      %ge3A_827 = arith.constant 100000 : i32
      %ge3A_828 = vector.broadcast %ge3A_827 : i32 to vector<16xi32>
      %ge3A_829 = arith.cmpi sge, %get3A_817, %ge3A_828 : vector<16xi32>
      %sub3A_830 = arith.constant 100000 : i32
      %sub3A_831 = vector.broadcast %sub3A_830 : i32 to vector<16xi32>
      %sub3A_832 = arith.subi %get3A_817, %sub3A_831 : vector<16xi32>
      %select_n3A_833 = arith.select %ge3A_829, %sub3A_832, %broadcast_in_dim3A_195 : vector<16xi1>, vector<16xi32>
      %swap3A_834 = arith.constant 3 : i32
      %swap3A_835 = arith.index_cast %swap3A_834 : i32 to index
      %swap3A_836 = arith.constant 16 : index
      %swap3A_837 = tpu.vector_load %arg10[%swap3A_835, %swap3A_836] {strides = array<i32>} : memref<5x128xi32, #tpu.memory_space<vmem>>, vector<1x16xi32>,
      %swap3A_838 = vector.shape_cast %swap3A_837 : vector<1x16xi32> to vector<16xi32>
      %swap3A_839 = vector.shape_cast %select_n3A_833 : vector<16xi32> to vector<1x16xi32>
      tpu.vector_store %arg10[%swap3A_835, %swap3A_836], %swap3A_839 {strides = array<i32>} : memref<5x128xi32, #tpu.memory_space<vmem>>, vector<1x16xi32>,
      %get3A_840 = arith.constant 416 : index
      %get3A_841 = tpu.vector_load %arg6[%get3A_840] {strides = array<i32>} : memref<640xi32, #tpu.memory_space<vmem>>, vector<16xi32>,
      %get3A_842 = vector.shape_cast %get3A_841 : vector<16xi32> to vector<16xi32>
      %min3A_843 = arith.constant 99999 : i32
      %min3A_844 = vector.broadcast %min3A_843 : i32 to vector<16xi32>
      %min3A_845 = arith.minsi %get3A_842, %min3A_844 : vector<16xi32>
      %swap3A_846 = arith.constant 3 : i32
      %swap3A_847 = arith.index_cast %swap3A_846 : i32 to index
      %swap3A_848 = arith.constant 32 : index
      %swap3A_849 = tpu.vector_load %arg8[%swap3A_847, %swap3A_848] {strides = array<i32>} : memref<5x128xi32, #tpu.memory_space<vmem>>, vector<1x16xi32>,
      %swap3A_850 = vector.shape_cast %swap3A_849 : vector<1x16xi32> to vector<16xi32>
      %swap3A_851 = vector.shape_cast %min3A_845 : vector<16xi32> to vector<1x16xi32>
      tpu.vector_store %arg8[%swap3A_847, %swap3A_848], %swap3A_851 {strides = array<i32>} : memref<5x128xi32, #tpu.memory_space<vmem>>, vector<1x16xi32>,
      %ge3A_852 = arith.constant 100000 : i32
      %ge3A_853 = vector.broadcast %ge3A_852 : i32 to vector<16xi32>
      %ge3A_854 = arith.cmpi sge, %get3A_842, %ge3A_853 : vector<16xi32>
      %sub3A_855 = arith.constant 100000 : i32
      %sub3A_856 = vector.broadcast %sub3A_855 : i32 to vector<16xi32>
      %sub3A_857 = arith.subi %get3A_842, %sub3A_856 : vector<16xi32>
      %select_n3A_858 = arith.select %ge3A_854, %sub3A_857, %broadcast_in_dim3A_195 : vector<16xi1>, vector<16xi32>
      %swap3A_859 = arith.constant 3 : i32
      %swap3A_860 = arith.index_cast %swap3A_859 : i32 to index
      %swap3A_861 = arith.constant 32 : index
      %swap3A_862 = tpu.vector_load %arg10[%swap3A_860, %swap3A_861] {strides = array<i32>} : memref<5x128xi32, #tpu.memory_space<vmem>>, vector<1x16xi32>,
      %swap3A_863 = vector.shape_cast %swap3A_862 : vector<1x16xi32> to vector<16xi32>
      %swap3A_864 = vector.shape_cast %select_n3A_858 : vector<16xi32> to vector<1x16xi32>
      tpu.vector_store %arg10[%swap3A_860, %swap3A_861], %swap3A_864 {strides = array<i32>} : memref<5x128xi32, #tpu.memory_space<vmem>>, vector<1x16xi32>,
      %get3A_865 = arith.constant 432 : index
      %get3A_866 = tpu.vector_load %arg6[%get3A_865] {strides = array<i32>} : memref<640xi32, #tpu.memory_space<vmem>>, vector<16xi32>,
      %get3A_867 = vector.shape_cast %get3A_866 : vector<16xi32> to vector<16xi32>
      %min3A_868 = arith.constant 99999 : i32
      %min3A_869 = vector.broadcast %min3A_868 : i32 to vector<16xi32>
      %min3A_870 = arith.minsi %get3A_867, %min3A_869 : vector<16xi32>
      %swap3A_871 = arith.constant 3 : i32
      %swap3A_872 = arith.index_cast %swap3A_871 : i32 to index
      %swap3A_873 = arith.constant 48 : index
      %swap3A_874 = tpu.vector_load %arg8[%swap3A_872, %swap3A_873] {strides = array<i32>} : memref<5x128xi32, #tpu.memory_space<vmem>>, vector<1x16xi32>,
      %swap3A_875 = vector.shape_cast %swap3A_874 : vector<1x16xi32> to vector<16xi32>
      %swap3A_876 = vector.shape_cast %min3A_870 : vector<16xi32> to vector<1x16xi32>
      tpu.vector_store %arg8[%swap3A_872, %swap3A_873], %swap3A_876 {strides = array<i32>} : memref<5x128xi32, #tpu.memory_space<vmem>>, vector<1x16xi32>,
      %ge3A_877 = arith.constant 100000 : i32
      %ge3A_878 = vector.broadcast %ge3A_877 : i32 to vector<16xi32>
      %ge3A_879 = arith.cmpi sge, %get3A_867, %ge3A_878 : vector<16xi32>
      %sub3A_880 = arith.constant 100000 : i32
      %sub3A_881 = vector.broadcast %sub3A_880 : i32 to vector<16xi32>
      %sub3A_882 = arith.subi %get3A_867, %sub3A_881 : vector<16xi32>
      %select_n3A_883 = arith.select %ge3A_879, %sub3A_882, %broadcast_in_dim3A_195 : vector<16xi1>, vector<16xi32>
      %swap3A_884 = arith.constant 3 : i32
      %swap3A_885 = arith.index_cast %swap3A_884 : i32 to index
      %swap3A_886 = arith.constant 48 : index
      %swap3A_887 = tpu.vector_load %arg10[%swap3A_885, %swap3A_886] {strides = array<i32>} : memref<5x128xi32, #tpu.memory_space<vmem>>, vector<1x16xi32>,
      %swap3A_888 = vector.shape_cast %swap3A_887 : vector<1x16xi32> to vector<16xi32>
      %swap3A_889 = vector.shape_cast %select_n3A_883 : vector<16xi32> to vector<1x16xi32>
      tpu.vector_store %arg10[%swap3A_885, %swap3A_886], %swap3A_889 {strides = array<i32>} : memref<5x128xi32, #tpu.memory_space<vmem>>, vector<1x16xi32>,
      %get3A_890 = arith.constant 448 : index
      %get3A_891 = tpu.vector_load %arg6[%get3A_890] {strides = array<i32>} : memref<640xi32, #tpu.memory_space<vmem>>, vector<16xi32>,
      %get3A_892 = vector.shape_cast %get3A_891 : vector<16xi32> to vector<16xi32>
      %min3A_893 = arith.constant 99999 : i32
      %min3A_894 = vector.broadcast %min3A_893 : i32 to vector<16xi32>
      %min3A_895 = arith.minsi %get3A_892, %min3A_894 : vector<16xi32>
      %swap3A_896 = arith.constant 3 : i32
      %swap3A_897 = arith.index_cast %swap3A_896 : i32 to index
      %swap3A_898 = arith.constant 64 : index
      %swap3A_899 = tpu.vector_load %arg8[%swap3A_897, %swap3A_898] {strides = array<i32>} : memref<5x128xi32, #tpu.memory_space<vmem>>, vector<1x16xi32>,
      %swap3A_900 = vector.shape_cast %swap3A_899 : vector<1x16xi32> to vector<16xi32>
      %swap3A_901 = vector.shape_cast %min3A_895 : vector<16xi32> to vector<1x16xi32>
      tpu.vector_store %arg8[%swap3A_897, %swap3A_898], %swap3A_901 {strides = array<i32>} : memref<5x128xi32, #tpu.memory_space<vmem>>, vector<1x16xi32>,
      %ge3A_902 = arith.constant 100000 : i32
      %ge3A_903 = vector.broadcast %ge3A_902 : i32 to vector<16xi32>
      %ge3A_904 = arith.cmpi sge, %get3A_892, %ge3A_903 : vector<16xi32>
      %sub3A_905 = arith.constant 100000 : i32
      %sub3A_906 = vector.broadcast %sub3A_905 : i32 to vector<16xi32>
      %sub3A_907 = arith.subi %get3A_892, %sub3A_906 : vector<16xi32>
      %select_n3A_908 = arith.select %ge3A_904, %sub3A_907, %broadcast_in_dim3A_195 : vector<16xi1>, vector<16xi32>
      %swap3A_909 = arith.constant 3 : i32
      %swap3A_910 = arith.index_cast %swap3A_909 : i32 to index
      %swap3A_911 = arith.constant 64 : index
      %swap3A_912 = tpu.vector_load %arg10[%swap3A_910, %swap3A_911] {strides = array<i32>} : memref<5x128xi32, #tpu.memory_space<vmem>>, vector<1x16xi32>,
      %swap3A_913 = vector.shape_cast %swap3A_912 : vector<1x16xi32> to vector<16xi32>
      %swap3A_914 = vector.shape_cast %select_n3A_908 : vector<16xi32> to vector<1x16xi32>
      tpu.vector_store %arg10[%swap3A_910, %swap3A_911], %swap3A_914 {strides = array<i32>} : memref<5x128xi32, #tpu.memory_space<vmem>>, vector<1x16xi32>,
      %get3A_915 = arith.constant 464 : index
      %get3A_916 = tpu.vector_load %arg6[%get3A_915] {strides = array<i32>} : memref<640xi32, #tpu.memory_space<vmem>>, vector<16xi32>,
      %get3A_917 = vector.shape_cast %get3A_916 : vector<16xi32> to vector<16xi32>
      %min3A_918 = arith.constant 99999 : i32
      %min3A_919 = vector.broadcast %min3A_918 : i32 to vector<16xi32>
      %min3A_920 = arith.minsi %get3A_917, %min3A_919 : vector<16xi32>
      %swap3A_921 = arith.constant 3 : i32
      %swap3A_922 = arith.index_cast %swap3A_921 : i32 to index
      %swap3A_923 = arith.constant 80 : index
      %swap3A_924 = tpu.vector_load %arg8[%swap3A_922, %swap3A_923] {strides = array<i32>} : memref<5x128xi32, #tpu.memory_space<vmem>>, vector<1x16xi32>,
      %swap3A_925 = vector.shape_cast %swap3A_924 : vector<1x16xi32> to vector<16xi32>
      %swap3A_926 = vector.shape_cast %min3A_920 : vector<16xi32> to vector<1x16xi32>
      tpu.vector_store %arg8[%swap3A_922, %swap3A_923], %swap3A_926 {strides = array<i32>} : memref<5x128xi32, #tpu.memory_space<vmem>>, vector<1x16xi32>,
      %ge3A_927 = arith.constant 100000 : i32
      %ge3A_928 = vector.broadcast %ge3A_927 : i32 to vector<16xi32>
      %ge3A_929 = arith.cmpi sge, %get3A_917, %ge3A_928 : vector<16xi32>
      %sub3A_930 = arith.constant 100000 : i32
      %sub3A_931 = vector.broadcast %sub3A_930 : i32 to vector<16xi32>
      %sub3A_932 = arith.subi %get3A_917, %sub3A_931 : vector<16xi32>
      %select_n3A_933 = arith.select %ge3A_929, %sub3A_932, %broadcast_in_dim3A_195 : vector<16xi1>, vector<16xi32>
      %swap3A_934 = arith.constant 3 : i32
      %swap3A_935 = arith.index_cast %swap3A_934 : i32 to index
      %swap3A_936 = arith.constant 80 : index
      %swap3A_937 = tpu.vector_load %arg10[%swap3A_935, %swap3A_936] {strides = array<i32>} : memref<5x128xi32, #tpu.memory_space<vmem>>, vector<1x16xi32>,
      %swap3A_938 = vector.shape_cast %swap3A_937 : vector<1x16xi32> to vector<16xi32>
      %swap3A_939 = vector.shape_cast %select_n3A_933 : vector<16xi32> to vector<1x16xi32>
      tpu.vector_store %arg10[%swap3A_935, %swap3A_936], %swap3A_939 {strides = array<i32>} : memref<5x128xi32, #tpu.memory_space<vmem>>, vector<1x16xi32>,
      %get3A_940 = arith.constant 480 : index
      %get3A_941 = tpu.vector_load %arg6[%get3A_940] {strides = array<i32>} : memref<640xi32, #tpu.memory_space<vmem>>, vector<16xi32>,
      %get3A_942 = vector.shape_cast %get3A_941 : vector<16xi32> to vector<16xi32>
      %min3A_943 = arith.constant 99999 : i32
      %min3A_944 = vector.broadcast %min3A_943 : i32 to vector<16xi32>
      %min3A_945 = arith.minsi %get3A_942, %min3A_944 : vector<16xi32>
      %swap3A_946 = arith.constant 3 : i32
      %swap3A_947 = arith.index_cast %swap3A_946 : i32 to index
      %swap3A_948 = arith.constant 96 : index
      %swap3A_949 = tpu.vector_load %arg8[%swap3A_947, %swap3A_948] {strides = array<i32>} : memref<5x128xi32, #tpu.memory_space<vmem>>, vector<1x16xi32>,
      %swap3A_950 = vector.shape_cast %swap3A_949 : vector<1x16xi32> to vector<16xi32>
      %swap3A_951 = vector.shape_cast %min3A_945 : vector<16xi32> to vector<1x16xi32>
      tpu.vector_store %arg8[%swap3A_947, %swap3A_948], %swap3A_951 {strides = array<i32>} : memref<5x128xi32, #tpu.memory_space<vmem>>, vector<1x16xi32>,
      %ge3A_952 = arith.constant 100000 : i32
      %ge3A_953 = vector.broadcast %ge3A_952 : i32 to vector<16xi32>
      %ge3A_954 = arith.cmpi sge, %get3A_942, %ge3A_953 : vector<16xi32>
      %sub3A_955 = arith.constant 100000 : i32
      %sub3A_956 = vector.broadcast %sub3A_955 : i32 to vector<16xi32>
      %sub3A_957 = arith.subi %get3A_942, %sub3A_956 : vector<16xi32>
      %select_n3A_958 = arith.select %ge3A_954, %sub3A_957, %broadcast_in_dim3A_195 : vector<16xi1>, vector<16xi32>
      %swap3A_959 = arith.constant 3 : i32
      %swap3A_960 = arith.index_cast %swap3A_959 : i32 to index
      %swap3A_961 = arith.constant 96 : index
      %swap3A_962 = tpu.vector_load %arg10[%swap3A_960, %swap3A_961] {strides = array<i32>} : memref<5x128xi32, #tpu.memory_space<vmem>>, vector<1x16xi32>,
      %swap3A_963 = vector.shape_cast %swap3A_962 : vector<1x16xi32> to vector<16xi32>
      %swap3A_964 = vector.shape_cast %select_n3A_958 : vector<16xi32> to vector<1x16xi32>
      tpu.vector_store %arg10[%swap3A_960, %swap3A_961], %swap3A_964 {strides = array<i32>} : memref<5x128xi32, #tpu.memory_space<vmem>>, vector<1x16xi32>,
      %get3A_965 = arith.constant 496 : index
      %get3A_966 = tpu.vector_load %arg6[%get3A_965] {strides = array<i32>} : memref<640xi32, #tpu.memory_space<vmem>>, vector<16xi32>,
      %get3A_967 = vector.shape_cast %get3A_966 : vector<16xi32> to vector<16xi32>
      %min3A_968 = arith.constant 99999 : i32
      %min3A_969 = vector.broadcast %min3A_968 : i32 to vector<16xi32>
      %min3A_970 = arith.minsi %get3A_967, %min3A_969 : vector<16xi32>
      %swap3A_971 = arith.constant 3 : i32
      %swap3A_972 = arith.index_cast %swap3A_971 : i32 to index
      %swap3A_973 = arith.constant 112 : index
      %swap3A_974 = tpu.vector_load %arg8[%swap3A_972, %swap3A_973] {strides = array<i32>} : memref<5x128xi32, #tpu.memory_space<vmem>>, vector<1x16xi32>,
      %swap3A_975 = vector.shape_cast %swap3A_974 : vector<1x16xi32> to vector<16xi32>
      %swap3A_976 = vector.shape_cast %min3A_970 : vector<16xi32> to vector<1x16xi32>
      tpu.vector_store %arg8[%swap3A_972, %swap3A_973], %swap3A_976 {strides = array<i32>} : memref<5x128xi32, #tpu.memory_space<vmem>>, vector<1x16xi32>,
      %ge3A_977 = arith.constant 100000 : i32
      %ge3A_978 = vector.broadcast %ge3A_977 : i32 to vector<16xi32>
      %ge3A_979 = arith.cmpi sge, %get3A_967, %ge3A_978 : vector<16xi32>
      %sub3A_980 = arith.constant 100000 : i32
      %sub3A_981 = vector.broadcast %sub3A_980 : i32 to vector<16xi32>
      %sub3A_982 = arith.subi %get3A_967, %sub3A_981 : vector<16xi32>
      %select_n3A_983 = arith.select %ge3A_979, %sub3A_982, %broadcast_in_dim3A_195 : vector<16xi1>, vector<16xi32>
      %swap3A_984 = arith.constant 3 : i32
      %swap3A_985 = arith.index_cast %swap3A_984 : i32 to index
      %swap3A_986 = arith.constant 112 : index
      %swap3A_987 = tpu.vector_load %arg10[%swap3A_985, %swap3A_986] {strides = array<i32>} : memref<5x128xi32, #tpu.memory_space<vmem>>, vector<1x16xi32>,
      %swap3A_988 = vector.shape_cast %swap3A_987 : vector<1x16xi32> to vector<16xi32>
      %swap3A_989 = vector.shape_cast %select_n3A_983 : vector<16xi32> to vector<1x16xi32>
      tpu.vector_store %arg10[%swap3A_985, %swap3A_986], %swap3A_989 {strides = array<i32>} : memref<5x128xi32, #tpu.memory_space<vmem>>, vector<1x16xi32>,
      %get3A_990 = arith.constant 512 : index
      %get3A_991 = tpu.vector_load %arg6[%get3A_990] {strides = array<i32>} : memref<640xi32, #tpu.memory_space<vmem>>, vector<16xi32>,
      %get3A_992 = vector.shape_cast %get3A_991 : vector<16xi32> to vector<16xi32>
      %min3A_993 = arith.constant 99999 : i32
      %min3A_994 = vector.broadcast %min3A_993 : i32 to vector<16xi32>
      %min3A_995 = arith.minsi %get3A_992, %min3A_994 : vector<16xi32>
      %swap3A_996 = arith.constant 4 : i32
      %swap3A_997 = arith.index_cast %swap3A_996 : i32 to index
      %swap3A_998 = arith.constant 0 : index
      %swap3A_999 = tpu.vector_load %arg8[%swap3A_997, %swap3A_998] {strides = array<i32>} : memref<5x128xi32, #tpu.memory_space<vmem>>, vector<1x16xi32>,
      %swap3A_1000 = vector.shape_cast %swap3A_999 : vector<1x16xi32> to vector<16xi32>
      %swap3A_1001 = vector.shape_cast %min3A_995 : vector<16xi32> to vector<1x16xi32>
      tpu.vector_store %arg8[%swap3A_997, %swap3A_998], %swap3A_1001 {strides = array<i32>} : memref<5x128xi32, #tpu.memory_space<vmem>>, vector<1x16xi32>,
      %ge3A_1002 = arith.constant 100000 : i32
      %ge3A_1003 = vector.broadcast %ge3A_1002 : i32 to vector<16xi32>
      %ge3A_1004 = arith.cmpi sge, %get3A_992, %ge3A_1003 : vector<16xi32>
      %sub3A_1005 = arith.constant 100000 : i32
      %sub3A_1006 = vector.broadcast %sub3A_1005 : i32 to vector<16xi32>
      %sub3A_1007 = arith.subi %get3A_992, %sub3A_1006 : vector<16xi32>
      %select_n3A_1008 = arith.select %ge3A_1004, %sub3A_1007, %broadcast_in_dim3A_195 : vector<16xi1>, vector<16xi32>
      %swap3A_1009 = arith.constant 4 : i32
      %swap3A_1010 = arith.index_cast %swap3A_1009 : i32 to index
      %swap3A_1011 = arith.constant 0 : index
      %swap3A_1012 = tpu.vector_load %arg10[%swap3A_1010, %swap3A_1011] {strides = array<i32>} : memref<5x128xi32, #tpu.memory_space<vmem>>, vector<1x16xi32>,
      %swap3A_1013 = vector.shape_cast %swap3A_1012 : vector<1x16xi32> to vector<16xi32>
      %swap3A_1014 = vector.shape_cast %select_n3A_1008 : vector<16xi32> to vector<1x16xi32>
      tpu.vector_store %arg10[%swap3A_1010, %swap3A_1011], %swap3A_1014 {strides = array<i32>} : memref<5x128xi32, #tpu.memory_space<vmem>>, vector<1x16xi32>,
      %get3A_1015 = arith.constant 528 : index
      %get3A_1016 = tpu.vector_load %arg6[%get3A_1015] {strides = array<i32>} : memref<640xi32, #tpu.memory_space<vmem>>, vector<16xi32>,
      %get3A_1017 = vector.shape_cast %get3A_1016 : vector<16xi32> to vector<16xi32>
      %min3A_1018 = arith.constant 99999 : i32
      %min3A_1019 = vector.broadcast %min3A_1018 : i32 to vector<16xi32>
      %min3A_1020 = arith.minsi %get3A_1017, %min3A_1019 : vector<16xi32>
      %swap3A_1021 = arith.constant 4 : i32
      %swap3A_1022 = arith.index_cast %swap3A_1021 : i32 to index
      %swap3A_1023 = arith.constant 16 : index
      %swap3A_1024 = tpu.vector_load %arg8[%swap3A_1022, %swap3A_1023] {strides = array<i32>} : memref<5x128xi32, #tpu.memory_space<vmem>>, vector<1x16xi32>,
      %swap3A_1025 = vector.shape_cast %swap3A_1024 : vector<1x16xi32> to vector<16xi32>
      %swap3A_1026 = vector.shape_cast %min3A_1020 : vector<16xi32> to vector<1x16xi32>
      tpu.vector_store %arg8[%swap3A_1022, %swap3A_1023], %swap3A_1026 {strides = array<i32>} : memref<5x128xi32, #tpu.memory_space<vmem>>, vector<1x16xi32>,
      %ge3A_1027 = arith.constant 100000 : i32
      %ge3A_1028 = vector.broadcast %ge3A_1027 : i32 to vector<16xi32>
      %ge3A_1029 = arith.cmpi sge, %get3A_1017, %ge3A_1028 : vector<16xi32>
      %sub3A_1030 = arith.constant 100000 : i32
      %sub3A_1031 = vector.broadcast %sub3A_1030 : i32 to vector<16xi32>
      %sub3A_1032 = arith.subi %get3A_1017, %sub3A_1031 : vector<16xi32>
      %select_n3A_1033 = arith.select %ge3A_1029, %sub3A_1032, %broadcast_in_dim3A_195 : vector<16xi1>, vector<16xi32>
      %swap3A_1034 = arith.constant 4 : i32
      %swap3A_1035 = arith.index_cast %swap3A_1034 : i32 to index
      %swap3A_1036 = arith.constant 16 : index
      %swap3A_1037 = tpu.vector_load %arg10[%swap3A_1035, %swap3A_1036] {strides = array<i32>} : memref<5x128xi32, #tpu.memory_space<vmem>>, vector<1x16xi32>,
      %swap3A_1038 = vector.shape_cast %swap3A_1037 : vector<1x16xi32> to vector<16xi32>
      %swap3A_1039 = vector.shape_cast %select_n3A_1033 : vector<16xi32> to vector<1x16xi32>
      tpu.vector_store %arg10[%swap3A_1035, %swap3A_1036], %swap3A_1039 {strides = array<i32>} : memref<5x128xi32, #tpu.memory_space<vmem>>, vector<1x16xi32>,
      %get3A_1040 = arith.constant 544 : index
      %get3A_1041 = tpu.vector_load %arg6[%get3A_1040] {strides = array<i32>} : memref<640xi32, #tpu.memory_space<vmem>>, vector<16xi32>,
      %get3A_1042 = vector.shape_cast %get3A_1041 : vector<16xi32> to vector<16xi32>
      %min3A_1043 = arith.constant 99999 : i32
      %min3A_1044 = vector.broadcast %min3A_1043 : i32 to vector<16xi32>
      %min3A_1045 = arith.minsi %get3A_1042, %min3A_1044 : vector<16xi32>
      %swap3A_1046 = arith.constant 4 : i32
      %swap3A_1047 = arith.index_cast %swap3A_1046 : i32 to index
      %swap3A_1048 = arith.constant 32 : index
      %swap3A_1049 = tpu.vector_load %arg8[%swap3A_1047, %swap3A_1048] {strides = array<i32>} : memref<5x128xi32, #tpu.memory_space<vmem>>, vector<1x16xi32>,
      %swap3A_1050 = vector.shape_cast %swap3A_1049 : vector<1x16xi32> to vector<16xi32>
      %swap3A_1051 = vector.shape_cast %min3A_1045 : vector<16xi32> to vector<1x16xi32>
      tpu.vector_store %arg8[%swap3A_1047, %swap3A_1048], %swap3A_1051 {strides = array<i32>} : memref<5x128xi32, #tpu.memory_space<vmem>>, vector<1x16xi32>,
      %ge3A_1052 = arith.constant 100000 : i32
      %ge3A_1053 = vector.broadcast %ge3A_1052 : i32 to vector<16xi32>
      %ge3A_1054 = arith.cmpi sge, %get3A_1042, %ge3A_1053 : vector<16xi32>
      %sub3A_1055 = arith.constant 100000 : i32
      %sub3A_1056 = vector.broadcast %sub3A_1055 : i32 to vector<16xi32>
      %sub3A_1057 = arith.subi %get3A_1042, %sub3A_1056 : vector<16xi32>
      %select_n3A_1058 = arith.select %ge3A_1054, %sub3A_1057, %broadcast_in_dim3A_195 : vector<16xi1>, vector<16xi32>
      %swap3A_1059 = arith.constant 4 : i32
      %swap3A_1060 = arith.index_cast %swap3A_1059 : i32 to index
      %swap3A_1061 = arith.constant 32 : index
      %swap3A_1062 = tpu.vector_load %arg10[%swap3A_1060, %swap3A_1061] {strides = array<i32>} : memref<5x128xi32, #tpu.memory_space<vmem>>, vector<1x16xi32>,
      %swap3A_1063 = vector.shape_cast %swap3A_1062 : vector<1x16xi32> to vector<16xi32>
      %swap3A_1064 = vector.shape_cast %select_n3A_1058 : vector<16xi32> to vector<1x16xi32>
      tpu.vector_store %arg10[%swap3A_1060, %swap3A_1061], %swap3A_1064 {strides = array<i32>} : memref<5x128xi32, #tpu.memory_space<vmem>>, vector<1x16xi32>,
      %get3A_1065 = arith.constant 560 : index
      %get3A_1066 = tpu.vector_load %arg6[%get3A_1065] {strides = array<i32>} : memref<640xi32, #tpu.memory_space<vmem>>, vector<16xi32>,
      %get3A_1067 = vector.shape_cast %get3A_1066 : vector<16xi32> to vector<16xi32>
      %min3A_1068 = arith.constant 99999 : i32
      %min3A_1069 = vector.broadcast %min3A_1068 : i32 to vector<16xi32>
      %min3A_1070 = arith.minsi %get3A_1067, %min3A_1069 : vector<16xi32>
      %swap3A_1071 = arith.constant 4 : i32
      %swap3A_1072 = arith.index_cast %swap3A_1071 : i32 to index
      %swap3A_1073 = arith.constant 48 : index
      %swap3A_1074 = tpu.vector_load %arg8[%swap3A_1072, %swap3A_1073] {strides = array<i32>} : memref<5x128xi32, #tpu.memory_space<vmem>>, vector<1x16xi32>,
      %swap3A_1075 = vector.shape_cast %swap3A_1074 : vector<1x16xi32> to vector<16xi32>
      %swap3A_1076 = vector.shape_cast %min3A_1070 : vector<16xi32> to vector<1x16xi32>
      tpu.vector_store %arg8[%swap3A_1072, %swap3A_1073], %swap3A_1076 {strides = array<i32>} : memref<5x128xi32, #tpu.memory_space<vmem>>, vector<1x16xi32>,
      %ge3A_1077 = arith.constant 100000 : i32
      %ge3A_1078 = vector.broadcast %ge3A_1077 : i32 to vector<16xi32>
      %ge3A_1079 = arith.cmpi sge, %get3A_1067, %ge3A_1078 : vector<16xi32>
      %sub3A_1080 = arith.constant 100000 : i32
      %sub3A_1081 = vector.broadcast %sub3A_1080 : i32 to vector<16xi32>
      %sub3A_1082 = arith.subi %get3A_1067, %sub3A_1081 : vector<16xi32>
      %select_n3A_1083 = arith.select %ge3A_1079, %sub3A_1082, %broadcast_in_dim3A_195 : vector<16xi1>, vector<16xi32>
      %swap3A_1084 = arith.constant 4 : i32
      %swap3A_1085 = arith.index_cast %swap3A_1084 : i32 to index
      %swap3A_1086 = arith.constant 48 : index
      %swap3A_1087 = tpu.vector_load %arg10[%swap3A_1085, %swap3A_1086] {strides = array<i32>} : memref<5x128xi32, #tpu.memory_space<vmem>>, vector<1x16xi32>,
      %swap3A_1088 = vector.shape_cast %swap3A_1087 : vector<1x16xi32> to vector<16xi32>
      %swap3A_1089 = vector.shape_cast %select_n3A_1083 : vector<16xi32> to vector<1x16xi32>
      tpu.vector_store %arg10[%swap3A_1085, %swap3A_1086], %swap3A_1089 {strides = array<i32>} : memref<5x128xi32, #tpu.memory_space<vmem>>, vector<1x16xi32>,
      %get3A_1090 = arith.constant 576 : index
      %get3A_1091 = tpu.vector_load %arg6[%get3A_1090] {strides = array<i32>} : memref<640xi32, #tpu.memory_space<vmem>>, vector<16xi32>,
      %get3A_1092 = vector.shape_cast %get3A_1091 : vector<16xi32> to vector<16xi32>
      %min3A_1093 = arith.constant 99999 : i32
      %min3A_1094 = vector.broadcast %min3A_1093 : i32 to vector<16xi32>
      %min3A_1095 = arith.minsi %get3A_1092, %min3A_1094 : vector<16xi32>
      %swap3A_1096 = arith.constant 4 : i32
      %swap3A_1097 = arith.index_cast %swap3A_1096 : i32 to index
      %swap3A_1098 = arith.constant 64 : index
      %swap3A_1099 = tpu.vector_load %arg8[%swap3A_1097, %swap3A_1098] {strides = array<i32>} : memref<5x128xi32, #tpu.memory_space<vmem>>, vector<1x16xi32>,
      %swap3A_1100 = vector.shape_cast %swap3A_1099 : vector<1x16xi32> to vector<16xi32>
      %swap3A_1101 = vector.shape_cast %min3A_1095 : vector<16xi32> to vector<1x16xi32>
      tpu.vector_store %arg8[%swap3A_1097, %swap3A_1098], %swap3A_1101 {strides = array<i32>} : memref<5x128xi32, #tpu.memory_space<vmem>>, vector<1x16xi32>,
      %ge3A_1102 = arith.constant 100000 : i32
      %ge3A_1103 = vector.broadcast %ge3A_1102 : i32 to vector<16xi32>
      %ge3A_1104 = arith.cmpi sge, %get3A_1092, %ge3A_1103 : vector<16xi32>
      %sub3A_1105 = arith.constant 100000 : i32
      %sub3A_1106 = vector.broadcast %sub3A_1105 : i32 to vector<16xi32>
      %sub3A_1107 = arith.subi %get3A_1092, %sub3A_1106 : vector<16xi32>
      %select_n3A_1108 = arith.select %ge3A_1104, %sub3A_1107, %broadcast_in_dim3A_195 : vector<16xi1>, vector<16xi32>
      %swap3A_1109 = arith.constant 4 : i32
      %swap3A_1110 = arith.index_cast %swap3A_1109 : i32 to index
      %swap3A_1111 = arith.constant 64 : index
      %swap3A_1112 = tpu.vector_load %arg10[%swap3A_1110, %swap3A_1111] {strides = array<i32>} : memref<5x128xi32, #tpu.memory_space<vmem>>, vector<1x16xi32>,
      %swap3A_1113 = vector.shape_cast %swap3A_1112 : vector<1x16xi32> to vector<16xi32>
      %swap3A_1114 = vector.shape_cast %select_n3A_1108 : vector<16xi32> to vector<1x16xi32>
      tpu.vector_store %arg10[%swap3A_1110, %swap3A_1111], %swap3A_1114 {strides = array<i32>} : memref<5x128xi32, #tpu.memory_space<vmem>>, vector<1x16xi32>,
      %get3A_1115 = arith.constant 592 : index
      %get3A_1116 = tpu.vector_load %arg6[%get3A_1115] {strides = array<i32>} : memref<640xi32, #tpu.memory_space<vmem>>, vector<16xi32>,
      %get3A_1117 = vector.shape_cast %get3A_1116 : vector<16xi32> to vector<16xi32>
      %min3A_1118 = arith.constant 99999 : i32
      %min3A_1119 = vector.broadcast %min3A_1118 : i32 to vector<16xi32>
      %min3A_1120 = arith.minsi %get3A_1117, %min3A_1119 : vector<16xi32>
      %swap3A_1121 = arith.constant 4 : i32
      %swap3A_1122 = arith.index_cast %swap3A_1121 : i32 to index
      %swap3A_1123 = arith.constant 80 : index
      %swap3A_1124 = tpu.vector_load %arg8[%swap3A_1122, %swap3A_1123] {strides = array<i32>} : memref<5x128xi32, #tpu.memory_space<vmem>>, vector<1x16xi32>,
      %swap3A_1125 = vector.shape_cast %swap3A_1124 : vector<1x16xi32> to vector<16xi32>
      %swap3A_1126 = vector.shape_cast %min3A_1120 : vector<16xi32> to vector<1x16xi32>
      tpu.vector_store %arg8[%swap3A_1122, %swap3A_1123], %swap3A_1126 {strides = array<i32>} : memref<5x128xi32, #tpu.memory_space<vmem>>, vector<1x16xi32>,
      %ge3A_1127 = arith.constant 100000 : i32
      %ge3A_1128 = vector.broadcast %ge3A_1127 : i32 to vector<16xi32>
      %ge3A_1129 = arith.cmpi sge, %get3A_1117, %ge3A_1128 : vector<16xi32>
      %sub3A_1130 = arith.constant 100000 : i32
      %sub3A_1131 = vector.broadcast %sub3A_1130 : i32 to vector<16xi32>
      %sub3A_1132 = arith.subi %get3A_1117, %sub3A_1131 : vector<16xi32>
      %select_n3A_1133 = arith.select %ge3A_1129, %sub3A_1132, %broadcast_in_dim3A_195 : vector<16xi1>, vector<16xi32>
      %swap3A_1134 = arith.constant 4 : i32
      %swap3A_1135 = arith.index_cast %swap3A_1134 : i32 to index
      %swap3A_1136 = arith.constant 80 : index
      %swap3A_1137 = tpu.vector_load %arg10[%swap3A_1135, %swap3A_1136] {strides = array<i32>} : memref<5x128xi32, #tpu.memory_space<vmem>>, vector<1x16xi32>,
      %swap3A_1138 = vector.shape_cast %swap3A_1137 : vector<1x16xi32> to vector<16xi32>
      %swap3A_1139 = vector.shape_cast %select_n3A_1133 : vector<16xi32> to vector<1x16xi32>
      tpu.vector_store %arg10[%swap3A_1135, %swap3A_1136], %swap3A_1139 {strides = array<i32>} : memref<5x128xi32, #tpu.memory_space<vmem>>, vector<1x16xi32>,
      %get3A_1140 = arith.constant 608 : index
      %get3A_1141 = tpu.vector_load %arg6[%get3A_1140] {strides = array<i32>} : memref<640xi32, #tpu.memory_space<vmem>>, vector<16xi32>,
      %get3A_1142 = vector.shape_cast %get3A_1141 : vector<16xi32> to vector<16xi32>
      %min3A_1143 = arith.constant 99999 : i32
      %min3A_1144 = vector.broadcast %min3A_1143 : i32 to vector<16xi32>
      %min3A_1145 = arith.minsi %get3A_1142, %min3A_1144 : vector<16xi32>
      %swap3A_1146 = arith.constant 4 : i32
      %swap3A_1147 = arith.index_cast %swap3A_1146 : i32 to index
      %swap3A_1148 = arith.constant 96 : index
      %swap3A_1149 = tpu.vector_load %arg8[%swap3A_1147, %swap3A_1148] {strides = array<i32>} : memref<5x128xi32, #tpu.memory_space<vmem>>, vector<1x16xi32>,
      %swap3A_1150 = vector.shape_cast %swap3A_1149 : vector<1x16xi32> to vector<16xi32>
      %swap3A_1151 = vector.shape_cast %min3A_1145 : vector<16xi32> to vector<1x16xi32>
      tpu.vector_store %arg8[%swap3A_1147, %swap3A_1148], %swap3A_1151 {strides = array<i32>} : memref<5x128xi32, #tpu.memory_space<vmem>>, vector<1x16xi32>,
      %ge3A_1152 = arith.constant 100000 : i32
      %ge3A_1153 = vector.broadcast %ge3A_1152 : i32 to vector<16xi32>
      %ge3A_1154 = arith.cmpi sge, %get3A_1142, %ge3A_1153 : vector<16xi32>
      %sub3A_1155 = arith.constant 100000 : i32
      %sub3A_1156 = vector.broadcast %sub3A_1155 : i32 to vector<16xi32>
      %sub3A_1157 = arith.subi %get3A_1142, %sub3A_1156 : vector<16xi32>
      %select_n3A_1158 = arith.select %ge3A_1154, %sub3A_1157, %broadcast_in_dim3A_195 : vector<16xi1>, vector<16xi32>
      %swap3A_1159 = arith.constant 4 : i32
      %swap3A_1160 = arith.index_cast %swap3A_1159 : i32 to index
      %swap3A_1161 = arith.constant 96 : index
      %swap3A_1162 = tpu.vector_load %arg10[%swap3A_1160, %swap3A_1161] {strides = array<i32>} : memref<5x128xi32, #tpu.memory_space<vmem>>, vector<1x16xi32>,
      %swap3A_1163 = vector.shape_cast %swap3A_1162 : vector<1x16xi32> to vector<16xi32>
      %swap3A_1164 = vector.shape_cast %select_n3A_1158 : vector<16xi32> to vector<1x16xi32>
      tpu.vector_store %arg10[%swap3A_1160, %swap3A_1161], %swap3A_1164 {strides = array<i32>} : memref<5x128xi32, #tpu.memory_space<vmem>>, vector<1x16xi32>,
      %get3A_1165 = arith.constant 624 : index
      %get3A_1166 = tpu.vector_load %arg6[%get3A_1165] {strides = array<i32>} : memref<640xi32, #tpu.memory_space<vmem>>, vector<16xi32>,
      %get3A_1167 = vector.shape_cast %get3A_1166 : vector<16xi32> to vector<16xi32>
      %min3A_1168 = arith.constant 99999 : i32
      %min3A_1169 = vector.broadcast %min3A_1168 : i32 to vector<16xi32>
      %min3A_1170 = arith.minsi %get3A_1167, %min3A_1169 : vector<16xi32>
      %swap3A_1171 = arith.constant 4 : i32
      %swap3A_1172 = arith.index_cast %swap3A_1171 : i32 to index
      %swap3A_1173 = arith.constant 112 : index
      %swap3A_1174 = tpu.vector_load %arg8[%swap3A_1172, %swap3A_1173] {strides = array<i32>} : memref<5x128xi32, #tpu.memory_space<vmem>>, vector<1x16xi32>,
      %swap3A_1175 = vector.shape_cast %swap3A_1174 : vector<1x16xi32> to vector<16xi32>
      %swap3A_1176 = vector.shape_cast %min3A_1170 : vector<16xi32> to vector<1x16xi32>
      tpu.vector_store %arg8[%swap3A_1172, %swap3A_1173], %swap3A_1176 {strides = array<i32>} : memref<5x128xi32, #tpu.memory_space<vmem>>, vector<1x16xi32>,
      %ge3A_1177 = arith.constant 100000 : i32
      %ge3A_1178 = vector.broadcast %ge3A_1177 : i32 to vector<16xi32>
      %ge3A_1179 = arith.cmpi sge, %get3A_1167, %ge3A_1178 : vector<16xi32>
      %sub3A_1180 = arith.constant 100000 : i32
      %sub3A_1181 = vector.broadcast %sub3A_1180 : i32 to vector<16xi32>
      %sub3A_1182 = arith.subi %get3A_1167, %sub3A_1181 : vector<16xi32>
      %select_n3A_1183 = arith.select %ge3A_1179, %sub3A_1182, %broadcast_in_dim3A_195 : vector<16xi1>, vector<16xi32>
      %swap3A_1184 = arith.constant 4 : i32
      %swap3A_1185 = arith.index_cast %swap3A_1184 : i32 to index
      %swap3A_1186 = arith.constant 112 : index
      %swap3A_1187 = tpu.vector_load %arg10[%swap3A_1185, %swap3A_1186] {strides = array<i32>} : memref<5x128xi32, #tpu.memory_space<vmem>>, vector<1x16xi32>,
      %swap3A_1188 = vector.shape_cast %swap3A_1187 : vector<1x16xi32> to vector<16xi32>
      %swap3A_1189 = vector.shape_cast %select_n3A_1183 : vector<16xi32> to vector<1x16xi32>
      tpu.vector_store %arg10[%swap3A_1185, %swap3A_1186], %swap3A_1189 {strides = array<i32>} : memref<5x128xi32, #tpu.memory_space<vmem>>, vector<1x16xi32>,
      %ge3A_1190 = arith.constant 2 : i32
      %ge3A_1191 = arith.cmpi sge, %mul3A_189, %ge3A_1190 : i32
      %convert_element_type3A = arith.extui %ge3A_1191 : i1 to i32
      %cond3A = arith.constant 0 : i32
      %cond3A_1192 = arith.cmpi ne, %convert_element_type3A, %cond3A : i32
      scf.if %cond3A_1192 {
        %sub3A_2486 = arith.constant 2 : i32
        %sub3A_2487 = arith.subi %mul3A_189, %sub3A_2486 : i32
        %mul3A_2488 = arith.constant 640 : i32
        %mul3A_2489 = arith.muli %sub3A_2487, %mul3A_2488 : i32
        %add3A_2490 = arith.addi %mul3A_2, %mul3A_2489 : i32
        %dma_wait3A_2491 = arith.constant 0 : i32
        %dma_wait3A_2492 = tpu.memref_slice %arg5[%add3A_2490, %dma_wait3A_2491] : memref<819200x128xf32, #tpu.memory_space<hbm>> -> memref<640x64xf32, #tpu.memory_space<hbm>>
        %dma_wait3A_2493 = arith.constant 0 : i32
        %dma_wait3A_2494 = tpu.memref_slice %arg5[%add3A_2490, %dma_wait3A_2493] : memref<819200x128xf32, #tpu.memory_space<hbm>> -> memref<640x64xf32, #tpu.memory_space<hbm>>
        tpu.wait_dma2 semaphore(%arg18 : memref<!tpu.dma_semaphore, #tpu.memory_space<semaphore_mem>>) src(%arg12 : memref<640x64xf32, #tpu.memory_space<vmem>>) dst(%dma_wait3A_2494 : memref<640x64xf32, #tpu.memory_space<hbm>>)
      } else {
      }
      %dma_start3A_1193 = arith.constant 0 : i32
      %dma_start3A_1194 = arith.constant 0 : i32
      %dma_start3A_1195 = arith.constant 0 : i32
      %dma_start3A_1196 = tpu.memref_slice %arg12[%dma_start3A_1194, %dma_start3A_1195] : memref<640x64xf32, #tpu.memory_space<vmem>> -> memref<128x64xf32, #tpu.memory_space<vmem>>
      %dma_start3A_1197 = arith.constant 0 : i32
      %dma_start3A_1198 = tpu.memref_slice %arg8[%dma_start3A_1193, %dma_start3A_1197] : memref<5x128xi32, #tpu.memory_space<vmem>> -> memref<1x128xi32, #tpu.memory_space<vmem>>
      %dma_start3A_1199 = tpu.memref_squeeze %dma_start3A_1198 : memref<1x128xi32, #tpu.memory_space<vmem>> -> memref<128xi32, #tpu.memory_space<vmem>>
      %dma_start3A_1200 = arith.constant 0 : i32
      %dma_start3A_1201 = arith.constant 0 : i32
      %dma_start3A_1202 = tpu.memref_slice %arg2[%dma_start3A_1200, %dma_start3A_1201] : memref<100000x64xf32, #tpu.memory_space<hbm>> -> memref<100000x64xf32, #tpu.memory_space<hbm>>
      tpu.enqueue_indirect_dma source(%dma_start3A_1202 : memref<100000x64xf32, #tpu.memory_space<hbm>>) target(%dma_start3A_1196 : memref<128x64xf32, #tpu.memory_space<vmem>>) offsets(%dma_start3A_1199 : memref<128xi32, #tpu.memory_space<vmem>>) semaphore(%arg16 : memref<!tpu.dma_semaphore, #tpu.memory_space<semaphore_mem>>)
      %dma_start3A_1203 = arith.constant 1 : i32
      %dma_start3A_1204 = arith.constant 128 : i32
      %dma_start3A_1205 = arith.constant 0 : i32
      %dma_start3A_1206 = tpu.memref_slice %arg12[%dma_start3A_1204, %dma_start3A_1205] : memref<640x64xf32, #tpu.memory_space<vmem>> -> memref<128x64xf32, #tpu.memory_space<vmem>>
      %dma_start3A_1207 = arith.constant 0 : i32
      %dma_start3A_1208 = tpu.memref_slice %arg8[%dma_start3A_1203, %dma_start3A_1207] : memref<5x128xi32, #tpu.memory_space<vmem>> -> memref<1x128xi32, #tpu.memory_space<vmem>>
      %dma_start3A_1209 = tpu.memref_squeeze %dma_start3A_1208 : memref<1x128xi32, #tpu.memory_space<vmem>> -> memref<128xi32, #tpu.memory_space<vmem>>
      %dma_start3A_1210 = arith.constant 0 : i32
      %dma_start3A_1211 = arith.constant 0 : i32
      %dma_start3A_1212 = tpu.memref_slice %arg2[%dma_start3A_1210, %dma_start3A_1211] : memref<100000x64xf32, #tpu.memory_space<hbm>> -> memref<100000x64xf32, #tpu.memory_space<hbm>>
      tpu.enqueue_indirect_dma source(%dma_start3A_1212 : memref<100000x64xf32, #tpu.memory_space<hbm>>) target(%dma_start3A_1206 : memref<128x64xf32, #tpu.memory_space<vmem>>) offsets(%dma_start3A_1209 : memref<128xi32, #tpu.memory_space<vmem>>) semaphore(%arg16 : memref<!tpu.dma_semaphore, #tpu.memory_space<semaphore_mem>>)
      %dma_start3A_1213 = arith.constant 2 : i32
      %dma_start3A_1214 = arith.constant 256 : i32
      %dma_start3A_1215 = arith.constant 0 : i32
      %dma_start3A_1216 = tpu.memref_slice %arg12[%dma_start3A_1214, %dma_start3A_1215] : memref<640x64xf32, #tpu.memory_space<vmem>> -> memref<128x64xf32, #tpu.memory_space<vmem>>
      %dma_start3A_1217 = arith.constant 0 : i32
      %dma_start3A_1218 = tpu.memref_slice %arg8[%dma_start3A_1213, %dma_start3A_1217] : memref<5x128xi32, #tpu.memory_space<vmem>> -> memref<1x128xi32, #tpu.memory_space<vmem>>
      %dma_start3A_1219 = tpu.memref_squeeze %dma_start3A_1218 : memref<1x128xi32, #tpu.memory_space<vmem>> -> memref<128xi32, #tpu.memory_space<vmem>>
      %dma_start3A_1220 = arith.constant 0 : i32
      %dma_start3A_1221 = arith.constant 0 : i32
      %dma_start3A_1222 = tpu.memref_slice %arg2[%dma_start3A_1220, %dma_start3A_1221] : memref<100000x64xf32, #tpu.memory_space<hbm>> -> memref<100000x64xf32, #tpu.memory_space<hbm>>
      tpu.enqueue_indirect_dma source(%dma_start3A_1222 : memref<100000x64xf32, #tpu.memory_space<hbm>>) target(%dma_start3A_1216 : memref<128x64xf32, #tpu.memory_space<vmem>>) offsets(%dma_start3A_1219 : memref<128xi32, #tpu.memory_space<vmem>>) semaphore(%arg16 : memref<!tpu.dma_semaphore, #tpu.memory_space<semaphore_mem>>)
      %dma_start3A_1223 = arith.constant 3 : i32
      %dma_start3A_1224 = arith.constant 384 : i32
      %dma_start3A_1225 = arith.constant 0 : i32
      %dma_start3A_1226 = tpu.memref_slice %arg12[%dma_start3A_1224, %dma_start3A_1225] : memref<640x64xf32, #tpu.memory_space<vmem>> -> memref<128x64xf32, #tpu.memory_space<vmem>>
      %dma_start3A_1227 = arith.constant 0 : i32
      %dma_start3A_1228 = tpu.memref_slice %arg8[%dma_start3A_1223, %dma_start3A_1227] : memref<5x128xi32, #tpu.memory_space<vmem>> -> memref<1x128xi32, #tpu.memory_space<vmem>>
      %dma_start3A_1229 = tpu.memref_squeeze %dma_start3A_1228 : memref<1x128xi32, #tpu.memory_space<vmem>> -> memref<128xi32, #tpu.memory_space<vmem>>
      %dma_start3A_1230 = arith.constant 0 : i32
      %dma_start3A_1231 = arith.constant 0 : i32
      %dma_start3A_1232 = tpu.memref_slice %arg2[%dma_start3A_1230, %dma_start3A_1231] : memref<100000x64xf32, #tpu.memory_space<hbm>> -> memref<100000x64xf32, #tpu.memory_space<hbm>>
      tpu.enqueue_indirect_dma source(%dma_start3A_1232 : memref<100000x64xf32, #tpu.memory_space<hbm>>) target(%dma_start3A_1226 : memref<128x64xf32, #tpu.memory_space<vmem>>) offsets(%dma_start3A_1229 : memref<128xi32, #tpu.memory_space<vmem>>) semaphore(%arg16 : memref<!tpu.dma_semaphore, #tpu.memory_space<semaphore_mem>>)
      %dma_start3A_1233 = arith.constant 4 : i32
      %dma_start3A_1234 = arith.constant 512 : i32
      %dma_start3A_1235 = arith.constant 0 : i32
      %dma_start3A_1236 = tpu.memref_slice %arg12[%dma_start3A_1234, %dma_start3A_1235] : memref<640x64xf32, #tpu.memory_space<vmem>> -> memref<128x64xf32, #tpu.memory_space<vmem>>
      %dma_start3A_1237 = arith.constant 0 : i32
      %dma_start3A_1238 = tpu.memref_slice %arg8[%dma_start3A_1233, %dma_start3A_1237] : memref<5x128xi32, #tpu.memory_space<vmem>> -> memref<1x128xi32, #tpu.memory_space<vmem>>
      %dma_start3A_1239 = tpu.memref_squeeze %dma_start3A_1238 : memref<1x128xi32, #tpu.memory_space<vmem>> -> memref<128xi32, #tpu.memory_space<vmem>>
      %dma_start3A_1240 = arith.constant 0 : i32
      %dma_start3A_1241 = arith.constant 0 : i32
      %dma_start3A_1242 = tpu.memref_slice %arg2[%dma_start3A_1240, %dma_start3A_1241] : memref<100000x64xf32, #tpu.memory_space<hbm>> -> memref<100000x64xf32, #tpu.memory_space<hbm>>
      tpu.enqueue_indirect_dma source(%dma_start3A_1242 : memref<100000x64xf32, #tpu.memory_space<hbm>>) target(%dma_start3A_1236 : memref<128x64xf32, #tpu.memory_space<vmem>>) offsets(%dma_start3A_1239 : memref<128xi32, #tpu.memory_space<vmem>>) semaphore(%arg16 : memref<!tpu.dma_semaphore, #tpu.memory_space<semaphore_mem>>)
      %add3A_1243 = arith.constant 2 : i32
      %add3A_1244 = arith.addi %mul3A_189, %add3A_1243 : i32
      %lt3A = arith.constant 40 : i32
      %lt3A_1245 = arith.cmpi slt, %add3A_1244, %lt3A : i32
      %convert_element_type3A_1246 = arith.extui %lt3A_1245 : i1 to i32
      %cond3A_1247 = arith.constant 0 : i32
      %cond3A_1248 = arith.cmpi ne, %convert_element_type3A_1246, %cond3A_1247 : i32
      scf.if %cond3A_1248 {
        %add3A_2486 = arith.constant 2 : i32
        %add3A_2487 = arith.addi %mul3A_189, %add3A_2486 : i32
        %mul3A_2488 = arith.constant 640 : i32
        %mul3A_2489 = arith.muli %add3A_2487, %mul3A_2488 : i32
        %add3A_2490 = arith.addi %mul3A_2, %mul3A_2489 : i32
        %dma_start3A_2491 = tpu.memref_slice %arg4[%add3A_2490] : memref<819200xi32, #tpu.memory_space<hbm>> -> memref<640xi32, #tpu.memory_space<hbm>>
        %dma_start3A_2492 = tpu.memref_slice %arg4[%add3A_2490] : memref<819200xi32, #tpu.memory_space<hbm>> -> memref<640xi32, #tpu.memory_space<hbm>>
        tpu.enqueue_dma source(%dma_start3A_2492 : memref<640xi32, #tpu.memory_space<hbm>>) target(%arg6 : memref<640xi32, #tpu.memory_space<vmem>>) target_semaphore(%arg14 : memref<!tpu.dma_semaphore, #tpu.memory_space<semaphore_mem>>)
      } else {
      }
      %gt3A = arith.constant 0 : i32
      %gt3A_1249 = arith.cmpi sgt, %scan3A_187, %gt3A : i32
      %convert_element_type3A_1250 = arith.extui %gt3A_1249 : i1 to i32
      %cond3A_1251 = arith.constant 0 : i32
      %cond3A_1252 = arith.cmpi ne, %convert_element_type3A_1250, %cond3A_1251 : i32
      scf.if %cond3A_1252 {
        %sub3A_2486 = arith.constant 1 : i32
        %sub3A_2487 = arith.subi %mul3A_189, %sub3A_2486 : i32
        %dma_wait3A_2488 = arith.constant 0 : i32
        %dma_wait3A_2489 = arith.constant 0 : i32
        %dma_wait3A_2490 = arith.constant 0 : i32
        %dma_wait3A_2491 = tpu.memref_slice %arg13[%dma_wait3A_2489, %dma_wait3A_2490] : memref<640x64xf32, #tpu.memory_space<vmem>> -> memref<128x64xf32, #tpu.memory_space<vmem>>
        %dma_wait3A_2492 = arith.constant 0 : i32
        %dma_wait3A_2493 = tpu.memref_slice %arg9[%dma_wait3A_2488, %dma_wait3A_2492] : memref<5x128xi32, #tpu.memory_space<vmem>> -> memref<1x128xi32, #tpu.memory_space<vmem>>
        %dma_wait3A_2494 = tpu.memref_squeeze %dma_wait3A_2493 : memref<1x128xi32, #tpu.memory_space<vmem>> -> memref<128xi32, #tpu.memory_space<vmem>>
        %dma_wait3A_2495 = arith.constant 0 : i32
        %dma_wait3A_2496 = arith.constant 0 : i32
        %dma_wait3A_2497 = tpu.memref_slice %arg2[%dma_wait3A_2495, %dma_wait3A_2496] : memref<100000x64xf32, #tpu.memory_space<hbm>> -> memref<100000x64xf32, #tpu.memory_space<hbm>>
        tpu.wait_indirect_dma semaphore(%arg17 : memref<!tpu.dma_semaphore, #tpu.memory_space<semaphore_mem>>) src(%dma_wait3A_2497 : memref<100000x64xf32, #tpu.memory_space<hbm>>) dst(%dma_wait3A_2491 : memref<128x64xf32, #tpu.memory_space<vmem>>)
        %dma_wait3A_2498 = arith.constant 1 : i32
        %dma_wait3A_2499 = arith.constant 128 : i32
        %dma_wait3A_2500 = arith.constant 0 : i32
        %dma_wait3A_2501 = tpu.memref_slice %arg13[%dma_wait3A_2499, %dma_wait3A_2500] : memref<640x64xf32, #tpu.memory_space<vmem>> -> memref<128x64xf32, #tpu.memory_space<vmem>>
        %dma_wait3A_2502 = arith.constant 0 : i32
        %dma_wait3A_2503 = tpu.memref_slice %arg9[%dma_wait3A_2498, %dma_wait3A_2502] : memref<5x128xi32, #tpu.memory_space<vmem>> -> memref<1x128xi32, #tpu.memory_space<vmem>>
        %dma_wait3A_2504 = tpu.memref_squeeze %dma_wait3A_2503 : memref<1x128xi32, #tpu.memory_space<vmem>> -> memref<128xi32, #tpu.memory_space<vmem>>
        %dma_wait3A_2505 = arith.constant 0 : i32
        %dma_wait3A_2506 = arith.constant 0 : i32
        %dma_wait3A_2507 = tpu.memref_slice %arg2[%dma_wait3A_2505, %dma_wait3A_2506] : memref<100000x64xf32, #tpu.memory_space<hbm>> -> memref<100000x64xf32, #tpu.memory_space<hbm>>
        tpu.wait_indirect_dma semaphore(%arg17 : memref<!tpu.dma_semaphore, #tpu.memory_space<semaphore_mem>>) src(%dma_wait3A_2507 : memref<100000x64xf32, #tpu.memory_space<hbm>>) dst(%dma_wait3A_2501 : memref<128x64xf32, #tpu.memory_space<vmem>>)
        %dma_wait3A_2508 = arith.constant 2 : i32
        %dma_wait3A_2509 = arith.constant 256 : i32
        %dma_wait3A_2510 = arith.constant 0 : i32
        %dma_wait3A_2511 = tpu.memref_slice %arg13[%dma_wait3A_2509, %dma_wait3A_2510] : memref<640x64xf32, #tpu.memory_space<vmem>> -> memref<128x64xf32, #tpu.memory_space<vmem>>
        %dma_wait3A_2512 = arith.constant 0 : i32
        %dma_wait3A_2513 = tpu.memref_slice %arg9[%dma_wait3A_2508, %dma_wait3A_2512] : memref<5x128xi32, #tpu.memory_space<vmem>> -> memref<1x128xi32, #tpu.memory_space<vmem>>
        %dma_wait3A_2514 = tpu.memref_squeeze %dma_wait3A_2513 : memref<1x128xi32, #tpu.memory_space<vmem>> -> memref<128xi32, #tpu.memory_space<vmem>>
        %dma_wait3A_2515 = arith.constant 0 : i32
        %dma_wait3A_2516 = arith.constant 0 : i32
        %dma_wait3A_2517 = tpu.memref_slice %arg2[%dma_wait3A_2515, %dma_wait3A_2516] : memref<100000x64xf32, #tpu.memory_space<hbm>> -> memref<100000x64xf32, #tpu.memory_space<hbm>>
        tpu.wait_indirect_dma semaphore(%arg17 : memref<!tpu.dma_semaphore, #tpu.memory_space<semaphore_mem>>) src(%dma_wait3A_2517 : memref<100000x64xf32, #tpu.memory_space<hbm>>) dst(%dma_wait3A_2511 : memref<128x64xf32, #tpu.memory_space<vmem>>)
        %dma_wait3A_2518 = arith.constant 3 : i32
        %dma_wait3A_2519 = arith.constant 384 : i32
        %dma_wait3A_2520 = arith.constant 0 : i32
        %dma_wait3A_2521 = tpu.memref_slice %arg13[%dma_wait3A_2519, %dma_wait3A_2520] : memref<640x64xf32, #tpu.memory_space<vmem>> -> memref<128x64xf32, #tpu.memory_space<vmem>>
        %dma_wait3A_2522 = arith.constant 0 : i32
        %dma_wait3A_2523 = tpu.memref_slice %arg9[%dma_wait3A_2518, %dma_wait3A_2522] : memref<5x128xi32, #tpu.memory_space<vmem>> -> memref<1x128xi32, #tpu.memory_space<vmem>>
        %dma_wait3A_2524 = tpu.memref_squeeze %dma_wait3A_2523 : memref<1x128xi32, #tpu.memory_space<vmem>> -> memref<128xi32, #tpu.memory_space<vmem>>
        %dma_wait3A_2525 = arith.constant 0 : i32
        %dma_wait3A_2526 = arith.constant 0 : i32
        %dma_wait3A_2527 = tpu.memref_slice %arg2[%dma_wait3A_2525, %dma_wait3A_2526] : memref<100000x64xf32, #tpu.memory_space<hbm>> -> memref<100000x64xf32, #tpu.memory_space<hbm>>
        tpu.wait_indirect_dma semaphore(%arg17 : memref<!tpu.dma_semaphore, #tpu.memory_space<semaphore_mem>>) src(%dma_wait3A_2527 : memref<100000x64xf32, #tpu.memory_space<hbm>>) dst(%dma_wait3A_2521 : memref<128x64xf32, #tpu.memory_space<vmem>>)
        %dma_wait3A_2528 = arith.constant 4 : i32
        %dma_wait3A_2529 = arith.constant 512 : i32
        %dma_wait3A_2530 = arith.constant 0 : i32
        %dma_wait3A_2531 = tpu.memref_slice %arg13[%dma_wait3A_2529, %dma_wait3A_2530] : memref<640x64xf32, #tpu.memory_space<vmem>> -> memref<128x64xf32, #tpu.memory_space<vmem>>
        %dma_wait3A_2532 = arith.constant 0 : i32
        %dma_wait3A_2533 = tpu.memref_slice %arg9[%dma_wait3A_2528, %dma_wait3A_2532] : memref<5x128xi32, #tpu.memory_space<vmem>> -> memref<1x128xi32, #tpu.memory_space<vmem>>
        %dma_wait3A_2534 = tpu.memref_squeeze %dma_wait3A_2533 : memref<1x128xi32, #tpu.memory_space<vmem>> -> memref<128xi32, #tpu.memory_space<vmem>>
        %dma_wait3A_2535 = arith.constant 0 : i32
        %dma_wait3A_2536 = arith.constant 0 : i32
        %dma_wait3A_2537 = tpu.memref_slice %arg2[%dma_wait3A_2535, %dma_wait3A_2536] : memref<100000x64xf32, #tpu.memory_space<hbm>> -> memref<100000x64xf32, #tpu.memory_space<hbm>>
        tpu.wait_indirect_dma semaphore(%arg17 : memref<!tpu.dma_semaphore, #tpu.memory_space<semaphore_mem>>) src(%dma_wait3A_2537 : memref<100000x64xf32, #tpu.memory_space<hbm>>) dst(%dma_wait3A_2531 : memref<128x64xf32, #tpu.memory_space<vmem>>)
        %dma_start3A_2538 = arith.constant 0 : i32
        %dma_start3A_2539 = arith.constant 0 : i32
        %dma_start3A_2540 = arith.constant 0 : i32
        %dma_start3A_2541 = tpu.memref_slice %arg13[%dma_start3A_2539, %dma_start3A_2540] : memref<640x64xf32, #tpu.memory_space<vmem>> -> memref<128x64xf32, #tpu.memory_space<vmem>>
        %dma_start3A_2542 = arith.constant 0 : i32
        %dma_start3A_2543 = tpu.memref_slice %arg11[%dma_start3A_2538, %dma_start3A_2542] : memref<5x128xi32, #tpu.memory_space<vmem>> -> memref<1x128xi32, #tpu.memory_space<vmem>>
        %dma_start3A_2544 = tpu.memref_squeeze %dma_start3A_2543 : memref<1x128xi32, #tpu.memory_space<vmem>> -> memref<128xi32, #tpu.memory_space<vmem>>
        %dma_start3A_2545 = arith.constant 0 : i32
        %dma_start3A_2546 = arith.constant 0 : i32
        %dma_start3A_2547 = tpu.memref_slice %arg3[%dma_start3A_2545, %dma_start3A_2546] : memref<20x64xf32, #tpu.memory_space<hbm>> -> memref<20x64xf32, #tpu.memory_space<hbm>>
        %dma_start3A_2548 = arith.constant -1 : i32
        tpu.enqueue_indirect_dma source(%dma_start3A_2547 : memref<20x64xf32, #tpu.memory_space<hbm>>) target(%dma_start3A_2541 : memref<128x64xf32, #tpu.memory_space<vmem>>) offsets(%dma_start3A_2544 : memref<128xi32, #tpu.memory_space<vmem>>) offset_filter(%dma_start3A_2548) semaphore(%arg17 : memref<!tpu.dma_semaphore, #tpu.memory_space<semaphore_mem>>)
        %dma_start3A_2549 = arith.constant 1 : i32
        %dma_start3A_2550 = arith.constant 128 : i32
        %dma_start3A_2551 = arith.constant 0 : i32
        %dma_start3A_2552 = tpu.memref_slice %arg13[%dma_start3A_2550, %dma_start3A_2551] : memref<640x64xf32, #tpu.memory_space<vmem>> -> memref<128x64xf32, #tpu.memory_space<vmem>>
        %dma_start3A_2553 = arith.constant 0 : i32
        %dma_start3A_2554 = tpu.memref_slice %arg11[%dma_start3A_2549, %dma_start3A_2553] : memref<5x128xi32, #tpu.memory_space<vmem>> -> memref<1x128xi32, #tpu.memory_space<vmem>>
        %dma_start3A_2555 = tpu.memref_squeeze %dma_start3A_2554 : memref<1x128xi32, #tpu.memory_space<vmem>> -> memref<128xi32, #tpu.memory_space<vmem>>
        %dma_start3A_2556 = arith.constant 0 : i32
        %dma_start3A_2557 = arith.constant 0 : i32
        %dma_start3A_2558 = tpu.memref_slice %arg3[%dma_start3A_2556, %dma_start3A_2557] : memref<20x64xf32, #tpu.memory_space<hbm>> -> memref<20x64xf32, #tpu.memory_space<hbm>>
        %dma_start3A_2559 = arith.constant -1 : i32
        tpu.enqueue_indirect_dma source(%dma_start3A_2558 : memref<20x64xf32, #tpu.memory_space<hbm>>) target(%dma_start3A_2552 : memref<128x64xf32, #tpu.memory_space<vmem>>) offsets(%dma_start3A_2555 : memref<128xi32, #tpu.memory_space<vmem>>) offset_filter(%dma_start3A_2559) semaphore(%arg17 : memref<!tpu.dma_semaphore, #tpu.memory_space<semaphore_mem>>)
        %dma_start3A_2560 = arith.constant 2 : i32
        %dma_start3A_2561 = arith.constant 256 : i32
        %dma_start3A_2562 = arith.constant 0 : i32
        %dma_start3A_2563 = tpu.memref_slice %arg13[%dma_start3A_2561, %dma_start3A_2562] : memref<640x64xf32, #tpu.memory_space<vmem>> -> memref<128x64xf32, #tpu.memory_space<vmem>>
        %dma_start3A_2564 = arith.constant 0 : i32
        %dma_start3A_2565 = tpu.memref_slice %arg11[%dma_start3A_2560, %dma_start3A_2564] : memref<5x128xi32, #tpu.memory_space<vmem>> -> memref<1x128xi32, #tpu.memory_space<vmem>>
        %dma_start3A_2566 = tpu.memref_squeeze %dma_start3A_2565 : memref<1x128xi32, #tpu.memory_space<vmem>> -> memref<128xi32, #tpu.memory_space<vmem>>
        %dma_start3A_2567 = arith.constant 0 : i32
        %dma_start3A_2568 = arith.constant 0 : i32
        %dma_start3A_2569 = tpu.memref_slice %arg3[%dma_start3A_2567, %dma_start3A_2568] : memref<20x64xf32, #tpu.memory_space<hbm>> -> memref<20x64xf32, #tpu.memory_space<hbm>>
        %dma_start3A_2570 = arith.constant -1 : i32
        tpu.enqueue_indirect_dma source(%dma_start3A_2569 : memref<20x64xf32, #tpu.memory_space<hbm>>) target(%dma_start3A_2563 : memref<128x64xf32, #tpu.memory_space<vmem>>) offsets(%dma_start3A_2566 : memref<128xi32, #tpu.memory_space<vmem>>) offset_filter(%dma_start3A_2570) semaphore(%arg17 : memref<!tpu.dma_semaphore, #tpu.memory_space<semaphore_mem>>)
        %dma_start3A_2571 = arith.constant 3 : i32
        %dma_start3A_2572 = arith.constant 384 : i32
        %dma_start3A_2573 = arith.constant 0 : i32
        %dma_start3A_2574 = tpu.memref_slice %arg13[%dma_start3A_2572, %dma_start3A_2573] : memref<640x64xf32, #tpu.memory_space<vmem>> -> memref<128x64xf32, #tpu.memory_space<vmem>>
        %dma_start3A_2575 = arith.constant 0 : i32
        %dma_start3A_2576 = tpu.memref_slice %arg11[%dma_start3A_2571, %dma_start3A_2575] : memref<5x128xi32, #tpu.memory_space<vmem>> -> memref<1x128xi32, #tpu.memory_space<vmem>>
        %dma_start3A_2577 = tpu.memref_squeeze %dma_start3A_2576 : memref<1x128xi32, #tpu.memory_space<vmem>> -> memref<128xi32, #tpu.memory_space<vmem>>
        %dma_start3A_2578 = arith.constant 0 : i32
        %dma_start3A_2579 = arith.constant 0 : i32
        %dma_start3A_2580 = tpu.memref_slice %arg3[%dma_start3A_2578, %dma_start3A_2579] : memref<20x64xf32, #tpu.memory_space<hbm>> -> memref<20x64xf32, #tpu.memory_space<hbm>>
        %dma_start3A_2581 = arith.constant -1 : i32
        tpu.enqueue_indirect_dma source(%dma_start3A_2580 : memref<20x64xf32, #tpu.memory_space<hbm>>) target(%dma_start3A_2574 : memref<128x64xf32, #tpu.memory_space<vmem>>) offsets(%dma_start3A_2577 : memref<128xi32, #tpu.memory_space<vmem>>) offset_filter(%dma_start3A_2581) semaphore(%arg17 : memref<!tpu.dma_semaphore, #tpu.memory_space<semaphore_mem>>)
        %dma_start3A_2582 = arith.constant 4 : i32
        %dma_start3A_2583 = arith.constant 512 : i32
        %dma_start3A_2584 = arith.constant 0 : i32
        %dma_start3A_2585 = tpu.memref_slice %arg13[%dma_start3A_2583, %dma_start3A_2584] : memref<640x64xf32, #tpu.memory_space<vmem>> -> memref<128x64xf32, #tpu.memory_space<vmem>>
        %dma_start3A_2586 = arith.constant 0 : i32
        %dma_start3A_2587 = tpu.memref_slice %arg11[%dma_start3A_2582, %dma_start3A_2586] : memref<5x128xi32, #tpu.memory_space<vmem>> -> memref<1x128xi32, #tpu.memory_space<vmem>>
        %dma_start3A_2588 = tpu.memref_squeeze %dma_start3A_2587 : memref<1x128xi32, #tpu.memory_space<vmem>> -> memref<128xi32, #tpu.memory_space<vmem>>
        %dma_start3A_2589 = arith.constant 0 : i32
        %dma_start3A_2590 = arith.constant 0 : i32
        %dma_start3A_2591 = tpu.memref_slice %arg3[%dma_start3A_2589, %dma_start3A_2590] : memref<20x64xf32, #tpu.memory_space<hbm>> -> memref<20x64xf32, #tpu.memory_space<hbm>>
        %dma_start3A_2592 = arith.constant -1 : i32
        tpu.enqueue_indirect_dma source(%dma_start3A_2591 : memref<20x64xf32, #tpu.memory_space<hbm>>) target(%dma_start3A_2585 : memref<128x64xf32, #tpu.memory_space<vmem>>) offsets(%dma_start3A_2588 : memref<128xi32, #tpu.memory_space<vmem>>) offset_filter(%dma_start3A_2592) semaphore(%arg17 : memref<!tpu.dma_semaphore, #tpu.memory_space<semaphore_mem>>)
        %dma_wait3A_2593 = arith.constant 0 : i32
        %dma_wait3A_2594 = arith.constant 0 : i32
        %dma_wait3A_2595 = arith.constant 0 : i32
        %dma_wait3A_2596 = tpu.memref_slice %arg13[%dma_wait3A_2594, %dma_wait3A_2595] : memref<640x64xf32, #tpu.memory_space<vmem>> -> memref<128x64xf32, #tpu.memory_space<vmem>>
        %dma_wait3A_2597 = arith.constant 0 : i32
        %dma_wait3A_2598 = tpu.memref_slice %arg11[%dma_wait3A_2593, %dma_wait3A_2597] : memref<5x128xi32, #tpu.memory_space<vmem>> -> memref<1x128xi32, #tpu.memory_space<vmem>>
        %dma_wait3A_2599 = tpu.memref_squeeze %dma_wait3A_2598 : memref<1x128xi32, #tpu.memory_space<vmem>> -> memref<128xi32, #tpu.memory_space<vmem>>
        %dma_wait3A_2600 = arith.constant 0 : i32
        %dma_wait3A_2601 = arith.constant 0 : i32
        %dma_wait3A_2602 = tpu.memref_slice %arg3[%dma_wait3A_2600, %dma_wait3A_2601] : memref<20x64xf32, #tpu.memory_space<hbm>> -> memref<20x64xf32, #tpu.memory_space<hbm>>
        tpu.wait_indirect_dma semaphore(%arg17 : memref<!tpu.dma_semaphore, #tpu.memory_space<semaphore_mem>>) src(%dma_wait3A_2602 : memref<20x64xf32, #tpu.memory_space<hbm>>) dst(%dma_wait3A_2596 : memref<128x64xf32, #tpu.memory_space<vmem>>)
        %dma_wait3A_2603 = arith.constant 1 : i32
        %dma_wait3A_2604 = arith.constant 128 : i32
        %dma_wait3A_2605 = arith.constant 0 : i32
        %dma_wait3A_2606 = tpu.memref_slice %arg13[%dma_wait3A_2604, %dma_wait3A_2605] : memref<640x64xf32, #tpu.memory_space<vmem>> -> memref<128x64xf32, #tpu.memory_space<vmem>>
        %dma_wait3A_2607 = arith.constant 0 : i32
        %dma_wait3A_2608 = tpu.memref_slice %arg11[%dma_wait3A_2603, %dma_wait3A_2607] : memref<5x128xi32, #tpu.memory_space<vmem>> -> memref<1x128xi32, #tpu.memory_space<vmem>>
        %dma_wait3A_2609 = tpu.memref_squeeze %dma_wait3A_2608 : memref<1x128xi32, #tpu.memory_space<vmem>> -> memref<128xi32, #tpu.memory_space<vmem>>
        %dma_wait3A_2610 = arith.constant 0 : i32
        %dma_wait3A_2611 = arith.constant 0 : i32
        %dma_wait3A_2612 = tpu.memref_slice %arg3[%dma_wait3A_2610, %dma_wait3A_2611] : memref<20x64xf32, #tpu.memory_space<hbm>> -> memref<20x64xf32, #tpu.memory_space<hbm>>
        tpu.wait_indirect_dma semaphore(%arg17 : memref<!tpu.dma_semaphore, #tpu.memory_space<semaphore_mem>>) src(%dma_wait3A_2612 : memref<20x64xf32, #tpu.memory_space<hbm>>) dst(%dma_wait3A_2606 : memref<128x64xf32, #tpu.memory_space<vmem>>)
        %dma_wait3A_2613 = arith.constant 2 : i32
        %dma_wait3A_2614 = arith.constant 256 : i32
        %dma_wait3A_2615 = arith.constant 0 : i32
        %dma_wait3A_2616 = tpu.memref_slice %arg13[%dma_wait3A_2614, %dma_wait3A_2615] : memref<640x64xf32, #tpu.memory_space<vmem>> -> memref<128x64xf32, #tpu.memory_space<vmem>>
        %dma_wait3A_2617 = arith.constant 0 : i32
        %dma_wait3A_2618 = tpu.memref_slice %arg11[%dma_wait3A_2613, %dma_wait3A_2617] : memref<5x128xi32, #tpu.memory_space<vmem>> -> memref<1x128xi32, #tpu.memory_space<vmem>>
        %dma_wait3A_2619 = tpu.memref_squeeze %dma_wait3A_2618 : memref<1x128xi32, #tpu.memory_space<vmem>> -> memref<128xi32, #tpu.memory_space<vmem>>
        %dma_wait3A_2620 = arith.constant 0 : i32
        %dma_wait3A_2621 = arith.constant 0 : i32
        %dma_wait3A_2622 = tpu.memref_slice %arg3[%dma_wait3A_2620, %dma_wait3A_2621] : memref<20x64xf32, #tpu.memory_space<hbm>> -> memref<20x64xf32, #tpu.memory_space<hbm>>
        tpu.wait_indirect_dma semaphore(%arg17 : memref<!tpu.dma_semaphore, #tpu.memory_space<semaphore_mem>>) src(%dma_wait3A_2622 : memref<20x64xf32, #tpu.memory_space<hbm>>) dst(%dma_wait3A_2616 : memref<128x64xf32, #tpu.memory_space<vmem>>)
        %dma_wait3A_2623 = arith.constant 3 : i32
        %dma_wait3A_2624 = arith.constant 384 : i32
        %dma_wait3A_2625 = arith.constant 0 : i32
        %dma_wait3A_2626 = tpu.memref_slice %arg13[%dma_wait3A_2624, %dma_wait3A_2625] : memref<640x64xf32, #tpu.memory_space<vmem>> -> memref<128x64xf32, #tpu.memory_space<vmem>>
        %dma_wait3A_2627 = arith.constant 0 : i32
        %dma_wait3A_2628 = tpu.memref_slice %arg11[%dma_wait3A_2623, %dma_wait3A_2627] : memref<5x128xi32, #tpu.memory_space<vmem>> -> memref<1x128xi32, #tpu.memory_space<vmem>>
        %dma_wait3A_2629 = tpu.memref_squeeze %dma_wait3A_2628 : memref<1x128xi32, #tpu.memory_space<vmem>> -> memref<128xi32, #tpu.memory_space<vmem>>
        %dma_wait3A_2630 = arith.constant 0 : i32
        %dma_wait3A_2631 = arith.constant 0 : i32
        %dma_wait3A_2632 = tpu.memref_slice %arg3[%dma_wait3A_2630, %dma_wait3A_2631] : memref<20x64xf32, #tpu.memory_space<hbm>> -> memref<20x64xf32, #tpu.memory_space<hbm>>
        tpu.wait_indirect_dma semaphore(%arg17 : memref<!tpu.dma_semaphore, #tpu.memory_space<semaphore_mem>>) src(%dma_wait3A_2632 : memref<20x64xf32, #tpu.memory_space<hbm>>) dst(%dma_wait3A_2626 : memref<128x64xf32, #tpu.memory_space<vmem>>)
        %dma_wait3A_2633 = arith.constant 4 : i32
        %dma_wait3A_2634 = arith.constant 512 : i32
        %dma_wait3A_2635 = arith.constant 0 : i32
        %dma_wait3A_2636 = tpu.memref_slice %arg13[%dma_wait3A_2634, %dma_wait3A_2635] : memref<640x64xf32, #tpu.memory_space<vmem>> -> memref<128x64xf32, #tpu.memory_space<vmem>>
        %dma_wait3A_2637 = arith.constant 0 : i32
        %dma_wait3A_2638 = tpu.memref_slice %arg11[%dma_wait3A_2633, %dma_wait3A_2637] : memref<5x128xi32, #tpu.memory_space<vmem>> -> memref<1x128xi32, #tpu.memory_space<vmem>>
        %dma_wait3A_2639 = tpu.memref_squeeze %dma_wait3A_2638 : memref<1x128xi32, #tpu.memory_space<vmem>> -> memref<128xi32, #tpu.memory_space<vmem>>
        %dma_wait3A_2640 = arith.constant 0 : i32
        %dma_wait3A_2641 = arith.constant 0 : i32
        %dma_wait3A_2642 = tpu.memref_slice %arg3[%dma_wait3A_2640, %dma_wait3A_2641] : memref<20x64xf32, #tpu.memory_space<hbm>> -> memref<20x64xf32, #tpu.memory_space<hbm>>
        tpu.wait_indirect_dma semaphore(%arg17 : memref<!tpu.dma_semaphore, #tpu.memory_space<semaphore_mem>>) src(%dma_wait3A_2642 : memref<20x64xf32, #tpu.memory_space<hbm>>) dst(%dma_wait3A_2636 : memref<128x64xf32, #tpu.memory_space<vmem>>)
        %mul3A_2643 = arith.constant 640 : i32
        %mul3A_2644 = arith.muli %sub3A_2487, %mul3A_2643 : i32
        %add3A_2645 = arith.addi %mul3A_2, %mul3A_2644 : i32
        %dma_start3A_2646 = arith.constant 0 : i32
        %dma_start3A_2647 = tpu.memref_slice %arg5[%add3A_2645, %dma_start3A_2646] : memref<819200x128xf32, #tpu.memory_space<hbm>> -> memref<640x64xf32, #tpu.memory_space<hbm>>
        %dma_start3A_2648 = arith.constant 0 : i32
        %dma_start3A_2649 = tpu.memref_slice %arg5[%add3A_2645, %dma_start3A_2648] : memref<819200x128xf32, #tpu.memory_space<hbm>> -> memref<640x64xf32, #tpu.memory_space<hbm>>
        tpu.enqueue_dma source(%arg13 : memref<640x64xf32, #tpu.memory_space<vmem>>) target(%dma_start3A_2649 : memref<640x64xf32, #tpu.memory_space<hbm>>) target_semaphore(%arg19 : memref<!tpu.dma_semaphore, #tpu.memory_space<semaphore_mem>>)
      } else {
      }
      %add3A_1253 = arith.constant 1 : i32
      %add3A_1254 = arith.addi %mul3A_189, %add3A_1253 : i32
      %mul3A_1255 = arith.constant 640 : i32
      %mul3A_1256 = arith.muli %add3A_1254, %mul3A_1255 : i32
      %add3A_1257 = arith.addi %mul3A_2, %mul3A_1256 : i32
      %dma_wait3A_1258 = tpu.memref_slice %arg4[%add3A_1257] : memref<819200xi32, #tpu.memory_space<hbm>> -> memref<640xi32, #tpu.memory_space<hbm>>
      %dma_wait3A_1259 = tpu.memref_slice %arg4[%add3A_1257] : memref<819200xi32, #tpu.memory_space<hbm>> -> memref<640xi32, #tpu.memory_space<hbm>>
      tpu.wait_dma2 semaphore(%arg15 : memref<!tpu.dma_semaphore, #tpu.memory_space<semaphore_mem>>) src(%dma_wait3A_1259 : memref<640xi32, #tpu.memory_space<hbm>>) dst(%arg7 : memref<640xi32, #tpu.memory_space<vmem>>)
      %broadcast_in_dim3A_1260 = arith.constant -1 : i32
      %broadcast_in_dim3A_1261 = vector.broadcast %broadcast_in_dim3A_1260 : i32 to vector<16xi32>
      %get3A_1262 = arith.constant 0 : index
      %get3A_1263 = tpu.vector_load %arg7[%get3A_1262] {strides = array<i32>} : memref<640xi32, #tpu.memory_space<vmem>>, vector<16xi32>,
      %get3A_1264 = vector.shape_cast %get3A_1263 : vector<16xi32> to vector<16xi32>
      %min3A_1265 = arith.constant 99999 : i32
      %min3A_1266 = vector.broadcast %min3A_1265 : i32 to vector<16xi32>
      %min3A_1267 = arith.minsi %get3A_1264, %min3A_1266 : vector<16xi32>
      %swap3A_1268 = arith.constant 0 : i32
      %swap3A_1269 = arith.index_cast %swap3A_1268 : i32 to index
      %swap3A_1270 = arith.constant 0 : index
      %swap3A_1271 = tpu.vector_load %arg9[%swap3A_1269, %swap3A_1270] {strides = array<i32>} : memref<5x128xi32, #tpu.memory_space<vmem>>, vector<1x16xi32>,
      %swap3A_1272 = vector.shape_cast %swap3A_1271 : vector<1x16xi32> to vector<16xi32>
      %swap3A_1273 = vector.shape_cast %min3A_1267 : vector<16xi32> to vector<1x16xi32>
      tpu.vector_store %arg9[%swap3A_1269, %swap3A_1270], %swap3A_1273 {strides = array<i32>} : memref<5x128xi32, #tpu.memory_space<vmem>>, vector<1x16xi32>,
      %ge3A_1274 = arith.constant 100000 : i32
      %ge3A_1275 = vector.broadcast %ge3A_1274 : i32 to vector<16xi32>
      %ge3A_1276 = arith.cmpi sge, %get3A_1264, %ge3A_1275 : vector<16xi32>
      %sub3A_1277 = arith.constant 100000 : i32
      %sub3A_1278 = vector.broadcast %sub3A_1277 : i32 to vector<16xi32>
      %sub3A_1279 = arith.subi %get3A_1264, %sub3A_1278 : vector<16xi32>
      %select_n3A_1280 = arith.select %ge3A_1276, %sub3A_1279, %broadcast_in_dim3A_1261 : vector<16xi1>, vector<16xi32>
      %swap3A_1281 = arith.constant 0 : i32
      %swap3A_1282 = arith.index_cast %swap3A_1281 : i32 to index
      %swap3A_1283 = arith.constant 0 : index
      %swap3A_1284 = tpu.vector_load %arg11[%swap3A_1282, %swap3A_1283] {strides = array<i32>} : memref<5x128xi32, #tpu.memory_space<vmem>>, vector<1x16xi32>,
      %swap3A_1285 = vector.shape_cast %swap3A_1284 : vector<1x16xi32> to vector<16xi32>
      %swap3A_1286 = vector.shape_cast %select_n3A_1280 : vector<16xi32> to vector<1x16xi32>
      tpu.vector_store %arg11[%swap3A_1282, %swap3A_1283], %swap3A_1286 {strides = array<i32>} : memref<5x128xi32, #tpu.memory_space<vmem>>, vector<1x16xi32>,
      %get3A_1287 = arith.constant 16 : index
      %get3A_1288 = tpu.vector_load %arg7[%get3A_1287] {strides = array<i32>} : memref<640xi32, #tpu.memory_space<vmem>>, vector<16xi32>,
      %get3A_1289 = vector.shape_cast %get3A_1288 : vector<16xi32> to vector<16xi32>
      %min3A_1290 = arith.constant 99999 : i32
      %min3A_1291 = vector.broadcast %min3A_1290 : i32 to vector<16xi32>
      %min3A_1292 = arith.minsi %get3A_1289, %min3A_1291 : vector<16xi32>
      %swap3A_1293 = arith.constant 0 : i32
      %swap3A_1294 = arith.index_cast %swap3A_1293 : i32 to index
      %swap3A_1295 = arith.constant 16 : index
      %swap3A_1296 = tpu.vector_load %arg9[%swap3A_1294, %swap3A_1295] {strides = array<i32>} : memref<5x128xi32, #tpu.memory_space<vmem>>, vector<1x16xi32>,
      %swap3A_1297 = vector.shape_cast %swap3A_1296 : vector<1x16xi32> to vector<16xi32>
      %swap3A_1298 = vector.shape_cast %min3A_1292 : vector<16xi32> to vector<1x16xi32>
      tpu.vector_store %arg9[%swap3A_1294, %swap3A_1295], %swap3A_1298 {strides = array<i32>} : memref<5x128xi32, #tpu.memory_space<vmem>>, vector<1x16xi32>,
      %ge3A_1299 = arith.constant 100000 : i32
      %ge3A_1300 = vector.broadcast %ge3A_1299 : i32 to vector<16xi32>
      %ge3A_1301 = arith.cmpi sge, %get3A_1289, %ge3A_1300 : vector<16xi32>
      %sub3A_1302 = arith.constant 100000 : i32
      %sub3A_1303 = vector.broadcast %sub3A_1302 : i32 to vector<16xi32>
      %sub3A_1304 = arith.subi %get3A_1289, %sub3A_1303 : vector<16xi32>
      %select_n3A_1305 = arith.select %ge3A_1301, %sub3A_1304, %broadcast_in_dim3A_1261 : vector<16xi1>, vector<16xi32>
      %swap3A_1306 = arith.constant 0 : i32
      %swap3A_1307 = arith.index_cast %swap3A_1306 : i32 to index
      %swap3A_1308 = arith.constant 16 : index
      %swap3A_1309 = tpu.vector_load %arg11[%swap3A_1307, %swap3A_1308] {strides = array<i32>} : memref<5x128xi32, #tpu.memory_space<vmem>>, vector<1x16xi32>,
      %swap3A_1310 = vector.shape_cast %swap3A_1309 : vector<1x16xi32> to vector<16xi32>
      %swap3A_1311 = vector.shape_cast %select_n3A_1305 : vector<16xi32> to vector<1x16xi32>
      tpu.vector_store %arg11[%swap3A_1307, %swap3A_1308], %swap3A_1311 {strides = array<i32>} : memref<5x128xi32, #tpu.memory_space<vmem>>, vector<1x16xi32>,
      %get3A_1312 = arith.constant 32 : index
      %get3A_1313 = tpu.vector_load %arg7[%get3A_1312] {strides = array<i32>} : memref<640xi32, #tpu.memory_space<vmem>>, vector<16xi32>,
      %get3A_1314 = vector.shape_cast %get3A_1313 : vector<16xi32> to vector<16xi32>
      %min3A_1315 = arith.constant 99999 : i32
      %min3A_1316 = vector.broadcast %min3A_1315 : i32 to vector<16xi32>
      %min3A_1317 = arith.minsi %get3A_1314, %min3A_1316 : vector<16xi32>
      %swap3A_1318 = arith.constant 0 : i32
      %swap3A_1319 = arith.index_cast %swap3A_1318 : i32 to index
      %swap3A_1320 = arith.constant 32 : index
      %swap3A_1321 = tpu.vector_load %arg9[%swap3A_1319, %swap3A_1320] {strides = array<i32>} : memref<5x128xi32, #tpu.memory_space<vmem>>, vector<1x16xi32>,
      %swap3A_1322 = vector.shape_cast %swap3A_1321 : vector<1x16xi32> to vector<16xi32>
      %swap3A_1323 = vector.shape_cast %min3A_1317 : vector<16xi32> to vector<1x16xi32>
      tpu.vector_store %arg9[%swap3A_1319, %swap3A_1320], %swap3A_1323 {strides = array<i32>} : memref<5x128xi32, #tpu.memory_space<vmem>>, vector<1x16xi32>,
      %ge3A_1324 = arith.constant 100000 : i32
      %ge3A_1325 = vector.broadcast %ge3A_1324 : i32 to vector<16xi32>
      %ge3A_1326 = arith.cmpi sge, %get3A_1314, %ge3A_1325 : vector<16xi32>
      %sub3A_1327 = arith.constant 100000 : i32
      %sub3A_1328 = vector.broadcast %sub3A_1327 : i32 to vector<16xi32>
      %sub3A_1329 = arith.subi %get3A_1314, %sub3A_1328 : vector<16xi32>
      %select_n3A_1330 = arith.select %ge3A_1326, %sub3A_1329, %broadcast_in_dim3A_1261 : vector<16xi1>, vector<16xi32>
      %swap3A_1331 = arith.constant 0 : i32
      %swap3A_1332 = arith.index_cast %swap3A_1331 : i32 to index
      %swap3A_1333 = arith.constant 32 : index
      %swap3A_1334 = tpu.vector_load %arg11[%swap3A_1332, %swap3A_1333] {strides = array<i32>} : memref<5x128xi32, #tpu.memory_space<vmem>>, vector<1x16xi32>,
      %swap3A_1335 = vector.shape_cast %swap3A_1334 : vector<1x16xi32> to vector<16xi32>
      %swap3A_1336 = vector.shape_cast %select_n3A_1330 : vector<16xi32> to vector<1x16xi32>
      tpu.vector_store %arg11[%swap3A_1332, %swap3A_1333], %swap3A_1336 {strides = array<i32>} : memref<5x128xi32, #tpu.memory_space<vmem>>, vector<1x16xi32>,
      %get3A_1337 = arith.constant 48 : index
      %get3A_1338 = tpu.vector_load %arg7[%get3A_1337] {strides = array<i32>} : memref<640xi32, #tpu.memory_space<vmem>>, vector<16xi32>,
      %get3A_1339 = vector.shape_cast %get3A_1338 : vector<16xi32> to vector<16xi32>
      %min3A_1340 = arith.constant 99999 : i32
      %min3A_1341 = vector.broadcast %min3A_1340 : i32 to vector<16xi32>
      %min3A_1342 = arith.minsi %get3A_1339, %min3A_1341 : vector<16xi32>
      %swap3A_1343 = arith.constant 0 : i32
      %swap3A_1344 = arith.index_cast %swap3A_1343 : i32 to index
      %swap3A_1345 = arith.constant 48 : index
      %swap3A_1346 = tpu.vector_load %arg9[%swap3A_1344, %swap3A_1345] {strides = array<i32>} : memref<5x128xi32, #tpu.memory_space<vmem>>, vector<1x16xi32>,
      %swap3A_1347 = vector.shape_cast %swap3A_1346 : vector<1x16xi32> to vector<16xi32>
      %swap3A_1348 = vector.shape_cast %min3A_1342 : vector<16xi32> to vector<1x16xi32>
      tpu.vector_store %arg9[%swap3A_1344, %swap3A_1345], %swap3A_1348 {strides = array<i32>} : memref<5x128xi32, #tpu.memory_space<vmem>>, vector<1x16xi32>,
      %ge3A_1349 = arith.constant 100000 : i32
      %ge3A_1350 = vector.broadcast %ge3A_1349 : i32 to vector<16xi32>
      %ge3A_1351 = arith.cmpi sge, %get3A_1339, %ge3A_1350 : vector<16xi32>
      %sub3A_1352 = arith.constant 100000 : i32
      %sub3A_1353 = vector.broadcast %sub3A_1352 : i32 to vector<16xi32>
      %sub3A_1354 = arith.subi %get3A_1339, %sub3A_1353 : vector<16xi32>
      %select_n3A_1355 = arith.select %ge3A_1351, %sub3A_1354, %broadcast_in_dim3A_1261 : vector<16xi1>, vector<16xi32>
      %swap3A_1356 = arith.constant 0 : i32
      %swap3A_1357 = arith.index_cast %swap3A_1356 : i32 to index
      %swap3A_1358 = arith.constant 48 : index
      %swap3A_1359 = tpu.vector_load %arg11[%swap3A_1357, %swap3A_1358] {strides = array<i32>} : memref<5x128xi32, #tpu.memory_space<vmem>>, vector<1x16xi32>,
      %swap3A_1360 = vector.shape_cast %swap3A_1359 : vector<1x16xi32> to vector<16xi32>
      %swap3A_1361 = vector.shape_cast %select_n3A_1355 : vector<16xi32> to vector<1x16xi32>
      tpu.vector_store %arg11[%swap3A_1357, %swap3A_1358], %swap3A_1361 {strides = array<i32>} : memref<5x128xi32, #tpu.memory_space<vmem>>, vector<1x16xi32>,
      %get3A_1362 = arith.constant 64 : index
      %get3A_1363 = tpu.vector_load %arg7[%get3A_1362] {strides = array<i32>} : memref<640xi32, #tpu.memory_space<vmem>>, vector<16xi32>,
      %get3A_1364 = vector.shape_cast %get3A_1363 : vector<16xi32> to vector<16xi32>
      %min3A_1365 = arith.constant 99999 : i32
      %min3A_1366 = vector.broadcast %min3A_1365 : i32 to vector<16xi32>
      %min3A_1367 = arith.minsi %get3A_1364, %min3A_1366 : vector<16xi32>
      %swap3A_1368 = arith.constant 0 : i32
      %swap3A_1369 = arith.index_cast %swap3A_1368 : i32 to index
      %swap3A_1370 = arith.constant 64 : index
      %swap3A_1371 = tpu.vector_load %arg9[%swap3A_1369, %swap3A_1370] {strides = array<i32>} : memref<5x128xi32, #tpu.memory_space<vmem>>, vector<1x16xi32>,
      %swap3A_1372 = vector.shape_cast %swap3A_1371 : vector<1x16xi32> to vector<16xi32>
      %swap3A_1373 = vector.shape_cast %min3A_1367 : vector<16xi32> to vector<1x16xi32>
      tpu.vector_store %arg9[%swap3A_1369, %swap3A_1370], %swap3A_1373 {strides = array<i32>} : memref<5x128xi32, #tpu.memory_space<vmem>>, vector<1x16xi32>,
      %ge3A_1374 = arith.constant 100000 : i32
      %ge3A_1375 = vector.broadcast %ge3A_1374 : i32 to vector<16xi32>
      %ge3A_1376 = arith.cmpi sge, %get3A_1364, %ge3A_1375 : vector<16xi32>
      %sub3A_1377 = arith.constant 100000 : i32
      %sub3A_1378 = vector.broadcast %sub3A_1377 : i32 to vector<16xi32>
      %sub3A_1379 = arith.subi %get3A_1364, %sub3A_1378 : vector<16xi32>
      %select_n3A_1380 = arith.select %ge3A_1376, %sub3A_1379, %broadcast_in_dim3A_1261 : vector<16xi1>, vector<16xi32>
      %swap3A_1381 = arith.constant 0 : i32
      %swap3A_1382 = arith.index_cast %swap3A_1381 : i32 to index
      %swap3A_1383 = arith.constant 64 : index
      %swap3A_1384 = tpu.vector_load %arg11[%swap3A_1382, %swap3A_1383] {strides = array<i32>} : memref<5x128xi32, #tpu.memory_space<vmem>>, vector<1x16xi32>,
      %swap3A_1385 = vector.shape_cast %swap3A_1384 : vector<1x16xi32> to vector<16xi32>
      %swap3A_1386 = vector.shape_cast %select_n3A_1380 : vector<16xi32> to vector<1x16xi32>
      tpu.vector_store %arg11[%swap3A_1382, %swap3A_1383], %swap3A_1386 {strides = array<i32>} : memref<5x128xi32, #tpu.memory_space<vmem>>, vector<1x16xi32>,
      %get3A_1387 = arith.constant 80 : index
      %get3A_1388 = tpu.vector_load %arg7[%get3A_1387] {strides = array<i32>} : memref<640xi32, #tpu.memory_space<vmem>>, vector<16xi32>,
      %get3A_1389 = vector.shape_cast %get3A_1388 : vector<16xi32> to vector<16xi32>
      %min3A_1390 = arith.constant 99999 : i32
      %min3A_1391 = vector.broadcast %min3A_1390 : i32 to vector<16xi32>
      %min3A_1392 = arith.minsi %get3A_1389, %min3A_1391 : vector<16xi32>
      %swap3A_1393 = arith.constant 0 : i32
      %swap3A_1394 = arith.index_cast %swap3A_1393 : i32 to index
      %swap3A_1395 = arith.constant 80 : index
      %swap3A_1396 = tpu.vector_load %arg9[%swap3A_1394, %swap3A_1395] {strides = array<i32>} : memref<5x128xi32, #tpu.memory_space<vmem>>, vector<1x16xi32>,
      %swap3A_1397 = vector.shape_cast %swap3A_1396 : vector<1x16xi32> to vector<16xi32>
      %swap3A_1398 = vector.shape_cast %min3A_1392 : vector<16xi32> to vector<1x16xi32>
      tpu.vector_store %arg9[%swap3A_1394, %swap3A_1395], %swap3A_1398 {strides = array<i32>} : memref<5x128xi32, #tpu.memory_space<vmem>>, vector<1x16xi32>,
      %ge3A_1399 = arith.constant 100000 : i32
      %ge3A_1400 = vector.broadcast %ge3A_1399 : i32 to vector<16xi32>
      %ge3A_1401 = arith.cmpi sge, %get3A_1389, %ge3A_1400 : vector<16xi32>
      %sub3A_1402 = arith.constant 100000 : i32
      %sub3A_1403 = vector.broadcast %sub3A_1402 : i32 to vector<16xi32>
      %sub3A_1404 = arith.subi %get3A_1389, %sub3A_1403 : vector<16xi32>
      %select_n3A_1405 = arith.select %ge3A_1401, %sub3A_1404, %broadcast_in_dim3A_1261 : vector<16xi1>, vector<16xi32>
      %swap3A_1406 = arith.constant 0 : i32
      %swap3A_1407 = arith.index_cast %swap3A_1406 : i32 to index
      %swap3A_1408 = arith.constant 80 : index
      %swap3A_1409 = tpu.vector_load %arg11[%swap3A_1407, %swap3A_1408] {strides = array<i32>} : memref<5x128xi32, #tpu.memory_space<vmem>>, vector<1x16xi32>,
      %swap3A_1410 = vector.shape_cast %swap3A_1409 : vector<1x16xi32> to vector<16xi32>
      %swap3A_1411 = vector.shape_cast %select_n3A_1405 : vector<16xi32> to vector<1x16xi32>
      tpu.vector_store %arg11[%swap3A_1407, %swap3A_1408], %swap3A_1411 {strides = array<i32>} : memref<5x128xi32, #tpu.memory_space<vmem>>, vector<1x16xi32>,
      %get3A_1412 = arith.constant 96 : index
      %get3A_1413 = tpu.vector_load %arg7[%get3A_1412] {strides = array<i32>} : memref<640xi32, #tpu.memory_space<vmem>>, vector<16xi32>,
      %get3A_1414 = vector.shape_cast %get3A_1413 : vector<16xi32> to vector<16xi32>
      %min3A_1415 = arith.constant 99999 : i32
      %min3A_1416 = vector.broadcast %min3A_1415 : i32 to vector<16xi32>
      %min3A_1417 = arith.minsi %get3A_1414, %min3A_1416 : vector<16xi32>
      %swap3A_1418 = arith.constant 0 : i32
      %swap3A_1419 = arith.index_cast %swap3A_1418 : i32 to index
      %swap3A_1420 = arith.constant 96 : index
      %swap3A_1421 = tpu.vector_load %arg9[%swap3A_1419, %swap3A_1420] {strides = array<i32>} : memref<5x128xi32, #tpu.memory_space<vmem>>, vector<1x16xi32>,
      %swap3A_1422 = vector.shape_cast %swap3A_1421 : vector<1x16xi32> to vector<16xi32>
      %swap3A_1423 = vector.shape_cast %min3A_1417 : vector<16xi32> to vector<1x16xi32>
      tpu.vector_store %arg9[%swap3A_1419, %swap3A_1420], %swap3A_1423 {strides = array<i32>} : memref<5x128xi32, #tpu.memory_space<vmem>>, vector<1x16xi32>,
      %ge3A_1424 = arith.constant 100000 : i32
      %ge3A_1425 = vector.broadcast %ge3A_1424 : i32 to vector<16xi32>
      %ge3A_1426 = arith.cmpi sge, %get3A_1414, %ge3A_1425 : vector<16xi32>
      %sub3A_1427 = arith.constant 100000 : i32
      %sub3A_1428 = vector.broadcast %sub3A_1427 : i32 to vector<16xi32>
      %sub3A_1429 = arith.subi %get3A_1414, %sub3A_1428 : vector<16xi32>
      %select_n3A_1430 = arith.select %ge3A_1426, %sub3A_1429, %broadcast_in_dim3A_1261 : vector<16xi1>, vector<16xi32>
      %swap3A_1431 = arith.constant 0 : i32
      %swap3A_1432 = arith.index_cast %swap3A_1431 : i32 to index
      %swap3A_1433 = arith.constant 96 : index
      %swap3A_1434 = tpu.vector_load %arg11[%swap3A_1432, %swap3A_1433] {strides = array<i32>} : memref<5x128xi32, #tpu.memory_space<vmem>>, vector<1x16xi32>,
      %swap3A_1435 = vector.shape_cast %swap3A_1434 : vector<1x16xi32> to vector<16xi32>
      %swap3A_1436 = vector.shape_cast %select_n3A_1430 : vector<16xi32> to vector<1x16xi32>
      tpu.vector_store %arg11[%swap3A_1432, %swap3A_1433], %swap3A_1436 {strides = array<i32>} : memref<5x128xi32, #tpu.memory_space<vmem>>, vector<1x16xi32>,
      %get3A_1437 = arith.constant 112 : index
      %get3A_1438 = tpu.vector_load %arg7[%get3A_1437] {strides = array<i32>} : memref<640xi32, #tpu.memory_space<vmem>>, vector<16xi32>,
      %get3A_1439 = vector.shape_cast %get3A_1438 : vector<16xi32> to vector<16xi32>
      %min3A_1440 = arith.constant 99999 : i32
      %min3A_1441 = vector.broadcast %min3A_1440 : i32 to vector<16xi32>
      %min3A_1442 = arith.minsi %get3A_1439, %min3A_1441 : vector<16xi32>
      %swap3A_1443 = arith.constant 0 : i32
      %swap3A_1444 = arith.index_cast %swap3A_1443 : i32 to index
      %swap3A_1445 = arith.constant 112 : index
      %swap3A_1446 = tpu.vector_load %arg9[%swap3A_1444, %swap3A_1445] {strides = array<i32>} : memref<5x128xi32, #tpu.memory_space<vmem>>, vector<1x16xi32>,
      %swap3A_1447 = vector.shape_cast %swap3A_1446 : vector<1x16xi32> to vector<16xi32>
      %swap3A_1448 = vector.shape_cast %min3A_1442 : vector<16xi32> to vector<1x16xi32>
      tpu.vector_store %arg9[%swap3A_1444, %swap3A_1445], %swap3A_1448 {strides = array<i32>} : memref<5x128xi32, #tpu.memory_space<vmem>>, vector<1x16xi32>,
      %ge3A_1449 = arith.constant 100000 : i32
      %ge3A_1450 = vector.broadcast %ge3A_1449 : i32 to vector<16xi32>
      %ge3A_1451 = arith.cmpi sge, %get3A_1439, %ge3A_1450 : vector<16xi32>
      %sub3A_1452 = arith.constant 100000 : i32
      %sub3A_1453 = vector.broadcast %sub3A_1452 : i32 to vector<16xi32>
      %sub3A_1454 = arith.subi %get3A_1439, %sub3A_1453 : vector<16xi32>
      %select_n3A_1455 = arith.select %ge3A_1451, %sub3A_1454, %broadcast_in_dim3A_1261 : vector<16xi1>, vector<16xi32>
      %swap3A_1456 = arith.constant 0 : i32
      %swap3A_1457 = arith.index_cast %swap3A_1456 : i32 to index
      %swap3A_1458 = arith.constant 112 : index
      %swap3A_1459 = tpu.vector_load %arg11[%swap3A_1457, %swap3A_1458] {strides = array<i32>} : memref<5x128xi32, #tpu.memory_space<vmem>>, vector<1x16xi32>,
      %swap3A_1460 = vector.shape_cast %swap3A_1459 : vector<1x16xi32> to vector<16xi32>
      %swap3A_1461 = vector.shape_cast %select_n3A_1455 : vector<16xi32> to vector<1x16xi32>
      tpu.vector_store %arg11[%swap3A_1457, %swap3A_1458], %swap3A_1461 {strides = array<i32>} : memref<5x128xi32, #tpu.memory_space<vmem>>, vector<1x16xi32>,
      %get3A_1462 = arith.constant 128 : index
      %get3A_1463 = tpu.vector_load %arg7[%get3A_1462] {strides = array<i32>} : memref<640xi32, #tpu.memory_space<vmem>>, vector<16xi32>,
      %get3A_1464 = vector.shape_cast %get3A_1463 : vector<16xi32> to vector<16xi32>
      %min3A_1465 = arith.constant 99999 : i32
      %min3A_1466 = vector.broadcast %min3A_1465 : i32 to vector<16xi32>
      %min3A_1467 = arith.minsi %get3A_1464, %min3A_1466 : vector<16xi32>
      %swap3A_1468 = arith.constant 1 : i32
      %swap3A_1469 = arith.index_cast %swap3A_1468 : i32 to index
      %swap3A_1470 = arith.constant 0 : index
      %swap3A_1471 = tpu.vector_load %arg9[%swap3A_1469, %swap3A_1470] {strides = array<i32>} : memref<5x128xi32, #tpu.memory_space<vmem>>, vector<1x16xi32>,
      %swap3A_1472 = vector.shape_cast %swap3A_1471 : vector<1x16xi32> to vector<16xi32>
      %swap3A_1473 = vector.shape_cast %min3A_1467 : vector<16xi32> to vector<1x16xi32>
      tpu.vector_store %arg9[%swap3A_1469, %swap3A_1470], %swap3A_1473 {strides = array<i32>} : memref<5x128xi32, #tpu.memory_space<vmem>>, vector<1x16xi32>,
      %ge3A_1474 = arith.constant 100000 : i32
      %ge3A_1475 = vector.broadcast %ge3A_1474 : i32 to vector<16xi32>
      %ge3A_1476 = arith.cmpi sge, %get3A_1464, %ge3A_1475 : vector<16xi32>
      %sub3A_1477 = arith.constant 100000 : i32
      %sub3A_1478 = vector.broadcast %sub3A_1477 : i32 to vector<16xi32>
      %sub3A_1479 = arith.subi %get3A_1464, %sub3A_1478 : vector<16xi32>
      %select_n3A_1480 = arith.select %ge3A_1476, %sub3A_1479, %broadcast_in_dim3A_1261 : vector<16xi1>, vector<16xi32>
      %swap3A_1481 = arith.constant 1 : i32
      %swap3A_1482 = arith.index_cast %swap3A_1481 : i32 to index
      %swap3A_1483 = arith.constant 0 : index
      %swap3A_1484 = tpu.vector_load %arg11[%swap3A_1482, %swap3A_1483] {strides = array<i32>} : memref<5x128xi32, #tpu.memory_space<vmem>>, vector<1x16xi32>,
      %swap3A_1485 = vector.shape_cast %swap3A_1484 : vector<1x16xi32> to vector<16xi32>
      %swap3A_1486 = vector.shape_cast %select_n3A_1480 : vector<16xi32> to vector<1x16xi32>
      tpu.vector_store %arg11[%swap3A_1482, %swap3A_1483], %swap3A_1486 {strides = array<i32>} : memref<5x128xi32, #tpu.memory_space<vmem>>, vector<1x16xi32>,
      %get3A_1487 = arith.constant 144 : index
      %get3A_1488 = tpu.vector_load %arg7[%get3A_1487] {strides = array<i32>} : memref<640xi32, #tpu.memory_space<vmem>>, vector<16xi32>,
      %get3A_1489 = vector.shape_cast %get3A_1488 : vector<16xi32> to vector<16xi32>
      %min3A_1490 = arith.constant 99999 : i32
      %min3A_1491 = vector.broadcast %min3A_1490 : i32 to vector<16xi32>
      %min3A_1492 = arith.minsi %get3A_1489, %min3A_1491 : vector<16xi32>
      %swap3A_1493 = arith.constant 1 : i32
      %swap3A_1494 = arith.index_cast %swap3A_1493 : i32 to index
      %swap3A_1495 = arith.constant 16 : index
      %swap3A_1496 = tpu.vector_load %arg9[%swap3A_1494, %swap3A_1495] {strides = array<i32>} : memref<5x128xi32, #tpu.memory_space<vmem>>, vector<1x16xi32>,
      %swap3A_1497 = vector.shape_cast %swap3A_1496 : vector<1x16xi32> to vector<16xi32>
      %swap3A_1498 = vector.shape_cast %min3A_1492 : vector<16xi32> to vector<1x16xi32>
      tpu.vector_store %arg9[%swap3A_1494, %swap3A_1495], %swap3A_1498 {strides = array<i32>} : memref<5x128xi32, #tpu.memory_space<vmem>>, vector<1x16xi32>,
      %ge3A_1499 = arith.constant 100000 : i32
      %ge3A_1500 = vector.broadcast %ge3A_1499 : i32 to vector<16xi32>
      %ge3A_1501 = arith.cmpi sge, %get3A_1489, %ge3A_1500 : vector<16xi32>
      %sub3A_1502 = arith.constant 100000 : i32
      %sub3A_1503 = vector.broadcast %sub3A_1502 : i32 to vector<16xi32>
      %sub3A_1504 = arith.subi %get3A_1489, %sub3A_1503 : vector<16xi32>
      %select_n3A_1505 = arith.select %ge3A_1501, %sub3A_1504, %broadcast_in_dim3A_1261 : vector<16xi1>, vector<16xi32>
      %swap3A_1506 = arith.constant 1 : i32
      %swap3A_1507 = arith.index_cast %swap3A_1506 : i32 to index
      %swap3A_1508 = arith.constant 16 : index
      %swap3A_1509 = tpu.vector_load %arg11[%swap3A_1507, %swap3A_1508] {strides = array<i32>} : memref<5x128xi32, #tpu.memory_space<vmem>>, vector<1x16xi32>,
      %swap3A_1510 = vector.shape_cast %swap3A_1509 : vector<1x16xi32> to vector<16xi32>
      %swap3A_1511 = vector.shape_cast %select_n3A_1505 : vector<16xi32> to vector<1x16xi32>
      tpu.vector_store %arg11[%swap3A_1507, %swap3A_1508], %swap3A_1511 {strides = array<i32>} : memref<5x128xi32, #tpu.memory_space<vmem>>, vector<1x16xi32>,
      %get3A_1512 = arith.constant 160 : index
      %get3A_1513 = tpu.vector_load %arg7[%get3A_1512] {strides = array<i32>} : memref<640xi32, #tpu.memory_space<vmem>>, vector<16xi32>,
      %get3A_1514 = vector.shape_cast %get3A_1513 : vector<16xi32> to vector<16xi32>
      %min3A_1515 = arith.constant 99999 : i32
      %min3A_1516 = vector.broadcast %min3A_1515 : i32 to vector<16xi32>
      %min3A_1517 = arith.minsi %get3A_1514, %min3A_1516 : vector<16xi32>
      %swap3A_1518 = arith.constant 1 : i32
      %swap3A_1519 = arith.index_cast %swap3A_1518 : i32 to index
      %swap3A_1520 = arith.constant 32 : index
      %swap3A_1521 = tpu.vector_load %arg9[%swap3A_1519, %swap3A_1520] {strides = array<i32>} : memref<5x128xi32, #tpu.memory_space<vmem>>, vector<1x16xi32>,
      %swap3A_1522 = vector.shape_cast %swap3A_1521 : vector<1x16xi32> to vector<16xi32>
      %swap3A_1523 = vector.shape_cast %min3A_1517 : vector<16xi32> to vector<1x16xi32>
      tpu.vector_store %arg9[%swap3A_1519, %swap3A_1520], %swap3A_1523 {strides = array<i32>} : memref<5x128xi32, #tpu.memory_space<vmem>>, vector<1x16xi32>,
      %ge3A_1524 = arith.constant 100000 : i32
      %ge3A_1525 = vector.broadcast %ge3A_1524 : i32 to vector<16xi32>
      %ge3A_1526 = arith.cmpi sge, %get3A_1514, %ge3A_1525 : vector<16xi32>
      %sub3A_1527 = arith.constant 100000 : i32
      %sub3A_1528 = vector.broadcast %sub3A_1527 : i32 to vector<16xi32>
      %sub3A_1529 = arith.subi %get3A_1514, %sub3A_1528 : vector<16xi32>
      %select_n3A_1530 = arith.select %ge3A_1526, %sub3A_1529, %broadcast_in_dim3A_1261 : vector<16xi1>, vector<16xi32>
      %swap3A_1531 = arith.constant 1 : i32
      %swap3A_1532 = arith.index_cast %swap3A_1531 : i32 to index
      %swap3A_1533 = arith.constant 32 : index
      %swap3A_1534 = tpu.vector_load %arg11[%swap3A_1532, %swap3A_1533] {strides = array<i32>} : memref<5x128xi32, #tpu.memory_space<vmem>>, vector<1x16xi32>,
      %swap3A_1535 = vector.shape_cast %swap3A_1534 : vector<1x16xi32> to vector<16xi32>
      %swap3A_1536 = vector.shape_cast %select_n3A_1530 : vector<16xi32> to vector<1x16xi32>
      tpu.vector_store %arg11[%swap3A_1532, %swap3A_1533], %swap3A_1536 {strides = array<i32>} : memref<5x128xi32, #tpu.memory_space<vmem>>, vector<1x16xi32>,
      %get3A_1537 = arith.constant 176 : index
      %get3A_1538 = tpu.vector_load %arg7[%get3A_1537] {strides = array<i32>} : memref<640xi32, #tpu.memory_space<vmem>>, vector<16xi32>,
      %get3A_1539 = vector.shape_cast %get3A_1538 : vector<16xi32> to vector<16xi32>
      %min3A_1540 = arith.constant 99999 : i32
      %min3A_1541 = vector.broadcast %min3A_1540 : i32 to vector<16xi32>
      %min3A_1542 = arith.minsi %get3A_1539, %min3A_1541 : vector<16xi32>
      %swap3A_1543 = arith.constant 1 : i32
      %swap3A_1544 = arith.index_cast %swap3A_1543 : i32 to index
      %swap3A_1545 = arith.constant 48 : index
      %swap3A_1546 = tpu.vector_load %arg9[%swap3A_1544, %swap3A_1545] {strides = array<i32>} : memref<5x128xi32, #tpu.memory_space<vmem>>, vector<1x16xi32>,
      %swap3A_1547 = vector.shape_cast %swap3A_1546 : vector<1x16xi32> to vector<16xi32>
      %swap3A_1548 = vector.shape_cast %min3A_1542 : vector<16xi32> to vector<1x16xi32>
      tpu.vector_store %arg9[%swap3A_1544, %swap3A_1545], %swap3A_1548 {strides = array<i32>} : memref<5x128xi32, #tpu.memory_space<vmem>>, vector<1x16xi32>,
      %ge3A_1549 = arith.constant 100000 : i32
      %ge3A_1550 = vector.broadcast %ge3A_1549 : i32 to vector<16xi32>
      %ge3A_1551 = arith.cmpi sge, %get3A_1539, %ge3A_1550 : vector<16xi32>
      %sub3A_1552 = arith.constant 100000 : i32
      %sub3A_1553 = vector.broadcast %sub3A_1552 : i32 to vector<16xi32>
      %sub3A_1554 = arith.subi %get3A_1539, %sub3A_1553 : vector<16xi32>
      %select_n3A_1555 = arith.select %ge3A_1551, %sub3A_1554, %broadcast_in_dim3A_1261 : vector<16xi1>, vector<16xi32>
      %swap3A_1556 = arith.constant 1 : i32
      %swap3A_1557 = arith.index_cast %swap3A_1556 : i32 to index
      %swap3A_1558 = arith.constant 48 : index
      %swap3A_1559 = tpu.vector_load %arg11[%swap3A_1557, %swap3A_1558] {strides = array<i32>} : memref<5x128xi32, #tpu.memory_space<vmem>>, vector<1x16xi32>,
      %swap3A_1560 = vector.shape_cast %swap3A_1559 : vector<1x16xi32> to vector<16xi32>
      %swap3A_1561 = vector.shape_cast %select_n3A_1555 : vector<16xi32> to vector<1x16xi32>
      tpu.vector_store %arg11[%swap3A_1557, %swap3A_1558], %swap3A_1561 {strides = array<i32>} : memref<5x128xi32, #tpu.memory_space<vmem>>, vector<1x16xi32>,
      %get3A_1562 = arith.constant 192 : index
      %get3A_1563 = tpu.vector_load %arg7[%get3A_1562] {strides = array<i32>} : memref<640xi32, #tpu.memory_space<vmem>>, vector<16xi32>,
      %get3A_1564 = vector.shape_cast %get3A_1563 : vector<16xi32> to vector<16xi32>
      %min3A_1565 = arith.constant 99999 : i32
      %min3A_1566 = vector.broadcast %min3A_1565 : i32 to vector<16xi32>
      %min3A_1567 = arith.minsi %get3A_1564, %min3A_1566 : vector<16xi32>
      %swap3A_1568 = arith.constant 1 : i32
      %swap3A_1569 = arith.index_cast %swap3A_1568 : i32 to index
      %swap3A_1570 = arith.constant 64 : index
      %swap3A_1571 = tpu.vector_load %arg9[%swap3A_1569, %swap3A_1570] {strides = array<i32>} : memref<5x128xi32, #tpu.memory_space<vmem>>, vector<1x16xi32>,
      %swap3A_1572 = vector.shape_cast %swap3A_1571 : vector<1x16xi32> to vector<16xi32>
      %swap3A_1573 = vector.shape_cast %min3A_1567 : vector<16xi32> to vector<1x16xi32>
      tpu.vector_store %arg9[%swap3A_1569, %swap3A_1570], %swap3A_1573 {strides = array<i32>} : memref<5x128xi32, #tpu.memory_space<vmem>>, vector<1x16xi32>,
      %ge3A_1574 = arith.constant 100000 : i32
      %ge3A_1575 = vector.broadcast %ge3A_1574 : i32 to vector<16xi32>
      %ge3A_1576 = arith.cmpi sge, %get3A_1564, %ge3A_1575 : vector<16xi32>
      %sub3A_1577 = arith.constant 100000 : i32
      %sub3A_1578 = vector.broadcast %sub3A_1577 : i32 to vector<16xi32>
      %sub3A_1579 = arith.subi %get3A_1564, %sub3A_1578 : vector<16xi32>
      %select_n3A_1580 = arith.select %ge3A_1576, %sub3A_1579, %broadcast_in_dim3A_1261 : vector<16xi1>, vector<16xi32>
      %swap3A_1581 = arith.constant 1 : i32
      %swap3A_1582 = arith.index_cast %swap3A_1581 : i32 to index
      %swap3A_1583 = arith.constant 64 : index
      %swap3A_1584 = tpu.vector_load %arg11[%swap3A_1582, %swap3A_1583] {strides = array<i32>} : memref<5x128xi32, #tpu.memory_space<vmem>>, vector<1x16xi32>,
      %swap3A_1585 = vector.shape_cast %swap3A_1584 : vector<1x16xi32> to vector<16xi32>
      %swap3A_1586 = vector.shape_cast %select_n3A_1580 : vector<16xi32> to vector<1x16xi32>
      tpu.vector_store %arg11[%swap3A_1582, %swap3A_1583], %swap3A_1586 {strides = array<i32>} : memref<5x128xi32, #tpu.memory_space<vmem>>, vector<1x16xi32>,
      %get3A_1587 = arith.constant 208 : index
      %get3A_1588 = tpu.vector_load %arg7[%get3A_1587] {strides = array<i32>} : memref<640xi32, #tpu.memory_space<vmem>>, vector<16xi32>,
      %get3A_1589 = vector.shape_cast %get3A_1588 : vector<16xi32> to vector<16xi32>
      %min3A_1590 = arith.constant 99999 : i32
      %min3A_1591 = vector.broadcast %min3A_1590 : i32 to vector<16xi32>
      %min3A_1592 = arith.minsi %get3A_1589, %min3A_1591 : vector<16xi32>
      %swap3A_1593 = arith.constant 1 : i32
      %swap3A_1594 = arith.index_cast %swap3A_1593 : i32 to index
      %swap3A_1595 = arith.constant 80 : index
      %swap3A_1596 = tpu.vector_load %arg9[%swap3A_1594, %swap3A_1595] {strides = array<i32>} : memref<5x128xi32, #tpu.memory_space<vmem>>, vector<1x16xi32>,
      %swap3A_1597 = vector.shape_cast %swap3A_1596 : vector<1x16xi32> to vector<16xi32>
      %swap3A_1598 = vector.shape_cast %min3A_1592 : vector<16xi32> to vector<1x16xi32>
      tpu.vector_store %arg9[%swap3A_1594, %swap3A_1595], %swap3A_1598 {strides = array<i32>} : memref<5x128xi32, #tpu.memory_space<vmem>>, vector<1x16xi32>,
      %ge3A_1599 = arith.constant 100000 : i32
      %ge3A_1600 = vector.broadcast %ge3A_1599 : i32 to vector<16xi32>
      %ge3A_1601 = arith.cmpi sge, %get3A_1589, %ge3A_1600 : vector<16xi32>
      %sub3A_1602 = arith.constant 100000 : i32
      %sub3A_1603 = vector.broadcast %sub3A_1602 : i32 to vector<16xi32>
      %sub3A_1604 = arith.subi %get3A_1589, %sub3A_1603 : vector<16xi32>
      %select_n3A_1605 = arith.select %ge3A_1601, %sub3A_1604, %broadcast_in_dim3A_1261 : vector<16xi1>, vector<16xi32>
      %swap3A_1606 = arith.constant 1 : i32
      %swap3A_1607 = arith.index_cast %swap3A_1606 : i32 to index
      %swap3A_1608 = arith.constant 80 : index
      %swap3A_1609 = tpu.vector_load %arg11[%swap3A_1607, %swap3A_1608] {strides = array<i32>} : memref<5x128xi32, #tpu.memory_space<vmem>>, vector<1x16xi32>,
      %swap3A_1610 = vector.shape_cast %swap3A_1609 : vector<1x16xi32> to vector<16xi32>
      %swap3A_1611 = vector.shape_cast %select_n3A_1605 : vector<16xi32> to vector<1x16xi32>
      tpu.vector_store %arg11[%swap3A_1607, %swap3A_1608], %swap3A_1611 {strides = array<i32>} : memref<5x128xi32, #tpu.memory_space<vmem>>, vector<1x16xi32>,
      %get3A_1612 = arith.constant 224 : index
      %get3A_1613 = tpu.vector_load %arg7[%get3A_1612] {strides = array<i32>} : memref<640xi32, #tpu.memory_space<vmem>>, vector<16xi32>,
      %get3A_1614 = vector.shape_cast %get3A_1613 : vector<16xi32> to vector<16xi32>
      %min3A_1615 = arith.constant 99999 : i32
      %min3A_1616 = vector.broadcast %min3A_1615 : i32 to vector<16xi32>
      %min3A_1617 = arith.minsi %get3A_1614, %min3A_1616 : vector<16xi32>
      %swap3A_1618 = arith.constant 1 : i32
      %swap3A_1619 = arith.index_cast %swap3A_1618 : i32 to index
      %swap3A_1620 = arith.constant 96 : index
      %swap3A_1621 = tpu.vector_load %arg9[%swap3A_1619, %swap3A_1620] {strides = array<i32>} : memref<5x128xi32, #tpu.memory_space<vmem>>, vector<1x16xi32>,
      %swap3A_1622 = vector.shape_cast %swap3A_1621 : vector<1x16xi32> to vector<16xi32>
      %swap3A_1623 = vector.shape_cast %min3A_1617 : vector<16xi32> to vector<1x16xi32>
      tpu.vector_store %arg9[%swap3A_1619, %swap3A_1620], %swap3A_1623 {strides = array<i32>} : memref<5x128xi32, #tpu.memory_space<vmem>>, vector<1x16xi32>,
      %ge3A_1624 = arith.constant 100000 : i32
      %ge3A_1625 = vector.broadcast %ge3A_1624 : i32 to vector<16xi32>
      %ge3A_1626 = arith.cmpi sge, %get3A_1614, %ge3A_1625 : vector<16xi32>
      %sub3A_1627 = arith.constant 100000 : i32
      %sub3A_1628 = vector.broadcast %sub3A_1627 : i32 to vector<16xi32>
      %sub3A_1629 = arith.subi %get3A_1614, %sub3A_1628 : vector<16xi32>
      %select_n3A_1630 = arith.select %ge3A_1626, %sub3A_1629, %broadcast_in_dim3A_1261 : vector<16xi1>, vector<16xi32>
      %swap3A_1631 = arith.constant 1 : i32
      %swap3A_1632 = arith.index_cast %swap3A_1631 : i32 to index
      %swap3A_1633 = arith.constant 96 : index
      %swap3A_1634 = tpu.vector_load %arg11[%swap3A_1632, %swap3A_1633] {strides = array<i32>} : memref<5x128xi32, #tpu.memory_space<vmem>>, vector<1x16xi32>,
      %swap3A_1635 = vector.shape_cast %swap3A_1634 : vector<1x16xi32> to vector<16xi32>
      %swap3A_1636 = vector.shape_cast %select_n3A_1630 : vector<16xi32> to vector<1x16xi32>
      tpu.vector_store %arg11[%swap3A_1632, %swap3A_1633], %swap3A_1636 {strides = array<i32>} : memref<5x128xi32, #tpu.memory_space<vmem>>, vector<1x16xi32>,
      %get3A_1637 = arith.constant 240 : index
      %get3A_1638 = tpu.vector_load %arg7[%get3A_1637] {strides = array<i32>} : memref<640xi32, #tpu.memory_space<vmem>>, vector<16xi32>,
      %get3A_1639 = vector.shape_cast %get3A_1638 : vector<16xi32> to vector<16xi32>
      %min3A_1640 = arith.constant 99999 : i32
      %min3A_1641 = vector.broadcast %min3A_1640 : i32 to vector<16xi32>
      %min3A_1642 = arith.minsi %get3A_1639, %min3A_1641 : vector<16xi32>
      %swap3A_1643 = arith.constant 1 : i32
      %swap3A_1644 = arith.index_cast %swap3A_1643 : i32 to index
      %swap3A_1645 = arith.constant 112 : index
      %swap3A_1646 = tpu.vector_load %arg9[%swap3A_1644, %swap3A_1645] {strides = array<i32>} : memref<5x128xi32, #tpu.memory_space<vmem>>, vector<1x16xi32>,
      %swap3A_1647 = vector.shape_cast %swap3A_1646 : vector<1x16xi32> to vector<16xi32>
      %swap3A_1648 = vector.shape_cast %min3A_1642 : vector<16xi32> to vector<1x16xi32>
      tpu.vector_store %arg9[%swap3A_1644, %swap3A_1645], %swap3A_1648 {strides = array<i32>} : memref<5x128xi32, #tpu.memory_space<vmem>>, vector<1x16xi32>,
      %ge3A_1649 = arith.constant 100000 : i32
      %ge3A_1650 = vector.broadcast %ge3A_1649 : i32 to vector<16xi32>
      %ge3A_1651 = arith.cmpi sge, %get3A_1639, %ge3A_1650 : vector<16xi32>
      %sub3A_1652 = arith.constant 100000 : i32
      %sub3A_1653 = vector.broadcast %sub3A_1652 : i32 to vector<16xi32>
      %sub3A_1654 = arith.subi %get3A_1639, %sub3A_1653 : vector<16xi32>
      %select_n3A_1655 = arith.select %ge3A_1651, %sub3A_1654, %broadcast_in_dim3A_1261 : vector<16xi1>, vector<16xi32>
      %swap3A_1656 = arith.constant 1 : i32
      %swap3A_1657 = arith.index_cast %swap3A_1656 : i32 to index
      %swap3A_1658 = arith.constant 112 : index
      %swap3A_1659 = tpu.vector_load %arg11[%swap3A_1657, %swap3A_1658] {strides = array<i32>} : memref<5x128xi32, #tpu.memory_space<vmem>>, vector<1x16xi32>,
      %swap3A_1660 = vector.shape_cast %swap3A_1659 : vector<1x16xi32> to vector<16xi32>
      %swap3A_1661 = vector.shape_cast %select_n3A_1655 : vector<16xi32> to vector<1x16xi32>
      tpu.vector_store %arg11[%swap3A_1657, %swap3A_1658], %swap3A_1661 {strides = array<i32>} : memref<5x128xi32, #tpu.memory_space<vmem>>, vector<1x16xi32>,
      %get3A_1662 = arith.constant 256 : index
      %get3A_1663 = tpu.vector_load %arg7[%get3A_1662] {strides = array<i32>} : memref<640xi32, #tpu.memory_space<vmem>>, vector<16xi32>,
      %get3A_1664 = vector.shape_cast %get3A_1663 : vector<16xi32> to vector<16xi32>
      %min3A_1665 = arith.constant 99999 : i32
      %min3A_1666 = vector.broadcast %min3A_1665 : i32 to vector<16xi32>
      %min3A_1667 = arith.minsi %get3A_1664, %min3A_1666 : vector<16xi32>
      %swap3A_1668 = arith.constant 2 : i32
      %swap3A_1669 = arith.index_cast %swap3A_1668 : i32 to index
      %swap3A_1670 = arith.constant 0 : index
      %swap3A_1671 = tpu.vector_load %arg9[%swap3A_1669, %swap3A_1670] {strides = array<i32>} : memref<5x128xi32, #tpu.memory_space<vmem>>, vector<1x16xi32>,
      %swap3A_1672 = vector.shape_cast %swap3A_1671 : vector<1x16xi32> to vector<16xi32>
      %swap3A_1673 = vector.shape_cast %min3A_1667 : vector<16xi32> to vector<1x16xi32>
      tpu.vector_store %arg9[%swap3A_1669, %swap3A_1670], %swap3A_1673 {strides = array<i32>} : memref<5x128xi32, #tpu.memory_space<vmem>>, vector<1x16xi32>,
      %ge3A_1674 = arith.constant 100000 : i32
      %ge3A_1675 = vector.broadcast %ge3A_1674 : i32 to vector<16xi32>
      %ge3A_1676 = arith.cmpi sge, %get3A_1664, %ge3A_1675 : vector<16xi32>
      %sub3A_1677 = arith.constant 100000 : i32
      %sub3A_1678 = vector.broadcast %sub3A_1677 : i32 to vector<16xi32>
      %sub3A_1679 = arith.subi %get3A_1664, %sub3A_1678 : vector<16xi32>
      %select_n3A_1680 = arith.select %ge3A_1676, %sub3A_1679, %broadcast_in_dim3A_1261 : vector<16xi1>, vector<16xi32>
      %swap3A_1681 = arith.constant 2 : i32
      %swap3A_1682 = arith.index_cast %swap3A_1681 : i32 to index
      %swap3A_1683 = arith.constant 0 : index
      %swap3A_1684 = tpu.vector_load %arg11[%swap3A_1682, %swap3A_1683] {strides = array<i32>} : memref<5x128xi32, #tpu.memory_space<vmem>>, vector<1x16xi32>,
      %swap3A_1685 = vector.shape_cast %swap3A_1684 : vector<1x16xi32> to vector<16xi32>
      %swap3A_1686 = vector.shape_cast %select_n3A_1680 : vector<16xi32> to vector<1x16xi32>
      tpu.vector_store %arg11[%swap3A_1682, %swap3A_1683], %swap3A_1686 {strides = array<i32>} : memref<5x128xi32, #tpu.memory_space<vmem>>, vector<1x16xi32>,
      %get3A_1687 = arith.constant 272 : index
      %get3A_1688 = tpu.vector_load %arg7[%get3A_1687] {strides = array<i32>} : memref<640xi32, #tpu.memory_space<vmem>>, vector<16xi32>,
      %get3A_1689 = vector.shape_cast %get3A_1688 : vector<16xi32> to vector<16xi32>
      %min3A_1690 = arith.constant 99999 : i32
      %min3A_1691 = vector.broadcast %min3A_1690 : i32 to vector<16xi32>
      %min3A_1692 = arith.minsi %get3A_1689, %min3A_1691 : vector<16xi32>
      %swap3A_1693 = arith.constant 2 : i32
      %swap3A_1694 = arith.index_cast %swap3A_1693 : i32 to index
      %swap3A_1695 = arith.constant 16 : index
      %swap3A_1696 = tpu.vector_load %arg9[%swap3A_1694, %swap3A_1695] {strides = array<i32>} : memref<5x128xi32, #tpu.memory_space<vmem>>, vector<1x16xi32>,
      %swap3A_1697 = vector.shape_cast %swap3A_1696 : vector<1x16xi32> to vector<16xi32>
      %swap3A_1698 = vector.shape_cast %min3A_1692 : vector<16xi32> to vector<1x16xi32>
      tpu.vector_store %arg9[%swap3A_1694, %swap3A_1695], %swap3A_1698 {strides = array<i32>} : memref<5x128xi32, #tpu.memory_space<vmem>>, vector<1x16xi32>,
      %ge3A_1699 = arith.constant 100000 : i32
      %ge3A_1700 = vector.broadcast %ge3A_1699 : i32 to vector<16xi32>
      %ge3A_1701 = arith.cmpi sge, %get3A_1689, %ge3A_1700 : vector<16xi32>
      %sub3A_1702 = arith.constant 100000 : i32
      %sub3A_1703 = vector.broadcast %sub3A_1702 : i32 to vector<16xi32>
      %sub3A_1704 = arith.subi %get3A_1689, %sub3A_1703 : vector<16xi32>
      %select_n3A_1705 = arith.select %ge3A_1701, %sub3A_1704, %broadcast_in_dim3A_1261 : vector<16xi1>, vector<16xi32>
      %swap3A_1706 = arith.constant 2 : i32
      %swap3A_1707 = arith.index_cast %swap3A_1706 : i32 to index
      %swap3A_1708 = arith.constant 16 : index
      %swap3A_1709 = tpu.vector_load %arg11[%swap3A_1707, %swap3A_1708] {strides = array<i32>} : memref<5x128xi32, #tpu.memory_space<vmem>>, vector<1x16xi32>,
      %swap3A_1710 = vector.shape_cast %swap3A_1709 : vector<1x16xi32> to vector<16xi32>
      %swap3A_1711 = vector.shape_cast %select_n3A_1705 : vector<16xi32> to vector<1x16xi32>
      tpu.vector_store %arg11[%swap3A_1707, %swap3A_1708], %swap3A_1711 {strides = array<i32>} : memref<5x128xi32, #tpu.memory_space<vmem>>, vector<1x16xi32>,
      %get3A_1712 = arith.constant 288 : index
      %get3A_1713 = tpu.vector_load %arg7[%get3A_1712] {strides = array<i32>} : memref<640xi32, #tpu.memory_space<vmem>>, vector<16xi32>,
      %get3A_1714 = vector.shape_cast %get3A_1713 : vector<16xi32> to vector<16xi32>
      %min3A_1715 = arith.constant 99999 : i32
      %min3A_1716 = vector.broadcast %min3A_1715 : i32 to vector<16xi32>
      %min3A_1717 = arith.minsi %get3A_1714, %min3A_1716 : vector<16xi32>
      %swap3A_1718 = arith.constant 2 : i32
      %swap3A_1719 = arith.index_cast %swap3A_1718 : i32 to index
      %swap3A_1720 = arith.constant 32 : index
      %swap3A_1721 = tpu.vector_load %arg9[%swap3A_1719, %swap3A_1720] {strides = array<i32>} : memref<5x128xi32, #tpu.memory_space<vmem>>, vector<1x16xi32>,
      %swap3A_1722 = vector.shape_cast %swap3A_1721 : vector<1x16xi32> to vector<16xi32>
      %swap3A_1723 = vector.shape_cast %min3A_1717 : vector<16xi32> to vector<1x16xi32>
      tpu.vector_store %arg9[%swap3A_1719, %swap3A_1720], %swap3A_1723 {strides = array<i32>} : memref<5x128xi32, #tpu.memory_space<vmem>>, vector<1x16xi32>,
      %ge3A_1724 = arith.constant 100000 : i32
      %ge3A_1725 = vector.broadcast %ge3A_1724 : i32 to vector<16xi32>
      %ge3A_1726 = arith.cmpi sge, %get3A_1714, %ge3A_1725 : vector<16xi32>
      %sub3A_1727 = arith.constant 100000 : i32
      %sub3A_1728 = vector.broadcast %sub3A_1727 : i32 to vector<16xi32>
      %sub3A_1729 = arith.subi %get3A_1714, %sub3A_1728 : vector<16xi32>
      %select_n3A_1730 = arith.select %ge3A_1726, %sub3A_1729, %broadcast_in_dim3A_1261 : vector<16xi1>, vector<16xi32>
      %swap3A_1731 = arith.constant 2 : i32
      %swap3A_1732 = arith.index_cast %swap3A_1731 : i32 to index
      %swap3A_1733 = arith.constant 32 : index
      %swap3A_1734 = tpu.vector_load %arg11[%swap3A_1732, %swap3A_1733] {strides = array<i32>} : memref<5x128xi32, #tpu.memory_space<vmem>>, vector<1x16xi32>,
      %swap3A_1735 = vector.shape_cast %swap3A_1734 : vector<1x16xi32> to vector<16xi32>
      %swap3A_1736 = vector.shape_cast %select_n3A_1730 : vector<16xi32> to vector<1x16xi32>
      tpu.vector_store %arg11[%swap3A_1732, %swap3A_1733], %swap3A_1736 {strides = array<i32>} : memref<5x128xi32, #tpu.memory_space<vmem>>, vector<1x16xi32>,
      %get3A_1737 = arith.constant 304 : index
      %get3A_1738 = tpu.vector_load %arg7[%get3A_1737] {strides = array<i32>} : memref<640xi32, #tpu.memory_space<vmem>>, vector<16xi32>,
      %get3A_1739 = vector.shape_cast %get3A_1738 : vector<16xi32> to vector<16xi32>
      %min3A_1740 = arith.constant 99999 : i32
      %min3A_1741 = vector.broadcast %min3A_1740 : i32 to vector<16xi32>
      %min3A_1742 = arith.minsi %get3A_1739, %min3A_1741 : vector<16xi32>
      %swap3A_1743 = arith.constant 2 : i32
      %swap3A_1744 = arith.index_cast %swap3A_1743 : i32 to index
      %swap3A_1745 = arith.constant 48 : index
      %swap3A_1746 = tpu.vector_load %arg9[%swap3A_1744, %swap3A_1745] {strides = array<i32>} : memref<5x128xi32, #tpu.memory_space<vmem>>, vector<1x16xi32>,
      %swap3A_1747 = vector.shape_cast %swap3A_1746 : vector<1x16xi32> to vector<16xi32>
      %swap3A_1748 = vector.shape_cast %min3A_1742 : vector<16xi32> to vector<1x16xi32>
      tpu.vector_store %arg9[%swap3A_1744, %swap3A_1745], %swap3A_1748 {strides = array<i32>} : memref<5x128xi32, #tpu.memory_space<vmem>>, vector<1x16xi32>,
      %ge3A_1749 = arith.constant 100000 : i32
      %ge3A_1750 = vector.broadcast %ge3A_1749 : i32 to vector<16xi32>
      %ge3A_1751 = arith.cmpi sge, %get3A_1739, %ge3A_1750 : vector<16xi32>
      %sub3A_1752 = arith.constant 100000 : i32
      %sub3A_1753 = vector.broadcast %sub3A_1752 : i32 to vector<16xi32>
      %sub3A_1754 = arith.subi %get3A_1739, %sub3A_1753 : vector<16xi32>
      %select_n3A_1755 = arith.select %ge3A_1751, %sub3A_1754, %broadcast_in_dim3A_1261 : vector<16xi1>, vector<16xi32>
      %swap3A_1756 = arith.constant 2 : i32
      %swap3A_1757 = arith.index_cast %swap3A_1756 : i32 to index
      %swap3A_1758 = arith.constant 48 : index
      %swap3A_1759 = tpu.vector_load %arg11[%swap3A_1757, %swap3A_1758] {strides = array<i32>} : memref<5x128xi32, #tpu.memory_space<vmem>>, vector<1x16xi32>,
      %swap3A_1760 = vector.shape_cast %swap3A_1759 : vector<1x16xi32> to vector<16xi32>
      %swap3A_1761 = vector.shape_cast %select_n3A_1755 : vector<16xi32> to vector<1x16xi32>
      tpu.vector_store %arg11[%swap3A_1757, %swap3A_1758], %swap3A_1761 {strides = array<i32>} : memref<5x128xi32, #tpu.memory_space<vmem>>, vector<1x16xi32>,
      %get3A_1762 = arith.constant 320 : index
      %get3A_1763 = tpu.vector_load %arg7[%get3A_1762] {strides = array<i32>} : memref<640xi32, #tpu.memory_space<vmem>>, vector<16xi32>,
      %get3A_1764 = vector.shape_cast %get3A_1763 : vector<16xi32> to vector<16xi32>
      %min3A_1765 = arith.constant 99999 : i32
      %min3A_1766 = vector.broadcast %min3A_1765 : i32 to vector<16xi32>
      %min3A_1767 = arith.minsi %get3A_1764, %min3A_1766 : vector<16xi32>
      %swap3A_1768 = arith.constant 2 : i32
      %swap3A_1769 = arith.index_cast %swap3A_1768 : i32 to index
      %swap3A_1770 = arith.constant 64 : index
      %swap3A_1771 = tpu.vector_load %arg9[%swap3A_1769, %swap3A_1770] {strides = array<i32>} : memref<5x128xi32, #tpu.memory_space<vmem>>, vector<1x16xi32>,
      %swap3A_1772 = vector.shape_cast %swap3A_1771 : vector<1x16xi32> to vector<16xi32>
      %swap3A_1773 = vector.shape_cast %min3A_1767 : vector<16xi32> to vector<1x16xi32>
      tpu.vector_store %arg9[%swap3A_1769, %swap3A_1770], %swap3A_1773 {strides = array<i32>} : memref<5x128xi32, #tpu.memory_space<vmem>>, vector<1x16xi32>,
      %ge3A_1774 = arith.constant 100000 : i32
      %ge3A_1775 = vector.broadcast %ge3A_1774 : i32 to vector<16xi32>
      %ge3A_1776 = arith.cmpi sge, %get3A_1764, %ge3A_1775 : vector<16xi32>
      %sub3A_1777 = arith.constant 100000 : i32
      %sub3A_1778 = vector.broadcast %sub3A_1777 : i32 to vector<16xi32>
      %sub3A_1779 = arith.subi %get3A_1764, %sub3A_1778 : vector<16xi32>
      %select_n3A_1780 = arith.select %ge3A_1776, %sub3A_1779, %broadcast_in_dim3A_1261 : vector<16xi1>, vector<16xi32>
      %swap3A_1781 = arith.constant 2 : i32
      %swap3A_1782 = arith.index_cast %swap3A_1781 : i32 to index
      %swap3A_1783 = arith.constant 64 : index
      %swap3A_1784 = tpu.vector_load %arg11[%swap3A_1782, %swap3A_1783] {strides = array<i32>} : memref<5x128xi32, #tpu.memory_space<vmem>>, vector<1x16xi32>,
      %swap3A_1785 = vector.shape_cast %swap3A_1784 : vector<1x16xi32> to vector<16xi32>
      %swap3A_1786 = vector.shape_cast %select_n3A_1780 : vector<16xi32> to vector<1x16xi32>
      tpu.vector_store %arg11[%swap3A_1782, %swap3A_1783], %swap3A_1786 {strides = array<i32>} : memref<5x128xi32, #tpu.memory_space<vmem>>, vector<1x16xi32>,
      %get3A_1787 = arith.constant 336 : index
      %get3A_1788 = tpu.vector_load %arg7[%get3A_1787] {strides = array<i32>} : memref<640xi32, #tpu.memory_space<vmem>>, vector<16xi32>,
      %get3A_1789 = vector.shape_cast %get3A_1788 : vector<16xi32> to vector<16xi32>
      %min3A_1790 = arith.constant 99999 : i32
      %min3A_1791 = vector.broadcast %min3A_1790 : i32 to vector<16xi32>
      %min3A_1792 = arith.minsi %get3A_1789, %min3A_1791 : vector<16xi32>
      %swap3A_1793 = arith.constant 2 : i32
      %swap3A_1794 = arith.index_cast %swap3A_1793 : i32 to index
      %swap3A_1795 = arith.constant 80 : index
      %swap3A_1796 = tpu.vector_load %arg9[%swap3A_1794, %swap3A_1795] {strides = array<i32>} : memref<5x128xi32, #tpu.memory_space<vmem>>, vector<1x16xi32>,
      %swap3A_1797 = vector.shape_cast %swap3A_1796 : vector<1x16xi32> to vector<16xi32>
      %swap3A_1798 = vector.shape_cast %min3A_1792 : vector<16xi32> to vector<1x16xi32>
      tpu.vector_store %arg9[%swap3A_1794, %swap3A_1795], %swap3A_1798 {strides = array<i32>} : memref<5x128xi32, #tpu.memory_space<vmem>>, vector<1x16xi32>,
      %ge3A_1799 = arith.constant 100000 : i32
      %ge3A_1800 = vector.broadcast %ge3A_1799 : i32 to vector<16xi32>
      %ge3A_1801 = arith.cmpi sge, %get3A_1789, %ge3A_1800 : vector<16xi32>
      %sub3A_1802 = arith.constant 100000 : i32
      %sub3A_1803 = vector.broadcast %sub3A_1802 : i32 to vector<16xi32>
      %sub3A_1804 = arith.subi %get3A_1789, %sub3A_1803 : vector<16xi32>
      %select_n3A_1805 = arith.select %ge3A_1801, %sub3A_1804, %broadcast_in_dim3A_1261 : vector<16xi1>, vector<16xi32>
      %swap3A_1806 = arith.constant 2 : i32
      %swap3A_1807 = arith.index_cast %swap3A_1806 : i32 to index
      %swap3A_1808 = arith.constant 80 : index
      %swap3A_1809 = tpu.vector_load %arg11[%swap3A_1807, %swap3A_1808] {strides = array<i32>} : memref<5x128xi32, #tpu.memory_space<vmem>>, vector<1x16xi32>,
      %swap3A_1810 = vector.shape_cast %swap3A_1809 : vector<1x16xi32> to vector<16xi32>
      %swap3A_1811 = vector.shape_cast %select_n3A_1805 : vector<16xi32> to vector<1x16xi32>
      tpu.vector_store %arg11[%swap3A_1807, %swap3A_1808], %swap3A_1811 {strides = array<i32>} : memref<5x128xi32, #tpu.memory_space<vmem>>, vector<1x16xi32>,
      %get3A_1812 = arith.constant 352 : index
      %get3A_1813 = tpu.vector_load %arg7[%get3A_1812] {strides = array<i32>} : memref<640xi32, #tpu.memory_space<vmem>>, vector<16xi32>,
      %get3A_1814 = vector.shape_cast %get3A_1813 : vector<16xi32> to vector<16xi32>
      %min3A_1815 = arith.constant 99999 : i32
      %min3A_1816 = vector.broadcast %min3A_1815 : i32 to vector<16xi32>
      %min3A_1817 = arith.minsi %get3A_1814, %min3A_1816 : vector<16xi32>
      %swap3A_1818 = arith.constant 2 : i32
      %swap3A_1819 = arith.index_cast %swap3A_1818 : i32 to index
      %swap3A_1820 = arith.constant 96 : index
      %swap3A_1821 = tpu.vector_load %arg9[%swap3A_1819, %swap3A_1820] {strides = array<i32>} : memref<5x128xi32, #tpu.memory_space<vmem>>, vector<1x16xi32>,
      %swap3A_1822 = vector.shape_cast %swap3A_1821 : vector<1x16xi32> to vector<16xi32>
      %swap3A_1823 = vector.shape_cast %min3A_1817 : vector<16xi32> to vector<1x16xi32>
      tpu.vector_store %arg9[%swap3A_1819, %swap3A_1820], %swap3A_1823 {strides = array<i32>} : memref<5x128xi32, #tpu.memory_space<vmem>>, vector<1x16xi32>,
      %ge3A_1824 = arith.constant 100000 : i32
      %ge3A_1825 = vector.broadcast %ge3A_1824 : i32 to vector<16xi32>
      %ge3A_1826 = arith.cmpi sge, %get3A_1814, %ge3A_1825 : vector<16xi32>
      %sub3A_1827 = arith.constant 100000 : i32
      %sub3A_1828 = vector.broadcast %sub3A_1827 : i32 to vector<16xi32>
      %sub3A_1829 = arith.subi %get3A_1814, %sub3A_1828 : vector<16xi32>
      %select_n3A_1830 = arith.select %ge3A_1826, %sub3A_1829, %broadcast_in_dim3A_1261 : vector<16xi1>, vector<16xi32>
      %swap3A_1831 = arith.constant 2 : i32
      %swap3A_1832 = arith.index_cast %swap3A_1831 : i32 to index
      %swap3A_1833 = arith.constant 96 : index
      %swap3A_1834 = tpu.vector_load %arg11[%swap3A_1832, %swap3A_1833] {strides = array<i32>} : memref<5x128xi32, #tpu.memory_space<vmem>>, vector<1x16xi32>,
      %swap3A_1835 = vector.shape_cast %swap3A_1834 : vector<1x16xi32> to vector<16xi32>
      %swap3A_1836 = vector.shape_cast %select_n3A_1830 : vector<16xi32> to vector<1x16xi32>
      tpu.vector_store %arg11[%swap3A_1832, %swap3A_1833], %swap3A_1836 {strides = array<i32>} : memref<5x128xi32, #tpu.memory_space<vmem>>, vector<1x16xi32>,
      %get3A_1837 = arith.constant 368 : index
      %get3A_1838 = tpu.vector_load %arg7[%get3A_1837] {strides = array<i32>} : memref<640xi32, #tpu.memory_space<vmem>>, vector<16xi32>,
      %get3A_1839 = vector.shape_cast %get3A_1838 : vector<16xi32> to vector<16xi32>
      %min3A_1840 = arith.constant 99999 : i32
      %min3A_1841 = vector.broadcast %min3A_1840 : i32 to vector<16xi32>
      %min3A_1842 = arith.minsi %get3A_1839, %min3A_1841 : vector<16xi32>
      %swap3A_1843 = arith.constant 2 : i32
      %swap3A_1844 = arith.index_cast %swap3A_1843 : i32 to index
      %swap3A_1845 = arith.constant 112 : index
      %swap3A_1846 = tpu.vector_load %arg9[%swap3A_1844, %swap3A_1845] {strides = array<i32>} : memref<5x128xi32, #tpu.memory_space<vmem>>, vector<1x16xi32>,
      %swap3A_1847 = vector.shape_cast %swap3A_1846 : vector<1x16xi32> to vector<16xi32>
      %swap3A_1848 = vector.shape_cast %min3A_1842 : vector<16xi32> to vector<1x16xi32>
      tpu.vector_store %arg9[%swap3A_1844, %swap3A_1845], %swap3A_1848 {strides = array<i32>} : memref<5x128xi32, #tpu.memory_space<vmem>>, vector<1x16xi32>,
      %ge3A_1849 = arith.constant 100000 : i32
      %ge3A_1850 = vector.broadcast %ge3A_1849 : i32 to vector<16xi32>
      %ge3A_1851 = arith.cmpi sge, %get3A_1839, %ge3A_1850 : vector<16xi32>
      %sub3A_1852 = arith.constant 100000 : i32
      %sub3A_1853 = vector.broadcast %sub3A_1852 : i32 to vector<16xi32>
      %sub3A_1854 = arith.subi %get3A_1839, %sub3A_1853 : vector<16xi32>
      %select_n3A_1855 = arith.select %ge3A_1851, %sub3A_1854, %broadcast_in_dim3A_1261 : vector<16xi1>, vector<16xi32>
      %swap3A_1856 = arith.constant 2 : i32
      %swap3A_1857 = arith.index_cast %swap3A_1856 : i32 to index
      %swap3A_1858 = arith.constant 112 : index
      %swap3A_1859 = tpu.vector_load %arg11[%swap3A_1857, %swap3A_1858] {strides = array<i32>} : memref<5x128xi32, #tpu.memory_space<vmem>>, vector<1x16xi32>,
      %swap3A_1860 = vector.shape_cast %swap3A_1859 : vector<1x16xi32> to vector<16xi32>
      %swap3A_1861 = vector.shape_cast %select_n3A_1855 : vector<16xi32> to vector<1x16xi32>
      tpu.vector_store %arg11[%swap3A_1857, %swap3A_1858], %swap3A_1861 {strides = array<i32>} : memref<5x128xi32, #tpu.memory_space<vmem>>, vector<1x16xi32>,
      %get3A_1862 = arith.constant 384 : index
      %get3A_1863 = tpu.vector_load %arg7[%get3A_1862] {strides = array<i32>} : memref<640xi32, #tpu.memory_space<vmem>>, vector<16xi32>,
      %get3A_1864 = vector.shape_cast %get3A_1863 : vector<16xi32> to vector<16xi32>
      %min3A_1865 = arith.constant 99999 : i32
      %min3A_1866 = vector.broadcast %min3A_1865 : i32 to vector<16xi32>
      %min3A_1867 = arith.minsi %get3A_1864, %min3A_1866 : vector<16xi32>
      %swap3A_1868 = arith.constant 3 : i32
      %swap3A_1869 = arith.index_cast %swap3A_1868 : i32 to index
      %swap3A_1870 = arith.constant 0 : index
      %swap3A_1871 = tpu.vector_load %arg9[%swap3A_1869, %swap3A_1870] {strides = array<i32>} : memref<5x128xi32, #tpu.memory_space<vmem>>, vector<1x16xi32>,
      %swap3A_1872 = vector.shape_cast %swap3A_1871 : vector<1x16xi32> to vector<16xi32>
      %swap3A_1873 = vector.shape_cast %min3A_1867 : vector<16xi32> to vector<1x16xi32>
      tpu.vector_store %arg9[%swap3A_1869, %swap3A_1870], %swap3A_1873 {strides = array<i32>} : memref<5x128xi32, #tpu.memory_space<vmem>>, vector<1x16xi32>,
      %ge3A_1874 = arith.constant 100000 : i32
      %ge3A_1875 = vector.broadcast %ge3A_1874 : i32 to vector<16xi32>
      %ge3A_1876 = arith.cmpi sge, %get3A_1864, %ge3A_1875 : vector<16xi32>
      %sub3A_1877 = arith.constant 100000 : i32
      %sub3A_1878 = vector.broadcast %sub3A_1877 : i32 to vector<16xi32>
      %sub3A_1879 = arith.subi %get3A_1864, %sub3A_1878 : vector<16xi32>
      %select_n3A_1880 = arith.select %ge3A_1876, %sub3A_1879, %broadcast_in_dim3A_1261 : vector<16xi1>, vector<16xi32>
      %swap3A_1881 = arith.constant 3 : i32
      %swap3A_1882 = arith.index_cast %swap3A_1881 : i32 to index
      %swap3A_1883 = arith.constant 0 : index
      %swap3A_1884 = tpu.vector_load %arg11[%swap3A_1882, %swap3A_1883] {strides = array<i32>} : memref<5x128xi32, #tpu.memory_space<vmem>>, vector<1x16xi32>,
      %swap3A_1885 = vector.shape_cast %swap3A_1884 : vector<1x16xi32> to vector<16xi32>
      %swap3A_1886 = vector.shape_cast %select_n3A_1880 : vector<16xi32> to vector<1x16xi32>
      tpu.vector_store %arg11[%swap3A_1882, %swap3A_1883], %swap3A_1886 {strides = array<i32>} : memref<5x128xi32, #tpu.memory_space<vmem>>, vector<1x16xi32>,
      %get3A_1887 = arith.constant 400 : index
      %get3A_1888 = tpu.vector_load %arg7[%get3A_1887] {strides = array<i32>} : memref<640xi32, #tpu.memory_space<vmem>>, vector<16xi32>,
      %get3A_1889 = vector.shape_cast %get3A_1888 : vector<16xi32> to vector<16xi32>
      %min3A_1890 = arith.constant 99999 : i32
      %min3A_1891 = vector.broadcast %min3A_1890 : i32 to vector<16xi32>
      %min3A_1892 = arith.minsi %get3A_1889, %min3A_1891 : vector<16xi32>
      %swap3A_1893 = arith.constant 3 : i32
      %swap3A_1894 = arith.index_cast %swap3A_1893 : i32 to index
      %swap3A_1895 = arith.constant 16 : index
      %swap3A_1896 = tpu.vector_load %arg9[%swap3A_1894, %swap3A_1895] {strides = array<i32>} : memref<5x128xi32, #tpu.memory_space<vmem>>, vector<1x16xi32>,
      %swap3A_1897 = vector.shape_cast %swap3A_1896 : vector<1x16xi32> to vector<16xi32>
      %swap3A_1898 = vector.shape_cast %min3A_1892 : vector<16xi32> to vector<1x16xi32>
      tpu.vector_store %arg9[%swap3A_1894, %swap3A_1895], %swap3A_1898 {strides = array<i32>} : memref<5x128xi32, #tpu.memory_space<vmem>>, vector<1x16xi32>,
      %ge3A_1899 = arith.constant 100000 : i32
      %ge3A_1900 = vector.broadcast %ge3A_1899 : i32 to vector<16xi32>
      %ge3A_1901 = arith.cmpi sge, %get3A_1889, %ge3A_1900 : vector<16xi32>
      %sub3A_1902 = arith.constant 100000 : i32
      %sub3A_1903 = vector.broadcast %sub3A_1902 : i32 to vector<16xi32>
      %sub3A_1904 = arith.subi %get3A_1889, %sub3A_1903 : vector<16xi32>
      %select_n3A_1905 = arith.select %ge3A_1901, %sub3A_1904, %broadcast_in_dim3A_1261 : vector<16xi1>, vector<16xi32>
      %swap3A_1906 = arith.constant 3 : i32
      %swap3A_1907 = arith.index_cast %swap3A_1906 : i32 to index
      %swap3A_1908 = arith.constant 16 : index
      %swap3A_1909 = tpu.vector_load %arg11[%swap3A_1907, %swap3A_1908] {strides = array<i32>} : memref<5x128xi32, #tpu.memory_space<vmem>>, vector<1x16xi32>,
      %swap3A_1910 = vector.shape_cast %swap3A_1909 : vector<1x16xi32> to vector<16xi32>
      %swap3A_1911 = vector.shape_cast %select_n3A_1905 : vector<16xi32> to vector<1x16xi32>
      tpu.vector_store %arg11[%swap3A_1907, %swap3A_1908], %swap3A_1911 {strides = array<i32>} : memref<5x128xi32, #tpu.memory_space<vmem>>, vector<1x16xi32>,
      %get3A_1912 = arith.constant 416 : index
      %get3A_1913 = tpu.vector_load %arg7[%get3A_1912] {strides = array<i32>} : memref<640xi32, #tpu.memory_space<vmem>>, vector<16xi32>,
      %get3A_1914 = vector.shape_cast %get3A_1913 : vector<16xi32> to vector<16xi32>
      %min3A_1915 = arith.constant 99999 : i32
      %min3A_1916 = vector.broadcast %min3A_1915 : i32 to vector<16xi32>
      %min3A_1917 = arith.minsi %get3A_1914, %min3A_1916 : vector<16xi32>
      %swap3A_1918 = arith.constant 3 : i32
      %swap3A_1919 = arith.index_cast %swap3A_1918 : i32 to index
      %swap3A_1920 = arith.constant 32 : index
      %swap3A_1921 = tpu.vector_load %arg9[%swap3A_1919, %swap3A_1920] {strides = array<i32>} : memref<5x128xi32, #tpu.memory_space<vmem>>, vector<1x16xi32>,
      %swap3A_1922 = vector.shape_cast %swap3A_1921 : vector<1x16xi32> to vector<16xi32>
      %swap3A_1923 = vector.shape_cast %min3A_1917 : vector<16xi32> to vector<1x16xi32>
      tpu.vector_store %arg9[%swap3A_1919, %swap3A_1920], %swap3A_1923 {strides = array<i32>} : memref<5x128xi32, #tpu.memory_space<vmem>>, vector<1x16xi32>,
      %ge3A_1924 = arith.constant 100000 : i32
      %ge3A_1925 = vector.broadcast %ge3A_1924 : i32 to vector<16xi32>
      %ge3A_1926 = arith.cmpi sge, %get3A_1914, %ge3A_1925 : vector<16xi32>
      %sub3A_1927 = arith.constant 100000 : i32
      %sub3A_1928 = vector.broadcast %sub3A_1927 : i32 to vector<16xi32>
      %sub3A_1929 = arith.subi %get3A_1914, %sub3A_1928 : vector<16xi32>
      %select_n3A_1930 = arith.select %ge3A_1926, %sub3A_1929, %broadcast_in_dim3A_1261 : vector<16xi1>, vector<16xi32>
      %swap3A_1931 = arith.constant 3 : i32
      %swap3A_1932 = arith.index_cast %swap3A_1931 : i32 to index
      %swap3A_1933 = arith.constant 32 : index
      %swap3A_1934 = tpu.vector_load %arg11[%swap3A_1932, %swap3A_1933] {strides = array<i32>} : memref<5x128xi32, #tpu.memory_space<vmem>>, vector<1x16xi32>,
      %swap3A_1935 = vector.shape_cast %swap3A_1934 : vector<1x16xi32> to vector<16xi32>
      %swap3A_1936 = vector.shape_cast %select_n3A_1930 : vector<16xi32> to vector<1x16xi32>
      tpu.vector_store %arg11[%swap3A_1932, %swap3A_1933], %swap3A_1936 {strides = array<i32>} : memref<5x128xi32, #tpu.memory_space<vmem>>, vector<1x16xi32>,
      %get3A_1937 = arith.constant 432 : index
      %get3A_1938 = tpu.vector_load %arg7[%get3A_1937] {strides = array<i32>} : memref<640xi32, #tpu.memory_space<vmem>>, vector<16xi32>,
      %get3A_1939 = vector.shape_cast %get3A_1938 : vector<16xi32> to vector<16xi32>
      %min3A_1940 = arith.constant 99999 : i32
      %min3A_1941 = vector.broadcast %min3A_1940 : i32 to vector<16xi32>
      %min3A_1942 = arith.minsi %get3A_1939, %min3A_1941 : vector<16xi32>
      %swap3A_1943 = arith.constant 3 : i32
      %swap3A_1944 = arith.index_cast %swap3A_1943 : i32 to index
      %swap3A_1945 = arith.constant 48 : index
      %swap3A_1946 = tpu.vector_load %arg9[%swap3A_1944, %swap3A_1945] {strides = array<i32>} : memref<5x128xi32, #tpu.memory_space<vmem>>, vector<1x16xi32>,
      %swap3A_1947 = vector.shape_cast %swap3A_1946 : vector<1x16xi32> to vector<16xi32>
      %swap3A_1948 = vector.shape_cast %min3A_1942 : vector<16xi32> to vector<1x16xi32>
      tpu.vector_store %arg9[%swap3A_1944, %swap3A_1945], %swap3A_1948 {strides = array<i32>} : memref<5x128xi32, #tpu.memory_space<vmem>>, vector<1x16xi32>,
      %ge3A_1949 = arith.constant 100000 : i32
      %ge3A_1950 = vector.broadcast %ge3A_1949 : i32 to vector<16xi32>
      %ge3A_1951 = arith.cmpi sge, %get3A_1939, %ge3A_1950 : vector<16xi32>
      %sub3A_1952 = arith.constant 100000 : i32
      %sub3A_1953 = vector.broadcast %sub3A_1952 : i32 to vector<16xi32>
      %sub3A_1954 = arith.subi %get3A_1939, %sub3A_1953 : vector<16xi32>
      %select_n3A_1955 = arith.select %ge3A_1951, %sub3A_1954, %broadcast_in_dim3A_1261 : vector<16xi1>, vector<16xi32>
      %swap3A_1956 = arith.constant 3 : i32
      %swap3A_1957 = arith.index_cast %swap3A_1956 : i32 to index
      %swap3A_1958 = arith.constant 48 : index
      %swap3A_1959 = tpu.vector_load %arg11[%swap3A_1957, %swap3A_1958] {strides = array<i32>} : memref<5x128xi32, #tpu.memory_space<vmem>>, vector<1x16xi32>,
      %swap3A_1960 = vector.shape_cast %swap3A_1959 : vector<1x16xi32> to vector<16xi32>
      %swap3A_1961 = vector.shape_cast %select_n3A_1955 : vector<16xi32> to vector<1x16xi32>
      tpu.vector_store %arg11[%swap3A_1957, %swap3A_1958], %swap3A_1961 {strides = array<i32>} : memref<5x128xi32, #tpu.memory_space<vmem>>, vector<1x16xi32>,
      %get3A_1962 = arith.constant 448 : index
      %get3A_1963 = tpu.vector_load %arg7[%get3A_1962] {strides = array<i32>} : memref<640xi32, #tpu.memory_space<vmem>>, vector<16xi32>,
      %get3A_1964 = vector.shape_cast %get3A_1963 : vector<16xi32> to vector<16xi32>
      %min3A_1965 = arith.constant 99999 : i32
      %min3A_1966 = vector.broadcast %min3A_1965 : i32 to vector<16xi32>
      %min3A_1967 = arith.minsi %get3A_1964, %min3A_1966 : vector<16xi32>
      %swap3A_1968 = arith.constant 3 : i32
      %swap3A_1969 = arith.index_cast %swap3A_1968 : i32 to index
      %swap3A_1970 = arith.constant 64 : index
      %swap3A_1971 = tpu.vector_load %arg9[%swap3A_1969, %swap3A_1970] {strides = array<i32>} : memref<5x128xi32, #tpu.memory_space<vmem>>, vector<1x16xi32>,
      %swap3A_1972 = vector.shape_cast %swap3A_1971 : vector<1x16xi32> to vector<16xi32>
      %swap3A_1973 = vector.shape_cast %min3A_1967 : vector<16xi32> to vector<1x16xi32>
      tpu.vector_store %arg9[%swap3A_1969, %swap3A_1970], %swap3A_1973 {strides = array<i32>} : memref<5x128xi32, #tpu.memory_space<vmem>>, vector<1x16xi32>,
      %ge3A_1974 = arith.constant 100000 : i32
      %ge3A_1975 = vector.broadcast %ge3A_1974 : i32 to vector<16xi32>
      %ge3A_1976 = arith.cmpi sge, %get3A_1964, %ge3A_1975 : vector<16xi32>
      %sub3A_1977 = arith.constant 100000 : i32
      %sub3A_1978 = vector.broadcast %sub3A_1977 : i32 to vector<16xi32>
      %sub3A_1979 = arith.subi %get3A_1964, %sub3A_1978 : vector<16xi32>
      %select_n3A_1980 = arith.select %ge3A_1976, %sub3A_1979, %broadcast_in_dim3A_1261 : vector<16xi1>, vector<16xi32>
      %swap3A_1981 = arith.constant 3 : i32
      %swap3A_1982 = arith.index_cast %swap3A_1981 : i32 to index
      %swap3A_1983 = arith.constant 64 : index
      %swap3A_1984 = tpu.vector_load %arg11[%swap3A_1982, %swap3A_1983] {strides = array<i32>} : memref<5x128xi32, #tpu.memory_space<vmem>>, vector<1x16xi32>,
      %swap3A_1985 = vector.shape_cast %swap3A_1984 : vector<1x16xi32> to vector<16xi32>
      %swap3A_1986 = vector.shape_cast %select_n3A_1980 : vector<16xi32> to vector<1x16xi32>
      tpu.vector_store %arg11[%swap3A_1982, %swap3A_1983], %swap3A_1986 {strides = array<i32>} : memref<5x128xi32, #tpu.memory_space<vmem>>, vector<1x16xi32>,
      %get3A_1987 = arith.constant 464 : index
      %get3A_1988 = tpu.vector_load %arg7[%get3A_1987] {strides = array<i32>} : memref<640xi32, #tpu.memory_space<vmem>>, vector<16xi32>,
      %get3A_1989 = vector.shape_cast %get3A_1988 : vector<16xi32> to vector<16xi32>
      %min3A_1990 = arith.constant 99999 : i32
      %min3A_1991 = vector.broadcast %min3A_1990 : i32 to vector<16xi32>
      %min3A_1992 = arith.minsi %get3A_1989, %min3A_1991 : vector<16xi32>
      %swap3A_1993 = arith.constant 3 : i32
      %swap3A_1994 = arith.index_cast %swap3A_1993 : i32 to index
      %swap3A_1995 = arith.constant 80 : index
      %swap3A_1996 = tpu.vector_load %arg9[%swap3A_1994, %swap3A_1995] {strides = array<i32>} : memref<5x128xi32, #tpu.memory_space<vmem>>, vector<1x16xi32>,
      %swap3A_1997 = vector.shape_cast %swap3A_1996 : vector<1x16xi32> to vector<16xi32>
      %swap3A_1998 = vector.shape_cast %min3A_1992 : vector<16xi32> to vector<1x16xi32>
      tpu.vector_store %arg9[%swap3A_1994, %swap3A_1995], %swap3A_1998 {strides = array<i32>} : memref<5x128xi32, #tpu.memory_space<vmem>>, vector<1x16xi32>,
      %ge3A_1999 = arith.constant 100000 : i32
      %ge3A_2000 = vector.broadcast %ge3A_1999 : i32 to vector<16xi32>
      %ge3A_2001 = arith.cmpi sge, %get3A_1989, %ge3A_2000 : vector<16xi32>
      %sub3A_2002 = arith.constant 100000 : i32
      %sub3A_2003 = vector.broadcast %sub3A_2002 : i32 to vector<16xi32>
      %sub3A_2004 = arith.subi %get3A_1989, %sub3A_2003 : vector<16xi32>
      %select_n3A_2005 = arith.select %ge3A_2001, %sub3A_2004, %broadcast_in_dim3A_1261 : vector<16xi1>, vector<16xi32>
      %swap3A_2006 = arith.constant 3 : i32
      %swap3A_2007 = arith.index_cast %swap3A_2006 : i32 to index
      %swap3A_2008 = arith.constant 80 : index
      %swap3A_2009 = tpu.vector_load %arg11[%swap3A_2007, %swap3A_2008] {strides = array<i32>} : memref<5x128xi32, #tpu.memory_space<vmem>>, vector<1x16xi32>,
      %swap3A_2010 = vector.shape_cast %swap3A_2009 : vector<1x16xi32> to vector<16xi32>
      %swap3A_2011 = vector.shape_cast %select_n3A_2005 : vector<16xi32> to vector<1x16xi32>
      tpu.vector_store %arg11[%swap3A_2007, %swap3A_2008], %swap3A_2011 {strides = array<i32>} : memref<5x128xi32, #tpu.memory_space<vmem>>, vector<1x16xi32>,
      %get3A_2012 = arith.constant 480 : index
      %get3A_2013 = tpu.vector_load %arg7[%get3A_2012] {strides = array<i32>} : memref<640xi32, #tpu.memory_space<vmem>>, vector<16xi32>,
      %get3A_2014 = vector.shape_cast %get3A_2013 : vector<16xi32> to vector<16xi32>
      %min3A_2015 = arith.constant 99999 : i32
      %min3A_2016 = vector.broadcast %min3A_2015 : i32 to vector<16xi32>
      %min3A_2017 = arith.minsi %get3A_2014, %min3A_2016 : vector<16xi32>
      %swap3A_2018 = arith.constant 3 : i32
      %swap3A_2019 = arith.index_cast %swap3A_2018 : i32 to index
      %swap3A_2020 = arith.constant 96 : index
      %swap3A_2021 = tpu.vector_load %arg9[%swap3A_2019, %swap3A_2020] {strides = array<i32>} : memref<5x128xi32, #tpu.memory_space<vmem>>, vector<1x16xi32>,
      %swap3A_2022 = vector.shape_cast %swap3A_2021 : vector<1x16xi32> to vector<16xi32>
      %swap3A_2023 = vector.shape_cast %min3A_2017 : vector<16xi32> to vector<1x16xi32>
      tpu.vector_store %arg9[%swap3A_2019, %swap3A_2020], %swap3A_2023 {strides = array<i32>} : memref<5x128xi32, #tpu.memory_space<vmem>>, vector<1x16xi32>,
      %ge3A_2024 = arith.constant 100000 : i32
      %ge3A_2025 = vector.broadcast %ge3A_2024 : i32 to vector<16xi32>
      %ge3A_2026 = arith.cmpi sge, %get3A_2014, %ge3A_2025 : vector<16xi32>
      %sub3A_2027 = arith.constant 100000 : i32
      %sub3A_2028 = vector.broadcast %sub3A_2027 : i32 to vector<16xi32>
      %sub3A_2029 = arith.subi %get3A_2014, %sub3A_2028 : vector<16xi32>
      %select_n3A_2030 = arith.select %ge3A_2026, %sub3A_2029, %broadcast_in_dim3A_1261 : vector<16xi1>, vector<16xi32>
      %swap3A_2031 = arith.constant 3 : i32
      %swap3A_2032 = arith.index_cast %swap3A_2031 : i32 to index
      %swap3A_2033 = arith.constant 96 : index
      %swap3A_2034 = tpu.vector_load %arg11[%swap3A_2032, %swap3A_2033] {strides = array<i32>} : memref<5x128xi32, #tpu.memory_space<vmem>>, vector<1x16xi32>,
      %swap3A_2035 = vector.shape_cast %swap3A_2034 : vector<1x16xi32> to vector<16xi32>
      %swap3A_2036 = vector.shape_cast %select_n3A_2030 : vector<16xi32> to vector<1x16xi32>
      tpu.vector_store %arg11[%swap3A_2032, %swap3A_2033], %swap3A_2036 {strides = array<i32>} : memref<5x128xi32, #tpu.memory_space<vmem>>, vector<1x16xi32>,
      %get3A_2037 = arith.constant 496 : index
      %get3A_2038 = tpu.vector_load %arg7[%get3A_2037] {strides = array<i32>} : memref<640xi32, #tpu.memory_space<vmem>>, vector<16xi32>,
      %get3A_2039 = vector.shape_cast %get3A_2038 : vector<16xi32> to vector<16xi32>
      %min3A_2040 = arith.constant 99999 : i32
      %min3A_2041 = vector.broadcast %min3A_2040 : i32 to vector<16xi32>
      %min3A_2042 = arith.minsi %get3A_2039, %min3A_2041 : vector<16xi32>
      %swap3A_2043 = arith.constant 3 : i32
      %swap3A_2044 = arith.index_cast %swap3A_2043 : i32 to index
      %swap3A_2045 = arith.constant 112 : index
      %swap3A_2046 = tpu.vector_load %arg9[%swap3A_2044, %swap3A_2045] {strides = array<i32>} : memref<5x128xi32, #tpu.memory_space<vmem>>, vector<1x16xi32>,
      %swap3A_2047 = vector.shape_cast %swap3A_2046 : vector<1x16xi32> to vector<16xi32>
      %swap3A_2048 = vector.shape_cast %min3A_2042 : vector<16xi32> to vector<1x16xi32>
      tpu.vector_store %arg9[%swap3A_2044, %swap3A_2045], %swap3A_2048 {strides = array<i32>} : memref<5x128xi32, #tpu.memory_space<vmem>>, vector<1x16xi32>,
      %ge3A_2049 = arith.constant 100000 : i32
      %ge3A_2050 = vector.broadcast %ge3A_2049 : i32 to vector<16xi32>
      %ge3A_2051 = arith.cmpi sge, %get3A_2039, %ge3A_2050 : vector<16xi32>
      %sub3A_2052 = arith.constant 100000 : i32
      %sub3A_2053 = vector.broadcast %sub3A_2052 : i32 to vector<16xi32>
      %sub3A_2054 = arith.subi %get3A_2039, %sub3A_2053 : vector<16xi32>
      %select_n3A_2055 = arith.select %ge3A_2051, %sub3A_2054, %broadcast_in_dim3A_1261 : vector<16xi1>, vector<16xi32>
      %swap3A_2056 = arith.constant 3 : i32
      %swap3A_2057 = arith.index_cast %swap3A_2056 : i32 to index
      %swap3A_2058 = arith.constant 112 : index
      %swap3A_2059 = tpu.vector_load %arg11[%swap3A_2057, %swap3A_2058] {strides = array<i32>} : memref<5x128xi32, #tpu.memory_space<vmem>>, vector<1x16xi32>,
      %swap3A_2060 = vector.shape_cast %swap3A_2059 : vector<1x16xi32> to vector<16xi32>
      %swap3A_2061 = vector.shape_cast %select_n3A_2055 : vector<16xi32> to vector<1x16xi32>
      tpu.vector_store %arg11[%swap3A_2057, %swap3A_2058], %swap3A_2061 {strides = array<i32>} : memref<5x128xi32, #tpu.memory_space<vmem>>, vector<1x16xi32>,
      %get3A_2062 = arith.constant 512 : index
      %get3A_2063 = tpu.vector_load %arg7[%get3A_2062] {strides = array<i32>} : memref<640xi32, #tpu.memory_space<vmem>>, vector<16xi32>,
      %get3A_2064 = vector.shape_cast %get3A_2063 : vector<16xi32> to vector<16xi32>
      %min3A_2065 = arith.constant 99999 : i32
      %min3A_2066 = vector.broadcast %min3A_2065 : i32 to vector<16xi32>
      %min3A_2067 = arith.minsi %get3A_2064, %min3A_2066 : vector<16xi32>
      %swap3A_2068 = arith.constant 4 : i32
      %swap3A_2069 = arith.index_cast %swap3A_2068 : i32 to index
      %swap3A_2070 = arith.constant 0 : index
      %swap3A_2071 = tpu.vector_load %arg9[%swap3A_2069, %swap3A_2070] {strides = array<i32>} : memref<5x128xi32, #tpu.memory_space<vmem>>, vector<1x16xi32>,
      %swap3A_2072 = vector.shape_cast %swap3A_2071 : vector<1x16xi32> to vector<16xi32>
      %swap3A_2073 = vector.shape_cast %min3A_2067 : vector<16xi32> to vector<1x16xi32>
      tpu.vector_store %arg9[%swap3A_2069, %swap3A_2070], %swap3A_2073 {strides = array<i32>} : memref<5x128xi32, #tpu.memory_space<vmem>>, vector<1x16xi32>,
      %ge3A_2074 = arith.constant 100000 : i32
      %ge3A_2075 = vector.broadcast %ge3A_2074 : i32 to vector<16xi32>
      %ge3A_2076 = arith.cmpi sge, %get3A_2064, %ge3A_2075 : vector<16xi32>
      %sub3A_2077 = arith.constant 100000 : i32
      %sub3A_2078 = vector.broadcast %sub3A_2077 : i32 to vector<16xi32>
      %sub3A_2079 = arith.subi %get3A_2064, %sub3A_2078 : vector<16xi32>
      %select_n3A_2080 = arith.select %ge3A_2076, %sub3A_2079, %broadcast_in_dim3A_1261 : vector<16xi1>, vector<16xi32>
      %swap3A_2081 = arith.constant 4 : i32
      %swap3A_2082 = arith.index_cast %swap3A_2081 : i32 to index
      %swap3A_2083 = arith.constant 0 : index
      %swap3A_2084 = tpu.vector_load %arg11[%swap3A_2082, %swap3A_2083] {strides = array<i32>} : memref<5x128xi32, #tpu.memory_space<vmem>>, vector<1x16xi32>,
      %swap3A_2085 = vector.shape_cast %swap3A_2084 : vector<1x16xi32> to vector<16xi32>
      %swap3A_2086 = vector.shape_cast %select_n3A_2080 : vector<16xi32> to vector<1x16xi32>
      tpu.vector_store %arg11[%swap3A_2082, %swap3A_2083], %swap3A_2086 {strides = array<i32>} : memref<5x128xi32, #tpu.memory_space<vmem>>, vector<1x16xi32>,
      %get3A_2087 = arith.constant 528 : index
      %get3A_2088 = tpu.vector_load %arg7[%get3A_2087] {strides = array<i32>} : memref<640xi32, #tpu.memory_space<vmem>>, vector<16xi32>,
      %get3A_2089 = vector.shape_cast %get3A_2088 : vector<16xi32> to vector<16xi32>
      %min3A_2090 = arith.constant 99999 : i32
      %min3A_2091 = vector.broadcast %min3A_2090 : i32 to vector<16xi32>
      %min3A_2092 = arith.minsi %get3A_2089, %min3A_2091 : vector<16xi32>
      %swap3A_2093 = arith.constant 4 : i32
      %swap3A_2094 = arith.index_cast %swap3A_2093 : i32 to index
      %swap3A_2095 = arith.constant 16 : index
      %swap3A_2096 = tpu.vector_load %arg9[%swap3A_2094, %swap3A_2095] {strides = array<i32>} : memref<5x128xi32, #tpu.memory_space<vmem>>, vector<1x16xi32>,
      %swap3A_2097 = vector.shape_cast %swap3A_2096 : vector<1x16xi32> to vector<16xi32>
      %swap3A_2098 = vector.shape_cast %min3A_2092 : vector<16xi32> to vector<1x16xi32>
      tpu.vector_store %arg9[%swap3A_2094, %swap3A_2095], %swap3A_2098 {strides = array<i32>} : memref<5x128xi32, #tpu.memory_space<vmem>>, vector<1x16xi32>,
      %ge3A_2099 = arith.constant 100000 : i32
      %ge3A_2100 = vector.broadcast %ge3A_2099 : i32 to vector<16xi32>
      %ge3A_2101 = arith.cmpi sge, %get3A_2089, %ge3A_2100 : vector<16xi32>
      %sub3A_2102 = arith.constant 100000 : i32
      %sub3A_2103 = vector.broadcast %sub3A_2102 : i32 to vector<16xi32>
      %sub3A_2104 = arith.subi %get3A_2089, %sub3A_2103 : vector<16xi32>
      %select_n3A_2105 = arith.select %ge3A_2101, %sub3A_2104, %broadcast_in_dim3A_1261 : vector<16xi1>, vector<16xi32>
      %swap3A_2106 = arith.constant 4 : i32
      %swap3A_2107 = arith.index_cast %swap3A_2106 : i32 to index
      %swap3A_2108 = arith.constant 16 : index
      %swap3A_2109 = tpu.vector_load %arg11[%swap3A_2107, %swap3A_2108] {strides = array<i32>} : memref<5x128xi32, #tpu.memory_space<vmem>>, vector<1x16xi32>,
      %swap3A_2110 = vector.shape_cast %swap3A_2109 : vector<1x16xi32> to vector<16xi32>
      %swap3A_2111 = vector.shape_cast %select_n3A_2105 : vector<16xi32> to vector<1x16xi32>
      tpu.vector_store %arg11[%swap3A_2107, %swap3A_2108], %swap3A_2111 {strides = array<i32>} : memref<5x128xi32, #tpu.memory_space<vmem>>, vector<1x16xi32>,
      %get3A_2112 = arith.constant 544 : index
      %get3A_2113 = tpu.vector_load %arg7[%get3A_2112] {strides = array<i32>} : memref<640xi32, #tpu.memory_space<vmem>>, vector<16xi32>,
      %get3A_2114 = vector.shape_cast %get3A_2113 : vector<16xi32> to vector<16xi32>
      %min3A_2115 = arith.constant 99999 : i32
      %min3A_2116 = vector.broadcast %min3A_2115 : i32 to vector<16xi32>
      %min3A_2117 = arith.minsi %get3A_2114, %min3A_2116 : vector<16xi32>
      %swap3A_2118 = arith.constant 4 : i32
      %swap3A_2119 = arith.index_cast %swap3A_2118 : i32 to index
      %swap3A_2120 = arith.constant 32 : index
      %swap3A_2121 = tpu.vector_load %arg9[%swap3A_2119, %swap3A_2120] {strides = array<i32>} : memref<5x128xi32, #tpu.memory_space<vmem>>, vector<1x16xi32>,
      %swap3A_2122 = vector.shape_cast %swap3A_2121 : vector<1x16xi32> to vector<16xi32>
      %swap3A_2123 = vector.shape_cast %min3A_2117 : vector<16xi32> to vector<1x16xi32>
      tpu.vector_store %arg9[%swap3A_2119, %swap3A_2120], %swap3A_2123 {strides = array<i32>} : memref<5x128xi32, #tpu.memory_space<vmem>>, vector<1x16xi32>,
      %ge3A_2124 = arith.constant 100000 : i32
      %ge3A_2125 = vector.broadcast %ge3A_2124 : i32 to vector<16xi32>
      %ge3A_2126 = arith.cmpi sge, %get3A_2114, %ge3A_2125 : vector<16xi32>
      %sub3A_2127 = arith.constant 100000 : i32
      %sub3A_2128 = vector.broadcast %sub3A_2127 : i32 to vector<16xi32>
      %sub3A_2129 = arith.subi %get3A_2114, %sub3A_2128 : vector<16xi32>
      %select_n3A_2130 = arith.select %ge3A_2126, %sub3A_2129, %broadcast_in_dim3A_1261 : vector<16xi1>, vector<16xi32>
      %swap3A_2131 = arith.constant 4 : i32
      %swap3A_2132 = arith.index_cast %swap3A_2131 : i32 to index
      %swap3A_2133 = arith.constant 32 : index
      %swap3A_2134 = tpu.vector_load %arg11[%swap3A_2132, %swap3A_2133] {strides = array<i32>} : memref<5x128xi32, #tpu.memory_space<vmem>>, vector<1x16xi32>,
      %swap3A_2135 = vector.shape_cast %swap3A_2134 : vector<1x16xi32> to vector<16xi32>
      %swap3A_2136 = vector.shape_cast %select_n3A_2130 : vector<16xi32> to vector<1x16xi32>
      tpu.vector_store %arg11[%swap3A_2132, %swap3A_2133], %swap3A_2136 {strides = array<i32>} : memref<5x128xi32, #tpu.memory_space<vmem>>, vector<1x16xi32>,
      %get3A_2137 = arith.constant 560 : index
      %get3A_2138 = tpu.vector_load %arg7[%get3A_2137] {strides = array<i32>} : memref<640xi32, #tpu.memory_space<vmem>>, vector<16xi32>,
      %get3A_2139 = vector.shape_cast %get3A_2138 : vector<16xi32> to vector<16xi32>
      %min3A_2140 = arith.constant 99999 : i32
      %min3A_2141 = vector.broadcast %min3A_2140 : i32 to vector<16xi32>
      %min3A_2142 = arith.minsi %get3A_2139, %min3A_2141 : vector<16xi32>
      %swap3A_2143 = arith.constant 4 : i32
      %swap3A_2144 = arith.index_cast %swap3A_2143 : i32 to index
      %swap3A_2145 = arith.constant 48 : index
      %swap3A_2146 = tpu.vector_load %arg9[%swap3A_2144, %swap3A_2145] {strides = array<i32>} : memref<5x128xi32, #tpu.memory_space<vmem>>, vector<1x16xi32>,
      %swap3A_2147 = vector.shape_cast %swap3A_2146 : vector<1x16xi32> to vector<16xi32>
      %swap3A_2148 = vector.shape_cast %min3A_2142 : vector<16xi32> to vector<1x16xi32>
      tpu.vector_store %arg9[%swap3A_2144, %swap3A_2145], %swap3A_2148 {strides = array<i32>} : memref<5x128xi32, #tpu.memory_space<vmem>>, vector<1x16xi32>,
      %ge3A_2149 = arith.constant 100000 : i32
      %ge3A_2150 = vector.broadcast %ge3A_2149 : i32 to vector<16xi32>
      %ge3A_2151 = arith.cmpi sge, %get3A_2139, %ge3A_2150 : vector<16xi32>
      %sub3A_2152 = arith.constant 100000 : i32
      %sub3A_2153 = vector.broadcast %sub3A_2152 : i32 to vector<16xi32>
      %sub3A_2154 = arith.subi %get3A_2139, %sub3A_2153 : vector<16xi32>
      %select_n3A_2155 = arith.select %ge3A_2151, %sub3A_2154, %broadcast_in_dim3A_1261 : vector<16xi1>, vector<16xi32>
      %swap3A_2156 = arith.constant 4 : i32
      %swap3A_2157 = arith.index_cast %swap3A_2156 : i32 to index
      %swap3A_2158 = arith.constant 48 : index
      %swap3A_2159 = tpu.vector_load %arg11[%swap3A_2157, %swap3A_2158] {strides = array<i32>} : memref<5x128xi32, #tpu.memory_space<vmem>>, vector<1x16xi32>,
      %swap3A_2160 = vector.shape_cast %swap3A_2159 : vector<1x16xi32> to vector<16xi32>
      %swap3A_2161 = vector.shape_cast %select_n3A_2155 : vector<16xi32> to vector<1x16xi32>
      tpu.vector_store %arg11[%swap3A_2157, %swap3A_2158], %swap3A_2161 {strides = array<i32>} : memref<5x128xi32, #tpu.memory_space<vmem>>, vector<1x16xi32>,
      %get3A_2162 = arith.constant 576 : index
      %get3A_2163 = tpu.vector_load %arg7[%get3A_2162] {strides = array<i32>} : memref<640xi32, #tpu.memory_space<vmem>>, vector<16xi32>,
      %get3A_2164 = vector.shape_cast %get3A_2163 : vector<16xi32> to vector<16xi32>
      %min3A_2165 = arith.constant 99999 : i32
      %min3A_2166 = vector.broadcast %min3A_2165 : i32 to vector<16xi32>
      %min3A_2167 = arith.minsi %get3A_2164, %min3A_2166 : vector<16xi32>
      %swap3A_2168 = arith.constant 4 : i32
      %swap3A_2169 = arith.index_cast %swap3A_2168 : i32 to index
      %swap3A_2170 = arith.constant 64 : index
      %swap3A_2171 = tpu.vector_load %arg9[%swap3A_2169, %swap3A_2170] {strides = array<i32>} : memref<5x128xi32, #tpu.memory_space<vmem>>, vector<1x16xi32>,
      %swap3A_2172 = vector.shape_cast %swap3A_2171 : vector<1x16xi32> to vector<16xi32>
      %swap3A_2173 = vector.shape_cast %min3A_2167 : vector<16xi32> to vector<1x16xi32>
      tpu.vector_store %arg9[%swap3A_2169, %swap3A_2170], %swap3A_2173 {strides = array<i32>} : memref<5x128xi32, #tpu.memory_space<vmem>>, vector<1x16xi32>,
      %ge3A_2174 = arith.constant 100000 : i32
      %ge3A_2175 = vector.broadcast %ge3A_2174 : i32 to vector<16xi32>
      %ge3A_2176 = arith.cmpi sge, %get3A_2164, %ge3A_2175 : vector<16xi32>
      %sub3A_2177 = arith.constant 100000 : i32
      %sub3A_2178 = vector.broadcast %sub3A_2177 : i32 to vector<16xi32>
      %sub3A_2179 = arith.subi %get3A_2164, %sub3A_2178 : vector<16xi32>
      %select_n3A_2180 = arith.select %ge3A_2176, %sub3A_2179, %broadcast_in_dim3A_1261 : vector<16xi1>, vector<16xi32>
      %swap3A_2181 = arith.constant 4 : i32
      %swap3A_2182 = arith.index_cast %swap3A_2181 : i32 to index
      %swap3A_2183 = arith.constant 64 : index
      %swap3A_2184 = tpu.vector_load %arg11[%swap3A_2182, %swap3A_2183] {strides = array<i32>} : memref<5x128xi32, #tpu.memory_space<vmem>>, vector<1x16xi32>,
      %swap3A_2185 = vector.shape_cast %swap3A_2184 : vector<1x16xi32> to vector<16xi32>
      %swap3A_2186 = vector.shape_cast %select_n3A_2180 : vector<16xi32> to vector<1x16xi32>
      tpu.vector_store %arg11[%swap3A_2182, %swap3A_2183], %swap3A_2186 {strides = array<i32>} : memref<5x128xi32, #tpu.memory_space<vmem>>, vector<1x16xi32>,
      %get3A_2187 = arith.constant 592 : index
      %get3A_2188 = tpu.vector_load %arg7[%get3A_2187] {strides = array<i32>} : memref<640xi32, #tpu.memory_space<vmem>>, vector<16xi32>,
      %get3A_2189 = vector.shape_cast %get3A_2188 : vector<16xi32> to vector<16xi32>
      %min3A_2190 = arith.constant 99999 : i32
      %min3A_2191 = vector.broadcast %min3A_2190 : i32 to vector<16xi32>
      %min3A_2192 = arith.minsi %get3A_2189, %min3A_2191 : vector<16xi32>
      %swap3A_2193 = arith.constant 4 : i32
      %swap3A_2194 = arith.index_cast %swap3A_2193 : i32 to index
      %swap3A_2195 = arith.constant 80 : index
      %swap3A_2196 = tpu.vector_load %arg9[%swap3A_2194, %swap3A_2195] {strides = array<i32>} : memref<5x128xi32, #tpu.memory_space<vmem>>, vector<1x16xi32>,
      %swap3A_2197 = vector.shape_cast %swap3A_2196 : vector<1x16xi32> to vector<16xi32>
      %swap3A_2198 = vector.shape_cast %min3A_2192 : vector<16xi32> to vector<1x16xi32>
      tpu.vector_store %arg9[%swap3A_2194, %swap3A_2195], %swap3A_2198 {strides = array<i32>} : memref<5x128xi32, #tpu.memory_space<vmem>>, vector<1x16xi32>,
      %ge3A_2199 = arith.constant 100000 : i32
      %ge3A_2200 = vector.broadcast %ge3A_2199 : i32 to vector<16xi32>
      %ge3A_2201 = arith.cmpi sge, %get3A_2189, %ge3A_2200 : vector<16xi32>
      %sub3A_2202 = arith.constant 100000 : i32
      %sub3A_2203 = vector.broadcast %sub3A_2202 : i32 to vector<16xi32>
      %sub3A_2204 = arith.subi %get3A_2189, %sub3A_2203 : vector<16xi32>
      %select_n3A_2205 = arith.select %ge3A_2201, %sub3A_2204, %broadcast_in_dim3A_1261 : vector<16xi1>, vector<16xi32>
      %swap3A_2206 = arith.constant 4 : i32
      %swap3A_2207 = arith.index_cast %swap3A_2206 : i32 to index
      %swap3A_2208 = arith.constant 80 : index
      %swap3A_2209 = tpu.vector_load %arg11[%swap3A_2207, %swap3A_2208] {strides = array<i32>} : memref<5x128xi32, #tpu.memory_space<vmem>>, vector<1x16xi32>,
      %swap3A_2210 = vector.shape_cast %swap3A_2209 : vector<1x16xi32> to vector<16xi32>
      %swap3A_2211 = vector.shape_cast %select_n3A_2205 : vector<16xi32> to vector<1x16xi32>
      tpu.vector_store %arg11[%swap3A_2207, %swap3A_2208], %swap3A_2211 {strides = array<i32>} : memref<5x128xi32, #tpu.memory_space<vmem>>, vector<1x16xi32>,
      %get3A_2212 = arith.constant 608 : index
      %get3A_2213 = tpu.vector_load %arg7[%get3A_2212] {strides = array<i32>} : memref<640xi32, #tpu.memory_space<vmem>>, vector<16xi32>,
      %get3A_2214 = vector.shape_cast %get3A_2213 : vector<16xi32> to vector<16xi32>
      %min3A_2215 = arith.constant 99999 : i32
      %min3A_2216 = vector.broadcast %min3A_2215 : i32 to vector<16xi32>
      %min3A_2217 = arith.minsi %get3A_2214, %min3A_2216 : vector<16xi32>
      %swap3A_2218 = arith.constant 4 : i32
      %swap3A_2219 = arith.index_cast %swap3A_2218 : i32 to index
      %swap3A_2220 = arith.constant 96 : index
      %swap3A_2221 = tpu.vector_load %arg9[%swap3A_2219, %swap3A_2220] {strides = array<i32>} : memref<5x128xi32, #tpu.memory_space<vmem>>, vector<1x16xi32>,
      %swap3A_2222 = vector.shape_cast %swap3A_2221 : vector<1x16xi32> to vector<16xi32>
      %swap3A_2223 = vector.shape_cast %min3A_2217 : vector<16xi32> to vector<1x16xi32>
      tpu.vector_store %arg9[%swap3A_2219, %swap3A_2220], %swap3A_2223 {strides = array<i32>} : memref<5x128xi32, #tpu.memory_space<vmem>>, vector<1x16xi32>,
      %ge3A_2224 = arith.constant 100000 : i32
      %ge3A_2225 = vector.broadcast %ge3A_2224 : i32 to vector<16xi32>
      %ge3A_2226 = arith.cmpi sge, %get3A_2214, %ge3A_2225 : vector<16xi32>
      %sub3A_2227 = arith.constant 100000 : i32
      %sub3A_2228 = vector.broadcast %sub3A_2227 : i32 to vector<16xi32>
      %sub3A_2229 = arith.subi %get3A_2214, %sub3A_2228 : vector<16xi32>
      %select_n3A_2230 = arith.select %ge3A_2226, %sub3A_2229, %broadcast_in_dim3A_1261 : vector<16xi1>, vector<16xi32>
      %swap3A_2231 = arith.constant 4 : i32
      %swap3A_2232 = arith.index_cast %swap3A_2231 : i32 to index
      %swap3A_2233 = arith.constant 96 : index
      %swap3A_2234 = tpu.vector_load %arg11[%swap3A_2232, %swap3A_2233] {strides = array<i32>} : memref<5x128xi32, #tpu.memory_space<vmem>>, vector<1x16xi32>,
      %swap3A_2235 = vector.shape_cast %swap3A_2234 : vector<1x16xi32> to vector<16xi32>
      %swap3A_2236 = vector.shape_cast %select_n3A_2230 : vector<16xi32> to vector<1x16xi32>
      tpu.vector_store %arg11[%swap3A_2232, %swap3A_2233], %swap3A_2236 {strides = array<i32>} : memref<5x128xi32, #tpu.memory_space<vmem>>, vector<1x16xi32>,
      %get3A_2237 = arith.constant 624 : index
      %get3A_2238 = tpu.vector_load %arg7[%get3A_2237] {strides = array<i32>} : memref<640xi32, #tpu.memory_space<vmem>>, vector<16xi32>,
      %get3A_2239 = vector.shape_cast %get3A_2238 : vector<16xi32> to vector<16xi32>
      %min3A_2240 = arith.constant 99999 : i32
      %min3A_2241 = vector.broadcast %min3A_2240 : i32 to vector<16xi32>
      %min3A_2242 = arith.minsi %get3A_2239, %min3A_2241 : vector<16xi32>
      %swap3A_2243 = arith.constant 4 : i32
      %swap3A_2244 = arith.index_cast %swap3A_2243 : i32 to index
      %swap3A_2245 = arith.constant 112 : index
      %swap3A_2246 = tpu.vector_load %arg9[%swap3A_2244, %swap3A_2245] {strides = array<i32>} : memref<5x128xi32, #tpu.memory_space<vmem>>, vector<1x16xi32>,
      %swap3A_2247 = vector.shape_cast %swap3A_2246 : vector<1x16xi32> to vector<16xi32>
      %swap3A_2248 = vector.shape_cast %min3A_2242 : vector<16xi32> to vector<1x16xi32>
      tpu.vector_store %arg9[%swap3A_2244, %swap3A_2245], %swap3A_2248 {strides = array<i32>} : memref<5x128xi32, #tpu.memory_space<vmem>>, vector<1x16xi32>,
      %ge3A_2249 = arith.constant 100000 : i32
      %ge3A_2250 = vector.broadcast %ge3A_2249 : i32 to vector<16xi32>
      %ge3A_2251 = arith.cmpi sge, %get3A_2239, %ge3A_2250 : vector<16xi32>
      %sub3A_2252 = arith.constant 100000 : i32
      %sub3A_2253 = vector.broadcast %sub3A_2252 : i32 to vector<16xi32>
      %sub3A_2254 = arith.subi %get3A_2239, %sub3A_2253 : vector<16xi32>
      %select_n3A_2255 = arith.select %ge3A_2251, %sub3A_2254, %broadcast_in_dim3A_1261 : vector<16xi1>, vector<16xi32>
      %swap3A_2256 = arith.constant 4 : i32
      %swap3A_2257 = arith.index_cast %swap3A_2256 : i32 to index
      %swap3A_2258 = arith.constant 112 : index
      %swap3A_2259 = tpu.vector_load %arg11[%swap3A_2257, %swap3A_2258] {strides = array<i32>} : memref<5x128xi32, #tpu.memory_space<vmem>>, vector<1x16xi32>,
      %swap3A_2260 = vector.shape_cast %swap3A_2259 : vector<1x16xi32> to vector<16xi32>
      %swap3A_2261 = vector.shape_cast %select_n3A_2255 : vector<16xi32> to vector<1x16xi32>
      tpu.vector_store %arg11[%swap3A_2257, %swap3A_2258], %swap3A_2261 {strides = array<i32>} : memref<5x128xi32, #tpu.memory_space<vmem>>, vector<1x16xi32>,
      %ge3A_2262 = arith.constant 2 : i32
      %ge3A_2263 = arith.cmpi sge, %add3A_1254, %ge3A_2262 : i32
      %convert_element_type3A_2264 = arith.extui %ge3A_2263 : i1 to i32
      %cond3A_2265 = arith.constant 0 : i32
      %cond3A_2266 = arith.cmpi ne, %convert_element_type3A_2264, %cond3A_2265 : i32
      scf.if %cond3A_2266 {
        %sub3A_2486 = arith.constant 2 : i32
        %sub3A_2487 = arith.subi %add3A_1254, %sub3A_2486 : i32
        %mul3A_2488 = arith.constant 640 : i32
        %mul3A_2489 = arith.muli %sub3A_2487, %mul3A_2488 : i32
        %add3A_2490 = arith.addi %mul3A_2, %mul3A_2489 : i32
        %dma_wait3A_2491 = arith.constant 0 : i32
        %dma_wait3A_2492 = tpu.memref_slice %arg5[%add3A_2490, %dma_wait3A_2491] : memref<819200x128xf32, #tpu.memory_space<hbm>> -> memref<640x64xf32, #tpu.memory_space<hbm>>
        %dma_wait3A_2493 = arith.constant 0 : i32
        %dma_wait3A_2494 = tpu.memref_slice %arg5[%add3A_2490, %dma_wait3A_2493] : memref<819200x128xf32, #tpu.memory_space<hbm>> -> memref<640x64xf32, #tpu.memory_space<hbm>>
        tpu.wait_dma2 semaphore(%arg19 : memref<!tpu.dma_semaphore, #tpu.memory_space<semaphore_mem>>) src(%arg13 : memref<640x64xf32, #tpu.memory_space<vmem>>) dst(%dma_wait3A_2494 : memref<640x64xf32, #tpu.memory_space<hbm>>)
      } else {
      }
      %dma_start3A_2267 = arith.constant 0 : i32
      %dma_start3A_2268 = arith.constant 0 : i32
      %dma_start3A_2269 = arith.constant 0 : i32
      %dma_start3A_2270 = tpu.memref_slice %arg13[%dma_start3A_2268, %dma_start3A_2269] : memref<640x64xf32, #tpu.memory_space<vmem>> -> memref<128x64xf32, #tpu.memory_space<vmem>>
      %dma_start3A_2271 = arith.constant 0 : i32
      %dma_start3A_2272 = tpu.memref_slice %arg9[%dma_start3A_2267, %dma_start3A_2271] : memref<5x128xi32, #tpu.memory_space<vmem>> -> memref<1x128xi32, #tpu.memory_space<vmem>>
      %dma_start3A_2273 = tpu.memref_squeeze %dma_start3A_2272 : memref<1x128xi32, #tpu.memory_space<vmem>> -> memref<128xi32, #tpu.memory_space<vmem>>
      %dma_start3A_2274 = arith.constant 0 : i32
      %dma_start3A_2275 = arith.constant 0 : i32
      %dma_start3A_2276 = tpu.memref_slice %arg2[%dma_start3A_2274, %dma_start3A_2275] : memref<100000x64xf32, #tpu.memory_space<hbm>> -> memref<100000x64xf32, #tpu.memory_space<hbm>>
      tpu.enqueue_indirect_dma source(%dma_start3A_2276 : memref<100000x64xf32, #tpu.memory_space<hbm>>) target(%dma_start3A_2270 : memref<128x64xf32, #tpu.memory_space<vmem>>) offsets(%dma_start3A_2273 : memref<128xi32, #tpu.memory_space<vmem>>) semaphore(%arg17 : memref<!tpu.dma_semaphore, #tpu.memory_space<semaphore_mem>>)
      %dma_start3A_2277 = arith.constant 1 : i32
      %dma_start3A_2278 = arith.constant 128 : i32
      %dma_start3A_2279 = arith.constant 0 : i32
      %dma_start3A_2280 = tpu.memref_slice %arg13[%dma_start3A_2278, %dma_start3A_2279] : memref<640x64xf32, #tpu.memory_space<vmem>> -> memref<128x64xf32, #tpu.memory_space<vmem>>
      %dma_start3A_2281 = arith.constant 0 : i32
      %dma_start3A_2282 = tpu.memref_slice %arg9[%dma_start3A_2277, %dma_start3A_2281] : memref<5x128xi32, #tpu.memory_space<vmem>> -> memref<1x128xi32, #tpu.memory_space<vmem>>
      %dma_start3A_2283 = tpu.memref_squeeze %dma_start3A_2282 : memref<1x128xi32, #tpu.memory_space<vmem>> -> memref<128xi32, #tpu.memory_space<vmem>>
      %dma_start3A_2284 = arith.constant 0 : i32
      %dma_start3A_2285 = arith.constant 0 : i32
      %dma_start3A_2286 = tpu.memref_slice %arg2[%dma_start3A_2284, %dma_start3A_2285] : memref<100000x64xf32, #tpu.memory_space<hbm>> -> memref<100000x64xf32, #tpu.memory_space<hbm>>
      tpu.enqueue_indirect_dma source(%dma_start3A_2286 : memref<100000x64xf32, #tpu.memory_space<hbm>>) target(%dma_start3A_2280 : memref<128x64xf32, #tpu.memory_space<vmem>>) offsets(%dma_start3A_2283 : memref<128xi32, #tpu.memory_space<vmem>>) semaphore(%arg17 : memref<!tpu.dma_semaphore, #tpu.memory_space<semaphore_mem>>)
      %dma_start3A_2287 = arith.constant 2 : i32
      %dma_start3A_2288 = arith.constant 256 : i32
      %dma_start3A_2289 = arith.constant 0 : i32
      %dma_start3A_2290 = tpu.memref_slice %arg13[%dma_start3A_2288, %dma_start3A_2289] : memref<640x64xf32, #tpu.memory_space<vmem>> -> memref<128x64xf32, #tpu.memory_space<vmem>>
      %dma_start3A_2291 = arith.constant 0 : i32
      %dma_start3A_2292 = tpu.memref_slice %arg9[%dma_start3A_2287, %dma_start3A_2291] : memref<5x128xi32, #tpu.memory_space<vmem>> -> memref<1x128xi32, #tpu.memory_space<vmem>>
      %dma_start3A_2293 = tpu.memref_squeeze %dma_start3A_2292 : memref<1x128xi32, #tpu.memory_space<vmem>> -> memref<128xi32, #tpu.memory_space<vmem>>
      %dma_start3A_2294 = arith.constant 0 : i32
      %dma_start3A_2295 = arith.constant 0 : i32
      %dma_start3A_2296 = tpu.memref_slice %arg2[%dma_start3A_2294, %dma_start3A_2295] : memref<100000x64xf32, #tpu.memory_space<hbm>> -> memref<100000x64xf32, #tpu.memory_space<hbm>>
      tpu.enqueue_indirect_dma source(%dma_start3A_2296 : memref<100000x64xf32, #tpu.memory_space<hbm>>) target(%dma_start3A_2290 : memref<128x64xf32, #tpu.memory_space<vmem>>) offsets(%dma_start3A_2293 : memref<128xi32, #tpu.memory_space<vmem>>) semaphore(%arg17 : memref<!tpu.dma_semaphore, #tpu.memory_space<semaphore_mem>>)
      %dma_start3A_2297 = arith.constant 3 : i32
      %dma_start3A_2298 = arith.constant 384 : i32
      %dma_start3A_2299 = arith.constant 0 : i32
      %dma_start3A_2300 = tpu.memref_slice %arg13[%dma_start3A_2298, %dma_start3A_2299] : memref<640x64xf32, #tpu.memory_space<vmem>> -> memref<128x64xf32, #tpu.memory_space<vmem>>
      %dma_start3A_2301 = arith.constant 0 : i32
      %dma_start3A_2302 = tpu.memref_slice %arg9[%dma_start3A_2297, %dma_start3A_2301] : memref<5x128xi32, #tpu.memory_space<vmem>> -> memref<1x128xi32, #tpu.memory_space<vmem>>
      %dma_start3A_2303 = tpu.memref_squeeze %dma_start3A_2302 : memref<1x128xi32, #tpu.memory_space<vmem>> -> memref<128xi32, #tpu.memory_space<vmem>>
      %dma_start3A_2304 = arith.constant 0 : i32
      %dma_start3A_2305 = arith.constant 0 : i32
      %dma_start3A_2306 = tpu.memref_slice %arg2[%dma_start3A_2304, %dma_start3A_2305] : memref<100000x64xf32, #tpu.memory_space<hbm>> -> memref<100000x64xf32, #tpu.memory_space<hbm>>
      tpu.enqueue_indirect_dma source(%dma_start3A_2306 : memref<100000x64xf32, #tpu.memory_space<hbm>>) target(%dma_start3A_2300 : memref<128x64xf32, #tpu.memory_space<vmem>>) offsets(%dma_start3A_2303 : memref<128xi32, #tpu.memory_space<vmem>>) semaphore(%arg17 : memref<!tpu.dma_semaphore, #tpu.memory_space<semaphore_mem>>)
      %dma_start3A_2307 = arith.constant 4 : i32
      %dma_start3A_2308 = arith.constant 512 : i32
      %dma_start3A_2309 = arith.constant 0 : i32
      %dma_start3A_2310 = tpu.memref_slice %arg13[%dma_start3A_2308, %dma_start3A_2309] : memref<640x64xf32, #tpu.memory_space<vmem>> -> memref<128x64xf32, #tpu.memory_space<vmem>>
      %dma_start3A_2311 = arith.constant 0 : i32
      %dma_start3A_2312 = tpu.memref_slice %arg9[%dma_start3A_2307, %dma_start3A_2311] : memref<5x128xi32, #tpu.memory_space<vmem>> -> memref<1x128xi32, #tpu.memory_space<vmem>>
      %dma_start3A_2313 = tpu.memref_squeeze %dma_start3A_2312 : memref<1x128xi32, #tpu.memory_space<vmem>> -> memref<128xi32, #tpu.memory_space<vmem>>
      %dma_start3A_2314 = arith.constant 0 : i32
      %dma_start3A_2315 = arith.constant 0 : i32
      %dma_start3A_2316 = tpu.memref_slice %arg2[%dma_start3A_2314, %dma_start3A_2315] : memref<100000x64xf32, #tpu.memory_space<hbm>> -> memref<100000x64xf32, #tpu.memory_space<hbm>>
      tpu.enqueue_indirect_dma source(%dma_start3A_2316 : memref<100000x64xf32, #tpu.memory_space<hbm>>) target(%dma_start3A_2310 : memref<128x64xf32, #tpu.memory_space<vmem>>) offsets(%dma_start3A_2313 : memref<128xi32, #tpu.memory_space<vmem>>) semaphore(%arg17 : memref<!tpu.dma_semaphore, #tpu.memory_space<semaphore_mem>>)
      %add3A_2317 = arith.constant 2 : i32
      %add3A_2318 = arith.addi %add3A_1254, %add3A_2317 : i32
      %lt3A_2319 = arith.constant 40 : i32
      %lt3A_2320 = arith.cmpi slt, %add3A_2318, %lt3A_2319 : i32
      %convert_element_type3A_2321 = arith.extui %lt3A_2320 : i1 to i32
      %cond3A_2322 = arith.constant 0 : i32
      %cond3A_2323 = arith.cmpi ne, %convert_element_type3A_2321, %cond3A_2322 : i32
      scf.if %cond3A_2323 {
        %add3A_2486 = arith.constant 2 : i32
        %add3A_2487 = arith.addi %add3A_1254, %add3A_2486 : i32
        %mul3A_2488 = arith.constant 640 : i32
        %mul3A_2489 = arith.muli %add3A_2487, %mul3A_2488 : i32
        %add3A_2490 = arith.addi %mul3A_2, %mul3A_2489 : i32
        %dma_start3A_2491 = tpu.memref_slice %arg4[%add3A_2490] : memref<819200xi32, #tpu.memory_space<hbm>> -> memref<640xi32, #tpu.memory_space<hbm>>
        %dma_start3A_2492 = tpu.memref_slice %arg4[%add3A_2490] : memref<819200xi32, #tpu.memory_space<hbm>> -> memref<640xi32, #tpu.memory_space<hbm>>
        tpu.enqueue_dma source(%dma_start3A_2492 : memref<640xi32, #tpu.memory_space<hbm>>) target(%arg7 : memref<640xi32, #tpu.memory_space<vmem>>) target_semaphore(%arg15 : memref<!tpu.dma_semaphore, #tpu.memory_space<semaphore_mem>>)
      } else {
      }
      %dma_wait3A_2324 = arith.constant 0 : i32
      %dma_wait3A_2325 = arith.constant 0 : i32
      %dma_wait3A_2326 = arith.constant 0 : i32
      %dma_wait3A_2327 = tpu.memref_slice %arg12[%dma_wait3A_2325, %dma_wait3A_2326] : memref<640x64xf32, #tpu.memory_space<vmem>> -> memref<128x64xf32, #tpu.memory_space<vmem>>
      %dma_wait3A_2328 = arith.constant 0 : i32
      %dma_wait3A_2329 = tpu.memref_slice %arg8[%dma_wait3A_2324, %dma_wait3A_2328] : memref<5x128xi32, #tpu.memory_space<vmem>> -> memref<1x128xi32, #tpu.memory_space<vmem>>
      %dma_wait3A_2330 = tpu.memref_squeeze %dma_wait3A_2329 : memref<1x128xi32, #tpu.memory_space<vmem>> -> memref<128xi32, #tpu.memory_space<vmem>>
      %dma_wait3A_2331 = arith.constant 0 : i32
      %dma_wait3A_2332 = arith.constant 0 : i32
      %dma_wait3A_2333 = tpu.memref_slice %arg2[%dma_wait3A_2331, %dma_wait3A_2332] : memref<100000x64xf32, #tpu.memory_space<hbm>> -> memref<100000x64xf32, #tpu.memory_space<hbm>>
      tpu.wait_indirect_dma semaphore(%arg16 : memref<!tpu.dma_semaphore, #tpu.memory_space<semaphore_mem>>) src(%dma_wait3A_2333 : memref<100000x64xf32, #tpu.memory_space<hbm>>) dst(%dma_wait3A_2327 : memref<128x64xf32, #tpu.memory_space<vmem>>)
      %dma_wait3A_2334 = arith.constant 1 : i32
      %dma_wait3A_2335 = arith.constant 128 : i32
      %dma_wait3A_2336 = arith.constant 0 : i32
      %dma_wait3A_2337 = tpu.memref_slice %arg12[%dma_wait3A_2335, %dma_wait3A_2336] : memref<640x64xf32, #tpu.memory_space<vmem>> -> memref<128x64xf32, #tpu.memory_space<vmem>>
      %dma_wait3A_2338 = arith.constant 0 : i32
      %dma_wait3A_2339 = tpu.memref_slice %arg8[%dma_wait3A_2334, %dma_wait3A_2338] : memref<5x128xi32, #tpu.memory_space<vmem>> -> memref<1x128xi32, #tpu.memory_space<vmem>>
      %dma_wait3A_2340 = tpu.memref_squeeze %dma_wait3A_2339 : memref<1x128xi32, #tpu.memory_space<vmem>> -> memref<128xi32, #tpu.memory_space<vmem>>
      %dma_wait3A_2341 = arith.constant 0 : i32
      %dma_wait3A_2342 = arith.constant 0 : i32
      %dma_wait3A_2343 = tpu.memref_slice %arg2[%dma_wait3A_2341, %dma_wait3A_2342] : memref<100000x64xf32, #tpu.memory_space<hbm>> -> memref<100000x64xf32, #tpu.memory_space<hbm>>
      tpu.wait_indirect_dma semaphore(%arg16 : memref<!tpu.dma_semaphore, #tpu.memory_space<semaphore_mem>>) src(%dma_wait3A_2343 : memref<100000x64xf32, #tpu.memory_space<hbm>>) dst(%dma_wait3A_2337 : memref<128x64xf32, #tpu.memory_space<vmem>>)
      %dma_wait3A_2344 = arith.constant 2 : i32
      %dma_wait3A_2345 = arith.constant 256 : i32
      %dma_wait3A_2346 = arith.constant 0 : i32
      %dma_wait3A_2347 = tpu.memref_slice %arg12[%dma_wait3A_2345, %dma_wait3A_2346] : memref<640x64xf32, #tpu.memory_space<vmem>> -> memref<128x64xf32, #tpu.memory_space<vmem>>
      %dma_wait3A_2348 = arith.constant 0 : i32
      %dma_wait3A_2349 = tpu.memref_slice %arg8[%dma_wait3A_2344, %dma_wait3A_2348] : memref<5x128xi32, #tpu.memory_space<vmem>> -> memref<1x128xi32, #tpu.memory_space<vmem>>
      %dma_wait3A_2350 = tpu.memref_squeeze %dma_wait3A_2349 : memref<1x128xi32, #tpu.memory_space<vmem>> -> memref<128xi32, #tpu.memory_space<vmem>>
      %dma_wait3A_2351 = arith.constant 0 : i32
      %dma_wait3A_2352 = arith.constant 0 : i32
      %dma_wait3A_2353 = tpu.memref_slice %arg2[%dma_wait3A_2351, %dma_wait3A_2352] : memref<100000x64xf32, #tpu.memory_space<hbm>> -> memref<100000x64xf32, #tpu.memory_space<hbm>>
      tpu.wait_indirect_dma semaphore(%arg16 : memref<!tpu.dma_semaphore, #tpu.memory_space<semaphore_mem>>) src(%dma_wait3A_2353 : memref<100000x64xf32, #tpu.memory_space<hbm>>) dst(%dma_wait3A_2347 : memref<128x64xf32, #tpu.memory_space<vmem>>)
      %dma_wait3A_2354 = arith.constant 3 : i32
      %dma_wait3A_2355 = arith.constant 384 : i32
      %dma_wait3A_2356 = arith.constant 0 : i32
      %dma_wait3A_2357 = tpu.memref_slice %arg12[%dma_wait3A_2355, %dma_wait3A_2356] : memref<640x64xf32, #tpu.memory_space<vmem>> -> memref<128x64xf32, #tpu.memory_space<vmem>>
      %dma_wait3A_2358 = arith.constant 0 : i32
      %dma_wait3A_2359 = tpu.memref_slice %arg8[%dma_wait3A_2354, %dma_wait3A_2358] : memref<5x128xi32, #tpu.memory_space<vmem>> -> memref<1x128xi32, #tpu.memory_space<vmem>>
      %dma_wait3A_2360 = tpu.memref_squeeze %dma_wait3A_2359 : memref<1x128xi32, #tpu.memory_space<vmem>> -> memref<128xi32, #tpu.memory_space<vmem>>
      %dma_wait3A_2361 = arith.constant 0 : i32
      %dma_wait3A_2362 = arith.constant 0 : i32
      %dma_wait3A_2363 = tpu.memref_slice %arg2[%dma_wait3A_2361, %dma_wait3A_2362] : memref<100000x64xf32, #tpu.memory_space<hbm>> -> memref<100000x64xf32, #tpu.memory_space<hbm>>
      tpu.wait_indirect_dma semaphore(%arg16 : memref<!tpu.dma_semaphore, #tpu.memory_space<semaphore_mem>>) src(%dma_wait3A_2363 : memref<100000x64xf32, #tpu.memory_space<hbm>>) dst(%dma_wait3A_2357 : memref<128x64xf32, #tpu.memory_space<vmem>>)
      %dma_wait3A_2364 = arith.constant 4 : i32
      %dma_wait3A_2365 = arith.constant 512 : i32
      %dma_wait3A_2366 = arith.constant 0 : i32
      %dma_wait3A_2367 = tpu.memref_slice %arg12[%dma_wait3A_2365, %dma_wait3A_2366] : memref<640x64xf32, #tpu.memory_space<vmem>> -> memref<128x64xf32, #tpu.memory_space<vmem>>
      %dma_wait3A_2368 = arith.constant 0 : i32
      %dma_wait3A_2369 = tpu.memref_slice %arg8[%dma_wait3A_2364, %dma_wait3A_2368] : memref<5x128xi32, #tpu.memory_space<vmem>> -> memref<1x128xi32, #tpu.memory_space<vmem>>
      %dma_wait3A_2370 = tpu.memref_squeeze %dma_wait3A_2369 : memref<1x128xi32, #tpu.memory_space<vmem>> -> memref<128xi32, #tpu.memory_space<vmem>>
      %dma_wait3A_2371 = arith.constant 0 : i32
      %dma_wait3A_2372 = arith.constant 0 : i32
      %dma_wait3A_2373 = tpu.memref_slice %arg2[%dma_wait3A_2371, %dma_wait3A_2372] : memref<100000x64xf32, #tpu.memory_space<hbm>> -> memref<100000x64xf32, #tpu.memory_space<hbm>>
      tpu.wait_indirect_dma semaphore(%arg16 : memref<!tpu.dma_semaphore, #tpu.memory_space<semaphore_mem>>) src(%dma_wait3A_2373 : memref<100000x64xf32, #tpu.memory_space<hbm>>) dst(%dma_wait3A_2367 : memref<128x64xf32, #tpu.memory_space<vmem>>)
      %dma_start3A_2374 = arith.constant 0 : i32
      %dma_start3A_2375 = arith.constant 0 : i32
      %dma_start3A_2376 = arith.constant 0 : i32
      %dma_start3A_2377 = tpu.memref_slice %arg12[%dma_start3A_2375, %dma_start3A_2376] : memref<640x64xf32, #tpu.memory_space<vmem>> -> memref<128x64xf32, #tpu.memory_space<vmem>>
      %dma_start3A_2378 = arith.constant 0 : i32
      %dma_start3A_2379 = tpu.memref_slice %arg10[%dma_start3A_2374, %dma_start3A_2378] : memref<5x128xi32, #tpu.memory_space<vmem>> -> memref<1x128xi32, #tpu.memory_space<vmem>>
      %dma_start3A_2380 = tpu.memref_squeeze %dma_start3A_2379 : memref<1x128xi32, #tpu.memory_space<vmem>> -> memref<128xi32, #tpu.memory_space<vmem>>
      %dma_start3A_2381 = arith.constant 0 : i32
      %dma_start3A_2382 = arith.constant 0 : i32
      %dma_start3A_2383 = tpu.memref_slice %arg3[%dma_start3A_2381, %dma_start3A_2382] : memref<20x64xf32, #tpu.memory_space<hbm>> -> memref<20x64xf32, #tpu.memory_space<hbm>>
      %dma_start3A_2384 = arith.constant -1 : i32
      tpu.enqueue_indirect_dma source(%dma_start3A_2383 : memref<20x64xf32, #tpu.memory_space<hbm>>) target(%dma_start3A_2377 : memref<128x64xf32, #tpu.memory_space<vmem>>) offsets(%dma_start3A_2380 : memref<128xi32, #tpu.memory_space<vmem>>) offset_filter(%dma_start3A_2384) semaphore(%arg16 : memref<!tpu.dma_semaphore, #tpu.memory_space<semaphore_mem>>)
      %dma_start3A_2385 = arith.constant 1 : i32
      %dma_start3A_2386 = arith.constant 128 : i32
      %dma_start3A_2387 = arith.constant 0 : i32
      %dma_start3A_2388 = tpu.memref_slice %arg12[%dma_start3A_2386, %dma_start3A_2387] : memref<640x64xf32, #tpu.memory_space<vmem>> -> memref<128x64xf32, #tpu.memory_space<vmem>>
      %dma_start3A_2389 = arith.constant 0 : i32
      %dma_start3A_2390 = tpu.memref_slice %arg10[%dma_start3A_2385, %dma_start3A_2389] : memref<5x128xi32, #tpu.memory_space<vmem>> -> memref<1x128xi32, #tpu.memory_space<vmem>>
      %dma_start3A_2391 = tpu.memref_squeeze %dma_start3A_2390 : memref<1x128xi32, #tpu.memory_space<vmem>> -> memref<128xi32, #tpu.memory_space<vmem>>
      %dma_start3A_2392 = arith.constant 0 : i32
      %dma_start3A_2393 = arith.constant 0 : i32
      %dma_start3A_2394 = tpu.memref_slice %arg3[%dma_start3A_2392, %dma_start3A_2393] : memref<20x64xf32, #tpu.memory_space<hbm>> -> memref<20x64xf32, #tpu.memory_space<hbm>>
      %dma_start3A_2395 = arith.constant -1 : i32
      tpu.enqueue_indirect_dma source(%dma_start3A_2394 : memref<20x64xf32, #tpu.memory_space<hbm>>) target(%dma_start3A_2388 : memref<128x64xf32, #tpu.memory_space<vmem>>) offsets(%dma_start3A_2391 : memref<128xi32, #tpu.memory_space<vmem>>) offset_filter(%dma_start3A_2395) semaphore(%arg16 : memref<!tpu.dma_semaphore, #tpu.memory_space<semaphore_mem>>)
      %dma_start3A_2396 = arith.constant 2 : i32
      %dma_start3A_2397 = arith.constant 256 : i32
      %dma_start3A_2398 = arith.constant 0 : i32
      %dma_start3A_2399 = tpu.memref_slice %arg12[%dma_start3A_2397, %dma_start3A_2398] : memref<640x64xf32, #tpu.memory_space<vmem>> -> memref<128x64xf32, #tpu.memory_space<vmem>>
      %dma_start3A_2400 = arith.constant 0 : i32
      %dma_start3A_2401 = tpu.memref_slice %arg10[%dma_start3A_2396, %dma_start3A_2400] : memref<5x128xi32, #tpu.memory_space<vmem>> -> memref<1x128xi32, #tpu.memory_space<vmem>>
      %dma_start3A_2402 = tpu.memref_squeeze %dma_start3A_2401 : memref<1x128xi32, #tpu.memory_space<vmem>> -> memref<128xi32, #tpu.memory_space<vmem>>
      %dma_start3A_2403 = arith.constant 0 : i32
      %dma_start3A_2404 = arith.constant 0 : i32
      %dma_start3A_2405 = tpu.memref_slice %arg3[%dma_start3A_2403, %dma_start3A_2404] : memref<20x64xf32, #tpu.memory_space<hbm>> -> memref<20x64xf32, #tpu.memory_space<hbm>>
      %dma_start3A_2406 = arith.constant -1 : i32
      tpu.enqueue_indirect_dma source(%dma_start3A_2405 : memref<20x64xf32, #tpu.memory_space<hbm>>) target(%dma_start3A_2399 : memref<128x64xf32, #tpu.memory_space<vmem>>) offsets(%dma_start3A_2402 : memref<128xi32, #tpu.memory_space<vmem>>) offset_filter(%dma_start3A_2406) semaphore(%arg16 : memref<!tpu.dma_semaphore, #tpu.memory_space<semaphore_mem>>)
      %dma_start3A_2407 = arith.constant 3 : i32
      %dma_start3A_2408 = arith.constant 384 : i32
      %dma_start3A_2409 = arith.constant 0 : i32
      %dma_start3A_2410 = tpu.memref_slice %arg12[%dma_start3A_2408, %dma_start3A_2409] : memref<640x64xf32, #tpu.memory_space<vmem>> -> memref<128x64xf32, #tpu.memory_space<vmem>>
      %dma_start3A_2411 = arith.constant 0 : i32
      %dma_start3A_2412 = tpu.memref_slice %arg10[%dma_start3A_2407, %dma_start3A_2411] : memref<5x128xi32, #tpu.memory_space<vmem>> -> memref<1x128xi32, #tpu.memory_space<vmem>>
      %dma_start3A_2413 = tpu.memref_squeeze %dma_start3A_2412 : memref<1x128xi32, #tpu.memory_space<vmem>> -> memref<128xi32, #tpu.memory_space<vmem>>
      %dma_start3A_2414 = arith.constant 0 : i32
      %dma_start3A_2415 = arith.constant 0 : i32
      %dma_start3A_2416 = tpu.memref_slice %arg3[%dma_start3A_2414, %dma_start3A_2415] : memref<20x64xf32, #tpu.memory_space<hbm>> -> memref<20x64xf32, #tpu.memory_space<hbm>>
      %dma_start3A_2417 = arith.constant -1 : i32
      tpu.enqueue_indirect_dma source(%dma_start3A_2416 : memref<20x64xf32, #tpu.memory_space<hbm>>) target(%dma_start3A_2410 : memref<128x64xf32, #tpu.memory_space<vmem>>) offsets(%dma_start3A_2413 : memref<128xi32, #tpu.memory_space<vmem>>) offset_filter(%dma_start3A_2417) semaphore(%arg16 : memref<!tpu.dma_semaphore, #tpu.memory_space<semaphore_mem>>)
      %dma_start3A_2418 = arith.constant 4 : i32
      %dma_start3A_2419 = arith.constant 512 : i32
      %dma_start3A_2420 = arith.constant 0 : i32
      %dma_start3A_2421 = tpu.memref_slice %arg12[%dma_start3A_2419, %dma_start3A_2420] : memref<640x64xf32, #tpu.memory_space<vmem>> -> memref<128x64xf32, #tpu.memory_space<vmem>>
      %dma_start3A_2422 = arith.constant 0 : i32
      %dma_start3A_2423 = tpu.memref_slice %arg10[%dma_start3A_2418, %dma_start3A_2422] : memref<5x128xi32, #tpu.memory_space<vmem>> -> memref<1x128xi32, #tpu.memory_space<vmem>>
      %dma_start3A_2424 = tpu.memref_squeeze %dma_start3A_2423 : memref<1x128xi32, #tpu.memory_space<vmem>> -> memref<128xi32, #tpu.memory_space<vmem>>
      %dma_start3A_2425 = arith.constant 0 : i32
      %dma_start3A_2426 = arith.constant 0 : i32
      %dma_start3A_2427 = tpu.memref_slice %arg3[%dma_start3A_2425, %dma_start3A_2426] : memref<20x64xf32, #tpu.memory_space<hbm>> -> memref<20x64xf32, #tpu.memory_space<hbm>>
      %dma_start3A_2428 = arith.constant -1 : i32
      tpu.enqueue_indirect_dma source(%dma_start3A_2427 : memref<20x64xf32, #tpu.memory_space<hbm>>) target(%dma_start3A_2421 : memref<128x64xf32, #tpu.memory_space<vmem>>) offsets(%dma_start3A_2424 : memref<128xi32, #tpu.memory_space<vmem>>) offset_filter(%dma_start3A_2428) semaphore(%arg16 : memref<!tpu.dma_semaphore, #tpu.memory_space<semaphore_mem>>)
      %dma_wait3A_2429 = arith.constant 0 : i32
      %dma_wait3A_2430 = arith.constant 0 : i32
      %dma_wait3A_2431 = arith.constant 0 : i32
      %dma_wait3A_2432 = tpu.memref_slice %arg12[%dma_wait3A_2430, %dma_wait3A_2431] : memref<640x64xf32, #tpu.memory_space<vmem>> -> memref<128x64xf32, #tpu.memory_space<vmem>>
      %dma_wait3A_2433 = arith.constant 0 : i32
      %dma_wait3A_2434 = tpu.memref_slice %arg10[%dma_wait3A_2429, %dma_wait3A_2433] : memref<5x128xi32, #tpu.memory_space<vmem>> -> memref<1x128xi32, #tpu.memory_space<vmem>>
      %dma_wait3A_2435 = tpu.memref_squeeze %dma_wait3A_2434 : memref<1x128xi32, #tpu.memory_space<vmem>> -> memref<128xi32, #tpu.memory_space<vmem>>
      %dma_wait3A_2436 = arith.constant 0 : i32
      %dma_wait3A_2437 = arith.constant 0 : i32
      %dma_wait3A_2438 = tpu.memref_slice %arg3[%dma_wait3A_2436, %dma_wait3A_2437] : memref<20x64xf32, #tpu.memory_space<hbm>> -> memref<20x64xf32, #tpu.memory_space<hbm>>
      tpu.wait_indirect_dma semaphore(%arg16 : memref<!tpu.dma_semaphore, #tpu.memory_space<semaphore_mem>>) src(%dma_wait3A_2438 : memref<20x64xf32, #tpu.memory_space<hbm>>) dst(%dma_wait3A_2432 : memref<128x64xf32, #tpu.memory_space<vmem>>)
      %dma_wait3A_2439 = arith.constant 1 : i32
      %dma_wait3A_2440 = arith.constant 128 : i32
      %dma_wait3A_2441 = arith.constant 0 : i32
      %dma_wait3A_2442 = tpu.memref_slice %arg12[%dma_wait3A_2440, %dma_wait3A_2441] : memref<640x64xf32, #tpu.memory_space<vmem>> -> memref<128x64xf32, #tpu.memory_space<vmem>>
      %dma_wait3A_2443 = arith.constant 0 : i32
      %dma_wait3A_2444 = tpu.memref_slice %arg10[%dma_wait3A_2439, %dma_wait3A_2443] : memref<5x128xi32, #tpu.memory_space<vmem>> -> memref<1x128xi32, #tpu.memory_space<vmem>>
      %dma_wait3A_2445 = tpu.memref_squeeze %dma_wait3A_2444 : memref<1x128xi32, #tpu.memory_space<vmem>> -> memref<128xi32, #tpu.memory_space<vmem>>
      %dma_wait3A_2446 = arith.constant 0 : i32
      %dma_wait3A_2447 = arith.constant 0 : i32
      %dma_wait3A_2448 = tpu.memref_slice %arg3[%dma_wait3A_2446, %dma_wait3A_2447] : memref<20x64xf32, #tpu.memory_space<hbm>> -> memref<20x64xf32, #tpu.memory_space<hbm>>
      tpu.wait_indirect_dma semaphore(%arg16 : memref<!tpu.dma_semaphore, #tpu.memory_space<semaphore_mem>>) src(%dma_wait3A_2448 : memref<20x64xf32, #tpu.memory_space<hbm>>) dst(%dma_wait3A_2442 : memref<128x64xf32, #tpu.memory_space<vmem>>)
      %dma_wait3A_2449 = arith.constant 2 : i32
      %dma_wait3A_2450 = arith.constant 256 : i32
      %dma_wait3A_2451 = arith.constant 0 : i32
      %dma_wait3A_2452 = tpu.memref_slice %arg12[%dma_wait3A_2450, %dma_wait3A_2451] : memref<640x64xf32, #tpu.memory_space<vmem>> -> memref<128x64xf32, #tpu.memory_space<vmem>>
      %dma_wait3A_2453 = arith.constant 0 : i32
      %dma_wait3A_2454 = tpu.memref_slice %arg10[%dma_wait3A_2449, %dma_wait3A_2453] : memref<5x128xi32, #tpu.memory_space<vmem>> -> memref<1x128xi32, #tpu.memory_space<vmem>>
      %dma_wait3A_2455 = tpu.memref_squeeze %dma_wait3A_2454 : memref<1x128xi32, #tpu.memory_space<vmem>> -> memref<128xi32, #tpu.memory_space<vmem>>
      %dma_wait3A_2456 = arith.constant 0 : i32
      %dma_wait3A_2457 = arith.constant 0 : i32
      %dma_wait3A_2458 = tpu.memref_slice %arg3[%dma_wait3A_2456, %dma_wait3A_2457] : memref<20x64xf32, #tpu.memory_space<hbm>> -> memref<20x64xf32, #tpu.memory_space<hbm>>
      tpu.wait_indirect_dma semaphore(%arg16 : memref<!tpu.dma_semaphore, #tpu.memory_space<semaphore_mem>>) src(%dma_wait3A_2458 : memref<20x64xf32, #tpu.memory_space<hbm>>) dst(%dma_wait3A_2452 : memref<128x64xf32, #tpu.memory_space<vmem>>)
      %dma_wait3A_2459 = arith.constant 3 : i32
      %dma_wait3A_2460 = arith.constant 384 : i32
      %dma_wait3A_2461 = arith.constant 0 : i32
      %dma_wait3A_2462 = tpu.memref_slice %arg12[%dma_wait3A_2460, %dma_wait3A_2461] : memref<640x64xf32, #tpu.memory_space<vmem>> -> memref<128x64xf32, #tpu.memory_space<vmem>>
      %dma_wait3A_2463 = arith.constant 0 : i32
      %dma_wait3A_2464 = tpu.memref_slice %arg10[%dma_wait3A_2459, %dma_wait3A_2463] : memref<5x128xi32, #tpu.memory_space<vmem>> -> memref<1x128xi32, #tpu.memory_space<vmem>>
      %dma_wait3A_2465 = tpu.memref_squeeze %dma_wait3A_2464 : memref<1x128xi32, #tpu.memory_space<vmem>> -> memref<128xi32, #tpu.memory_space<vmem>>
      %dma_wait3A_2466 = arith.constant 0 : i32
      %dma_wait3A_2467 = arith.constant 0 : i32
      %dma_wait3A_2468 = tpu.memref_slice %arg3[%dma_wait3A_2466, %dma_wait3A_2467] : memref<20x64xf32, #tpu.memory_space<hbm>> -> memref<20x64xf32, #tpu.memory_space<hbm>>
      tpu.wait_indirect_dma semaphore(%arg16 : memref<!tpu.dma_semaphore, #tpu.memory_space<semaphore_mem>>) src(%dma_wait3A_2468 : memref<20x64xf32, #tpu.memory_space<hbm>>) dst(%dma_wait3A_2462 : memref<128x64xf32, #tpu.memory_space<vmem>>)
      %dma_wait3A_2469 = arith.constant 4 : i32
      %dma_wait3A_2470 = arith.constant 512 : i32
      %dma_wait3A_2471 = arith.constant 0 : i32
      %dma_wait3A_2472 = tpu.memref_slice %arg12[%dma_wait3A_2470, %dma_wait3A_2471] : memref<640x64xf32, #tpu.memory_space<vmem>> -> memref<128x64xf32, #tpu.memory_space<vmem>>
      %dma_wait3A_2473 = arith.constant 0 : i32
      %dma_wait3A_2474 = tpu.memref_slice %arg10[%dma_wait3A_2469, %dma_wait3A_2473] : memref<5x128xi32, #tpu.memory_space<vmem>> -> memref<1x128xi32, #tpu.memory_space<vmem>>
      %dma_wait3A_2475 = tpu.memref_squeeze %dma_wait3A_2474 : memref<1x128xi32, #tpu.memory_space<vmem>> -> memref<128xi32, #tpu.memory_space<vmem>>
      %dma_wait3A_2476 = arith.constant 0 : i32
      %dma_wait3A_2477 = arith.constant 0 : i32
      %dma_wait3A_2478 = tpu.memref_slice %arg3[%dma_wait3A_2476, %dma_wait3A_2477] : memref<20x64xf32, #tpu.memory_space<hbm>> -> memref<20x64xf32, #tpu.memory_space<hbm>>
      tpu.wait_indirect_dma semaphore(%arg16 : memref<!tpu.dma_semaphore, #tpu.memory_space<semaphore_mem>>) src(%dma_wait3A_2478 : memref<20x64xf32, #tpu.memory_space<hbm>>) dst(%dma_wait3A_2472 : memref<128x64xf32, #tpu.memory_space<vmem>>)
      %mul3A_2479 = arith.constant 640 : i32
      %mul3A_2480 = arith.muli %mul3A_189, %mul3A_2479 : i32
      %add3A_2481 = arith.addi %mul3A_2, %mul3A_2480 : i32
      %dma_start3A_2482 = arith.constant 0 : i32
      %dma_start3A_2483 = tpu.memref_slice %arg5[%add3A_2481, %dma_start3A_2482] : memref<819200x128xf32, #tpu.memory_space<hbm>> -> memref<640x64xf32, #tpu.memory_space<hbm>>
      %dma_start3A_2484 = arith.constant 0 : i32
      %dma_start3A_2485 = tpu.memref_slice %arg5[%add3A_2481, %dma_start3A_2484] : memref<819200x128xf32, #tpu.memory_space<hbm>> -> memref<640x64xf32, #tpu.memory_space<hbm>>
      tpu.enqueue_dma source(%arg12 : memref<640x64xf32, #tpu.memory_space<vmem>>) target(%dma_start3A_2485 : memref<640x64xf32, #tpu.memory_space<hbm>>) target_semaphore(%arg18 : memref<!tpu.dma_semaphore, #tpu.memory_space<semaphore_mem>>)
    }
    %scan3A_14 = arith.constant 20 : i32
    %dma_wait3A = arith.constant 0 : i32
    %dma_wait3A_15 = arith.constant 0 : i32
    %dma_wait3A_16 = arith.constant 0 : i32
    %dma_wait3A_17 = tpu.memref_slice %arg13[%dma_wait3A_15, %dma_wait3A_16] : memref<640x64xf32, #tpu.memory_space<vmem>> -> memref<128x64xf32, #tpu.memory_space<vmem>>
    %dma_wait3A_18 = arith.constant 0 : i32
    %dma_wait3A_19 = tpu.memref_slice %arg9[%dma_wait3A, %dma_wait3A_18] : memref<5x128xi32, #tpu.memory_space<vmem>> -> memref<1x128xi32, #tpu.memory_space<vmem>>
    %dma_wait3A_20 = tpu.memref_squeeze %dma_wait3A_19 : memref<1x128xi32, #tpu.memory_space<vmem>> -> memref<128xi32, #tpu.memory_space<vmem>>
    %dma_wait3A_21 = arith.constant 0 : i32
    %dma_wait3A_22 = arith.constant 0 : i32
    %dma_wait3A_23 = tpu.memref_slice %arg2[%dma_wait3A_21, %dma_wait3A_22] : memref<100000x64xf32, #tpu.memory_space<hbm>> -> memref<100000x64xf32, #tpu.memory_space<hbm>>
    tpu.wait_indirect_dma semaphore(%arg17 : memref<!tpu.dma_semaphore, #tpu.memory_space<semaphore_mem>>) src(%dma_wait3A_23 : memref<100000x64xf32, #tpu.memory_space<hbm>>) dst(%dma_wait3A_17 : memref<128x64xf32, #tpu.memory_space<vmem>>)
    %dma_wait3A_24 = arith.constant 1 : i32
    %dma_wait3A_25 = arith.constant 128 : i32
    %dma_wait3A_26 = arith.constant 0 : i32
    %dma_wait3A_27 = tpu.memref_slice %arg13[%dma_wait3A_25, %dma_wait3A_26] : memref<640x64xf32, #tpu.memory_space<vmem>> -> memref<128x64xf32, #tpu.memory_space<vmem>>
    %dma_wait3A_28 = arith.constant 0 : i32
    %dma_wait3A_29 = tpu.memref_slice %arg9[%dma_wait3A_24, %dma_wait3A_28] : memref<5x128xi32, #tpu.memory_space<vmem>> -> memref<1x128xi32, #tpu.memory_space<vmem>>
    %dma_wait3A_30 = tpu.memref_squeeze %dma_wait3A_29 : memref<1x128xi32, #tpu.memory_space<vmem>> -> memref<128xi32, #tpu.memory_space<vmem>>
    %dma_wait3A_31 = arith.constant 0 : i32
    %dma_wait3A_32 = arith.constant 0 : i32
    %dma_wait3A_33 = tpu.memref_slice %arg2[%dma_wait3A_31, %dma_wait3A_32] : memref<100000x64xf32, #tpu.memory_space<hbm>> -> memref<100000x64xf32, #tpu.memory_space<hbm>>
    tpu.wait_indirect_dma semaphore(%arg17 : memref<!tpu.dma_semaphore, #tpu.memory_space<semaphore_mem>>) src(%dma_wait3A_33 : memref<100000x64xf32, #tpu.memory_space<hbm>>) dst(%dma_wait3A_27 : memref<128x64xf32, #tpu.memory_space<vmem>>)
    %dma_wait3A_34 = arith.constant 2 : i32
    %dma_wait3A_35 = arith.constant 256 : i32
    %dma_wait3A_36 = arith.constant 0 : i32
    %dma_wait3A_37 = tpu.memref_slice %arg13[%dma_wait3A_35, %dma_wait3A_36] : memref<640x64xf32, #tpu.memory_space<vmem>> -> memref<128x64xf32, #tpu.memory_space<vmem>>
    %dma_wait3A_38 = arith.constant 0 : i32
    %dma_wait3A_39 = tpu.memref_slice %arg9[%dma_wait3A_34, %dma_wait3A_38] : memref<5x128xi32, #tpu.memory_space<vmem>> -> memref<1x128xi32, #tpu.memory_space<vmem>>
    %dma_wait3A_40 = tpu.memref_squeeze %dma_wait3A_39 : memref<1x128xi32, #tpu.memory_space<vmem>> -> memref<128xi32, #tpu.memory_space<vmem>>
    %dma_wait3A_41 = arith.constant 0 : i32
    %dma_wait3A_42 = arith.constant 0 : i32
    %dma_wait3A_43 = tpu.memref_slice %arg2[%dma_wait3A_41, %dma_wait3A_42] : memref<100000x64xf32, #tpu.memory_space<hbm>> -> memref<100000x64xf32, #tpu.memory_space<hbm>>
    tpu.wait_indirect_dma semaphore(%arg17 : memref<!tpu.dma_semaphore, #tpu.memory_space<semaphore_mem>>) src(%dma_wait3A_43 : memref<100000x64xf32, #tpu.memory_space<hbm>>) dst(%dma_wait3A_37 : memref<128x64xf32, #tpu.memory_space<vmem>>)
    %dma_wait3A_44 = arith.constant 3 : i32
    %dma_wait3A_45 = arith.constant 384 : i32
    %dma_wait3A_46 = arith.constant 0 : i32
    %dma_wait3A_47 = tpu.memref_slice %arg13[%dma_wait3A_45, %dma_wait3A_46] : memref<640x64xf32, #tpu.memory_space<vmem>> -> memref<128x64xf32, #tpu.memory_space<vmem>>
    %dma_wait3A_48 = arith.constant 0 : i32
    %dma_wait3A_49 = tpu.memref_slice %arg9[%dma_wait3A_44, %dma_wait3A_48] : memref<5x128xi32, #tpu.memory_space<vmem>> -> memref<1x128xi32, #tpu.memory_space<vmem>>
    %dma_wait3A_50 = tpu.memref_squeeze %dma_wait3A_49 : memref<1x128xi32, #tpu.memory_space<vmem>> -> memref<128xi32, #tpu.memory_space<vmem>>
    %dma_wait3A_51 = arith.constant 0 : i32
    %dma_wait3A_52 = arith.constant 0 : i32
    %dma_wait3A_53 = tpu.memref_slice %arg2[%dma_wait3A_51, %dma_wait3A_52] : memref<100000x64xf32, #tpu.memory_space<hbm>> -> memref<100000x64xf32, #tpu.memory_space<hbm>>
    tpu.wait_indirect_dma semaphore(%arg17 : memref<!tpu.dma_semaphore, #tpu.memory_space<semaphore_mem>>) src(%dma_wait3A_53 : memref<100000x64xf32, #tpu.memory_space<hbm>>) dst(%dma_wait3A_47 : memref<128x64xf32, #tpu.memory_space<vmem>>)
    %dma_wait3A_54 = arith.constant 4 : i32
    %dma_wait3A_55 = arith.constant 512 : i32
    %dma_wait3A_56 = arith.constant 0 : i32
    %dma_wait3A_57 = tpu.memref_slice %arg13[%dma_wait3A_55, %dma_wait3A_56] : memref<640x64xf32, #tpu.memory_space<vmem>> -> memref<128x64xf32, #tpu.memory_space<vmem>>
    %dma_wait3A_58 = arith.constant 0 : i32
    %dma_wait3A_59 = tpu.memref_slice %arg9[%dma_wait3A_54, %dma_wait3A_58] : memref<5x128xi32, #tpu.memory_space<vmem>> -> memref<1x128xi32, #tpu.memory_space<vmem>>
    %dma_wait3A_60 = tpu.memref_squeeze %dma_wait3A_59 : memref<1x128xi32, #tpu.memory_space<vmem>> -> memref<128xi32, #tpu.memory_space<vmem>>
    %dma_wait3A_61 = arith.constant 0 : i32
    %dma_wait3A_62 = arith.constant 0 : i32
    %dma_wait3A_63 = tpu.memref_slice %arg2[%dma_wait3A_61, %dma_wait3A_62] : memref<100000x64xf32, #tpu.memory_space<hbm>> -> memref<100000x64xf32, #tpu.memory_space<hbm>>
    tpu.wait_indirect_dma semaphore(%arg17 : memref<!tpu.dma_semaphore, #tpu.memory_space<semaphore_mem>>) src(%dma_wait3A_63 : memref<100000x64xf32, #tpu.memory_space<hbm>>) dst(%dma_wait3A_57 : memref<128x64xf32, #tpu.memory_space<vmem>>)
    %dma_start3A_64 = arith.constant 0 : i32
    %dma_start3A_65 = arith.constant 0 : i32
    %dma_start3A_66 = arith.constant 0 : i32
    %dma_start3A_67 = tpu.memref_slice %arg13[%dma_start3A_65, %dma_start3A_66] : memref<640x64xf32, #tpu.memory_space<vmem>> -> memref<128x64xf32, #tpu.memory_space<vmem>>
    %dma_start3A_68 = arith.constant 0 : i32
    %dma_start3A_69 = tpu.memref_slice %arg11[%dma_start3A_64, %dma_start3A_68] : memref<5x128xi32, #tpu.memory_space<vmem>> -> memref<1x128xi32, #tpu.memory_space<vmem>>
    %dma_start3A_70 = tpu.memref_squeeze %dma_start3A_69 : memref<1x128xi32, #tpu.memory_space<vmem>> -> memref<128xi32, #tpu.memory_space<vmem>>
    %dma_start3A_71 = arith.constant 0 : i32
    %dma_start3A_72 = arith.constant 0 : i32
    %dma_start3A_73 = tpu.memref_slice %arg3[%dma_start3A_71, %dma_start3A_72] : memref<20x64xf32, #tpu.memory_space<hbm>> -> memref<20x64xf32, #tpu.memory_space<hbm>>
    %dma_start3A_74 = arith.constant -1 : i32
    tpu.enqueue_indirect_dma source(%dma_start3A_73 : memref<20x64xf32, #tpu.memory_space<hbm>>) target(%dma_start3A_67 : memref<128x64xf32, #tpu.memory_space<vmem>>) offsets(%dma_start3A_70 : memref<128xi32, #tpu.memory_space<vmem>>) offset_filter(%dma_start3A_74) semaphore(%arg17 : memref<!tpu.dma_semaphore, #tpu.memory_space<semaphore_mem>>)
    %dma_start3A_75 = arith.constant 1 : i32
    %dma_start3A_76 = arith.constant 128 : i32
    %dma_start3A_77 = arith.constant 0 : i32
    %dma_start3A_78 = tpu.memref_slice %arg13[%dma_start3A_76, %dma_start3A_77] : memref<640x64xf32, #tpu.memory_space<vmem>> -> memref<128x64xf32, #tpu.memory_space<vmem>>
    %dma_start3A_79 = arith.constant 0 : i32
    %dma_start3A_80 = tpu.memref_slice %arg11[%dma_start3A_75, %dma_start3A_79] : memref<5x128xi32, #tpu.memory_space<vmem>> -> memref<1x128xi32, #tpu.memory_space<vmem>>
    %dma_start3A_81 = tpu.memref_squeeze %dma_start3A_80 : memref<1x128xi32, #tpu.memory_space<vmem>> -> memref<128xi32, #tpu.memory_space<vmem>>
    %dma_start3A_82 = arith.constant 0 : i32
    %dma_start3A_83 = arith.constant 0 : i32
    %dma_start3A_84 = tpu.memref_slice %arg3[%dma_start3A_82, %dma_start3A_83] : memref<20x64xf32, #tpu.memory_space<hbm>> -> memref<20x64xf32, #tpu.memory_space<hbm>>
    %dma_start3A_85 = arith.constant -1 : i32
    tpu.enqueue_indirect_dma source(%dma_start3A_84 : memref<20x64xf32, #tpu.memory_space<hbm>>) target(%dma_start3A_78 : memref<128x64xf32, #tpu.memory_space<vmem>>) offsets(%dma_start3A_81 : memref<128xi32, #tpu.memory_space<vmem>>) offset_filter(%dma_start3A_85) semaphore(%arg17 : memref<!tpu.dma_semaphore, #tpu.memory_space<semaphore_mem>>)
    %dma_start3A_86 = arith.constant 2 : i32
    %dma_start3A_87 = arith.constant 256 : i32
    %dma_start3A_88 = arith.constant 0 : i32
    %dma_start3A_89 = tpu.memref_slice %arg13[%dma_start3A_87, %dma_start3A_88] : memref<640x64xf32, #tpu.memory_space<vmem>> -> memref<128x64xf32, #tpu.memory_space<vmem>>
    %dma_start3A_90 = arith.constant 0 : i32
    %dma_start3A_91 = tpu.memref_slice %arg11[%dma_start3A_86, %dma_start3A_90] : memref<5x128xi32, #tpu.memory_space<vmem>> -> memref<1x128xi32, #tpu.memory_space<vmem>>
    %dma_start3A_92 = tpu.memref_squeeze %dma_start3A_91 : memref<1x128xi32, #tpu.memory_space<vmem>> -> memref<128xi32, #tpu.memory_space<vmem>>
    %dma_start3A_93 = arith.constant 0 : i32
    %dma_start3A_94 = arith.constant 0 : i32
    %dma_start3A_95 = tpu.memref_slice %arg3[%dma_start3A_93, %dma_start3A_94] : memref<20x64xf32, #tpu.memory_space<hbm>> -> memref<20x64xf32, #tpu.memory_space<hbm>>
    %dma_start3A_96 = arith.constant -1 : i32
    tpu.enqueue_indirect_dma source(%dma_start3A_95 : memref<20x64xf32, #tpu.memory_space<hbm>>) target(%dma_start3A_89 : memref<128x64xf32, #tpu.memory_space<vmem>>) offsets(%dma_start3A_92 : memref<128xi32, #tpu.memory_space<vmem>>) offset_filter(%dma_start3A_96) semaphore(%arg17 : memref<!tpu.dma_semaphore, #tpu.memory_space<semaphore_mem>>)
    %dma_start3A_97 = arith.constant 3 : i32
    %dma_start3A_98 = arith.constant 384 : i32
    %dma_start3A_99 = arith.constant 0 : i32
    %dma_start3A_100 = tpu.memref_slice %arg13[%dma_start3A_98, %dma_start3A_99] : memref<640x64xf32, #tpu.memory_space<vmem>> -> memref<128x64xf32, #tpu.memory_space<vmem>>
    %dma_start3A_101 = arith.constant 0 : i32
    %dma_start3A_102 = tpu.memref_slice %arg11[%dma_start3A_97, %dma_start3A_101] : memref<5x128xi32, #tpu.memory_space<vmem>> -> memref<1x128xi32, #tpu.memory_space<vmem>>
    %dma_start3A_103 = tpu.memref_squeeze %dma_start3A_102 : memref<1x128xi32, #tpu.memory_space<vmem>> -> memref<128xi32, #tpu.memory_space<vmem>>
    %dma_start3A_104 = arith.constant 0 : i32
    %dma_start3A_105 = arith.constant 0 : i32
    %dma_start3A_106 = tpu.memref_slice %arg3[%dma_start3A_104, %dma_start3A_105] : memref<20x64xf32, #tpu.memory_space<hbm>> -> memref<20x64xf32, #tpu.memory_space<hbm>>
    %dma_start3A_107 = arith.constant -1 : i32
    tpu.enqueue_indirect_dma source(%dma_start3A_106 : memref<20x64xf32, #tpu.memory_space<hbm>>) target(%dma_start3A_100 : memref<128x64xf32, #tpu.memory_space<vmem>>) offsets(%dma_start3A_103 : memref<128xi32, #tpu.memory_space<vmem>>) offset_filter(%dma_start3A_107) semaphore(%arg17 : memref<!tpu.dma_semaphore, #tpu.memory_space<semaphore_mem>>)
    %dma_start3A_108 = arith.constant 4 : i32
    %dma_start3A_109 = arith.constant 512 : i32
    %dma_start3A_110 = arith.constant 0 : i32
    %dma_start3A_111 = tpu.memref_slice %arg13[%dma_start3A_109, %dma_start3A_110] : memref<640x64xf32, #tpu.memory_space<vmem>> -> memref<128x64xf32, #tpu.memory_space<vmem>>
    %dma_start3A_112 = arith.constant 0 : i32
    %dma_start3A_113 = tpu.memref_slice %arg11[%dma_start3A_108, %dma_start3A_112] : memref<5x128xi32, #tpu.memory_space<vmem>> -> memref<1x128xi32, #tpu.memory_space<vmem>>
    %dma_start3A_114 = tpu.memref_squeeze %dma_start3A_113 : memref<1x128xi32, #tpu.memory_space<vmem>> -> memref<128xi32, #tpu.memory_space<vmem>>
    %dma_start3A_115 = arith.constant 0 : i32
    %dma_start3A_116 = arith.constant 0 : i32
    %dma_start3A_117 = tpu.memref_slice %arg3[%dma_start3A_115, %dma_start3A_116] : memref<20x64xf32, #tpu.memory_space<hbm>> -> memref<20x64xf32, #tpu.memory_space<hbm>>
    %dma_start3A_118 = arith.constant -1 : i32
    tpu.enqueue_indirect_dma source(%dma_start3A_117 : memref<20x64xf32, #tpu.memory_space<hbm>>) target(%dma_start3A_111 : memref<128x64xf32, #tpu.memory_space<vmem>>) offsets(%dma_start3A_114 : memref<128xi32, #tpu.memory_space<vmem>>) offset_filter(%dma_start3A_118) semaphore(%arg17 : memref<!tpu.dma_semaphore, #tpu.memory_space<semaphore_mem>>)
    %dma_wait3A_119 = arith.constant 0 : i32
    %dma_wait3A_120 = arith.constant 0 : i32
    %dma_wait3A_121 = arith.constant 0 : i32
    %dma_wait3A_122 = tpu.memref_slice %arg13[%dma_wait3A_120, %dma_wait3A_121] : memref<640x64xf32, #tpu.memory_space<vmem>> -> memref<128x64xf32, #tpu.memory_space<vmem>>
    %dma_wait3A_123 = arith.constant 0 : i32
    %dma_wait3A_124 = tpu.memref_slice %arg11[%dma_wait3A_119, %dma_wait3A_123] : memref<5x128xi32, #tpu.memory_space<vmem>> -> memref<1x128xi32, #tpu.memory_space<vmem>>
    %dma_wait3A_125 = tpu.memref_squeeze %dma_wait3A_124 : memref<1x128xi32, #tpu.memory_space<vmem>> -> memref<128xi32, #tpu.memory_space<vmem>>
    %dma_wait3A_126 = arith.constant 0 : i32
    %dma_wait3A_127 = arith.constant 0 : i32
    %dma_wait3A_128 = tpu.memref_slice %arg3[%dma_wait3A_126, %dma_wait3A_127] : memref<20x64xf32, #tpu.memory_space<hbm>> -> memref<20x64xf32, #tpu.memory_space<hbm>>
    tpu.wait_indirect_dma semaphore(%arg17 : memref<!tpu.dma_semaphore, #tpu.memory_space<semaphore_mem>>) src(%dma_wait3A_128 : memref<20x64xf32, #tpu.memory_space<hbm>>) dst(%dma_wait3A_122 : memref<128x64xf32, #tpu.memory_space<vmem>>)
    %dma_wait3A_129 = arith.constant 1 : i32
    %dma_wait3A_130 = arith.constant 128 : i32
    %dma_wait3A_131 = arith.constant 0 : i32
    %dma_wait3A_132 = tpu.memref_slice %arg13[%dma_wait3A_130, %dma_wait3A_131] : memref<640x64xf32, #tpu.memory_space<vmem>> -> memref<128x64xf32, #tpu.memory_space<vmem>>
    %dma_wait3A_133 = arith.constant 0 : i32
    %dma_wait3A_134 = tpu.memref_slice %arg11[%dma_wait3A_129, %dma_wait3A_133] : memref<5x128xi32, #tpu.memory_space<vmem>> -> memref<1x128xi32, #tpu.memory_space<vmem>>
    %dma_wait3A_135 = tpu.memref_squeeze %dma_wait3A_134 : memref<1x128xi32, #tpu.memory_space<vmem>> -> memref<128xi32, #tpu.memory_space<vmem>>
    %dma_wait3A_136 = arith.constant 0 : i32
    %dma_wait3A_137 = arith.constant 0 : i32
    %dma_wait3A_138 = tpu.memref_slice %arg3[%dma_wait3A_136, %dma_wait3A_137] : memref<20x64xf32, #tpu.memory_space<hbm>> -> memref<20x64xf32, #tpu.memory_space<hbm>>
    tpu.wait_indirect_dma semaphore(%arg17 : memref<!tpu.dma_semaphore, #tpu.memory_space<semaphore_mem>>) src(%dma_wait3A_138 : memref<20x64xf32, #tpu.memory_space<hbm>>) dst(%dma_wait3A_132 : memref<128x64xf32, #tpu.memory_space<vmem>>)
    %dma_wait3A_139 = arith.constant 2 : i32
    %dma_wait3A_140 = arith.constant 256 : i32
    %dma_wait3A_141 = arith.constant 0 : i32
    %dma_wait3A_142 = tpu.memref_slice %arg13[%dma_wait3A_140, %dma_wait3A_141] : memref<640x64xf32, #tpu.memory_space<vmem>> -> memref<128x64xf32, #tpu.memory_space<vmem>>
    %dma_wait3A_143 = arith.constant 0 : i32
    %dma_wait3A_144 = tpu.memref_slice %arg11[%dma_wait3A_139, %dma_wait3A_143] : memref<5x128xi32, #tpu.memory_space<vmem>> -> memref<1x128xi32, #tpu.memory_space<vmem>>
    %dma_wait3A_145 = tpu.memref_squeeze %dma_wait3A_144 : memref<1x128xi32, #tpu.memory_space<vmem>> -> memref<128xi32, #tpu.memory_space<vmem>>
    %dma_wait3A_146 = arith.constant 0 : i32
    %dma_wait3A_147 = arith.constant 0 : i32
    %dma_wait3A_148 = tpu.memref_slice %arg3[%dma_wait3A_146, %dma_wait3A_147] : memref<20x64xf32, #tpu.memory_space<hbm>> -> memref<20x64xf32, #tpu.memory_space<hbm>>
    tpu.wait_indirect_dma semaphore(%arg17 : memref<!tpu.dma_semaphore, #tpu.memory_space<semaphore_mem>>) src(%dma_wait3A_148 : memref<20x64xf32, #tpu.memory_space<hbm>>) dst(%dma_wait3A_142 : memref<128x64xf32, #tpu.memory_space<vmem>>)
    %dma_wait3A_149 = arith.constant 3 : i32
    %dma_wait3A_150 = arith.constant 384 : i32
    %dma_wait3A_151 = arith.constant 0 : i32
    %dma_wait3A_152 = tpu.memref_slice %arg13[%dma_wait3A_150, %dma_wait3A_151] : memref<640x64xf32, #tpu.memory_space<vmem>> -> memref<128x64xf32, #tpu.memory_space<vmem>>
    %dma_wait3A_153 = arith.constant 0 : i32
    %dma_wait3A_154 = tpu.memref_slice %arg11[%dma_wait3A_149, %dma_wait3A_153] : memref<5x128xi32, #tpu.memory_space<vmem>> -> memref<1x128xi32, #tpu.memory_space<vmem>>
    %dma_wait3A_155 = tpu.memref_squeeze %dma_wait3A_154 : memref<1x128xi32, #tpu.memory_space<vmem>> -> memref<128xi32, #tpu.memory_space<vmem>>
    %dma_wait3A_156 = arith.constant 0 : i32
    %dma_wait3A_157 = arith.constant 0 : i32
    %dma_wait3A_158 = tpu.memref_slice %arg3[%dma_wait3A_156, %dma_wait3A_157] : memref<20x64xf32, #tpu.memory_space<hbm>> -> memref<20x64xf32, #tpu.memory_space<hbm>>
    tpu.wait_indirect_dma semaphore(%arg17 : memref<!tpu.dma_semaphore, #tpu.memory_space<semaphore_mem>>) src(%dma_wait3A_158 : memref<20x64xf32, #tpu.memory_space<hbm>>) dst(%dma_wait3A_152 : memref<128x64xf32, #tpu.memory_space<vmem>>)
    %dma_wait3A_159 = arith.constant 4 : i32
    %dma_wait3A_160 = arith.constant 512 : i32
    %dma_wait3A_161 = arith.constant 0 : i32
    %dma_wait3A_162 = tpu.memref_slice %arg13[%dma_wait3A_160, %dma_wait3A_161] : memref<640x64xf32, #tpu.memory_space<vmem>> -> memref<128x64xf32, #tpu.memory_space<vmem>>
    %dma_wait3A_163 = arith.constant 0 : i32
    %dma_wait3A_164 = tpu.memref_slice %arg11[%dma_wait3A_159, %dma_wait3A_163] : memref<5x128xi32, #tpu.memory_space<vmem>> -> memref<1x128xi32, #tpu.memory_space<vmem>>
    %dma_wait3A_165 = tpu.memref_squeeze %dma_wait3A_164 : memref<1x128xi32, #tpu.memory_space<vmem>> -> memref<128xi32, #tpu.memory_space<vmem>>
    %dma_wait3A_166 = arith.constant 0 : i32
    %dma_wait3A_167 = arith.constant 0 : i32
    %dma_wait3A_168 = tpu.memref_slice %arg3[%dma_wait3A_166, %dma_wait3A_167] : memref<20x64xf32, #tpu.memory_space<hbm>> -> memref<20x64xf32, #tpu.memory_space<hbm>>
    tpu.wait_indirect_dma semaphore(%arg17 : memref<!tpu.dma_semaphore, #tpu.memory_space<semaphore_mem>>) src(%dma_wait3A_168 : memref<20x64xf32, #tpu.memory_space<hbm>>) dst(%dma_wait3A_162 : memref<128x64xf32, #tpu.memory_space<vmem>>)
    %add3A_169 = arith.constant 24960 : i32
    %add3A_170 = arith.addi %mul3A_2, %add3A_169 : i32
    %dma_start3A_171 = arith.constant 0 : i32
    %dma_start3A_172 = tpu.memref_slice %arg5[%add3A_170, %dma_start3A_171] : memref<819200x128xf32, #tpu.memory_space<hbm>> -> memref<640x64xf32, #tpu.memory_space<hbm>>
    %dma_start3A_173 = arith.constant 0 : i32
    %dma_start3A_174 = tpu.memref_slice %arg5[%add3A_170, %dma_start3A_173] : memref<819200x128xf32, #tpu.memory_space<hbm>> -> memref<640x64xf32, #tpu.memory_space<hbm>>
    tpu.enqueue_dma source(%arg13 : memref<640x64xf32, #tpu.memory_space<vmem>>) target(%dma_start3A_174 : memref<640x64xf32, #tpu.memory_space<hbm>>) target_semaphore(%arg19 : memref<!tpu.dma_semaphore, #tpu.memory_space<semaphore_mem>>)
    %add3A_175 = arith.constant 24320 : i32
    %add3A_176 = arith.addi %mul3A_2, %add3A_175 : i32
    %dma_wait3A_177 = arith.constant 0 : i32
    %dma_wait3A_178 = tpu.memref_slice %arg5[%add3A_176, %dma_wait3A_177] : memref<819200x128xf32, #tpu.memory_space<hbm>> -> memref<640x64xf32, #tpu.memory_space<hbm>>
    %dma_wait3A_179 = arith.constant 0 : i32
    %dma_wait3A_180 = tpu.memref_slice %arg5[%add3A_176, %dma_wait3A_179] : memref<819200x128xf32, #tpu.memory_space<hbm>> -> memref<640x64xf32, #tpu.memory_space<hbm>>
    tpu.wait_dma2 semaphore(%arg18 : memref<!tpu.dma_semaphore, #tpu.memory_space<semaphore_mem>>) src(%arg12 : memref<640x64xf32, #tpu.memory_space<vmem>>) dst(%dma_wait3A_180 : memref<640x64xf32, #tpu.memory_space<hbm>>)
    %add3A_181 = arith.constant 24960 : i32
    %add3A_182 = arith.addi %mul3A_2, %add3A_181 : i32
    %dma_wait3A_183 = arith.constant 0 : i32
    %dma_wait3A_184 = tpu.memref_slice %arg5[%add3A_182, %dma_wait3A_183] : memref<819200x128xf32, #tpu.memory_space<hbm>> -> memref<640x64xf32, #tpu.memory_space<hbm>>
    %dma_wait3A_185 = arith.constant 0 : i32
    %dma_wait3A_186 = tpu.memref_slice %arg5[%add3A_182, %dma_wait3A_185] : memref<819200x128xf32, #tpu.memory_space<hbm>> -> memref<640x64xf32, #tpu.memory_space<hbm>>
    tpu.wait_dma2 semaphore(%arg19 : memref<!tpu.dma_semaphore, #tpu.memory_space<semaphore_mem>>) src(%arg13 : memref<640x64xf32, #tpu.memory_space<vmem>>) dst(%dma_wait3A_186 : memref<640x64xf32, #tpu.memory_space<hbm>>)
    return
  }
}

</mosaic_0001>

<sc_bundles>
// kernel: kernel.3.cloned.1.call-start
scs
__scs_entry_jumppad:
0x0: {  	(pc) =	sbr.rel $0x88, $3  }
0x1: {  	(tag) =	ssettag $0x0;
	lr =	simm.s32 $0x1  }
0x2: {  	[smem:$0x3F9E] =	sst lr;
	_ =	strace $0xD0000000  }
0x3: {  	_ = 	snop  }
0x4: {  	_ = 	snop  }
0x5: {  	_ = 	snop  }
0x6: {  	_ = 	snop  }
0x7: {  	_ = 	snop  }
__scs_overlays_trampoline_lowered:
0x8: {  	[smem:$0x3FAD] =	sst s0  }
0x9: {  	[smem:$0x3FAE] =	sst s1  }
0xa: {  	[smem:$0x3FAF] =	sst s2  }
0xb: {  	[smem:$0x3FB0] =	sst s3  }
0xc: {  	[smem:$0x3FB1] =	sst s4  }
0xd: {  	[smem:$0x3FB2] =	sst s5  }
0xe: {  	[smem:$0x3FB3] =	sst s6  }
0xf: {  	[smem:$0x3FB4] =	sst s7  }
0x10: {  	[smem:$0x3FB5] =	sst s8  }
0x11: {  	[smem:$0x3FB6] =	sst s9;
	s0 =	simm.s32 @!p0 $0x0  }
0x12: {  	s1 =	sld [smem:$0x3F9C];
	s0 =	simm.s32 @p0 $0x1  }
0x13: {  	[smem:$0x3FB7] =	sst s0;
	s0 =	simm.s32 @!p1 $0x0  }
0x14: {  	s2 =	sld [smem:$0x3F9B];
	s0 =	simm.s32 @p1 $0x1  }
0x15: {  	[smem:$0x3FB8] =	sst s0;
	s0 =	simm.s32 @!p2 $0x0  }
0x16: {  	s3 =	sld [smem:$0x3FDB];
	s0 =	simm.s32 @p2 $0x1  }
0x17: {  	s4 =	simm.s32 $0x1BF5;
	[smem:$0x3FBA] =	sst s0  }
0x18: {  	s0 =	sld [smem:$0x3F9D];
	_ =	swait.ge [sflag:s4], $0x0  }
0x19: {  	s7 =	sld [smem:$0x3F9E]  }
0x1a: {  	s8 =	sadd.s32 $0xFFFFE003, lr  }
0x1b: {  	s9 =	sadd.s32 $0xFFFFFEF7, lr;
	s5 =	simm.s32 $0xFFFFFFFF;
	p2 =	slt.u32 s8, $0xFFFFF086  }
0x1c: {  	p1 =	slt.u32 s9, $0xF7A;
	s5 =	simm.s32 @!p2 $0x0  }
0x1d: {  	s5 =	simm.s32 @p1 $0x1;
	p0 =	seq.s32 s7, s2  }
0x1e: {  	s7 =	smul.u32 @!p0 $0xF7A, s2;
	p2 =	seq.s32 @!p0 s5, $0x0  }
0x1f: {  	s9 =	smul.u32 $0xF7A, s1;
	s8 =	simm.s32 @!p0 $0x1BF5;
	p2 =	por !p2, p0  }
0x20: {  	[sflag:s8] =	ssyncset.s32 @!p0 $0xFFFFF086;
	s6 =	sadd.s32 @!p0 s3, s7;
	s7 =	simm.s32 @!p0 $0x108  }
0x21: {  	s3 =	sadd.s32 s3, s9;
	s6 =	sadd.s32 @!p0 $0x88, s6;
	s7 =	simm.s32 @p2 $0x1082  }
0x22: {  	[simem:s7], [sflag:s8] =	dma.local @!p0 [hbm:s6], $0xF7A  }
0x23: {  	s9 =	sor.u32 $0xD0000000, s2;
	s6 =	simm.s32 $0x108;
	_ =	swait.ge @!p0 [sflag:s8], $0x0  }
0x24: {  	s3 =	sadd.s32 $0x88, s3;
	s6 =	simm.s32 @!p1 $0x1082;
	[sflag:s4] =	ssyncset.s32 $0xFFFFF086  }
0x25: {  	[simem:s6], [sflag:s4] =	dma.local [hbm:s3], $0xF7A  }
0x26: {  	[smem:$0x3F9E] =	sst s1;
	(tag) =	ssettag s2;
	_ =	strace s9  }
0x27: {  	s1 =	sld [smem:$0x3FAE]  }
0x28: {  	s2 =	sld [smem:$0x3FAF]  }
0x29: {  	s4 =	sld [smem:$0x3FB1]  }
0x2a: {  	p0 =	seq.s32 s5, $0x0;
	s5 =	sld [smem:$0x3FB2]  }
0x2b: {  	s6 =	sld [smem:$0x3FB3]  }
0x2c: {  	s7 =	sld [smem:$0x3FB4]  }
0x2d: {  	s3 =	simm.s32 $0x108;
	s8 =	sld [smem:$0x3FB5]  }
0x2e: {  	s3 =	simm.s32 @!p0 $0x1082;
	s9 =	sld [smem:$0x3FB6]  }
0x2f: {  	lr =	sadd.s32 s0, s3;
	s0 =	sld [smem:$0x3FAD]  }
0x30: {  	s3 =	sld [smem:$0x3FB0]  }
0x31: {  	[smem:$0x3FB9] =	sst s10  }
0x32: {  	s10 =	sld [smem:$0x3FB7];
	_ =	sdelay $0x3  }
0x33: {  	p0 =	seq.s32 s10, $0x1;
	s10 =	sld [smem:$0x3FB9];
	_ =	sdelay $0x3  }
0x34: {  	[smem:$0x3FB9] =	sst s10  }
0x35: {  	s10 =	sld [smem:$0x3FB8];
	_ =	sdelay $0x3  }
0x36: {  	p1 =	seq.s32 s10, $0x1;
	s10 =	sld [smem:$0x3FB9];
	_ =	sdelay $0x3  }
0x37: {  	[smem:$0x3FB9] =	sst s10  }
0x38: {  	s10 =	sld [smem:$0x3FBA]  }
0x39: {  	_ = 	snop;
	(pc) =	sbr.ind lr, $3  }
0x3a: {  	_ = 	snop  }
0x3b: {  	_ = 	snop  }
0x3c: {  	p2 =	seq.s32 s10, $0x1;
	s10 =	sld [smem:$0x3FB9]  }
0x3d: {  	_ =	shalt  }
0x3e: {  	_ =	shalt  }
0x3f: {  	_ =	shalt  }
0x40: {  	_ =	shalt  }
0x41: {  	_ =	shalt  }
0x42: {  	_ =	shalt  }
0x43: {  	_ =	shalt  }
0x44: {  	_ =	shalt  }
0x45: {  	_ =	shalt  }
0x46: {  	_ =	shalt  }
0x47: {  	_ =	shalt  }
0x48: {  	_ =	shalt  }
0x49: {  	_ =	shalt  }
0x4a: {  	_ =	shalt  }
0x4b: {  	_ =	shalt  }
0x4c: {  	_ =	shalt  }
0x4d: {  	_ =	shalt  }
0x4e: {  	_ =	shalt  }
0x4f: {  	_ =	shalt  }
0x50: {  	_ =	shalt  }
0x51: {  	_ =	shalt  }
0x52: {  	_ =	shalt  }
0x53: {  	_ =	shalt  }
0x54: {  	_ =	shalt  }
0x55: {  	_ =	shalt  }
0x56: {  	_ =	shalt  }
0x57: {  	_ =	shalt  }
0x58: {  	_ =	shalt  }
0x59: {  	_ =	shalt  }
0x5a: {  	_ =	shalt  }
0x5b: {  	_ =	shalt  }
0x5c: {  	_ =	shalt  }
0x5d: {  	_ =	shalt  }
0x5e: {  	_ =	shalt  }
0x5f: {  	_ =	shalt  }
0x60: {  	_ =	shalt  }
0x61: {  	_ =	shalt  }
0x62: {  	_ =	shalt  }
0x63: {  	_ =	shalt  }
0x64: {  	_ =	shalt  }
0x65: {  	_ =	shalt  }
0x66: {  	_ =	shalt  }
0x67: {  	_ =	shalt  }
0x68: {  	_ =	shalt  }
0x69: {  	_ =	shalt  }
0x6a: {  	_ =	shalt  }
0x6b: {  	_ =	shalt  }
0x6c: {  	_ =	shalt  }
0x6d: {  	_ =	shalt  }
0x6e: {  	_ =	shalt  }
0x6f: {  	_ =	shalt  }
0x70: {  	_ =	shalt  }
0x71: {  	_ =	shalt  }
0x72: {  	_ =	shalt  }
0x73: {  	_ =	shalt  }
0x74: {  	_ =	shalt  }
0x75: {  	_ =	shalt  }
0x76: {  	_ =	shalt  }
0x77: {  	_ =	shalt  }
0x78: {  	_ =	shalt  }
0x79: {  	_ =	shalt  }
0x7a: {  	_ =	shalt  }
0x7b: {  	_ =	shalt  }
0x7c: {  	_ =	shalt  }
0x7d: {  	_ =	shalt  }
0x7e: {  	_ =	shalt  }
0x7f: {  	_ =	shalt  }
0x80: {  	_ =	shalt  }
0x81: {  	_ =	shalt  }
0x82: {  	_ =	shalt  }
0x83: {  	_ =	shalt  }
0x84: {  	_ =	shalt  }
0x85: {  	_ =	shalt  }
0x86: {  	_ =	shalt  }
0x87: {  	_ =	shalt  }
.Lfunc_end0:
.L_simem_size_0:
called_computation.1_lowered:
.L_overlay_start_0:
0x88: {  	s2 =	sld [smem:$0x3FD9]  }
0x89: {  	s3 =	sld [smem:$0x3FFE];
	_ =	sdelay $0x1  }
0x8a: {  	s1 =	srdreg.scid  }
0x8b: {  	s0 =	sand.u32 $0x1, s1  }
0x8c: {  	s16 =	sshll.u32 s0, $0xA;
	s2 =	sadd.s32 s3, s2  }
0x8d: {  	s2 =	sadd.s32 s2, s16  }
0x8e: {  	[smem:$0x3FC5] =	sst s2  }
0x8f: {  	_ = 	snop  }
0x90: {  	(tm) =	ssettm $0x1  }
0x91: {  	s17 =	sld [smem:$0x3FFB];
	_ =	sdelay $0x3  }
0x92: {  	_ =	strace s17  }
0x93: {  	s2 =	sld [smem:$0x3FFC];
	_ =	sdelay $0x3  }
0x94: {  	_ =	strace s2  }
0x95: {  	s2 =	sld [smem:$0x3FFD];
	_ =	sdelay $0x3  }
0x96: {  	_ =	strace s2  }
0x97: {  	_ =	strace $0x8FFFFFFF  }
0x98: {  	s18 =	sld [smem:$0x3FDB];
	_ =	sdelay $0x1  }
0x99: {  	s19 =	simm.s32 $_scs_section_size  }
0x9a: {  	s4 =	simm.s32 $_size__tile_overlayer_lowered;
	s5 =	simm.s32 $_tile_overlayer_lowered  }
0x9b: {  	s22 =	simm.s32 $0x1BFF;
	s21 =	sshll.u32 s5, $0x1;
	s2 =	sadd.s32 s19, s18  }
0x9c: {  	s6 =	simm.s32 $0x0;
	s20 =	sshll.u32 s4, $0x1;
	s4 =	sadd.s32 s21, s2  }
0x9d: {  	[timem:s6], [sflag:s22] =	dma.local [hbm:s4], s20  }
0x9e: {  	_ =	swait.ge [sflag:s22], s20  }
0x9f: {  	s3 =	ssub.s32 $0x0, s20;
	[sflag:s22] =	ssyncset.done $0x0  }
0xa0: {  	[sflag:s22] =	ssyncadd.s32 s3;
	_ =	sdelay $0x1  }
0xa1: {  	s23 =	simm.s32 $0x1B8B  }
0xa2: {  	_ =	swait.ge [sflag:s23], $0x1  }
0xa3: {  	[sflag:s23] =	ssyncset.done $0x0  }
0xa4: {  	s25 =	simm.s32 $0x1B8E;
	s24 =	sld [smem:$0x3FFE];
	[sflag:s23] =	ssyncadd.s32 $0xFFFFFFFF  }
0xa5: {  	s26 =	simm.s32 $execute0_lowered;
	[smem:$0x3FD2] =	sst s25  }
0xa6: {  	s4 =	sshll.u32 s26, $0x1;
	_ =	strace $0x80000046;
	[dreg:$0x1] =	wrdreg $0xFFFFFFFF  }
0xa7: {  	s28 =	simm.s32 $_size_execute0_lowered;
	s2 =	sadd.s32 s2, s4;
	[dreg:$0x0] =	wrdreg $0x0  }
0xa8: {  	s4 =	sshll.u32 s28, $0x1;
	[dreg:$0x2] =	wrdreg s2  }
0xa9: {  	[dreg:$0x3] =	wrdreg s4  }
0xaa: {  	[dreg:$0x4] =	wrdreg $0xC0  }
0xab: {  	_ =	task [dreg:s6], $0x5FFFF  }
0xac: {  	[dreg:$0x1] =	wrdreg $0xFFFFFFFF  }
0xad: {  	[dreg:$0x0] =	wrdreg $0x60  }
0xae: {  	[dreg:$0x2] =	wrdreg s24  }
0xaf: {  	[dreg:$0x3] =	wrdreg $0x9  }
0xb0: {  	_ =	task.clear_ibuf [dreg:s6], $0x4FFFF;
	_ =	strace $0x90000046  }
0xb1: {  	s29 =	simm.s32 $0x9;
	_ =	strace $0x80000048  }
0xb2: {  	_ =	swait.ge [sflag:s29], $0x1  }
0xb3: {  	[sflag:s29] =	ssyncadd.s32 $0xFFFFFFFF  }
0xb4: {  	_ =	strace $0x90000048  }
0xb5: {  	_ =	sfence  }
0xb6: {  	s30 =	sld [smem:$0x0];
	_ =	sdelay $0x2  }
0xb7: {  	s31 =	sshll.u32 s1, $0xD;
	s1 =	sshrl.u32 s1, $0x2  }
0xb8: {  	s3 =	sand.u32 $0x4000, s31;
	s1 =	sadd.s32 s1, s30  }
0xb9: {  	s0 =	sor.u32 s3, s0;
	s1 =	sshll.u32 s1, $0x11  }
0xba: {  	s0 =	sor.u32 s1, s0  }
0xbb: {  	s0 =	sadd.s32 $0x8F2B, s0  }
0xbc: {  	[sflag:s0] =	ssyncadd.remote.s32 $0x1  }
0xbd: {  	_ =	sfence.sel $0xFFFF  }
0xbe: {  	[dreg:$0x0] =	wrdreg $0xFFFFFFFF;
	(pc) =	sbr.abs _section_cstart, $3  }
0xbf: {  	[dreg:$0x1] =	wrdreg $0xFFFFFFFF  }
0xc0: {  	_ =	task.clear_ibuf [dreg:s6], $0x2FFFF;
	_ =	strace $0x9FFFFFFF  }
0xc1: {  	(tm) =	ssettm $0x7FFFFFFF  }
tec
execute0_lowered:
.L_overlay_start_1:
0x0: {  	(tag) =	ssettag $0x1  }
0x1: {  	s0 =	rddreg [dreg:$0x0]  }
0x2: {  	s1 =	srdreg.scid;
	s12 =	stileid.u32;
	s3 =	simm.s32 $0x0  }
0x3: {  	s16 =	simm.s32 $0x1;
	s17 =	simm.s32 $0x80;
	s19 =	simm.s32 $0xF00  }
0x4: {  	s28 =	simm.s32 $0x8F00;
	s29 =	simm.s32 $0x2;
	s31 =	simm.s32 $0xAF00  }
0x5: {  	s13 =	simm.s32 $0x3;
	s18 =	simm.s32 $0xA80;
	s30 =	simm.s32 $0x4  }
0x6: {  	s1 =	sand.u32 $0x1, s1;
	s2 =	sshll.u32 s12, $0x1;
	s8 =	smul.u32 $0xC800, s12  }
0x7: {  	[smem:$0x7FF] =	sst s3;
	s3 =	sadd.s32 $0x19A00, s0;
	s22 =	smul.u32 $0xC8000, s12  }
0x8: {  	s4 =	sadd.s32 $0x800, s0;
	s5 =	sadd.s32 $0xA00, s0;
	s11 =	smul.u32 $0x6400, s1  }
0x9: {  	s2 =	sor.u32 s1, s2;
	s7 =	ssub.s32 $0x2, s1;
	s1 =	smul.u32 $0x64000, s1  }
0xa: {  	_ =	strace $0x80000047;
	s6 =	smul.u32 $0x6400, s2;
	s9 =	sshrl.u32 s7, $0x1  }
0xb: {  	s2 =	smul.u32 $0x320000, s2;
	s20 =	ssub.s32 s7, s9;
	s21 =	sadd.s32 s11, s8  }
0xc: {  	s12 =	sadd.s32 s1, s22;
	s1 =	simm.s32 $0xCF00;
	s9 =	simm.s32 $0x10F00  }
0xd: {  	s11 =	simm.s32 $0x12F00;
	s22 =	simm.s32 $0xB80;
	s8 =	simm.s32 $0x0  }
0xe: {  	s10 =	sshrl.u32 s6, $0x3;
	s6 =	sadd.s32 $0xDD000, s0;
	s2 =	sshrl.u32 s2, $0x3  }
0xf: {  	s23 =	sadd.s32 $0x780, s21;
	s0 =	smax.u32 s20, $0x1;
	s26 =	sadd.s32 $0x500, s21  }
0x10: {  	s21 =	simm.s32 $0x2F00;
	s20 =	simm.s32 $0xB00;
	s10 =	sadd.s32 s5, s10  }
0x11: {  	s2 =	sadd.s32 s6, s2;
	s24 =	sshrl.u32 s23, $0x3;
	[dreg:$0x5] =	wrdreg s0  }
.Ltmp0:
0x12: {  	[dreg:$0x7] =	wrdreg s26;
	s14 =	sadd.s32 s6, s12;
	(pc) =	sbr.rel .LBB2_1-.Ltmp0, $4  }
0x13: {  	s23 =	simm.s32 $0x4F00;
	[dreg:$0x2] =	wrdreg s10;
	s10 =	sadd.s32 $0x50, s10  }
0x14: {  	s26 =	simm.s32 $0x40;
	s2 =	sadd.s32 $0x61800, s2;
	[dreg:$0x3] =	wrdreg s10  }
0x15: {  	s25 =	sadd.s32 s24, s5;
	s24 =	simm.s32 $0xC00;
	[dreg:$0x4] =	wrdreg s2  }
0x16: {  	[dreg:$0x6] =	wrdreg s25;
	s25 =	simm.s32 $0x6F00;
	s2 =	simm.s32 $0xEF00  }
.LBB2_5:
0x17: {  	_ =	swait.ge [sflag:s30], $0x2000  }
0x18: {  	[sflag:s30] =	ssyncset.done $0x0  }
0x19: {  	[sflag:s30] =	ssyncadd.s32 $0xFFFFE000  }
0x1a: {  	_ =	swait.ge [sflag:s30], $0x2000  }
0x1b: {  	[sflag:s30] =	ssyncset.done $0x0  }
0x1c: {  	[sflag:s30] =	ssyncadd.s32 $0xFFFFE000  }
0x1d: {  	_ =	swait.ge [sflag:s30], $0x2000  }
0x1e: {  	[sflag:s30] =	ssyncset.done $0x0  }
0x1f: {  	[sflag:s30] =	ssyncadd.s32 $0xFFFFE000  }
0x20: {  	_ =	swait.ge [sflag:s30], $0x2000  }
0x21: {  	[sflag:s30] =	ssyncset.done $0x0  }
0x22: {  	[sflag:s30] =	ssyncadd.s32 $0xFFFFE000  }
0x23: {  	_ =	swait.ge [sflag:s30], $0x2000  }
0x24: {  	[sflag:s30] =	ssyncset.done $0x0  }
0x25: {  	[sflag:s30] =	ssyncadd.s32 $0xFFFFE000;
	(ifvalue) =	ssetifvalue $0xFFFFFFFF  }
0x26: {  	s0 =	simm.s32 $0xC80;
	(ifvalue) =	ssetifvalue $0xFFFFFFFF  }
0x27: {  	[tilespmem:s31], [sflag:$0x4] =	stream.indirect.gather [hbm4b:s4+s17], $0x40, s0, s17, $0x40b8;
	[tilespmem:$0x14F00] =	vst v63  }
0x28: {  	(ifvalue) =	ssetifvalue $0xFFFFFFFF  }
0x29: {  	s8 =	simm.s32 $0xD00;
	(ifvalue) =	ssetifvalue $0xFFFFFFFF  }
0x2a: {  	[tilespmem:s1], [sflag:$0x4] =	stream.indirect.gather [hbm4b:s4+s17], $0x40, s8, s17, $0x40b8;
	[tilespmem:$0x14F00] =	vst v63  }
0x2b: {  	(ifvalue) =	ssetifvalue $0xFFFFFFFF  }
0x2c: {  	s10 =	simm.s32 $0xD80;
	(ifvalue) =	ssetifvalue $0xFFFFFFFF  }
0x2d: {  	[tilespmem:s2], [sflag:$0x4] =	stream.indirect.gather [hbm4b:s4+s17], $0x40, s10, s17, $0x40b8;
	[tilespmem:$0x14F00] =	vst v63  }
0x2e: {  	(ifvalue) =	ssetifvalue $0xFFFFFFFF  }
0x2f: {  	s15 =	simm.s32 $0xE00;
	(ifvalue) =	ssetifvalue $0xFFFFFFFF  }
0x30: {  	[tilespmem:s9], [sflag:$0x4] =	stream.indirect.gather [hbm4b:s4+s17], $0x40, s15, s17, $0x40b8;
	[tilespmem:$0x14F00] =	vst v63  }
0x31: {  	(ifvalue) =	ssetifvalue $0xFFFFFFFF  }
0x32: {  	s7 =	simm.s32 $0xE80;
	(ifvalue) =	ssetifvalue $0xFFFFFFFF  }
0x33: {  	[tilespmem:s11], [sflag:$0x4] =	stream.indirect.gather [hbm4b:s4+s17], $0x40, s7, s17, $0x40b8;
	[tilespmem:$0x14F00] =	vst v63  }
0x34: {  	_ =	swait.ge [sflag:s30], $0x2000  }
0x35: {  	[sflag:s30] =	ssyncset.done $0x0  }
0x36: {  	[sflag:s30] =	ssyncadd.s32 $0xFFFFE000  }
0x37: {  	_ =	swait.ge [sflag:s30], $0x2000  }
0x38: {  	[sflag:s30] =	ssyncset.done $0x0  }
0x39: {  	[sflag:s30] =	ssyncadd.s32 $0xFFFFE000  }
0x3a: {  	_ =	swait.ge [sflag:s30], $0x2000  }
0x3b: {  	[sflag:s30] =	ssyncset.done $0x0  }
0x3c: {  	[sflag:s30] =	ssyncadd.s32 $0xFFFFE000  }
0x3d: {  	_ =	swait.ge [sflag:s30], $0x2000  }
0x3e: {  	[sflag:s30] =	ssyncset.done $0x0  }
0x3f: {  	[sflag:s30] =	ssyncadd.s32 $0xFFFFE000  }
0x40: {  	_ =	swait.ge [sflag:s30], $0x2000  }
0x41: {  	[sflag:s30] =	ssyncset.done $0x0  }
0x42: {  	s10 =	simm.s32 $0x5;
	s8 =	rddreg [dreg:$0x4];
	[sflag:s30] =	ssyncadd.s32 $0xFFFFE000  }
0x43: {  	[hbm4b:s8+s26] =	stream.strided.scatter [tilespmem:s31], [sflag:$0x6], $0xA000, s17, s26, $0x38;
	[tilespmem:$0x14F00] =	vst v63  }
0x44: {  	_ =	swait.ge [sflag:s10], $0xA000  }
0x45: {  	[sflag:s10] =	ssyncset.done $0x0  }
0x46: {  	s7 =	simm.s32 $0x6;
	[sflag:s10] =	ssyncadd.s32 $0xFFFF6000  }
0x47: {  	_ =	swait.ge [sflag:s7], $0xA000  }
0x48: {  	s8 =	rddreg [dreg:$0x8]  }
0x49: {  	s15 =	rddreg [dreg:$0x5];
	s8 =	sadd.s32 $0x1, s8  }
0x4a: {  	p0 =	sne.s32 s8, s15  }
.Ltmp1:
0x4b: {  	_ = 	snop;
	(pc) =	sbr.rel @!p0 .LBB2_6-.Ltmp1, $3  }
0x4c: {  	_ =	sdelay $0x1  }
0x4d: {  	[sflag:s7] =	ssyncset.done $0x0  }
0x4e: {  	[sflag:s7] =	ssyncadd.s32 $0xFFFF6000  }
.LBB2_1:
0x4f: {  	s0 =	simm.s32 $0x0;
	s7 =	rddreg [dreg:$0x2]  }
0x50: {  	[tilespmem:s0], [sflag:$0x1] =	stream.linear.gather [hbm4b:s7+s0], $0x280, $0x38;
	[tilespmem:$0x14F00] =	vst v63  }
.Ltmp2:
0x51: {  	[dreg:$0x8] =	wrdreg s8;
	(pc) =	sbr.rel .LBB2_2-.Ltmp2, $4  }
0x52: {  	s10 =	rddreg [dreg:$0x3];
	s15 =	simm.s32 $0x280  }
0x53: {  	[tilespmem:s15], [sflag:$0x2] =	stream.linear.gather [hbm4b:s10+s0], $0x280, $0x38;
	[tilespmem:$0x14F00] =	vst v63  }
0x54: {  	s0 =	rddreg [dreg:$0x7]  }
0x55: {  	s8 =	simm.s32 $0x0;
	s15 =	rddreg [dreg:$0x6]  }
.LBB2_4:
0x56: {  	_ =	swait.ge [sflag:s29], $0x280  }
0x57: {  	[sflag:s29] =	ssyncset.done $0x0  }
0x58: {  	[sflag:s29] =	ssyncadd.s32 $0xFFFFFD80  }
0x59: {  	v0 =	vld [tilespmem:$0x280]  }
0x5a: {  	v1 =	vld [tilespmem:$0x290]  }
0x5b: {  	v2 =	vld [tilespmem:$0x2A0]  }
0x5c: {  	v4 =	vld [tilespmem:$0x2B0]  }
0x5d: {  	v27 =	vld [tilespmem:$0x2C0]  }
0x5e: {  	v31 =	vld [tilespmem:$0x2D0];
	vm0 =	vgt.s32 v0, $0x1869F  }
0x5f: {  	v35 =	vld [tilespmem:$0x2E0];
	vm13 =	vgt.s32 v1, $0x1869F;
	v3 =	vsel vm0, $0x1869F, v0  }
0x60: {  	v39 =	vld [tilespmem:$0x2F0];
	vm14 =	vgt.s32 v2, $0x1869F;
	v26 =	vsel vm13, $0x1869F, v1;
	[tilespmem:$0x780] =	vst v3  }
0x61: {  	v43 =	vld [tilespmem:$0x300];
	vm15 =	vgt.s32 v4, $0x1869F;
	v29 =	vsel vm14, $0x1869F, v2;
	[tilespmem:$0x790] =	vst v26  }
0x62: {  	v47 =	vld [tilespmem:$0x310];
	vm4 =	vgt.s32 v27, $0x1869F;
	v33 =	vsel vm15, $0x1869F, v4;
	[tilespmem:$0x7A0] =	vst v29  }
0x63: {  	v51 =	vld [tilespmem:$0x320];
	vm5 =	vgt.s32 v31, $0x1869F;
	v37 =	vsel vm4, $0x1869F, v27;
	[tilespmem:$0x7B0] =	vst v33  }
0x64: {  	v55 =	vld [tilespmem:$0x330];
	vm6 =	vgt.s32 v35, $0x1869F;
	v41 =	vsel vm5, $0x1869F, v31;
	[tilespmem:$0x7C0] =	vst v37  }
0x65: {  	v59 =	vld [tilespmem:$0x340];
	vm7 =	vgt.s32 v39, $0x1869F;
	v45 =	vsel vm6, $0x1869F, v35;
	[tilespmem:$0x7D0] =	vst v41  }
0x66: {  	vm8 =	vgt.s32 v43, $0x1869F;
	v49 =	vsel vm7, $0x1869F, v39;
	[tilespmem:$0x7E0] =	vst v45  }
0x67: {  	vm9 =	vgt.s32 v47, $0x1869F;
	v53 =	vsel vm8, $0x1869F, v43;
	[tilespmem:$0x7F0] =	vst v49  }
0x68: {  	vm10 =	vgt.s32 v51, $0x1869F;
	v57 =	vsel vm9, $0x1869F, v47;
	[tilespmem:$0x800] =	vst v53  }
0x69: {  	vm11 =	vgt.s32 v55, $0x1869F;
	v61 =	vsel vm10, $0x1869F, v51;
	[tilespmem:$0x810] =	vst v57  }
0x6a: {  	vm12 =	vgt.s32 v59, $0x1869F;
	v9 =	vsel vm11, $0x1869F, v55;
	[tilespmem:$0x820] =	vst v61  }
0x6b: {  	v0 =	vnsel vm0, $0x1869F, v0;
	v13 =	vsel vm12, $0x1869F, v59;
	[tilespmem:$0x830] =	vst v9  }
0x6c: {  	v1 =	vnsel vm13, $0x1869F, v1;
	v0 =	vadd.s32 $0xFFFE7960, v0;
	[tilespmem:$0x840] =	vst v13  }
0x6d: {  	v30 =	vnsel vm14, $0x1869F, v2;
	v28 =	vadd.s32 $0xFFFE7960, v1;
	[tilespmem:$0xC80] =	vst v0  }
0x6e: {  	v34 =	vnsel vm15, $0x1869F, v4;
	v32 =	vadd.s32 $0xFFFE7960, v30;
	[tilespmem:$0xC90] =	vst v28  }
0x6f: {  	v38 =	vnsel vm4, $0x1869F, v27;
	v36 =	vadd.s32 $0xFFFE7960, v34;
	[tilespmem:$0xCA0] =	vst v32  }
0x70: {  	v42 =	vnsel vm5, $0x1869F, v31;
	v40 =	vadd.s32 $0xFFFE7960, v38;
	[tilespmem:$0xCB0] =	vst v36  }
0x71: {  	v46 =	vnsel vm6, $0x1869F, v35;
	v44 =	vadd.s32 $0xFFFE7960, v42;
	[tilespmem:$0xCC0] =	vst v40  }
0x72: {  	v50 =	vnsel vm7, $0x1869F, v39;
	v48 =	vadd.s32 $0xFFFE7960, v46;
	[tilespmem:$0xCD0] =	vst v44  }
0x73: {  	v63 =	vld [tilespmem:$0x350];
	v54 =	vnsel vm8, $0x1869F, v43;
	v52 =	vadd.s32 $0xFFFE7960, v50;
	[tilespmem:$0xCE0] =	vst v48  }
0x74: {  	v11 =	vld [tilespmem:$0x360];
	v58 =	vnsel vm9, $0x1869F, v47;
	v56 =	vadd.s32 $0xFFFE7960, v54;
	[tilespmem:$0xCF0] =	vst v52  }
0x75: {  	v15 =	vld [tilespmem:$0x370];
	v62 =	vnsel vm10, $0x1869F, v51;
	v60 =	vadd.s32 $0xFFFE7960, v58;
	[tilespmem:$0xD00] =	vst v56  }
0x76: {  	v19 =	vld [tilespmem:$0x380];
	v10 =	vnsel vm11, $0x1869F, v55;
	v8 =	vadd.s32 $0xFFFE7960, v62;
	[tilespmem:$0xD10] =	vst v60  }
0x77: {  	v23 =	vld [tilespmem:$0x390];
	v14 =	vnsel vm12, $0x1869F, v59;
	v12 =	vadd.s32 $0xFFFE7960, v10;
	[tilespmem:$0xD20] =	vst v8  }
0x78: {  	vm13 =	vgt.s32 v63, $0x1869F;
	v16 =	vadd.s32 $0xFFFE7960, v14;
	[tilespmem:$0xD30] =	vst v12  }
0x79: {  	vm14 =	vgt.s32 v11, $0x1869F;
	v17 =	vsel vm13, $0x1869F, v63;
	[tilespmem:$0xD40] =	vst v16  }
0x7a: {  	vm15 =	vgt.s32 v15, $0x1869F;
	v21 =	vsel vm14, $0x1869F, v11;
	[tilespmem:$0x850] =	vst v17  }
0x7b: {  	vm4 =	vgt.s32 v19, $0x1869F;
	v25 =	vsel vm15, $0x1869F, v15;
	[tilespmem:$0x860] =	vst v21  }
0x7c: {  	vm5 =	vgt.s32 v23, $0x1869F;
	v29 =	vsel vm4, $0x1869F, v19;
	[tilespmem:$0x870] =	vst v25  }
0x7d: {  	v27 =	vld [tilespmem:$0x3A0];
	v18 =	vnsel vm13, $0x1869F, v63;
	v33 =	vsel vm5, $0x1869F, v23;
	[tilespmem:$0x880] =	vst v29  }
0x7e: {  	v31 =	vld [tilespmem:$0x3B0];
	v22 =	vnsel vm14, $0x1869F, v11;
	v20 =	vadd.s32 $0xFFFE7960, v18;
	[tilespmem:$0x890] =	vst v33  }
0x7f: {  	v35 =	vld [tilespmem:$0x3C0];
	v26 =	vnsel vm15, $0x1869F, v15;
	v24 =	vadd.s32 $0xFFFE7960, v22;
	[tilespmem:$0xD50] =	vst v20  }
0x80: {  	v39 =	vld [tilespmem:$0x3D0];
	v30 =	vnsel vm4, $0x1869F, v19;
	v28 =	vadd.s32 $0xFFFE7960, v26;
	[tilespmem:$0xD60] =	vst v24  }
0x81: {  	v43 =	vld [tilespmem:$0x3E0];
	v34 =	vnsel vm5, $0x1869F, v23;
	v32 =	vadd.s32 $0xFFFE7960, v30;
	[tilespmem:$0xD70] =	vst v28  }
0x82: {  	v47 =	vld [tilespmem:$0x3F0];
	v36 =	vadd.s32 $0xFFFE7960, v34;
	[tilespmem:$0xD80] =	vst v32;
	vm6 =	vgt.s32 v27, $0x1869F  }
0x83: {  	v51 =	vld [tilespmem:$0x400];
	[tilespmem:$0xD90] =	vst v36;
	vm7 =	vgt.s32 v31, $0x1869F;
	v37 =	vsel vm6, $0x1869F, v27  }
0x84: {  	v55 =	vld [tilespmem:$0x410];
	vm8 =	vgt.s32 v35, $0x1869F;
	v41 =	vsel vm7, $0x1869F, v31;
	[tilespmem:$0x8A0] =	vst v37  }
0x85: {  	v59 =	vld [tilespmem:$0x420];
	vm9 =	vgt.s32 v39, $0x1869F;
	v45 =	vsel vm8, $0x1869F, v35;
	[tilespmem:$0x8B0] =	vst v41  }
0x86: {  	vm10 =	vgt.s32 v43, $0x1869F;
	v49 =	vsel vm9, $0x1869F, v39;
	[tilespmem:$0x8C0] =	vst v45  }
0x87: {  	vm11 =	vgt.s32 v47, $0x1869F;
	v53 =	vsel vm10, $0x1869F, v43;
	[tilespmem:$0x8D0] =	vst v49  }
0x88: {  	vm12 =	vgt.s32 v51, $0x1869F;
	v57 =	vsel vm11, $0x1869F, v47;
	[tilespmem:$0x8E0] =	vst v53  }
0x89: {  	vm13 =	vgt.s32 v55, $0x1869F;
	v61 =	vsel vm12, $0x1869F, v51;
	[tilespmem:$0x8F0] =	vst v57  }
0x8a: {  	vm14 =	vgt.s32 v59, $0x1869F;
	v7 =	vsel vm13, $0x1869F, v55;
	[tilespmem:$0x900] =	vst v61  }
0x8b: {  	v38 =	vnsel vm6, $0x1869F, v27;
	v11 =	vsel vm14, $0x1869F, v59;
	[tilespmem:$0x910] =	vst v7  }
0x8c: {  	v42 =	vnsel vm7, $0x1869F, v31;
	v40 =	vadd.s32 $0xFFFE7960, v38;
	[tilespmem:$0x920] =	vst v11  }
0x8d: {  	v46 =	vnsel vm8, $0x1869F, v35;
	v44 =	vadd.s32 $0xFFFE7960, v42;
	[tilespmem:$0xDA0] =	vst v40  }
0x8e: {  	v50 =	vnsel vm9, $0x1869F, v39;
	v48 =	vadd.s32 $0xFFFE7960, v46;
	[tilespmem:$0xDB0] =	vst v44  }
0x8f: {  	v63 =	vld [tilespmem:$0x430];
	v54 =	vnsel vm10, $0x1869F, v43;
	v52 =	vadd.s32 $0xFFFE7960, v50;
	[tilespmem:$0xDC0] =	vst v48  }
0x90: {  	v9 =	vld [tilespmem:$0x440];
	v58 =	vnsel vm11, $0x1869F, v47;
	v56 =	vadd.s32 $0xFFFE7960, v54;
	[tilespmem:$0xDD0] =	vst v52  }
0x91: {  	v13 =	vld [tilespmem:$0x450];
	v62 =	vnsel vm12, $0x1869F, v51;
	v60 =	vadd.s32 $0xFFFE7960, v58;
	[tilespmem:$0xDE0] =	vst v56  }
0x92: {  	v8 =	vnsel vm13, $0x1869F, v55;
	v6 =	vadd.s32 $0xFFFE7960, v62;
	[tilespmem:$0xDF0] =	vst v60  }
0x93: {  	v12 =	vnsel vm14, $0x1869F, v59;
	v10 =	vadd.s32 $0xFFFE7960, v8;
	[tilespmem:$0xE00] =	vst v6  }
0x94: {  	vm15 =	vgt.s32 v63, $0x1869F;
	v14 =	vadd.s32 $0xFFFE7960, v12;
	[tilespmem:$0xE10] =	vst v10  }
0x95: {  	v17 =	vld [tilespmem:$0x460];
	vm4 =	vgt.s32 v9, $0x1869F;
	v15 =	vsel vm15, $0x1869F, v63;
	[tilespmem:$0xE20] =	vst v14  }
0x96: {  	v21 =	vld [tilespmem:$0x470];
	vm5 =	vgt.s32 v13, $0x1869F;
	v19 =	vsel vm4, $0x1869F, v9;
	[tilespmem:$0x930] =	vst v15  }
0x97: {  	v25 =	vld [tilespmem:$0x480];
	v16 =	vnsel vm15, $0x1869F, v63;
	v23 =	vsel vm5, $0x1869F, v13;
	[tilespmem:$0x940] =	vst v19  }
0x98: {  	v29 =	vld [tilespmem:$0x490];
	v20 =	vnsel vm4, $0x1869F, v9;
	v18 =	vadd.s32 $0xFFFE7960, v16;
	[tilespmem:$0x950] =	vst v23  }
0x99: {  	v33 =	vld [tilespmem:$0x4A0];
	v24 =	vnsel vm5, $0x1869F, v13;
	v22 =	vadd.s32 $0xFFFE7960, v20;
	[tilespmem:$0xE30] =	vst v18  }
0x9a: {  	vm6 =	vgt.s32 v17, $0x1869F;
	v26 =	vadd.s32 $0xFFFE7960, v24;
	[tilespmem:$0xE40] =	vst v22  }
0x9b: {  	vm7 =	vgt.s32 v21, $0x1869F;
	v27 =	vsel vm6, $0x1869F, v17;
	[tilespmem:$0xE50] =	vst v26  }
0x9c: {  	vm8 =	vgt.s32 v25, $0x1869F;
	v31 =	vsel vm7, $0x1869F, v21;
	[tilespmem:$0x960] =	vst v27  }
0x9d: {  	vm9 =	vgt.s32 v29, $0x1869F;
	v35 =	vsel vm8, $0x1869F, v25;
	[tilespmem:$0x970] =	vst v31  }
0x9e: {  	vm10 =	vgt.s32 v33, $0x1869F;
	v39 =	vsel vm9, $0x1869F, v29;
	[tilespmem:$0x980] =	vst v35  }
0x9f: {  	v37 =	vld [tilespmem:$0x4B0];
	v28 =	vnsel vm6, $0x1869F, v17;
	v43 =	vsel vm10, $0x1869F, v33;
	[tilespmem:$0x990] =	vst v39  }
0xa0: {  	v41 =	vld [tilespmem:$0x4C0];
	v32 =	vnsel vm7, $0x1869F, v21;
	v30 =	vadd.s32 $0xFFFE7960, v28;
	[tilespmem:$0x9A0] =	vst v43  }
0xa1: {  	v45 =	vld [tilespmem:$0x4D0];
	v36 =	vnsel vm8, $0x1869F, v25;
	v34 =	vadd.s32 $0xFFFE7960, v32;
	[tilespmem:$0xE60] =	vst v30  }
0xa2: {  	v49 =	vld [tilespmem:$0x4E0];
	v40 =	vnsel vm9, $0x1869F, v29;
	v38 =	vadd.s32 $0xFFFE7960, v36;
	[tilespmem:$0xE70] =	vst v34  }
0xa3: {  	v53 =	vld [tilespmem:$0x4F0];
	v44 =	vnsel vm10, $0x1869F, v33;
	v42 =	vadd.s32 $0xFFFE7960, v40;
	[tilespmem:$0xE80] =	vst v38  }
0xa4: {  	v46 =	vadd.s32 $0xFFFE7960, v44;
	[tilespmem:$0xE90] =	vst v42;
	vm11 =	vgt.s32 v37, $0x1869F  }
0xa5: {  	[tilespmem:$0xEA0] =	vst v46;
	vm12 =	vgt.s32 v41, $0x1869F;
	v47 =	vsel vm11, $0x1869F, v37  }
0xa6: {  	vm13 =	vgt.s32 v45, $0x1869F;
	v51 =	vsel vm12, $0x1869F, v41;
	[tilespmem:$0x9B0] =	vst v47  }
0xa7: {  	vm14 =	vgt.s32 v49, $0x1869F;
	v55 =	vsel vm13, $0x1869F, v45;
	[tilespmem:$0x9C0] =	vst v51  }
0xa8: {  	vm15 =	vgt.s32 v53, $0x1869F;
	v58 =	vsel vm14, $0x1869F, v49;
	[tilespmem:$0x9D0] =	vst v55  }
0xa9: {  	v48 =	vnsel vm11, $0x1869F, v37;
	v61 =	vsel vm15, $0x1869F, v53;
	[tilespmem:$0x9E0] =	vst v58  }
0xaa: {  	v52 =	vnsel vm12, $0x1869F, v41;
	v50 =	vadd.s32 $0xFFFE7960, v48;
	[tilespmem:$0x9F0] =	vst v61  }
0xab: {  	v56 =	vnsel vm13, $0x1869F, v45;
	v54 =	vadd.s32 $0xFFFE7960, v52;
	[tilespmem:$0xEB0] =	vst v50  }
0xac: {  	v59 =	vnsel vm14, $0x1869F, v49;
	v57 =	vadd.s32 $0xFFFE7960, v56;
	[tilespmem:$0xEC0] =	vst v54  }
0xad: {  	v62 =	vnsel vm15, $0x1869F, v53;
	v60 =	vadd.s32 $0xFFFE7960, v59;
	[tilespmem:$0xED0] =	vst v57  }
0xae: {  	v63 =	vadd.s32 $0xFFFE7960, v62;
	[tilespmem:$0xEE0] =	vst v60  }
0xaf: {  	s7 =	simm.s32 @!p0 $0x6;
	[tilespmem:$0xEF0] =	vst v63  }
0xb0: {  	_ =	swait.ge @!p0 [sflag:s7], $0xA000  }
0xb1: {  	[sflag:s7] =	ssyncset.done @!p0 $0x0  }
0xb2: {  	[sflag:s7] =	ssyncadd.s32 @!p0 $0xFFFF6000;
	s7 =	simm.s32 $0x780  }
0xb3: {  	[tilespmem:s31], [sflag:$0x4] =	stream.indirect.gather [hbm4b:s3+s17], $0x40, s7, s17, $0xb8;
	[tilespmem:$0x14F00] =	vst v63  }
0xb4: {  	s7 =	simm.s32 $0x800  }
0xb5: {  	[tilespmem:s1], [sflag:$0x4] =	stream.indirect.gather [hbm4b:s3+s17], $0x40, s7, s17, $0xb8;
	[tilespmem:$0x14F00] =	vst v63  }
0xb6: {  	s7 =	simm.s32 $0x880  }
0xb7: {  	[tilespmem:s2], [sflag:$0x4] =	stream.indirect.gather [hbm4b:s3+s17], $0x40, s7, s17, $0xb8;
	[tilespmem:$0x14F00] =	vst v63  }
0xb8: {  	s7 =	simm.s32 $0x900  }
0xb9: {  	[tilespmem:s9], [sflag:$0x4] =	stream.indirect.gather [hbm4b:s3+s17], $0x40, s7, s17, $0xb8;
	[tilespmem:$0x14F00] =	vst v63  }
0xba: {  	s7 =	simm.s32 $0x980  }
0xbb: {  	[tilespmem:s11], [sflag:$0x4] =	stream.indirect.gather [hbm4b:s3+s17], $0x40, s7, s17, $0xb8;
	[tilespmem:$0x14F00] =	vst v63  }
0xbc: {  	s7 =	simm.s32 @!p1 $0x280  }
0xbd: {  	[tilespmem:s7], [sflag:$0x2] =	stream.linear.gather @!p1 [hbm4b:s15+s10], $0x280, $0x38;
	[tilespmem:$0x14F00] =	vst v63  }
0xbe: {  	_ =	swait.ge [sflag:s13], $0x2000  }
0xbf: {  	[sflag:s13] =	ssyncset.done $0x0  }
0xc0: {  	[sflag:s13] =	ssyncadd.s32 $0xFFFFE000  }
0xc1: {  	_ =	swait.ge [sflag:s13], $0x2000  }
0xc2: {  	[sflag:s13] =	ssyncset.done $0x0  }
0xc3: {  	[sflag:s13] =	ssyncadd.s32 $0xFFFFE000  }
0xc4: {  	_ =	swait.ge [sflag:s13], $0x2000  }
0xc5: {  	[sflag:s13] =	ssyncset.done $0x0  }
0xc6: {  	[sflag:s13] =	ssyncadd.s32 $0xFFFFE000  }
0xc7: {  	_ =	swait.ge [sflag:s13], $0x2000  }
0xc8: {  	[sflag:s13] =	ssyncset.done $0x0  }
0xc9: {  	[sflag:s13] =	ssyncadd.s32 $0xFFFFE000  }
0xca: {  	_ =	swait.ge [sflag:s13], $0x2000  }
0xcb: {  	[sflag:s13] =	ssyncset.done $0x0  }
0xcc: {  	[sflag:s13] =	ssyncadd.s32 $0xFFFFE000;
	(ifvalue) =	ssetifvalue $0xFFFFFFFF  }
0xcd: {  	s10 =	simm.s32 $0xA00;
	(ifvalue) =	ssetifvalue $0xFFFFFFFF  }
0xce: {  	[tilespmem:s19], [sflag:$0x3] =	stream.indirect.gather [hbm4b:s4+s17], $0x40, s10, s17, $0x40b8;
	[tilespmem:$0x14F00] =	vst v63  }
0xcf: {  	(ifvalue) =	ssetifvalue $0xFFFFFFFF  }
0xd0: {  	(ifvalue) =	ssetifvalue $0xFFFFFFFF  }
0xd1: {  	[tilespmem:s21], [sflag:$0x3] =	stream.indirect.gather [hbm4b:s4+s17], $0x40, s18, s17, $0x40b8;
	[tilespmem:$0x14F00] =	vst v63  }
0xd2: {  	(ifvalue) =	ssetifvalue $0xFFFFFFFF  }
0xd3: {  	(ifvalue) =	ssetifvalue $0xFFFFFFFF  }
0xd4: {  	[tilespmem:s23], [sflag:$0x3] =	stream.indirect.gather [hbm4b:s4+s17], $0x40, s20, s17, $0x40b8;
	[tilespmem:$0x14F00] =	vst v63  }
0xd5: {  	(ifvalue) =	ssetifvalue $0xFFFFFFFF  }
0xd6: {  	(ifvalue) =	ssetifvalue $0xFFFFFFFF  }
0xd7: {  	[tilespmem:s25], [sflag:$0x3] =	stream.indirect.gather [hbm4b:s4+s17], $0x40, s22, s17, $0x40b8;
	[tilespmem:$0x14F00] =	vst v63  }
0xd8: {  	(ifvalue) =	ssetifvalue $0xFFFFFFFF  }
0xd9: {  	(ifvalue) =	ssetifvalue $0xFFFFFFFF  }
0xda: {  	[tilespmem:s28], [sflag:$0x3] =	stream.indirect.gather [hbm4b:s4+s17], $0x40, s24, s17, $0x40b8;
	[tilespmem:$0x14F00] =	vst v63  }
0xdb: {  	_ =	swait.ge [sflag:s13], $0x2000  }
0xdc: {  	[sflag:s13] =	ssyncset.done $0x0  }
0xdd: {  	[sflag:s13] =	ssyncadd.s32 $0xFFFFE000  }
0xde: {  	_ =	swait.ge [sflag:s13], $0x2000  }
0xdf: {  	[sflag:s13] =	ssyncset.done $0x0  }
0xe0: {  	[sflag:s13] =	ssyncadd.s32 $0xFFFFE000  }
0xe1: {  	_ =	swait.ge [sflag:s13], $0x2000  }
0xe2: {  	[sflag:s13] =	ssyncset.done $0x0  }
0xe3: {  	[sflag:s13] =	ssyncadd.s32 $0xFFFFE000  }
0xe4: {  	s10 =	sadd.s32 s8, s14;
	s8 =	sadd.s32 $0x5000, s8;
	_ =	swait.ge [sflag:s13], $0x2000  }
0xe5: {  	p0 =	sne.s32 s8, $0x64000;
	[sflag:s13] =	ssyncset.done $0x0  }
.Ltmp3:
0xe6: {  	[sflag:s13] =	ssyncadd.s32 $0xFFFFE000;
	(pc) =	sbr.rel @!p0 .LBB2_5-.Ltmp3, $4  }
0xe7: {  	_ =	swait.ge [sflag:s13], $0x2000  }
0xe8: {  	[sflag:s13] =	ssyncset.done $0x0  }
0xe9: {  	s0 =	sadd.s32 $0x500, s0;
	s15 =	sadd.s32 $0xA0, s15;
	[sflag:s13] =	ssyncadd.s32 $0xFFFFE000  }
0xea: {  	[hbm4b:s10+s26] =	stream.strided.scatter [tilespmem:s19], [sflag:$0x5], $0xA000, s17, s26, $0x38;
	[tilespmem:$0x14F00] =	vst v63  }
.LBB2_2:
0xeb: {  	_ =	swait.ge [sflag:s16], $0x280  }
0xec: {  	[sflag:s16] =	ssyncset.done $0x0  }
0xed: {  	[sflag:s16] =	ssyncadd.s32 $0xFFFFFD80  }
0xee: {  	v0 =	vld [tilespmem:$0x0]  }
0xef: {  	v1 =	vld [tilespmem:$0x10]  }
0xf0: {  	v2 =	vld [tilespmem:$0x20]  }
0xf1: {  	v4 =	vld [tilespmem:$0x30]  }
0xf2: {  	v27 =	vld [tilespmem:$0x40]  }
0xf3: {  	v31 =	vld [tilespmem:$0x50];
	vm0 =	vgt.s32 v0, $0x1869F  }
0xf4: {  	v35 =	vld [tilespmem:$0x60];
	vm13 =	vgt.s32 v1, $0x1869F;
	v3 =	vsel vm0, $0x1869F, v0  }
0xf5: {  	v39 =	vld [tilespmem:$0x70];
	vm14 =	vgt.s32 v2, $0x1869F;
	v26 =	vsel vm13, $0x1869F, v1;
	[tilespmem:$0x500] =	vst v3  }
0xf6: {  	v43 =	vld [tilespmem:$0x80];
	vm15 =	vgt.s32 v4, $0x1869F;
	v29 =	vsel vm14, $0x1869F, v2;
	[tilespmem:$0x510] =	vst v26  }
0xf7: {  	v47 =	vld [tilespmem:$0x90];
	vm4 =	vgt.s32 v27, $0x1869F;
	v33 =	vsel vm15, $0x1869F, v4;
	[tilespmem:$0x520] =	vst v29  }
0xf8: {  	v51 =	vld [tilespmem:$0xA0];
	vm5 =	vgt.s32 v31, $0x1869F;
	v37 =	vsel vm4, $0x1869F, v27;
	[tilespmem:$0x530] =	vst v33  }
0xf9: {  	v55 =	vld [tilespmem:$0xB0];
	vm6 =	vgt.s32 v35, $0x1869F;
	v41 =	vsel vm5, $0x1869F, v31;
	[tilespmem:$0x540] =	vst v37  }
0xfa: {  	v59 =	vld [tilespmem:$0xC0];
	vm7 =	vgt.s32 v39, $0x1869F;
	v45 =	vsel vm6, $0x1869F, v35;
	[tilespmem:$0x550] =	vst v41  }
0xfb: {  	vm8 =	vgt.s32 v43, $0x1869F;
	v49 =	vsel vm7, $0x1869F, v39;
	[tilespmem:$0x560] =	vst v45  }
0xfc: {  	vm9 =	vgt.s32 v47, $0x1869F;
	v53 =	vsel vm8, $0x1869F, v43;
	[tilespmem:$0x570] =	vst v49  }
0xfd: {  	vm10 =	vgt.s32 v51, $0x1869F;
	v57 =	vsel vm9, $0x1869F, v47;
	[tilespmem:$0x580] =	vst v53  }
0xfe: {  	vm11 =	vgt.s32 v55, $0x1869F;
	v61 =	vsel vm10, $0x1869F, v51;
	[tilespmem:$0x590] =	vst v57  }
0xff: {  	vm12 =	vgt.s32 v59, $0x1869F;
	v9 =	vsel vm11, $0x1869F, v55;
	[tilespmem:$0x5A0] =	vst v61  }
0x100: {  	v0 =	vnsel vm0, $0x1869F, v0;
	v13 =	vsel vm12, $0x1869F, v59;
	[tilespmem:$0x5B0] =	vst v9  }
0x101: {  	v1 =	vnsel vm13, $0x1869F, v1;
	v0 =	vadd.s32 $0xFFFE7960, v0;
	[tilespmem:$0x5C0] =	vst v13  }
0x102: {  	v30 =	vnsel vm14, $0x1869F, v2;
	v28 =	vadd.s32 $0xFFFE7960, v1;
	[tilespmem:$0xA00] =	vst v0  }
0x103: {  	v34 =	vnsel vm15, $0x1869F, v4;
	v32 =	vadd.s32 $0xFFFE7960, v30;
	[tilespmem:$0xA10] =	vst v28  }
0x104: {  	v38 =	vnsel vm4, $0x1869F, v27;
	v36 =	vadd.s32 $0xFFFE7960, v34;
	[tilespmem:$0xA20] =	vst v32  }
0x105: {  	v42 =	vnsel vm5, $0x1869F, v31;
	v40 =	vadd.s32 $0xFFFE7960, v38;
	[tilespmem:$0xA30] =	vst v36  }
0x106: {  	v46 =	vnsel vm6, $0x1869F, v35;
	v44 =	vadd.s32 $0xFFFE7960, v42;
	[tilespmem:$0xA40] =	vst v40  }
0x107: {  	v50 =	vnsel vm7, $0x1869F, v39;
	v48 =	vadd.s32 $0xFFFE7960, v46;
	[tilespmem:$0xA50] =	vst v44  }
0x108: {  	v63 =	vld [tilespmem:$0xD0];
	v54 =	vnsel vm8, $0x1869F, v43;
	v52 =	vadd.s32 $0xFFFE7960, v50;
	[tilespmem:$0xA60] =	vst v48  }
0x109: {  	v11 =	vld [tilespmem:$0xE0];
	v58 =	vnsel vm9, $0x1869F, v47;
	v56 =	vadd.s32 $0xFFFE7960, v54;
	[tilespmem:$0xA70] =	vst v52  }
0x10a: {  	v15 =	vld [tilespmem:$0xF0];
	v62 =	vnsel vm10, $0x1869F, v51;
	v60 =	vadd.s32 $0xFFFE7960, v58;
	[tilespmem:$0xA80] =	vst v56  }
0x10b: {  	v19 =	vld [tilespmem:$0x100];
	v10 =	vnsel vm11, $0x1869F, v55;
	v8 =	vadd.s32 $0xFFFE7960, v62;
	[tilespmem:$0xA90] =	vst v60  }
0x10c: {  	v23 =	vld [tilespmem:$0x110];
	v14 =	vnsel vm12, $0x1869F, v59;
	v12 =	vadd.s32 $0xFFFE7960, v10;
	[tilespmem:$0xAA0] =	vst v8  }
0x10d: {  	vm13 =	vgt.s32 v63, $0x1869F;
	v16 =	vadd.s32 $0xFFFE7960, v14;
	[tilespmem:$0xAB0] =	vst v12  }
0x10e: {  	vm14 =	vgt.s32 v11, $0x1869F;
	v17 =	vsel vm13, $0x1869F, v63;
	[tilespmem:$0xAC0] =	vst v16  }
0x10f: {  	vm15 =	vgt.s32 v15, $0x1869F;
	v21 =	vsel vm14, $0x1869F, v11;
	[tilespmem:$0x5D0] =	vst v17  }
0x110: {  	vm4 =	vgt.s32 v19, $0x1869F;
	v25 =	vsel vm15, $0x1869F, v15;
	[tilespmem:$0x5E0] =	vst v21  }
0x111: {  	vm5 =	vgt.s32 v23, $0x1869F;
	v29 =	vsel vm4, $0x1869F, v19;
	[tilespmem:$0x5F0] =	vst v25  }
0x112: {  	v27 =	vld [tilespmem:$0x120];
	v18 =	vnsel vm13, $0x1869F, v63;
	v33 =	vsel vm5, $0x1869F, v23;
	[tilespmem:$0x600] =	vst v29  }
0x113: {  	v31 =	vld [tilespmem:$0x130];
	v22 =	vnsel vm14, $0x1869F, v11;
	v20 =	vadd.s32 $0xFFFE7960, v18;
	[tilespmem:$0x610] =	vst v33  }
0x114: {  	v35 =	vld [tilespmem:$0x140];
	v26 =	vnsel vm15, $0x1869F, v15;
	v24 =	vadd.s32 $0xFFFE7960, v22;
	[tilespmem:$0xAD0] =	vst v20  }
0x115: {  	v39 =	vld [tilespmem:$0x150];
	v30 =	vnsel vm4, $0x1869F, v19;
	v28 =	vadd.s32 $0xFFFE7960, v26;
	[tilespmem:$0xAE0] =	vst v24  }
0x116: {  	v43 =	vld [tilespmem:$0x160];
	v34 =	vnsel vm5, $0x1869F, v23;
	v32 =	vadd.s32 $0xFFFE7960, v30;
	[tilespmem:$0xAF0] =	vst v28  }
0x117: {  	v47 =	vld [tilespmem:$0x170];
	v36 =	vadd.s32 $0xFFFE7960, v34;
	[tilespmem:$0xB00] =	vst v32;
	vm6 =	vgt.s32 v27, $0x1869F  }
0x118: {  	v51 =	vld [tilespmem:$0x180];
	[tilespmem:$0xB10] =	vst v36;
	vm7 =	vgt.s32 v31, $0x1869F;
	v37 =	vsel vm6, $0x1869F, v27  }
0x119: {  	v55 =	vld [tilespmem:$0x190];
	vm8 =	vgt.s32 v35, $0x1869F;
	v41 =	vsel vm7, $0x1869F, v31;
	[tilespmem:$0x620] =	vst v37  }
0x11a: {  	v59 =	vld [tilespmem:$0x1A0];
	vm9 =	vgt.s32 v39, $0x1869F;
	v45 =	vsel vm8, $0x1869F, v35;
	[tilespmem:$0x630] =	vst v41  }
0x11b: {  	vm10 =	vgt.s32 v43, $0x1869F;
	v49 =	vsel vm9, $0x1869F, v39;
	[tilespmem:$0x640] =	vst v45  }
0x11c: {  	vm11 =	vgt.s32 v47, $0x1869F;
	v53 =	vsel vm10, $0x1869F, v43;
	[tilespmem:$0x650] =	vst v49  }
0x11d: {  	vm12 =	vgt.s32 v51, $0x1869F;
	v57 =	vsel vm11, $0x1869F, v47;
	[tilespmem:$0x660] =	vst v53  }
0x11e: {  	vm13 =	vgt.s32 v55, $0x1869F;
	v61 =	vsel vm12, $0x1869F, v51;
	[tilespmem:$0x670] =	vst v57  }
0x11f: {  	vm14 =	vgt.s32 v59, $0x1869F;
	v7 =	vsel vm13, $0x1869F, v55;
	[tilespmem:$0x680] =	vst v61  }
0x120: {  	v38 =	vnsel vm6, $0x1869F, v27;
	v11 =	vsel vm14, $0x1869F, v59;
	[tilespmem:$0x690] =	vst v7  }
0x121: {  	v42 =	vnsel vm7, $0x1869F, v31;
	v40 =	vadd.s32 $0xFFFE7960, v38;
	[tilespmem:$0x6A0] =	vst v11  }
0x122: {  	v46 =	vnsel vm8, $0x1869F, v35;
	v44 =	vadd.s32 $0xFFFE7960, v42;
	[tilespmem:$0xB20] =	vst v40  }
0x123: {  	v50 =	vnsel vm9, $0x1869F, v39;
	v48 =	vadd.s32 $0xFFFE7960, v46;
	[tilespmem:$0xB30] =	vst v44  }
0x124: {  	v63 =	vld [tilespmem:$0x1B0];
	v54 =	vnsel vm10, $0x1869F, v43;
	v52 =	vadd.s32 $0xFFFE7960, v50;
	[tilespmem:$0xB40] =	vst v48  }
0x125: {  	v9 =	vld [tilespmem:$0x1C0];
	v58 =	vnsel vm11, $0x1869F, v47;
	v56 =	vadd.s32 $0xFFFE7960, v54;
	[tilespmem:$0xB50] =	vst v52  }
0x126: {  	v13 =	vld [tilespmem:$0x1D0];
	v62 =	vnsel vm12, $0x1869F, v51;
	v60 =	vadd.s32 $0xFFFE7960, v58;
	[tilespmem:$0xB60] =	vst v56  }
0x127: {  	v8 =	vnsel vm13, $0x1869F, v55;
	v6 =	vadd.s32 $0xFFFE7960, v62;
	[tilespmem:$0xB70] =	vst v60  }
0x128: {  	v12 =	vnsel vm14, $0x1869F, v59;
	v10 =	vadd.s32 $0xFFFE7960, v8;
	[tilespmem:$0xB80] =	vst v6  }
0x129: {  	vm15 =	vgt.s32 v63, $0x1869F;
	v14 =	vadd.s32 $0xFFFE7960, v12;
	[tilespmem:$0xB90] =	vst v10  }
0x12a: {  	v17 =	vld [tilespmem:$0x1E0];
	vm4 =	vgt.s32 v9, $0x1869F;
	v15 =	vsel vm15, $0x1869F, v63;
	[tilespmem:$0xBA0] =	vst v14  }
0x12b: {  	v21 =	vld [tilespmem:$0x1F0];
	vm5 =	vgt.s32 v13, $0x1869F;
	v19 =	vsel vm4, $0x1869F, v9;
	[tilespmem:$0x6B0] =	vst v15  }
0x12c: {  	v25 =	vld [tilespmem:$0x200];
	v16 =	vnsel vm15, $0x1869F, v63;
	v23 =	vsel vm5, $0x1869F, v13;
	[tilespmem:$0x6C0] =	vst v19  }
0x12d: {  	v29 =	vld [tilespmem:$0x210];
	v20 =	vnsel vm4, $0x1869F, v9;
	v18 =	vadd.s32 $0xFFFE7960, v16;
	[tilespmem:$0x6D0] =	vst v23  }
0x12e: {  	v33 =	vld [tilespmem:$0x220];
	v24 =	vnsel vm5, $0x1869F, v13;
	v22 =	vadd.s32 $0xFFFE7960, v20;
	[tilespmem:$0xBB0] =	vst v18  }
0x12f: {  	vm6 =	vgt.s32 v17, $0x1869F;
	v26 =	vadd.s32 $0xFFFE7960, v24;
	[tilespmem:$0xBC0] =	vst v22  }
0x130: {  	vm7 =	vgt.s32 v21, $0x1869F;
	v27 =	vsel vm6, $0x1869F, v17;
	[tilespmem:$0xBD0] =	vst v26  }
0x131: {  	vm8 =	vgt.s32 v25, $0x1869F;
	v31 =	vsel vm7, $0x1869F, v21;
	[tilespmem:$0x6E0] =	vst v27  }
0x132: {  	vm9 =	vgt.s32 v29, $0x1869F;
	v35 =	vsel vm8, $0x1869F, v25;
	[tilespmem:$0x6F0] =	vst v31  }
0x133: {  	vm10 =	vgt.s32 v33, $0x1869F;
	v39 =	vsel vm9, $0x1869F, v29;
	[tilespmem:$0x700] =	vst v35  }
0x134: {  	v37 =	vld [tilespmem:$0x230];
	v28 =	vnsel vm6, $0x1869F, v17;
	v43 =	vsel vm10, $0x1869F, v33;
	[tilespmem:$0x710] =	vst v39  }
0x135: {  	v41 =	vld [tilespmem:$0x240];
	v32 =	vnsel vm7, $0x1869F, v21;
	v30 =	vadd.s32 $0xFFFE7960, v28;
	[tilespmem:$0x720] =	vst v43  }
0x136: {  	v45 =	vld [tilespmem:$0x250];
	v36 =	vnsel vm8, $0x1869F, v25;
	v34 =	vadd.s32 $0xFFFE7960, v32;
	[tilespmem:$0xBE0] =	vst v30  }
0x137: {  	v49 =	vld [tilespmem:$0x260];
	v40 =	vnsel vm9, $0x1869F, v29;
	v38 =	vadd.s32 $0xFFFE7960, v36;
	[tilespmem:$0xBF0] =	vst v34  }
0x138: {  	v53 =	vld [tilespmem:$0x270];
	v44 =	vnsel vm10, $0x1869F, v33;
	v42 =	vadd.s32 $0xFFFE7960, v40;
	[tilespmem:$0xC00] =	vst v38  }
0x139: {  	v46 =	vadd.s32 $0xFFFE7960, v44;
	[tilespmem:$0xC10] =	vst v42;
	vm11 =	vgt.s32 v37, $0x1869F  }
0x13a: {  	[tilespmem:$0xC20] =	vst v46;
	vm12 =	vgt.s32 v41, $0x1869F;
	v47 =	vsel vm11, $0x1869F, v37  }
0x13b: {  	vm13 =	vgt.s32 v45, $0x1869F;
	v51 =	vsel vm12, $0x1869F, v41;
	[tilespmem:$0x730] =	vst v47  }
0x13c: {  	vm14 =	vgt.s32 v49, $0x1869F;
	v55 =	vsel vm13, $0x1869F, v45;
	[tilespmem:$0x740] =	vst v51  }
0x13d: {  	vm15 =	vgt.s32 v53, $0x1869F;
	v58 =	vsel vm14, $0x1869F, v49;
	[tilespmem:$0x750] =	vst v55  }
0x13e: {  	v48 =	vnsel vm11, $0x1869F, v37;
	v61 =	vsel vm15, $0x1869F, v53;
	[tilespmem:$0x760] =	vst v58  }
0x13f: {  	v52 =	vnsel vm12, $0x1869F, v41;
	v50 =	vadd.s32 $0xFFFE7960, v48;
	[tilespmem:$0x770] =	vst v61  }
0x140: {  	v56 =	vnsel vm13, $0x1869F, v45;
	v54 =	vadd.s32 $0xFFFE7960, v52;
	[tilespmem:$0xC30] =	vst v50  }
0x141: {  	v59 =	vnsel vm14, $0x1869F, v49;
	v57 =	vadd.s32 $0xFFFE7960, v56;
	[tilespmem:$0xC40] =	vst v54  }
0x142: {  	v62 =	vnsel vm15, $0x1869F, v53;
	v60 =	vadd.s32 $0xFFFE7960, v59;
	[tilespmem:$0xC50] =	vst v57  }
0x143: {  	p0 =	seq.s32 s8, $0x0;
	v63 =	vadd.s32 $0xFFFE7960, v62;
	[tilespmem:$0xC60] =	vst v60  }
0x144: {  	s10 =	simm.s32 @!p0 $0x5;
	[tilespmem:$0xC70] =	vst v63  }
0x145: {  	_ =	swait.ge @!p0 [sflag:s10], $0xA000  }
0x146: {  	[sflag:s10] =	ssyncset.done @!p0 $0x0  }
0x147: {  	s7 =	simm.s32 $0x500;
	[sflag:s10] =	ssyncadd.s32 @!p0 $0xFFFF6000  }
0x148: {  	[tilespmem:s19], [sflag:$0x3] =	stream.indirect.gather [hbm4b:s3+s17], $0x40, s7, s17, $0xb8;
	[tilespmem:$0x14F00] =	vst v63  }
0x149: {  	p1 =	seq.s32 s8, $0x5F000;
	s10 =	simm.s32 $0x580  }
0x14a: {  	[tilespmem:s21], [sflag:$0x3] =	stream.indirect.gather [hbm4b:s3+s17], $0x40, s10, s17, $0xb8;
	[tilespmem:$0x14F00] =	vst v63  }
0x14b: {  	p2 =	seq.s32 @!p1 s8, $0x0;
	s10 =	simm.s32 $0x600  }
0x14c: {  	[tilespmem:s23], [sflag:$0x3] =	stream.indirect.gather [hbm4b:s3+s17], $0x40, s10, s17, $0xb8;
	[tilespmem:$0x14F00] =	vst v63  }
0x14d: {  	p2 =	por p1, !p2;
	s10 =	simm.s32 $0x680  }
0x14e: {  	[tilespmem:s25], [sflag:$0x3] =	stream.indirect.gather [hbm4b:s3+s17], $0x40, s10, s17, $0xb8;
	[tilespmem:$0x14F00] =	vst v63  }
.Ltmp4:
0x14f: {  	s10 =	simm.s32 $0x700;
	(pc) =	sbr.rel @!p2 .LBB2_4-.Ltmp4, $4  }
0x150: {  	[tilespmem:s28], [sflag:$0x3] =	stream.indirect.gather [hbm4b:s3+s17], $0x40, s10, s17, $0xb8;
	[tilespmem:$0x14F00] =	vst v63  }
0x151: {  	s10 =	sshrl.u32 @!p1 s0, $0x3  }
0x152: {  	s7 =	sadd.s32 @!p1 s5, s10;
	s10 =	simm.s32 @!p1 $0x0  }
0x153: {  	[tilespmem:s10], [sflag:$0x1] =	stream.linear.gather @!p1 [hbm4b:s7+s10], $0x280, $0x38;
	[tilespmem:$0x14F00] =	vst v63  }
0x154: {  	_ =	swait.ge [sflag:s30], $0x2000  }
0x155: {  	[sflag:s30] =	ssyncset.done $0x0  }
0x156: {  	[sflag:s30] =	ssyncadd.s32 $0xFFFFE000  }
0x157: {  	_ =	swait.ge [sflag:s30], $0x2000  }
0x158: {  	[sflag:s30] =	ssyncset.done $0x0  }
0x159: {  	[sflag:s30] =	ssyncadd.s32 $0xFFFFE000  }
0x15a: {  	_ =	swait.ge [sflag:s30], $0x2000  }
0x15b: {  	[sflag:s30] =	ssyncset.done $0x0  }
0x15c: {  	[sflag:s30] =	ssyncadd.s32 $0xFFFFE000  }
0x15d: {  	_ =	swait.ge [sflag:s30], $0x2000  }
0x15e: {  	[sflag:s30] =	ssyncset.done $0x0  }
0x15f: {  	[sflag:s30] =	ssyncadd.s32 $0xFFFFE000  }
0x160: {  	_ =	swait.ge [sflag:s30], $0x2000  }
0x161: {  	[sflag:s30] =	ssyncset.done $0x0  }
0x162: {  	[sflag:s30] =	ssyncadd.s32 $0xFFFFE000;
	(ifvalue) =	ssetifvalue $0xFFFFFFFF  }
0x163: {  	s7 =	simm.s32 $0xC80;
	(ifvalue) =	ssetifvalue $0xFFFFFFFF  }
0x164: {  	[tilespmem:s31], [sflag:$0x4] =	stream.indirect.gather [hbm4b:s4+s17], $0x40, s7, s17, $0x40b8;
	[tilespmem:$0x14F00] =	vst v63  }
0x165: {  	(ifvalue) =	ssetifvalue $0xFFFFFFFF  }
0x166: {  	s7 =	simm.s32 $0xD00;
	(ifvalue) =	ssetifvalue $0xFFFFFFFF  }
0x167: {  	[tilespmem:s1], [sflag:$0x4] =	stream.indirect.gather [hbm4b:s4+s17], $0x40, s7, s17, $0x40b8;
	[tilespmem:$0x14F00] =	vst v63  }
0x168: {  	(ifvalue) =	ssetifvalue $0xFFFFFFFF  }
0x169: {  	s7 =	simm.s32 $0xD80;
	(ifvalue) =	ssetifvalue $0xFFFFFFFF  }
0x16a: {  	[tilespmem:s2], [sflag:$0x4] =	stream.indirect.gather [hbm4b:s4+s17], $0x40, s7, s17, $0x40b8;
	[tilespmem:$0x14F00] =	vst v63  }
0x16b: {  	(ifvalue) =	ssetifvalue $0xFFFFFFFF  }
0x16c: {  	s7 =	simm.s32 $0xE00;
	(ifvalue) =	ssetifvalue $0xFFFFFFFF  }
0x16d: {  	[tilespmem:s9], [sflag:$0x4] =	stream.indirect.gather [hbm4b:s4+s17], $0x40, s7, s17, $0x40b8;
	[tilespmem:$0x14F00] =	vst v63  }
0x16e: {  	(ifvalue) =	ssetifvalue $0xFFFFFFFF  }
0x16f: {  	s7 =	simm.s32 $0xE80;
	(ifvalue) =	ssetifvalue $0xFFFFFFFF  }
0x170: {  	[tilespmem:s11], [sflag:$0x4] =	stream.indirect.gather [hbm4b:s4+s17], $0x40, s7, s17, $0x40b8;
	[tilespmem:$0x14F00] =	vst v63  }
0x171: {  	_ =	swait.ge [sflag:s30], $0x2000  }
0x172: {  	[sflag:s30] =	ssyncset.done $0x0  }
0x173: {  	[sflag:s30] =	ssyncadd.s32 $0xFFFFE000  }
0x174: {  	_ =	swait.ge [sflag:s30], $0x2000  }
0x175: {  	[sflag:s30] =	ssyncset.done $0x0  }
0x176: {  	[sflag:s30] =	ssyncadd.s32 $0xFFFFE000  }
0x177: {  	_ =	swait.ge [sflag:s30], $0x2000  }
0x178: {  	[sflag:s30] =	ssyncset.done $0x0  }
0x179: {  	[sflag:s30] =	ssyncadd.s32 $0xFFFFE000  }
0x17a: {  	_ =	swait.ge [sflag:s30], $0x2000  }
0x17b: {  	[sflag:s30] =	ssyncset.done $0x0  }
.Ltmp5:
0x17c: {  	s7 =	sadd.s32 s8, s12;
	[sflag:s30] =	ssyncadd.s32 $0xFFFFE000;
	(pc) =	sbr.rel .LBB2_4-.Ltmp5, $4  }
0x17d: {  	s7 =	sadd.s32 $0x1FFFD800, s7;
	_ =	swait.ge [sflag:s30], $0x2000  }
0x17e: {  	s7 =	sand.u32 $0x1FFFF800, s7;
	[sflag:s30] =	ssyncset.done $0x0  }
0x17f: {  	s7 =	sadd.s32 s6, s7;
	[sflag:s30] =	ssyncadd.s32 $0xFFFFE000  }
0x180: {  	[hbm4b:s7+s26] =	stream.strided.scatter [tilespmem:s31], [sflag:$0x6], $0xA000, s17, s26, $0x38;
	[tilespmem:$0x14F00] =	vst v63  }
.LBB2_6:
0x181: {  	_ =	sfence.sel $0x180000  }
0x182: {  	[bflag:$0x0] =	sbarrier.arrive $0xFFFF  }
0x183: {  	_ =	strace $0x90000047  }
0x184: {  	s0 =	stileid.u32;
	[bflag:$0x2] =	sbarrier.arrive $0xFFFF  }
0x185: {  	p0 =	sne.s32 s0, $0x0;
	s0 =	rddreg [dreg:$0x1]  }
0x186: {  	s0 =	sadd.s32 @!p0 $0x100000, s0  }
0x187: {  	[sflag:s0] =	ssyncadd.tile.s32 @!p0 $0x1;
	_ =	shalt  }
.Lfunc_end2:
_tile_overlayer_lowered:
.L_overlay_start_2:
0x188: {  	(tag) =	ssettag $0x2  }
0x189: {  	s0 =	rddreg [dreg:$0x0];
	s2 =	stileid.u32  }
0x18a: {  	s1 =	rddreg [dreg:$0x1];
	p0 =	sne.s32 s2, $0x0  }
0x18b: {  	s3 =	rddreg [dreg:$0x2];
	[bflag:$0x3] =	sbarrier.arrive $0xFFFF;
	s2 =	simm.s32 @!p0 $0x1C07  }
0x18c: {  	[timem:s3], [sflag:s2] =	dma.local @!p0 [hbm:s0], s1  }
0x18d: {  	s0 =	simm.s32 @!p0 $0x7  }
0x18e: {  	_ =	swait.ge @!p0 [sflag:s0], s1  }
0x18f: {  	s1 =	ssub.s32 @!p0 $0x0, s1;
	[sflag:s0] =	ssyncset.done @!p0 $0x0  }
0x190: {  	[sflag:s0] =	ssyncadd.s32 @!p0 s1  }
0x191: {  	[bflag:$0x3] =	sbarrier.arrive $0xFFFF  }
0x192: {  	_ =	shalt  }

// kernel: sparse-core-data-format-call.cloned.1.call-start
scs
called_computation_lowered:
.L_overlay_start_0:
0x0: {  	s2 =	sld [smem:$0x3FD9]  }
0x1: {  	s3 =	sld [smem:$0x3FFE];
	_ =	sdelay $0x1  }
0x2: {  	s1 =	srdreg.scid  }
0x3: {  	s0 =	sand.u32 $0x1, s1  }
0x4: {  	s18 =	sshll.u32 s0, $0xA;
	s2 =	sadd.s32 s3, s2  }
0x5: {  	s2 =	sadd.s32 s2, s18  }
0x6: {  	[smem:$0x3FC5] =	sst s2  }
0x7: {  	_ = 	snop  }
0x8: {  	s2 =	sld [smem:$0x3FD0];
	(tm) =	ssettm $0x1  }
0x9: {  	s19 =	sld [smem:$0x3FFB];
	_ =	sdelay $0x3  }
0xa: {  	_ =	strace s19  }
0xb: {  	s3 =	sld [smem:$0x3FFC];
	_ =	sdelay $0x3  }
0xc: {  	_ =	strace s3  }
0xd: {  	s3 =	sld [smem:$0x3FFD];
	_ =	sdelay $0x3  }
0xe: {  	_ =	strace s3  }
0xf: {  	_ =	strace $0x8FFFFFFF  }
0x10: {  	s20 =	sld [smem:$0x3FDB];
	_ =	sdelay $0x1  }
0x11: {  	s4 =	simm.s32 $_scs_section_size  }
0x12: {  	s5 =	simm.s32 $_size__tile_overlayer_lowered;
	s6 =	simm.s32 $_tile_overlayer_lowered  }
0x13: {  	s23 =	simm.s32 $0x1BFF;
	s22 =	sshll.u32 s6, $0x1;
	s3 =	sadd.s32 s4, s20  }
0x14: {  	s7 =	simm.s32 $0x0;
	s21 =	sshll.u32 s5, $0x1;
	s5 =	sadd.s32 s22, s3  }
0x15: {  	[timem:s7], [sflag:s23] =	dma.local [hbm:s5], s21  }
0x16: {  	_ =	swait.ge [sflag:s23], s21  }
0x17: {  	s4 =	ssub.s32 $0x0, s21;
	[sflag:s23] =	ssyncset.done $0x0  }
0x18: {  	[sflag:s23] =	ssyncadd.s32 s4;
	_ =	sdelay $0x1  }
0x19: {  	s24 =	simm.s32 $0x1B8B  }
0x1a: {  	_ =	swait.ge [sflag:s24], $0x1  }
0x1b: {  	[sflag:s24] =	ssyncset.done $0x0  }
0x1c: {  	s26 =	simm.s32 $0x1B8E;
	s25 =	sld [smem:$0x3FFE];
	[sflag:s24] =	ssyncadd.s32 $0xFFFFFFFF  }
0x1d: {  	s27 =	simm.s32 $execute0_lowered;
	[smem:$0x3FD2] =	sst s26  }
0x1e: {  	s5 =	sshll.u32 s27, $0x1;
	_ =	strace $0x80000049;
	[dreg:$0x1] =	wrdreg $0xFFFFFFFF  }
0x1f: {  	s28 =	simm.s32 $_size_execute0_lowered;
	s3 =	sadd.s32 s3, s5;
	[dreg:$0x0] =	wrdreg $0x0  }
0x20: {  	s5 =	sshll.u32 s28, $0x1;
	[dreg:$0x2] =	wrdreg s3  }
0x21: {  	[dreg:$0x3] =	wrdreg s5  }
0x22: {  	[dreg:$0x4] =	wrdreg $0xC0  }
0x23: {  	_ =	task [dreg:s7], $0x5FFFF  }
0x24: {  	[dreg:$0x1] =	wrdreg $0xFFFFFFFF  }
0x25: {  	[dreg:$0x0] =	wrdreg $0x60  }
0x26: {  	[dreg:$0x2] =	wrdreg s25  }
0x27: {  	[dreg:$0x3] =	wrdreg s2  }
0x28: {  	[dreg:$0x4] =	wrdreg $0x9  }
0x29: {  	_ =	task.clear_ibuf [dreg:s7], $0x5FFFF;
	_ =	strace $0x90000049  }
0x2a: {  	s29 =	simm.s32 $0x9;
	_ =	strace $0x8000004B  }
0x2b: {  	_ =	swait.ge [sflag:s29], $0x1  }
0x2c: {  	[sflag:s29] =	ssyncadd.s32 $0xFFFFFFFF  }
0x2d: {  	_ =	strace $0x9000004B  }
0x2e: {  	_ =	sfence  }
0x2f: {  	s30 =	sld [smem:$0x0];
	_ =	sdelay $0x2  }
0x30: {  	s31 =	sshll.u32 s1, $0xD;
	s1 =	sshrl.u32 s1, $0x2  }
0x31: {  	s3 =	sand.u32 $0x4000, s31;
	s1 =	sadd.s32 s1, s30  }
0x32: {  	s0 =	sor.u32 s3, s0;
	s1 =	sshll.u32 s1, $0x11  }
0x33: {  	s0 =	sor.u32 s1, s0  }
0x34: {  	s0 =	sadd.s32 $0x8F2B, s0  }
0x35: {  	[sflag:s0] =	ssyncadd.remote.s32 $0x1  }
0x36: {  	_ =	sfence.sel $0xFFFF  }
0x37: {  	[dreg:$0x0] =	wrdreg $0xFFFFFFFF;
	(pc) =	sbr.abs _section_cstart, $3  }
0x38: {  	[dreg:$0x1] =	wrdreg $0xFFFFFFFF  }
0x39: {  	_ =	task.clear_ibuf [dreg:s7], $0x2FFFF;
	_ =	strace $0x9FFFFFFF  }
0x3a: {  	(tm) =	ssettm $0x7FFFFFFF  }
0x3b: {  	_ =	shalt  }
tec
execute0_lowered:
.L_overlay_start_1:
0x0: {  	(tag) =	ssettag $0x1  }
0x1: {  	s0 =	srdreg.scid  }
0x2: {  	s1 =	sshll.u32 s0, $0x4  }
0x3: {  	s0 =	stileid.u32;
	s1 =	sand.u32 $0x10, s1  }
0x4: {  	s1 =	sor.u32 s0, s1  }
0x5: {  	s6 =	rddreg [dreg:$0x0];
	s4 =	simm.s32 $0x1;
	s2 =	sshll.u32 s1, $0x7  }
0x6: {  	s7 =	simm.s32 $0x2;
	s12 =	simm.s32 $0x0;
	s1 =	ssub.s32 $0x1000, s2  }
0x7: {  	s8 =	simm.s32 $0x8000;
	s13 =	simm.s32 $0x0;
	s3 =	sand.u32 $0xF80, s1  }
0x8: {  	s9 =	simm.s32 $0x0;
	s5 =	sshrl.u32 s1, $0xC;
	p0 =	sne.s32 s3, $0x0  }
.Ltmp0:
0x9: {  	s1 =	rddreg [dreg:$0x2];
	s4 =	simm.s32 @!p0 $0x0;
	(pc) =	sbr.rel .LBB1_1-.Ltmp0, $4  }
0xa: {  	s11 =	simm.s32 $0x0;
	s3 =	rddreg [dreg:$0x1];
	s5 =	sadd.s32 s4, s5  }
0xb: {  	_ =	strace $0x8000004A;
	s4 =	simm.s32 $0x1;
	s5 =	smul.u32 $0xC8, s5  }
0xc: {  	s6 =	sadd.s32 $0xDD000, s6;
	s10 =	smov.u32 s2;
	[sflag:s4] =	ssyncpa.u1 $0x0  }
0xd: {  	p0 =	por $0x0, $0x0;
	[sflag:s7] =	ssyncpa.u1 $0x0;
	s7 =	sor.u32 $0x1, s5  }
.LBB1_4:
0xe: {  	s16 =	sshll.u32 s13, $0x3;
	s17 =	sand.u32 $0x78, s13  }
0xf: {  	s30 =	sand.u32 $0x7E00, s13;
	s12 =	sshll.u32 s12, $0xF;
	s16 =	sand.u32 $0xC00, s16  }
0x10: {  	[tilespmem:s15+$0x810 ss:$0x81] =	vst.msk $0xffff, v2;
	s31 =	sand.u32 $0x7, s13;
	s16 =	sor.u32 s17, s16;
	s17 =	sadd.s32 s3, s30  }
0x11: {  	[tilespmem:s15+$0x1020 ss:$0x81] =	vst.msk $0xffff, v0;
	s13 =	sshll.u32 s31, $0x12;
	s12 =	sadd.s32 s12, s17;
	s16 =	sshrl.u32 s16, $0x3  }
0x12: {  	[tilespmem:s15+$0x0 ss:$0x81] =	vst.msk $0xffff, v1;
	s13 =	sor.u32 $0x400, s13;
	s12 =	sadd.s32 s16, s12  }
0x13: {  	[hbm4b:s12+s13] =	stream.strided.scatter [tilespmem:s14], [sflag:$0x2], $0x2000, s8, s13, $0x20;
	[tilespmem:$0x8080] =	vst v63  }
.LBB1_5:
0x14: {  	s14 =	sadd.s32 $0x1, s9  }
0x15: {  	s12 =	sadd.s32 $0x1000, s10;
	s16 =	smov.u32 s10;
	p2 =	sgt.s32 s14, $0xC7  }
0x16: {  	s16 =	smov.u32 @p2 s12  }
0x17: {  	s14 =	simm.s32 @p2 $0x0;
	p2 =	sgt.s32 s16, $0xFFF  }
0x18: {  	s16 =	smov.u32 @p2 s2;
	p2 =	sne.s32 s11, s7  }
.Ltmp1:
0x19: {  	p1 =	slt.u32 s11, $0x2;
	(pc) =	sbr.rel @!p2 .LBB1_6-.Ltmp1, $4  }
0x1a: {  	s15 =	simm.s32 @!p1 $0x2  }
0x1b: {  	s13 =	smov.u32 s10;
	p0 =	por !p0, !p0;
	_ =	swait.ge @!p1 [sflag:s15], $0x2000  }
0x1c: {  	s12 =	smov.u32 s9;
	[sflag:s15] =	ssyncset.done @!p1 $0x0;
	s9 =	smov.u32 s14  }
0x1d: {  	s11 =	sadd.s32 $0x1, s11;
	[sflag:s15] =	ssyncadd.s32 @!p1 $0xFFFFE000;
	s10 =	smov.u32 s16  }
.LBB1_1:
0x1e: {  	p1 =	sge.u32 s11, s5  }
0x1f: {  	s14 =	sand.u32 @!p1 $0x1FFFFFF, s9  }
0x20: {  	s15 =	smulhi.u32 @!p1 $0x147AE15, s14;
	_ =	sdelay $0x1  }
0x21: {  	s15 =	smul.u32 @!p1 $0xC8, s15  }
0x22: {  	s16 =	sxor.u32 @!p1 $0xFFFFFFFF, s11;
	s17 =	smul.u32 @!p1 $0xC80, s10  }
0x23: {  	s31 =	sadd.s32 $0xFFFFFFFF, s11;
	s16 =	sshll.u32 @!p1 s16, $0xD;
	s14 =	ssub.s32 @!p1 s14, s15  }
0x24: {  	s15 =	sand.u32 @!p1 $0x2000, s16;
	s16 =	sadd.s32 @!p1 s6, s17;
	s14 =	sshll.u32 @!p1 s14, $0x4  }
0x25: {  	s17 =	simm.s32 @!p1 $0x6400;
	s14 =	sadd.s32 @!p1 s14, s16;
	s16 =	simm.s32 @!p1 $0x40  }
0x26: {  	[tilespmem:s15], [sflag:$0x1] =	stream.strided.gather @!p1 [hbm4b:s14+s16], $0x2000, s17, s16, $0x38;
	[tilespmem:$0x8080] =	vst v63  }
0x27: {  	p1 =	sge.u32 s31, s5  }
.Ltmp2:
0x28: {  	_ = 	snop;
	(pc) =	sbr.rel @p1 .LBB1_5-.Ltmp2, $1  }
0x29: {  	_ =	sdelay $0x3  }
0x2a: {  	s14 =	simm.s32 $0x1  }
0x2b: {  	_ =	swait.ge [sflag:s4], $0x2000;
	s14 =	simm.s32 @!p0 $0x0  }
0x2c: {  	[sflag:s4] =	ssyncset.done $0x0;
	s15 =	sshll.u32 s14, $0xD  }
0x2d: {  	[sflag:s4] =	ssyncadd.s32 $0xFFFFE000;
	s18 =	sor.u32 $0x20, s15  }
0x2e: {  	s14 =	smul.u32 $0x8100, s14;
	v3 =	vld [tilespmem:s18+$0x10]  }
0x2f: {  	s30 =	sand.u32 $0x1, s11;
	v2 =	vld [tilespmem:s18+$0xFFFFFFF0]  }
0x30: {  	s15 =	smul.u32 $0x8100, s30;
	s14 =	sshrl.u32 s14, $0x2;
	v0 =	vld [tilespmem:s18+$0x0]  }
0x31: {  	v1 =	vld [tilespmem:s18+$0xFFFFFFE0];
	s16 =	sor.u32 $0x4000, s14  }
0x32: {  	s31 =	sshrl.u32 s15, $0x2;
	s15 =	sadd.s32 $0x0, s16  }
0x33: {  	s17 =	simm.s32 $0x4;
	s18 =	sadd.s32 $0x40, s18;
	s14 =	sor.u32 $0x4000, s31;
	[tilespmem:s15+$0x1830 ss:$0x81] =	vst.msk $0xffff, v3  }
.LBB1_3:
0x34: {  	v3 =	vld [tilespmem:s18+$0x10];
	p1 =	sne.s32 s17, $0x1FC;
	[tilespmem:s15+$0x810 ss:$0x81] =	vst.msk $0xffff, v2;
	s19 =	smov.u32 s17;
	s17 =	sadd.s32 $0x4, s17  }
.Ltmp3:
0x35: {  	v2 =	vld [tilespmem:s18+$0xFFFFFFF0];
	[tilespmem:s15+$0x1020 ss:$0x81] =	vst.msk $0xffff, v0;
	(pc) =	sbr.rel @p1 .LBB1_3-.Ltmp3, $4  }
0x36: {  	v0 =	vld [tilespmem:s18+$0x0];
	[tilespmem:s15+$0x0 ss:$0x81] =	vst.msk $0xffff, v1  }
0x37: {  	s15 =	sshra.s32 s19, $0x2;
	v1 =	vld [tilespmem:s18+$0xFFFFFFE0]  }
0x38: {  	s15 =	sadd.s32 s15, s16  }
0x39: {  	s18 =	sadd.s32 $0x40, s18;
	[tilespmem:s15+$0x1830 ss:$0x81] =	vst.msk $0xffff, v3  }
.Ltmp4:
0x3a: {  	_ = 	snop;
	(pc) =	sbr.rel .LBB1_4-.Ltmp4, $1  }
0x3b: {  	_ =	sdelay $0x3  }
.LBB1_6:
0x3c: {  	_ =	sfence.sel $0x180000  }
0x3d: {  	s2 =	simm.s32 $0x1;
	[bflag:$0x0] =	sbarrier.arrive $0xFFFF  }
0x3e: {  	s31 =	simm.s32 $0x2;
	[sflag:s2] =	ssyncpa.u1 $0x1  }
0x3f: {  	[sflag:s31] =	ssyncpa.u1 $0x1  }
0x40: {  	p0 =	sne.s32 s0, $0x0;
	_ =	strace $0x9000004A  }
0x41: {  	s0 =	sadd.s32 @!p0 $0x100000, s1;
	[bflag:$0x2] =	sbarrier.arrive $0xFFFF  }
0x42: {  	[sflag:s0] =	ssyncadd.tile.s32 @!p0 $0x1;
	_ =	shalt  }
.Lfunc_end1:
_tile_overlayer_lowered:
.L_overlay_start_2:
0x43: {  	(tag) =	ssettag $0x2  }
0x44: {  	s0 =	rddreg [dreg:$0x0];
	s2 =	stileid.u32  }
0x45: {  	s1 =	rddreg [dreg:$0x1];
	p0 =	sne.s32 s2, $0x0  }
0x46: {  	s3 =	rddreg [dreg:$0x2];
	[bflag:$0x3] =	sbarrier.arrive $0xFFFF;
	s2 =	simm.s32 @!p0 $0x1C01  }
0x47: {  	[timem:s3], [sflag:s2] =	dma.local @!p0 [hbm:s0], s1  }
0x48: {  	s0 =	simm.s32 @!p0 $0x1  }
0x49: {  	_ =	swait.ge @!p0 [sflag:s0], s1  }
0x4a: {  	s1 =	ssub.s32 @!p0 $0x0, s1;
	[sflag:s0] =	ssyncset.done @!p0 $0x0  }
0x4b: {  	[sflag:s0] =	ssyncadd.s32 @!p0 s1  }
0x4c: {  	[bflag:$0x3] =	sbarrier.arrive $0xFFFF  }
0x4d: {  	_ =	shalt  }

</sc_bundles>
